<compile_context>
chip_gen: v7x
topology: tpu7x:2x2x1
jax: 0.10.2.dev20260603
libtpu: 0.0.44.dev20260713+nightly
codegen_flags: <defaults>
</compile_context>

<pallas_src>
import functools

import jax
import jax.numpy as jnp
import numpy as np
from jax import lax
from jax.experimental import pallas as pl
from jax.experimental.pallas import tpu as pltpu
from jax.experimental.pallas import tpu_sc as plsc

H = 224
W = 224
V = H * W
E = (H - 1) * W + H * (W - 1)
CE = 2048
E_PAD = ((E + CE - 1) // CE) * CE
OUTCH = 4096
FULL_FLUSHES = (V - 1) // OUTCH
TAIL_ROWS = (V - 1) - FULL_FLUSHES * OUTCH
TAIL_COPY_W = 2 * (TAIL_ROWS + 1)
C_BLK = 32


def _edge_uv_const():
    r = np.arange(V, dtype=np.int64).reshape(H, W)
    u = np.concatenate([r[:-1].reshape(-1), r[:, :-1].reshape(-1)])
    v = np.concatenate([r[1:].reshape(-1), r[:, 1:].reshape(-1)])
    uv = (u << 16) | v
    return uv.astype(np.uint32).view(np.int32)


_UV = _edge_uv_const()


def _weights_body(x_ref, wv_ref, wh_ref, accv, acch):
    c_idx = pl.program_id(1)
    bv = None
    bh = None
    for c in range(C_BLK):
        xc = x_ref[0, c]
        dv = xc[1:, :] - xc[:-1, :]
        dh = xc[:, 1:] - xc[:, :-1]
        bv = dv * dv if bv is None else bv + dv * dv
        bh = dh * dh if bh is None else bh + dh * dh
    accv[...] = jnp.where(c_idx == 0, bv, accv[...] + bv)
    acch[...] = jnp.where(c_idx == 0, bh, acch[...] + bh)

    @pl.when(c_idx == pl.num_programs(1) - 1)
    def _():
        wv_ref[0] = accv[...]
        wh_ref[0] = acch[...]


def _edge_weights(guide):
    B, C, _, _ = guide.shape
    nc = C // C_BLK
    return pl.pallas_call(
        _weights_body,
        grid=(B, nc),
        in_specs=[pl.BlockSpec((1, C_BLK, H, W), lambda b, c: (b, c, 0, 0))],
        out_specs=[
            pl.BlockSpec((1, H - 1, W), lambda b, c: (b, 0, 0)),
            pl.BlockSpec((1, H, W - 1), lambda b, c: (b, 0, 0)),
        ],
        out_shape=[
            jax.ShapeDtypeStruct((B, H - 1, W), jnp.float32),
            jax.ShapeDtypeStruct((B, H, W - 1), jnp.float32),
        ],
        scratch_shapes=[
            pltpu.VMEM((H - 1, W), jnp.float32),
            pltpu.VMEM((H, W - 1), jnp.float32),
        ],
    )(guide)


def _make_uf_kernel(B):
    mesh = plsc.VectorSubcoreMesh(core_axis_name="c", subcore_axis_name="s")

    @functools.partial(
        pl.kernel,
        out_type=jax.ShapeDtypeStruct((B, 2 * V), jnp.int32),
        mesh=mesh,
        compiler_params=pltpu.CompilerParams(needs_layout_passes=False),
        scratch_types=[
            pltpu.VMEM((V + 16,), jnp.int32),
            pltpu.VMEM((CE + 16,), jnp.int32),
            pltpu.VMEM((4 * OUTCH + 16,), jnp.int32),
        ],
    )
    def uf(suv_hbm, out_hbm, parent, ebuf, obuf):
        cid = lax.axis_index("c")
        sid = lax.axis_index("s")
        b = sid

        @pl.when((cid == 0) & (sid < B))
        def _():
            lanes = lax.iota(jnp.int32, 16)
            lane0 = lanes == 0

            def init_body(i, carry):
                parent[pl.ds(i * 16, 16)] = lanes + i * 16
                return carry

            lax.fori_loop(0, V // 16, init_body, jnp.int32(0))

            zeros16 = jnp.zeros((16,), jnp.int32)
            ones16 = jnp.full((16,), 1, jnp.int32)

            gdn = lax.GatherDimensionNumbers(
                offset_dims=(), collapsed_slice_dims=(0,),
                start_index_map=(0,))

            def bcast(x, idx):
                return lax.gather(
                    x, idx[:, None], gdn, (1,),
                    mode=lax.GatherScatterMode.PROMISE_IN_BOUNDS)

            def chunk_body(ch, carry):
                cnt_vec, nfl = carry
                pltpu.sync_copy(suv_hbm.at[b, pl.ds(ch * CE, CE)],
                                ebuf.at[pl.ds(0, CE)])

                def group_body(g, cnt_vec):
                    evec = ebuf[pl.ds(pl.multiple_of(g * 16, 16), 16)]
                    for j in range(16):
                        uvv = bcast(evec, jnp.full((16,), j, jnp.int32))
                        u_b = lax.shift_right_logical(uvv, 16)
                        v_b = jnp.bitwise_and(uvv, 0xFFFF)
                        pk0 = jnp.where(lane0, u_b, v_b)
                        e_uv = plsc.load_gather(parent, [pk0])
                        p1 = jnp.bitwise_and(e_uv, 0xFFFF)
                        e2 = plsc.load_gather(parent, [p1])
                        p2 = jnp.bitwise_and(e2, 0xFFFF)

                        def more(ent):
                            for _ in range(14):
                                ent = plsc.load_gather(
                                    parent, [jnp.bitwise_and(ent, 0xFFFF)])
                            plsc.store_scatter(
                                parent, [pk0],
                                jnp.bitwise_or(
                                    jnp.bitwise_and(e_uv, jnp.int32(-65536)),
                                    jnp.bitwise_and(ent, 0xFFFF)),
                                mask=lanes < 2)
                            return ent

                        rent = lax.cond(jnp.all(p2 == p1), lambda e: e, more,
                                        e2)
                        ridx = jnp.bitwise_and(rent, 0xFFFF)
                        rnk = lax.shift_right_logical(rent, 16)
                        ru_b = bcast(ridx, zeros16)
                        rv_b = bcast(ridx, ones16)
                        rank_u = bcast(rnk, zeros16)
                        rank_v = bcast(rnk, ones16)
                        take_b = ru_b != rv_b
                        u_lo = rank_u < rank_v
                        lo_b = jnp.where(u_lo, ru_b, rv_b)
                        hi_b = jnp.where(u_lo, rv_b, ru_b)
                        rank_lo = jnp.where(u_lo, rank_u, rank_v)
                        rank_hi = jnp.where(u_lo, rank_v, rank_u)
                        plsc.store_scatter(
                            parent,
                            [jnp.where(lane0, lo_b, hi_b)],
                            jnp.where(lane0,
                                      lax.shift_left(rank_lo, 16) | hi_b,
                                      lax.shift_left(rank_hi + 1, 16) | hi_b),
                            mask=take_b & (lane0 | ((lanes == 1)
                                                    & (rank_u == rank_v))))
                        pos = jnp.bitwise_and(cnt_vec, 2 * OUTCH - 1)
                        plsc.store_scatter(
                            obuf, [2 * pos + lanes],
                            jnp.where(lane0, u_b, v_b),
                            mask=take_b & (lanes < 2))
                        cnt_vec = cnt_vec + jnp.where(take_b, 1, 0)
                    return cnt_vec

                cnt_vec = lax.fori_loop(0, CE // 16, group_body, cnt_vec)
                cnt_s = cnt_vec[0]
                due = lax.shift_right_logical(cnt_s, 12)

                @pl.when(due > nfl)
                def _flush():
                    half = jnp.bitwise_and(nfl, 1)
                    pltpu.sync_copy(
                        obuf.at[pl.ds(pl.multiple_of(half * 2 * OUTCH,
                                                     2 * OUTCH), 2 * OUTCH)],
                        out_hbm.at[b, pl.ds(pl.multiple_of(nfl * 2 * OUTCH,
                                                           2 * OUTCH),
                                            2 * OUTCH)],
                    )

                nfl = jnp.where(due > nfl, nfl + 1, nfl)
                return (cnt_vec, nfl)

            lax.fori_loop(0, E_PAD // CE, chunk_body,
                          (jnp.zeros((16,), jnp.int32), jnp.int32(0)))

            pltpu.sync_copy(
                obuf.at[pl.ds(0, TAIL_COPY_W)],
                out_hbm.at[b, pl.ds(2 * FULL_FLUSHES * OUTCH, TAIL_COPY_W)],
            )

    return uf


def kernel(guide_in):
    B = guide_in.shape[0]
    sv, sh = _edge_weights(guide_in)
    wv = jnp.sqrt(sv) + 1.0
    wh = jnp.sqrt(sh) + 1.0
    keys = jnp.concatenate([wv.reshape(B, -1), wh.reshape(B, -1)], axis=1)
    uvb = jnp.broadcast_to(jnp.asarray(_UV), (B, E))
    _, suv = lax.sort((keys, uvb), dimension=1, num_keys=1, is_stable=True)
    suv = jnp.pad(suv, ((0, 0), (0, E_PAD - E)))
    flat = _make_uf_kernel(B)(suv)
    return flat[:, : 2 * (V - 1)].reshape(B, V - 1, 2)

# --- scband reference (transcript-rebuilt; emitter-appended) ---
"""Pipeline reference for scband-minimum-spanning-tree-11871289606746 (READ-ONLY COPY).

The authoritative reference and input builder live on the scoring server;
editing this copy changes nothing except your own understanding.
"""

import jax, jax.numpy as jnp
import numpy as np

# distance_func = 'l2_norm': L2 norm over the channel dimension (dim=1), the standard
# choice for tree-filter MinimumSpanningTree modules.

def _distance_l2(a, b):
    return jnp.sqrt(jnp.sum((a - b) ** 2, axis=1))


def _build_matrix_index(height, width):
    # Mirrors MinimumSpanningTree._build_matrix_index (shared across batch).
    row = np.arange(width, dtype=np.int32)[None, :]
    col = np.arange(height, dtype=np.int32)[:, None]
    raw_index = row + col * width                                   # [H, W]
    row_index = np.stack([raw_index[:-1, :], raw_index[1:, :]], 2)   # vertical edges [H-1, W, 2]
    col_index = np.stack([raw_index[:, :-1], raw_index[:, 1:]], 2)   # horizontal edges [H, W-1, 2]
    index = np.concatenate([row_index.reshape(-1, 2), col_index.reshape(-1, 2)], axis=0)
    return index  # [(H-1)*W + H*(W-1), 2] int32


def _build_feature_weight(fm):
    # Mirrors MinimumSpanningTree._build_feature_weight
    batch = fm.shape[0]
    weight_row = _distance_l2(fm[:, :, :-1, :], fm[:, :, 1:, :]).reshape(batch, -1)
    weight_col = _distance_l2(fm[:, :, :, :-1], fm[:, :, :, 1:]).reshape(batch, -1)
    weight = jnp.concatenate([weight_row, weight_col], axis=1) + 1.0
    return weight  # [B, n_edges]


def _mst_kruskal(edges, weights, n_vertices):
    # Kruskal with union-find (path compression) -- faithful reference for the
    # CUDA `mst` op: returns the (n_vertices-1) selected tree edges as (u, v) pairs.
    edges = jnp.asarray(edges, dtype=jnp.int32)
    order = jnp.argsort(weights, stable=True)
    n_out = n_vertices - 1

    def find(parent, x):
        root = jax.lax.while_loop(lambda r: parent[r] != r, lambda r: parent[r], x)

        def compress(state):
            p, y = state
            nxt = p[y]
            return p.at[y].set(root), nxt

        parent, _ = jax.lax.while_loop(lambda s: s[0][s[1]] != root, compress, (parent, x))
        return parent, root

    def body(carry, e):
        parent, out, cnt = carry
        u = edges[e, 0]
        v = edges[e, 1]
        parent, ru = find(parent, u)
        parent, rv = find(parent, v)
        take = ru != rv
        parent = parent.at[jnp.where(take, ru, rv)].set(rv)
        out = out.at[jnp.where(take, cnt, n_out)].set(jnp.stack([u, v]), mode='drop')
        cnt = cnt + take.astype(cnt.dtype)
        return (parent, out, cnt), None

    parent0 = jnp.arange(n_vertices, dtype=jnp.int32)
    out0 = jnp.zeros((n_out, 2), dtype=jnp.int32)
    (_, out, _), _ = jax.lax.scan(body, (parent0, out0, jnp.int32(0)), order)
    return out


def setup_inputs(seed: int = 0):
    key = jax.random.key(seed)
    guide_in = jax.random.normal(key, (4, 96, 224, 224), dtype=jnp.float32)
    return {"guide_in": guide_in}


def reference(guide_in):
    batch, _, height, width = guide_in.shape
    n_vertices = height * width
    index = _build_matrix_index(height, width)                 # shared [E, 2]
    weight = _build_feature_weight(guide_in)                    # [B, E]
    trees = [_mst_kruskal(index, weight[b], n_vertices) for b in range(batch)]
    tree = jnp.stack(trees, axis=0)                             # int32 [B, V-1, 2]
    return tree

if __name__ == "__main__":
    import jax
    _d = setup_inputs()
    print(jax.jit(kernel)(*tuple(_d.values())))

</pallas_src>

<mosaic_0001>
#map = affine_map<(d0, d1) -> (0, 0)>
module attributes {stable_mosaic.version = 14 : i64} {
  func.func @uf(%arg0: i32, %arg1: i32, %arg2: memref<4x100352xi32, #tpu.memory_space<hbm>>, %arg3: memref<4x100352xi32, #tpu.memory_space<hbm>>, %arg4: memref<50192xi32, #tpu.memory_space<vmem>>, %arg5: memref<2064xi32, #tpu.memory_space<vmem>>, %arg6: memref<16400xi32, #tpu.memory_space<vmem>>) attributes {dimension_semantics = [#tpu.dimension_semantics<core_parallel>, #tpu.dimension_semantics<subcore_parallel>], iteration_bounds = array<i64: 2, 16>, scalar_prefetch = 0 : i64, scratch_operands = 3 : i64, tpu.core_type = #tpu.core_type<sc_vector_subcore>, window_params = [{transform_indices = #map}, {transform_indices = #map}]} {
    %eq3A = arith.constant 0 : i32
    %eq3A_0 = arith.cmpi eq, %arg0, %eq3A : i32
    %lt3A = arith.constant 4 : i32
    %lt3A_1 = arith.cmpi slt, %arg1, %lt3A : i32
    %and3A = arith.andi %eq3A_0, %lt3A_1 : i1
    %convert_element_type3A = arith.extui %and3A : i1 to i32
    %cond3A = arith.constant 0 : i32
    %cond3A_2 = arith.cmpi ne, %convert_element_type3A, %cond3A : i32
    scf.if %cond3A_2 {
      %iota3A = tpu.iota {dimensions = array<i32: 0>} : vector<16xi32>
      %eq3A_3 = arith.constant 0 : i32
      %eq3A_4 = vector.broadcast %eq3A_3 : i32 to vector<16xi32>
      %eq3A_5 = arith.cmpi eq, %iota3A, %eq3A_4 : vector<16xi32>
      %scan3A = arith.constant 0 : i32
      %scan3A_6 = arith.constant 0 : i32
      %scan3A_7 = arith.constant 3136 : i32
      %scan3A_8 = arith.addi %scan3A_6, %scan3A_7 : i32
      %scan3A_9 = arith.constant 1 : i32
      scf.for %scan3A_23 = %scan3A_6 to %scan3A_8 step %scan3A_9  : i32 {
        %mul3A = arith.constant 16 : i32
        %mul3A_24 = arith.muli %scan3A_23, %mul3A : i32
        %add3A = vector.broadcast %mul3A_24 : i32 to vector<16xi32>
        %add3A_25 = arith.addi %iota3A, %add3A : vector<16xi32>
        %mul3A_26 = arith.constant 16 : i32
        %mul3A_27 = arith.muli %scan3A_23, %mul3A_26 : i32
        %swap3A = arith.index_cast %mul3A_27 : i32 to index
        %swap3A_28 = tpu.vector_load %arg4[%swap3A] {strides = array<i32>} : memref<50192xi32, #tpu.memory_space<vmem>>, vector<16xi32>,
        tpu.vector_store %arg4[%swap3A], %add3A_25 {strides = array<i32>} : memref<50192xi32, #tpu.memory_space<vmem>>, vector<16xi32>,
      }
      %scan3A_10 = arith.constant 3136 : i32
      %broadcast_in_dim3A = arith.constant 0 : i32
      %broadcast_in_dim3A_11 = vector.broadcast %broadcast_in_dim3A : i32 to vector<16xi32>
      %broadcast_in_dim3A_12 = arith.constant 1 : i32
      %broadcast_in_dim3A_13 = vector.broadcast %broadcast_in_dim3A_12 : i32 to vector<16xi32>
      %broadcast_in_dim3A_14 = arith.constant 0 : i32
      %broadcast_in_dim3A_15 = vector.broadcast %broadcast_in_dim3A_14 : i32 to vector<16xi32>
      %scan3A_16 = arith.constant 0 : i32
      %scan3A_17 = arith.constant 0 : i32
      %scan3A_18 = arith.constant 49 : i32
      %scan3A_19 = arith.addi %scan3A_17, %scan3A_18 : i32
      %scan3A_20 = arith.constant 1 : i32
      %scan3A_21:2 = scf.for %scan3A_23 = %scan3A_17 to %scan3A_19 step %scan3A_20 iter_args(%scan3A_24 = %broadcast_in_dim3A_15, %scan3A_25 = %scan3A_16) -> (vector<16xi32>, i32)  : i32 {
        %mul3A = arith.constant 2048 : i32
        %mul3A_26 = arith.muli %scan3A_23, %mul3A : i32
        "tpu.region"() ({
          %run_scoped3A = tpu.sem_alloc : memref<!tpu.dma_semaphore, #tpu.memory_space<semaphore_mem>>
          %dma_start3A = arith.constant 0 : i32
          %dma_start3A_39 = tpu.memref_slice %arg5[%dma_start3A] : memref<2064xi32, #tpu.memory_space<vmem>> -> memref<2048xi32, #tpu.memory_space<vmem>>
          %dma_start3A_40 = tpu.memref_slice %arg2[%arg1, %mul3A_26] : memref<4x100352xi32, #tpu.memory_space<hbm>> -> memref<1x2048xi32, #tpu.memory_space<hbm>>
          %dma_start3A_41 = tpu.memref_squeeze %dma_start3A_40 : memref<1x2048xi32, #tpu.memory_space<hbm>> -> memref<2048xi32, #tpu.memory_space<hbm>>
          %dma_start3A_42 = arith.constant 0 : i32
          %dma_start3A_43 = tpu.memref_slice %arg5[%dma_start3A_42] : memref<2064xi32, #tpu.memory_space<vmem>> -> memref<2048xi32, #tpu.memory_space<vmem>>
          %dma_start3A_44 = tpu.memref_slice %arg2[%arg1, %mul3A_26] : memref<4x100352xi32, #tpu.memory_space<hbm>> -> memref<1x2048xi32, #tpu.memory_space<hbm>>
          %dma_start3A_45 = tpu.memref_squeeze %dma_start3A_44 : memref<1x2048xi32, #tpu.memory_space<hbm>> -> memref<2048xi32, #tpu.memory_space<hbm>>
          tpu.enqueue_dma source(%dma_start3A_45 : memref<2048xi32, #tpu.memory_space<hbm>>) target(%dma_start3A_43 : memref<2048xi32, #tpu.memory_space<vmem>>) target_semaphore(%run_scoped3A : memref<!tpu.dma_semaphore, #tpu.memory_space<semaphore_mem>>)
          %dma_wait3A = arith.constant 0 : i32
          %dma_wait3A_46 = tpu.memref_slice %arg5[%dma_wait3A] : memref<2064xi32, #tpu.memory_space<vmem>> -> memref<2048xi32, #tpu.memory_space<vmem>>
          %dma_wait3A_47 = tpu.memref_slice %arg2[%arg1, %mul3A_26] : memref<4x100352xi32, #tpu.memory_space<hbm>> -> memref<1x2048xi32, #tpu.memory_space<hbm>>
          %dma_wait3A_48 = tpu.memref_squeeze %dma_wait3A_47 : memref<1x2048xi32, #tpu.memory_space<hbm>> -> memref<2048xi32, #tpu.memory_space<hbm>>
          %dma_wait3A_49 = arith.constant 0 : i32
          %dma_wait3A_50 = tpu.memref_slice %arg5[%dma_wait3A_49] : memref<2064xi32, #tpu.memory_space<vmem>> -> memref<2048xi32, #tpu.memory_space<vmem>>
          %dma_wait3A_51 = tpu.memref_slice %arg2[%arg1, %mul3A_26] : memref<4x100352xi32, #tpu.memory_space<hbm>> -> memref<1x2048xi32, #tpu.memory_space<hbm>>
          %dma_wait3A_52 = tpu.memref_squeeze %dma_wait3A_51 : memref<1x2048xi32, #tpu.memory_space<hbm>> -> memref<2048xi32, #tpu.memory_space<hbm>>
          tpu.wait_dma2 semaphore(%run_scoped3A : memref<!tpu.dma_semaphore, #tpu.memory_space<semaphore_mem>>) src(%dma_wait3A_52 : memref<2048xi32, #tpu.memory_space<hbm>>) dst(%dma_wait3A_50 : memref<2048xi32, #tpu.memory_space<vmem>>)
          tpu.yield
        }) : () -> ()
        %scan3A_27 = arith.constant 0 : i32
        %scan3A_28 = arith.constant 128 : i32
        %scan3A_29 = arith.addi %scan3A_27, %scan3A_28 : i32
        %scan3A_30 = arith.constant 1 : i32
        %scan3A_31 = scf.for %scan3A_39 = %scan3A_27 to %scan3A_29 step %scan3A_30 iter_args(%scan3A_40 = %scan3A_24) -> (vector<16xi32>)  : i32 {
          %mul3A_41 = arith.constant 16 : i32
          %mul3A_42 = arith.muli %scan3A_39, %mul3A_41 : i32
          %multiple_of3A = tpu.assume_multiple %mul3A_42, 16 : i32
          %get3A = arith.index_cast %multiple_of3A : i32 to index
          %get3A_43 = tpu.vector_load %arg5[%get3A] {strides = array<i32>} : memref<2064xi32, #tpu.memory_space<vmem>>, vector<16xi32>,
          %broadcast_in_dim3A_44 = arith.constant 0 : i32
          %broadcast_in_dim3A_45 = vector.broadcast %broadcast_in_dim3A_44 : i32 to vector<16xi32>
          %broadcast_in_dim3A_46 = vector.shape_cast %broadcast_in_dim3A_45 : vector<16xi32> to vector<16x1xi32>
          %gather3A = vector.shape_cast %broadcast_in_dim3A_46 : vector<16x1xi32> to vector<16xi32>
          %gather3A_47 = tpu.dynamic_gather %get3A_43[%gather3A] in [0] : vector<16xi32>, vector<16xi32> -> vector<16xi32>
          %shift_right_logical3A_48 = arith.constant 16 : i32
          %shift_right_logical3A_49 = vector.broadcast %shift_right_logical3A_48 : i32 to vector<16xi32>
          %shift_right_logical3A_50 = arith.shrui %gather3A_47, %shift_right_logical3A_49 : vector<16xi32>
          %and3A_51 = arith.constant 65535 : i32
          %and3A_52 = vector.broadcast %and3A_51 : i32 to vector<16xi32>
          %and3A_53 = arith.andi %gather3A_47, %and3A_52 : vector<16xi32>
          %select_n3A_54 = arith.select %eq3A_5, %shift_right_logical3A_50, %and3A_53 : vector<16xi1>, vector<16xi32>
          %gather3A_55 = tpu.vector_load_idx %arg4[%select_n3A_54] : memref<50192xi32, #tpu.memory_space<vmem>>[vector<16xi32>], vector<16xi32>,
          %and3A_56 = arith.constant 65535 : i32
          %and3A_57 = vector.broadcast %and3A_56 : i32 to vector<16xi32>
          %and3A_58 = arith.andi %gather3A_55, %and3A_57 : vector<16xi32>
          %gather3A_59 = tpu.vector_load_idx %arg4[%and3A_58] : memref<50192xi32, #tpu.memory_space<vmem>>[vector<16xi32>], vector<16xi32>,
          %and3A_60 = arith.constant 65535 : i32
          %and3A_61 = vector.broadcast %and3A_60 : i32 to vector<16xi32>
          %and3A_62 = arith.andi %gather3A_59, %and3A_61 : vector<16xi32>
          %eq3A_63 = arith.cmpi eq, %and3A_62, %and3A_58 : vector<16xi32>
          %reduce_and3A = arith.constant 1.000000e+00 : f32
          %reduce_and3A_64 = arith.constant 0.000000e+00 : f32
          %reduce_and3A_65 = vector.broadcast %reduce_and3A : f32 to vector<16xf32>
          %reduce_and3A_66 = vector.broadcast %reduce_and3A_64 : f32 to vector<16xf32>
          %reduce_and3A_67 = arith.select %eq3A_63, %reduce_and3A_65, %reduce_and3A_66 : vector<16xi1>, vector<16xf32>
          %reduce_and3A_68 = arith.constant true
          %reduce_and3A_69 = vector.broadcast %reduce_and3A_68 : i1 to vector<16xi1>
          %reduce_and3A_70 = tpu.scan <min>, %reduce_and3A_67 masked %reduce_and3A_69 : vector<16xf32>, vector<16xi1> -> vector<16xf32>
          %reduce_and3A_71 = vector.extract %reduce_and3A_70[15] : f32 from vector<16xf32>
          %reduce_and3A_72 = arith.constant 0.000000e+00 : f32
          %reduce_and3A_73 = arith.cmpf ogt, %reduce_and3A_71, %reduce_and3A_72 : f32
          %convert_element_type3A_74 = arith.extui %reduce_and3A_73 : i1 to i32
          %cond3A_75 = arith.constant 0 : i32
          %cond3A_76 = arith.cmpi ne, %convert_element_type3A_74, %cond3A_75 : i32
          %cond3A_77 = scf.if %cond3A_76 -> (vector<16xi32>) {
            scf.yield %gather3A_59 : vector<16xi32>
          } else {
            %and3A_1606 = arith.constant 65535 : i32
            %and3A_1607 = vector.broadcast %and3A_1606 : i32 to vector<16xi32>
            %and3A_1608 = arith.andi %gather3A_59, %and3A_1607 : vector<16xi32>
            %gather3A_1609 = tpu.vector_load_idx %arg4[%and3A_1608] : memref<50192xi32, #tpu.memory_space<vmem>>[vector<16xi32>], vector<16xi32>,
            %and3A_1610 = arith.constant 65535 : i32
            %and3A_1611 = vector.broadcast %and3A_1610 : i32 to vector<16xi32>
            %and3A_1612 = arith.andi %gather3A_1609, %and3A_1611 : vector<16xi32>
            %gather3A_1613 = tpu.vector_load_idx %arg4[%and3A_1612] : memref<50192xi32, #tpu.memory_space<vmem>>[vector<16xi32>], vector<16xi32>,
            %and3A_1614 = arith.constant 65535 : i32
            %and3A_1615 = vector.broadcast %and3A_1614 : i32 to vector<16xi32>
            %and3A_1616 = arith.andi %gather3A_1613, %and3A_1615 : vector<16xi32>
            %gather3A_1617 = tpu.vector_load_idx %arg4[%and3A_1616] : memref<50192xi32, #tpu.memory_space<vmem>>[vector<16xi32>], vector<16xi32>,
            %and3A_1618 = arith.constant 65535 : i32
            %and3A_1619 = vector.broadcast %and3A_1618 : i32 to vector<16xi32>
            %and3A_1620 = arith.andi %gather3A_1617, %and3A_1619 : vector<16xi32>
            %gather3A_1621 = tpu.vector_load_idx %arg4[%and3A_1620] : memref<50192xi32, #tpu.memory_space<vmem>>[vector<16xi32>], vector<16xi32>,
            %and3A_1622 = arith.constant 65535 : i32
            %and3A_1623 = vector.broadcast %and3A_1622 : i32 to vector<16xi32>
            %and3A_1624 = arith.andi %gather3A_1621, %and3A_1623 : vector<16xi32>
            %gather3A_1625 = tpu.vector_load_idx %arg4[%and3A_1624] : memref<50192xi32, #tpu.memory_space<vmem>>[vector<16xi32>], vector<16xi32>,
            %and3A_1626 = arith.constant 65535 : i32
            %and3A_1627 = vector.broadcast %and3A_1626 : i32 to vector<16xi32>
            %and3A_1628 = arith.andi %gather3A_1625, %and3A_1627 : vector<16xi32>
            %gather3A_1629 = tpu.vector_load_idx %arg4[%and3A_1628] : memref<50192xi32, #tpu.memory_space<vmem>>[vector<16xi32>], vector<16xi32>,
            %and3A_1630 = arith.constant 65535 : i32
            %and3A_1631 = vector.broadcast %and3A_1630 : i32 to vector<16xi32>
            %and3A_1632 = arith.andi %gather3A_1629, %and3A_1631 : vector<16xi32>
            %gather3A_1633 = tpu.vector_load_idx %arg4[%and3A_1632] : memref<50192xi32, #tpu.memory_space<vmem>>[vector<16xi32>], vector<16xi32>,
            %and3A_1634 = arith.constant 65535 : i32
            %and3A_1635 = vector.broadcast %and3A_1634 : i32 to vector<16xi32>
            %and3A_1636 = arith.andi %gather3A_1633, %and3A_1635 : vector<16xi32>
            %gather3A_1637 = tpu.vector_load_idx %arg4[%and3A_1636] : memref<50192xi32, #tpu.memory_space<vmem>>[vector<16xi32>], vector<16xi32>,
            %and3A_1638 = arith.constant 65535 : i32
            %and3A_1639 = vector.broadcast %and3A_1638 : i32 to vector<16xi32>
            %and3A_1640 = arith.andi %gather3A_1637, %and3A_1639 : vector<16xi32>
            %gather3A_1641 = tpu.vector_load_idx %arg4[%and3A_1640] : memref<50192xi32, #tpu.memory_space<vmem>>[vector<16xi32>], vector<16xi32>,
            %and3A_1642 = arith.constant 65535 : i32
            %and3A_1643 = vector.broadcast %and3A_1642 : i32 to vector<16xi32>
            %and3A_1644 = arith.andi %gather3A_1641, %and3A_1643 : vector<16xi32>
            %gather3A_1645 = tpu.vector_load_idx %arg4[%and3A_1644] : memref<50192xi32, #tpu.memory_space<vmem>>[vector<16xi32>], vector<16xi32>,
            %and3A_1646 = arith.constant 65535 : i32
            %and3A_1647 = vector.broadcast %and3A_1646 : i32 to vector<16xi32>
            %and3A_1648 = arith.andi %gather3A_1645, %and3A_1647 : vector<16xi32>
            %gather3A_1649 = tpu.vector_load_idx %arg4[%and3A_1648] : memref<50192xi32, #tpu.memory_space<vmem>>[vector<16xi32>], vector<16xi32>,
            %and3A_1650 = arith.constant 65535 : i32
            %and3A_1651 = vector.broadcast %and3A_1650 : i32 to vector<16xi32>
            %and3A_1652 = arith.andi %gather3A_1649, %and3A_1651 : vector<16xi32>
            %gather3A_1653 = tpu.vector_load_idx %arg4[%and3A_1652] : memref<50192xi32, #tpu.memory_space<vmem>>[vector<16xi32>], vector<16xi32>,
            %and3A_1654 = arith.constant 65535 : i32
            %and3A_1655 = vector.broadcast %and3A_1654 : i32 to vector<16xi32>
            %and3A_1656 = arith.andi %gather3A_1653, %and3A_1655 : vector<16xi32>
            %gather3A_1657 = tpu.vector_load_idx %arg4[%and3A_1656] : memref<50192xi32, #tpu.memory_space<vmem>>[vector<16xi32>], vector<16xi32>,
            %and3A_1658 = arith.constant 65535 : i32
            %and3A_1659 = vector.broadcast %and3A_1658 : i32 to vector<16xi32>
            %and3A_1660 = arith.andi %gather3A_1657, %and3A_1659 : vector<16xi32>
            %gather3A_1661 = tpu.vector_load_idx %arg4[%and3A_1660] : memref<50192xi32, #tpu.memory_space<vmem>>[vector<16xi32>], vector<16xi32>,
            %and3A_1662 = arith.constant -65536 : i32
            %and3A_1663 = vector.broadcast %and3A_1662 : i32 to vector<16xi32>
            %and3A_1664 = arith.andi %gather3A_55, %and3A_1663 : vector<16xi32>
            %and3A_1665 = arith.constant 65535 : i32
            %and3A_1666 = vector.broadcast %and3A_1665 : i32 to vector<16xi32>
            %and3A_1667 = arith.andi %gather3A_1661, %and3A_1666 : vector<16xi32>
            %or3A_1668 = arith.ori %and3A_1664, %and3A_1667 : vector<16xi32>
            %lt3A_1669 = arith.constant 2 : i32
            %lt3A_1670 = vector.broadcast %lt3A_1669 : i32 to vector<16xi32>
            %lt3A_1671 = arith.cmpi slt, %iota3A, %lt3A_1670 : vector<16xi32>
            tpu.vector_store_idx %arg4[%select_n3A_54], %or3A_1668 masked %lt3A_1671 : memref<50192xi32, #tpu.memory_space<vmem>>[vector<16xi32>], vector<16xi32>, vector<16xi1>
            scf.yield %gather3A_1661 : vector<16xi32>
          }
          %and3A_78 = arith.constant 65535 : i32
          %and3A_79 = vector.broadcast %and3A_78 : i32 to vector<16xi32>
          %and3A_80 = arith.andi %cond3A_77, %and3A_79 : vector<16xi32>
          %shift_right_logical3A_81 = arith.constant 16 : i32
          %shift_right_logical3A_82 = vector.broadcast %shift_right_logical3A_81 : i32 to vector<16xi32>
          %shift_right_logical3A_83 = arith.shrui %cond3A_77, %shift_right_logical3A_82 : vector<16xi32>
          %broadcast_in_dim3A_84 = vector.shape_cast %broadcast_in_dim3A_11 : vector<16xi32> to vector<16x1xi32>
          %gather3A_85 = vector.shape_cast %broadcast_in_dim3A_84 : vector<16x1xi32> to vector<16xi32>
          %gather3A_86 = tpu.dynamic_gather %and3A_80[%gather3A_85] in [0] : vector<16xi32>, vector<16xi32> -> vector<16xi32>
          %broadcast_in_dim3A_87 = vector.shape_cast %broadcast_in_dim3A_13 : vector<16xi32> to vector<16x1xi32>
          %gather3A_88 = vector.shape_cast %broadcast_in_dim3A_87 : vector<16x1xi32> to vector<16xi32>
          %gather3A_89 = tpu.dynamic_gather %and3A_80[%gather3A_88] in [0] : vector<16xi32>, vector<16xi32> -> vector<16xi32>
          %broadcast_in_dim3A_90 = vector.shape_cast %broadcast_in_dim3A_11 : vector<16xi32> to vector<16x1xi32>
          %gather3A_91 = vector.shape_cast %broadcast_in_dim3A_90 : vector<16x1xi32> to vector<16xi32>
          %gather3A_92 = tpu.dynamic_gather %shift_right_logical3A_83[%gather3A_91] in [0] : vector<16xi32>, vector<16xi32> -> vector<16xi32>
          %broadcast_in_dim3A_93 = vector.shape_cast %broadcast_in_dim3A_13 : vector<16xi32> to vector<16x1xi32>
          %gather3A_94 = vector.shape_cast %broadcast_in_dim3A_93 : vector<16x1xi32> to vector<16xi32>
          %gather3A_95 = tpu.dynamic_gather %shift_right_logical3A_83[%gather3A_94] in [0] : vector<16xi32>, vector<16xi32> -> vector<16xi32>
          %ne3A = arith.cmpi ne, %gather3A_86, %gather3A_89 : vector<16xi32>
          %lt3A_96 = arith.cmpi slt, %gather3A_92, %gather3A_95 : vector<16xi32>
          %select_n3A_97 = arith.select %lt3A_96, %gather3A_86, %gather3A_89 : vector<16xi1>, vector<16xi32>
          %select_n3A_98 = arith.select %lt3A_96, %gather3A_89, %gather3A_86 : vector<16xi1>, vector<16xi32>
          %select_n3A_99 = arith.select %lt3A_96, %gather3A_92, %gather3A_95 : vector<16xi1>, vector<16xi32>
          %select_n3A_100 = arith.select %lt3A_96, %gather3A_95, %gather3A_92 : vector<16xi1>, vector<16xi32>
          %select_n3A_101 = arith.select %eq3A_5, %select_n3A_97, %select_n3A_98 : vector<16xi1>, vector<16xi32>
          %shift_left3A = arith.constant 16 : i32
          %shift_left3A_102 = vector.broadcast %shift_left3A : i32 to vector<16xi32>
          %shift_left3A_103 = arith.shli %select_n3A_99, %shift_left3A_102 : vector<16xi32>
          %or3A = arith.ori %shift_left3A_103, %select_n3A_98 : vector<16xi32>
          %add3A_104 = arith.constant 1 : i32
          %add3A_105 = vector.broadcast %add3A_104 : i32 to vector<16xi32>
          %add3A_106 = arith.addi %select_n3A_100, %add3A_105 : vector<16xi32>
          %shift_left3A_107 = arith.constant 16 : i32
          %shift_left3A_108 = vector.broadcast %shift_left3A_107 : i32 to vector<16xi32>
          %shift_left3A_109 = arith.shli %add3A_106, %shift_left3A_108 : vector<16xi32>
          %or3A_110 = arith.ori %shift_left3A_109, %select_n3A_98 : vector<16xi32>
          %select_n3A_111 = arith.select %eq3A_5, %or3A, %or3A_110 : vector<16xi1>, vector<16xi32>
          %eq3A_112 = arith.constant 1 : i32
          %eq3A_113 = vector.broadcast %eq3A_112 : i32 to vector<16xi32>
          %eq3A_114 = arith.cmpi eq, %iota3A, %eq3A_113 : vector<16xi32>
          %eq3A_115 = arith.cmpi eq, %gather3A_92, %gather3A_95 : vector<16xi32>
          %and3A_116 = arith.andi %eq3A_114, %eq3A_115 : vector<16xi1>
          %or3A_117 = arith.ori %eq3A_5, %and3A_116 : vector<16xi1>
          %and3A_118 = arith.andi %ne3A, %or3A_117 : vector<16xi1>
          tpu.vector_store_idx %arg4[%select_n3A_101], %select_n3A_111 masked %and3A_118 : memref<50192xi32, #tpu.memory_space<vmem>>[vector<16xi32>], vector<16xi32>, vector<16xi1>
          %and3A_119 = arith.constant 8191 : i32
          %and3A_120 = vector.broadcast %and3A_119 : i32 to vector<16xi32>
          %and3A_121 = arith.andi %scan3A_40, %and3A_120 : vector<16xi32>
          %mul3A_122 = arith.constant 2 : i32
          %mul3A_123 = vector.broadcast %mul3A_122 : i32 to vector<16xi32>
          %mul3A_124 = arith.muli %mul3A_123, %and3A_121 : vector<16xi32>
          %add3A_125 = arith.addi %mul3A_124, %iota3A : vector<16xi32>
          %select_n3A_126 = arith.select %eq3A_5, %shift_right_logical3A_50, %and3A_53 : vector<16xi1>, vector<16xi32>
          %lt3A_127 = arith.constant 2 : i32
          %lt3A_128 = vector.broadcast %lt3A_127 : i32 to vector<16xi32>
          %lt3A_129 = arith.cmpi slt, %iota3A, %lt3A_128 : vector<16xi32>
          %and3A_130 = arith.andi %ne3A, %lt3A_129 : vector<16xi1>
          tpu.vector_store_idx %arg6[%add3A_125], %select_n3A_126 masked %and3A_130 : memref<16400xi32, #tpu.memory_space<vmem>>[vector<16xi32>], vector<16xi32>, vector<16xi1>
          %jit3A = arith.constant 1 : i32
          %jit3A_131 = arith.constant 0 : i32
          %broadcast_in_dim3A_132 = vector.broadcast %jit3A : i32 to vector<16xi32>
          %broadcast_in_dim3A_133 = vector.broadcast %jit3A_131 : i32 to vector<16xi32>
          %select_n3A_134 = arith.select %ne3A, %broadcast_in_dim3A_132, %broadcast_in_dim3A_133 : vector<16xi1>, vector<16xi32>
          %add3A_135 = arith.addi %scan3A_40, %select_n3A_134 : vector<16xi32>
          %broadcast_in_dim3A_136 = arith.constant 1 : i32
          %broadcast_in_dim3A_137 = vector.broadcast %broadcast_in_dim3A_136 : i32 to vector<16xi32>
          %broadcast_in_dim3A_138 = vector.shape_cast %broadcast_in_dim3A_137 : vector<16xi32> to vector<16x1xi32>
          %gather3A_139 = vector.shape_cast %broadcast_in_dim3A_138 : vector<16x1xi32> to vector<16xi32>
          %gather3A_140 = tpu.dynamic_gather %get3A_43[%gather3A_139] in [0] : vector<16xi32>, vector<16xi32> -> vector<16xi32>
          %shift_right_logical3A_141 = arith.constant 16 : i32
          %shift_right_logical3A_142 = vector.broadcast %shift_right_logical3A_141 : i32 to vector<16xi32>
          %shift_right_logical3A_143 = arith.shrui %gather3A_140, %shift_right_logical3A_142 : vector<16xi32>
          %and3A_144 = arith.constant 65535 : i32
          %and3A_145 = vector.broadcast %and3A_144 : i32 to vector<16xi32>
          %and3A_146 = arith.andi %gather3A_140, %and3A_145 : vector<16xi32>
          %select_n3A_147 = arith.select %eq3A_5, %shift_right_logical3A_143, %and3A_146 : vector<16xi1>, vector<16xi32>
          %gather3A_148 = tpu.vector_load_idx %arg4[%select_n3A_147] : memref<50192xi32, #tpu.memory_space<vmem>>[vector<16xi32>], vector<16xi32>,
          %and3A_149 = arith.constant 65535 : i32
          %and3A_150 = vector.broadcast %and3A_149 : i32 to vector<16xi32>
          %and3A_151 = arith.andi %gather3A_148, %and3A_150 : vector<16xi32>
          %gather3A_152 = tpu.vector_load_idx %arg4[%and3A_151] : memref<50192xi32, #tpu.memory_space<vmem>>[vector<16xi32>], vector<16xi32>,
          %and3A_153 = arith.constant 65535 : i32
          %and3A_154 = vector.broadcast %and3A_153 : i32 to vector<16xi32>
          %and3A_155 = arith.andi %gather3A_152, %and3A_154 : vector<16xi32>
          %eq3A_156 = arith.cmpi eq, %and3A_155, %and3A_151 : vector<16xi32>
          %reduce_and3A_157 = arith.constant 1.000000e+00 : f32
          %reduce_and3A_158 = arith.constant 0.000000e+00 : f32
          %reduce_and3A_159 = vector.broadcast %reduce_and3A_157 : f32 to vector<16xf32>
          %reduce_and3A_160 = vector.broadcast %reduce_and3A_158 : f32 to vector<16xf32>
          %reduce_and3A_161 = arith.select %eq3A_156, %reduce_and3A_159, %reduce_and3A_160 : vector<16xi1>, vector<16xf32>
          %reduce_and3A_162 = arith.constant true
          %reduce_and3A_163 = vector.broadcast %reduce_and3A_162 : i1 to vector<16xi1>
          %reduce_and3A_164 = tpu.scan <min>, %reduce_and3A_161 masked %reduce_and3A_163 : vector<16xf32>, vector<16xi1> -> vector<16xf32>
          %reduce_and3A_165 = vector.extract %reduce_and3A_164[15] : f32 from vector<16xf32>
          %reduce_and3A_166 = arith.constant 0.000000e+00 : f32
          %reduce_and3A_167 = arith.cmpf ogt, %reduce_and3A_165, %reduce_and3A_166 : f32
          %convert_element_type3A_168 = arith.extui %reduce_and3A_167 : i1 to i32
          %cond3A_169 = arith.constant 0 : i32
          %cond3A_170 = arith.cmpi ne, %convert_element_type3A_168, %cond3A_169 : i32
          %cond3A_171 = scf.if %cond3A_170 -> (vector<16xi32>) {
            scf.yield %gather3A_152 : vector<16xi32>
          } else {
            %and3A_1606 = arith.constant 65535 : i32
            %and3A_1607 = vector.broadcast %and3A_1606 : i32 to vector<16xi32>
            %and3A_1608 = arith.andi %gather3A_152, %and3A_1607 : vector<16xi32>
            %gather3A_1609 = tpu.vector_load_idx %arg4[%and3A_1608] : memref<50192xi32, #tpu.memory_space<vmem>>[vector<16xi32>], vector<16xi32>,
            %and3A_1610 = arith.constant 65535 : i32
            %and3A_1611 = vector.broadcast %and3A_1610 : i32 to vector<16xi32>
            %and3A_1612 = arith.andi %gather3A_1609, %and3A_1611 : vector<16xi32>
            %gather3A_1613 = tpu.vector_load_idx %arg4[%and3A_1612] : memref<50192xi32, #tpu.memory_space<vmem>>[vector<16xi32>], vector<16xi32>,
            %and3A_1614 = arith.constant 65535 : i32
            %and3A_1615 = vector.broadcast %and3A_1614 : i32 to vector<16xi32>
            %and3A_1616 = arith.andi %gather3A_1613, %and3A_1615 : vector<16xi32>
            %gather3A_1617 = tpu.vector_load_idx %arg4[%and3A_1616] : memref<50192xi32, #tpu.memory_space<vmem>>[vector<16xi32>], vector<16xi32>,
            %and3A_1618 = arith.constant 65535 : i32
            %and3A_1619 = vector.broadcast %and3A_1618 : i32 to vector<16xi32>
            %and3A_1620 = arith.andi %gather3A_1617, %and3A_1619 : vector<16xi32>
            %gather3A_1621 = tpu.vector_load_idx %arg4[%and3A_1620] : memref<50192xi32, #tpu.memory_space<vmem>>[vector<16xi32>], vector<16xi32>,
            %and3A_1622 = arith.constant 65535 : i32
            %and3A_1623 = vector.broadcast %and3A_1622 : i32 to vector<16xi32>
            %and3A_1624 = arith.andi %gather3A_1621, %and3A_1623 : vector<16xi32>
            %gather3A_1625 = tpu.vector_load_idx %arg4[%and3A_1624] : memref<50192xi32, #tpu.memory_space<vmem>>[vector<16xi32>], vector<16xi32>,
            %and3A_1626 = arith.constant 65535 : i32
            %and3A_1627 = vector.broadcast %and3A_1626 : i32 to vector<16xi32>
            %and3A_1628 = arith.andi %gather3A_1625, %and3A_1627 : vector<16xi32>
            %gather3A_1629 = tpu.vector_load_idx %arg4[%and3A_1628] : memref<50192xi32, #tpu.memory_space<vmem>>[vector<16xi32>], vector<16xi32>,
            %and3A_1630 = arith.constant 65535 : i32
            %and3A_1631 = vector.broadcast %and3A_1630 : i32 to vector<16xi32>
            %and3A_1632 = arith.andi %gather3A_1629, %and3A_1631 : vector<16xi32>
            %gather3A_1633 = tpu.vector_load_idx %arg4[%and3A_1632] : memref<50192xi32, #tpu.memory_space<vmem>>[vector<16xi32>], vector<16xi32>,
            %and3A_1634 = arith.constant 65535 : i32
            %and3A_1635 = vector.broadcast %and3A_1634 : i32 to vector<16xi32>
            %and3A_1636 = arith.andi %gather3A_1633, %and3A_1635 : vector<16xi32>
            %gather3A_1637 = tpu.vector_load_idx %arg4[%and3A_1636] : memref<50192xi32, #tpu.memory_space<vmem>>[vector<16xi32>], vector<16xi32>,
            %and3A_1638 = arith.constant 65535 : i32
            %and3A_1639 = vector.broadcast %and3A_1638 : i32 to vector<16xi32>
            %and3A_1640 = arith.andi %gather3A_1637, %and3A_1639 : vector<16xi32>
            %gather3A_1641 = tpu.vector_load_idx %arg4[%and3A_1640] : memref<50192xi32, #tpu.memory_space<vmem>>[vector<16xi32>], vector<16xi32>,
            %and3A_1642 = arith.constant 65535 : i32
            %and3A_1643 = vector.broadcast %and3A_1642 : i32 to vector<16xi32>
            %and3A_1644 = arith.andi %gather3A_1641, %and3A_1643 : vector<16xi32>
            %gather3A_1645 = tpu.vector_load_idx %arg4[%and3A_1644] : memref<50192xi32, #tpu.memory_space<vmem>>[vector<16xi32>], vector<16xi32>,
            %and3A_1646 = arith.constant 65535 : i32
            %and3A_1647 = vector.broadcast %and3A_1646 : i32 to vector<16xi32>
            %and3A_1648 = arith.andi %gather3A_1645, %and3A_1647 : vector<16xi32>
            %gather3A_1649 = tpu.vector_load_idx %arg4[%and3A_1648] : memref<50192xi32, #tpu.memory_space<vmem>>[vector<16xi32>], vector<16xi32>,
            %and3A_1650 = arith.constant 65535 : i32
            %and3A_1651 = vector.broadcast %and3A_1650 : i32 to vector<16xi32>
            %and3A_1652 = arith.andi %gather3A_1649, %and3A_1651 : vector<16xi32>
            %gather3A_1653 = tpu.vector_load_idx %arg4[%and3A_1652] : memref<50192xi32, #tpu.memory_space<vmem>>[vector<16xi32>], vector<16xi32>,
            %and3A_1654 = arith.constant 65535 : i32
            %and3A_1655 = vector.broadcast %and3A_1654 : i32 to vector<16xi32>
            %and3A_1656 = arith.andi %gather3A_1653, %and3A_1655 : vector<16xi32>
            %gather3A_1657 = tpu.vector_load_idx %arg4[%and3A_1656] : memref<50192xi32, #tpu.memory_space<vmem>>[vector<16xi32>], vector<16xi32>,
            %and3A_1658 = arith.constant 65535 : i32
            %and3A_1659 = vector.broadcast %and3A_1658 : i32 to vector<16xi32>
            %and3A_1660 = arith.andi %gather3A_1657, %and3A_1659 : vector<16xi32>
            %gather3A_1661 = tpu.vector_load_idx %arg4[%and3A_1660] : memref<50192xi32, #tpu.memory_space<vmem>>[vector<16xi32>], vector<16xi32>,
            %and3A_1662 = arith.constant -65536 : i32
            %and3A_1663 = vector.broadcast %and3A_1662 : i32 to vector<16xi32>
            %and3A_1664 = arith.andi %gather3A_148, %and3A_1663 : vector<16xi32>
            %and3A_1665 = arith.constant 65535 : i32
            %and3A_1666 = vector.broadcast %and3A_1665 : i32 to vector<16xi32>
            %and3A_1667 = arith.andi %gather3A_1661, %and3A_1666 : vector<16xi32>
            %or3A_1668 = arith.ori %and3A_1664, %and3A_1667 : vector<16xi32>
            %lt3A_1669 = arith.constant 2 : i32
            %lt3A_1670 = vector.broadcast %lt3A_1669 : i32 to vector<16xi32>
            %lt3A_1671 = arith.cmpi slt, %iota3A, %lt3A_1670 : vector<16xi32>
            tpu.vector_store_idx %arg4[%select_n3A_147], %or3A_1668 masked %lt3A_1671 : memref<50192xi32, #tpu.memory_space<vmem>>[vector<16xi32>], vector<16xi32>, vector<16xi1>
            scf.yield %gather3A_1661 : vector<16xi32>
          }
          %and3A_172 = arith.constant 65535 : i32
          %and3A_173 = vector.broadcast %and3A_172 : i32 to vector<16xi32>
          %and3A_174 = arith.andi %cond3A_171, %and3A_173 : vector<16xi32>
          %shift_right_logical3A_175 = arith.constant 16 : i32
          %shift_right_logical3A_176 = vector.broadcast %shift_right_logical3A_175 : i32 to vector<16xi32>
          %shift_right_logical3A_177 = arith.shrui %cond3A_171, %shift_right_logical3A_176 : vector<16xi32>
          %broadcast_in_dim3A_178 = vector.shape_cast %broadcast_in_dim3A_11 : vector<16xi32> to vector<16x1xi32>
          %gather3A_179 = vector.shape_cast %broadcast_in_dim3A_178 : vector<16x1xi32> to vector<16xi32>
          %gather3A_180 = tpu.dynamic_gather %and3A_174[%gather3A_179] in [0] : vector<16xi32>, vector<16xi32> -> vector<16xi32>
          %broadcast_in_dim3A_181 = vector.shape_cast %broadcast_in_dim3A_13 : vector<16xi32> to vector<16x1xi32>
          %gather3A_182 = vector.shape_cast %broadcast_in_dim3A_181 : vector<16x1xi32> to vector<16xi32>
          %gather3A_183 = tpu.dynamic_gather %and3A_174[%gather3A_182] in [0] : vector<16xi32>, vector<16xi32> -> vector<16xi32>
          %broadcast_in_dim3A_184 = vector.shape_cast %broadcast_in_dim3A_11 : vector<16xi32> to vector<16x1xi32>
          %gather3A_185 = vector.shape_cast %broadcast_in_dim3A_184 : vector<16x1xi32> to vector<16xi32>
          %gather3A_186 = tpu.dynamic_gather %shift_right_logical3A_177[%gather3A_185] in [0] : vector<16xi32>, vector<16xi32> -> vector<16xi32>
          %broadcast_in_dim3A_187 = vector.shape_cast %broadcast_in_dim3A_13 : vector<16xi32> to vector<16x1xi32>
          %gather3A_188 = vector.shape_cast %broadcast_in_dim3A_187 : vector<16x1xi32> to vector<16xi32>
          %gather3A_189 = tpu.dynamic_gather %shift_right_logical3A_177[%gather3A_188] in [0] : vector<16xi32>, vector<16xi32> -> vector<16xi32>
          %ne3A_190 = arith.cmpi ne, %gather3A_180, %gather3A_183 : vector<16xi32>
          %lt3A_191 = arith.cmpi slt, %gather3A_186, %gather3A_189 : vector<16xi32>
          %select_n3A_192 = arith.select %lt3A_191, %gather3A_180, %gather3A_183 : vector<16xi1>, vector<16xi32>
          %select_n3A_193 = arith.select %lt3A_191, %gather3A_183, %gather3A_180 : vector<16xi1>, vector<16xi32>
          %select_n3A_194 = arith.select %lt3A_191, %gather3A_186, %gather3A_189 : vector<16xi1>, vector<16xi32>
          %select_n3A_195 = arith.select %lt3A_191, %gather3A_189, %gather3A_186 : vector<16xi1>, vector<16xi32>
          %select_n3A_196 = arith.select %eq3A_5, %select_n3A_192, %select_n3A_193 : vector<16xi1>, vector<16xi32>
          %shift_left3A_197 = arith.constant 16 : i32
          %shift_left3A_198 = vector.broadcast %shift_left3A_197 : i32 to vector<16xi32>
          %shift_left3A_199 = arith.shli %select_n3A_194, %shift_left3A_198 : vector<16xi32>
          %or3A_200 = arith.ori %shift_left3A_199, %select_n3A_193 : vector<16xi32>
          %add3A_201 = arith.constant 1 : i32
          %add3A_202 = vector.broadcast %add3A_201 : i32 to vector<16xi32>
          %add3A_203 = arith.addi %select_n3A_195, %add3A_202 : vector<16xi32>
          %shift_left3A_204 = arith.constant 16 : i32
          %shift_left3A_205 = vector.broadcast %shift_left3A_204 : i32 to vector<16xi32>
          %shift_left3A_206 = arith.shli %add3A_203, %shift_left3A_205 : vector<16xi32>
          %or3A_207 = arith.ori %shift_left3A_206, %select_n3A_193 : vector<16xi32>
          %select_n3A_208 = arith.select %eq3A_5, %or3A_200, %or3A_207 : vector<16xi1>, vector<16xi32>
          %eq3A_209 = arith.constant 1 : i32
          %eq3A_210 = vector.broadcast %eq3A_209 : i32 to vector<16xi32>
          %eq3A_211 = arith.cmpi eq, %iota3A, %eq3A_210 : vector<16xi32>
          %eq3A_212 = arith.cmpi eq, %gather3A_186, %gather3A_189 : vector<16xi32>
          %and3A_213 = arith.andi %eq3A_211, %eq3A_212 : vector<16xi1>
          %or3A_214 = arith.ori %eq3A_5, %and3A_213 : vector<16xi1>
          %and3A_215 = arith.andi %ne3A_190, %or3A_214 : vector<16xi1>
          tpu.vector_store_idx %arg4[%select_n3A_196], %select_n3A_208 masked %and3A_215 : memref<50192xi32, #tpu.memory_space<vmem>>[vector<16xi32>], vector<16xi32>, vector<16xi1>
          %and3A_216 = arith.constant 8191 : i32
          %and3A_217 = vector.broadcast %and3A_216 : i32 to vector<16xi32>
          %and3A_218 = arith.andi %add3A_135, %and3A_217 : vector<16xi32>
          %mul3A_219 = arith.constant 2 : i32
          %mul3A_220 = vector.broadcast %mul3A_219 : i32 to vector<16xi32>
          %mul3A_221 = arith.muli %mul3A_220, %and3A_218 : vector<16xi32>
          %add3A_222 = arith.addi %mul3A_221, %iota3A : vector<16xi32>
          %select_n3A_223 = arith.select %eq3A_5, %shift_right_logical3A_143, %and3A_146 : vector<16xi1>, vector<16xi32>
          %lt3A_224 = arith.constant 2 : i32
          %lt3A_225 = vector.broadcast %lt3A_224 : i32 to vector<16xi32>
          %lt3A_226 = arith.cmpi slt, %iota3A, %lt3A_225 : vector<16xi32>
          %and3A_227 = arith.andi %ne3A_190, %lt3A_226 : vector<16xi1>
          tpu.vector_store_idx %arg6[%add3A_222], %select_n3A_223 masked %and3A_227 : memref<16400xi32, #tpu.memory_space<vmem>>[vector<16xi32>], vector<16xi32>, vector<16xi1>
          %jit3A_228 = arith.constant 1 : i32
          %jit3A_229 = arith.constant 0 : i32
          %broadcast_in_dim3A_230 = vector.broadcast %jit3A_228 : i32 to vector<16xi32>
          %broadcast_in_dim3A_231 = vector.broadcast %jit3A_229 : i32 to vector<16xi32>
          %select_n3A_232 = arith.select %ne3A_190, %broadcast_in_dim3A_230, %broadcast_in_dim3A_231 : vector<16xi1>, vector<16xi32>
          %add3A_233 = arith.addi %add3A_135, %select_n3A_232 : vector<16xi32>
          %broadcast_in_dim3A_234 = arith.constant 2 : i32
          %broadcast_in_dim3A_235 = vector.broadcast %broadcast_in_dim3A_234 : i32 to vector<16xi32>
          %broadcast_in_dim3A_236 = vector.shape_cast %broadcast_in_dim3A_235 : vector<16xi32> to vector<16x1xi32>
          %gather3A_237 = vector.shape_cast %broadcast_in_dim3A_236 : vector<16x1xi32> to vector<16xi32>
          %gather3A_238 = tpu.dynamic_gather %get3A_43[%gather3A_237] in [0] : vector<16xi32>, vector<16xi32> -> vector<16xi32>
          %shift_right_logical3A_239 = arith.constant 16 : i32
          %shift_right_logical3A_240 = vector.broadcast %shift_right_logical3A_239 : i32 to vector<16xi32>
          %shift_right_logical3A_241 = arith.shrui %gather3A_238, %shift_right_logical3A_240 : vector<16xi32>
          %and3A_242 = arith.constant 65535 : i32
          %and3A_243 = vector.broadcast %and3A_242 : i32 to vector<16xi32>
          %and3A_244 = arith.andi %gather3A_238, %and3A_243 : vector<16xi32>
          %select_n3A_245 = arith.select %eq3A_5, %shift_right_logical3A_241, %and3A_244 : vector<16xi1>, vector<16xi32>
          %gather3A_246 = tpu.vector_load_idx %arg4[%select_n3A_245] : memref<50192xi32, #tpu.memory_space<vmem>>[vector<16xi32>], vector<16xi32>,
          %and3A_247 = arith.constant 65535 : i32
          %and3A_248 = vector.broadcast %and3A_247 : i32 to vector<16xi32>
          %and3A_249 = arith.andi %gather3A_246, %and3A_248 : vector<16xi32>
          %gather3A_250 = tpu.vector_load_idx %arg4[%and3A_249] : memref<50192xi32, #tpu.memory_space<vmem>>[vector<16xi32>], vector<16xi32>,
          %and3A_251 = arith.constant 65535 : i32
          %and3A_252 = vector.broadcast %and3A_251 : i32 to vector<16xi32>
          %and3A_253 = arith.andi %gather3A_250, %and3A_252 : vector<16xi32>
          %eq3A_254 = arith.cmpi eq, %and3A_253, %and3A_249 : vector<16xi32>
          %reduce_and3A_255 = arith.constant 1.000000e+00 : f32
          %reduce_and3A_256 = arith.constant 0.000000e+00 : f32
          %reduce_and3A_257 = vector.broadcast %reduce_and3A_255 : f32 to vector<16xf32>
          %reduce_and3A_258 = vector.broadcast %reduce_and3A_256 : f32 to vector<16xf32>
          %reduce_and3A_259 = arith.select %eq3A_254, %reduce_and3A_257, %reduce_and3A_258 : vector<16xi1>, vector<16xf32>
          %reduce_and3A_260 = arith.constant true
          %reduce_and3A_261 = vector.broadcast %reduce_and3A_260 : i1 to vector<16xi1>
          %reduce_and3A_262 = tpu.scan <min>, %reduce_and3A_259 masked %reduce_and3A_261 : vector<16xf32>, vector<16xi1> -> vector<16xf32>
          %reduce_and3A_263 = vector.extract %reduce_and3A_262[15] : f32 from vector<16xf32>
          %reduce_and3A_264 = arith.constant 0.000000e+00 : f32
          %reduce_and3A_265 = arith.cmpf ogt, %reduce_and3A_263, %reduce_and3A_264 : f32
          %convert_element_type3A_266 = arith.extui %reduce_and3A_265 : i1 to i32
          %cond3A_267 = arith.constant 0 : i32
          %cond3A_268 = arith.cmpi ne, %convert_element_type3A_266, %cond3A_267 : i32
          %cond3A_269 = scf.if %cond3A_268 -> (vector<16xi32>) {
            scf.yield %gather3A_250 : vector<16xi32>
          } else {
            %and3A_1606 = arith.constant 65535 : i32
            %and3A_1607 = vector.broadcast %and3A_1606 : i32 to vector<16xi32>
            %and3A_1608 = arith.andi %gather3A_250, %and3A_1607 : vector<16xi32>
            %gather3A_1609 = tpu.vector_load_idx %arg4[%and3A_1608] : memref<50192xi32, #tpu.memory_space<vmem>>[vector<16xi32>], vector<16xi32>,
            %and3A_1610 = arith.constant 65535 : i32
            %and3A_1611 = vector.broadcast %and3A_1610 : i32 to vector<16xi32>
            %and3A_1612 = arith.andi %gather3A_1609, %and3A_1611 : vector<16xi32>
            %gather3A_1613 = tpu.vector_load_idx %arg4[%and3A_1612] : memref<50192xi32, #tpu.memory_space<vmem>>[vector<16xi32>], vector<16xi32>,
            %and3A_1614 = arith.constant 65535 : i32
            %and3A_1615 = vector.broadcast %and3A_1614 : i32 to vector<16xi32>
            %and3A_1616 = arith.andi %gather3A_1613, %and3A_1615 : vector<16xi32>
            %gather3A_1617 = tpu.vector_load_idx %arg4[%and3A_1616] : memref<50192xi32, #tpu.memory_space<vmem>>[vector<16xi32>], vector<16xi32>,
            %and3A_1618 = arith.constant 65535 : i32
            %and3A_1619 = vector.broadcast %and3A_1618 : i32 to vector<16xi32>
            %and3A_1620 = arith.andi %gather3A_1617, %and3A_1619 : vector<16xi32>
            %gather3A_1621 = tpu.vector_load_idx %arg4[%and3A_1620] : memref<50192xi32, #tpu.memory_space<vmem>>[vector<16xi32>], vector<16xi32>,
            %and3A_1622 = arith.constant 65535 : i32
            %and3A_1623 = vector.broadcast %and3A_1622 : i32 to vector<16xi32>
            %and3A_1624 = arith.andi %gather3A_1621, %and3A_1623 : vector<16xi32>
            %gather3A_1625 = tpu.vector_load_idx %arg4[%and3A_1624] : memref<50192xi32, #tpu.memory_space<vmem>>[vector<16xi32>], vector<16xi32>,
            %and3A_1626 = arith.constant 65535 : i32
            %and3A_1627 = vector.broadcast %and3A_1626 : i32 to vector<16xi32>
            %and3A_1628 = arith.andi %gather3A_1625, %and3A_1627 : vector<16xi32>
            %gather3A_1629 = tpu.vector_load_idx %arg4[%and3A_1628] : memref<50192xi32, #tpu.memory_space<vmem>>[vector<16xi32>], vector<16xi32>,
            %and3A_1630 = arith.constant 65535 : i32
            %and3A_1631 = vector.broadcast %and3A_1630 : i32 to vector<16xi32>
            %and3A_1632 = arith.andi %gather3A_1629, %and3A_1631 : vector<16xi32>
            %gather3A_1633 = tpu.vector_load_idx %arg4[%and3A_1632] : memref<50192xi32, #tpu.memory_space<vmem>>[vector<16xi32>], vector<16xi32>,
            %and3A_1634 = arith.constant 65535 : i32
            %and3A_1635 = vector.broadcast %and3A_1634 : i32 to vector<16xi32>
            %and3A_1636 = arith.andi %gather3A_1633, %and3A_1635 : vector<16xi32>
            %gather3A_1637 = tpu.vector_load_idx %arg4[%and3A_1636] : memref<50192xi32, #tpu.memory_space<vmem>>[vector<16xi32>], vector<16xi32>,
            %and3A_1638 = arith.constant 65535 : i32
            %and3A_1639 = vector.broadcast %and3A_1638 : i32 to vector<16xi32>
            %and3A_1640 = arith.andi %gather3A_1637, %and3A_1639 : vector<16xi32>
            %gather3A_1641 = tpu.vector_load_idx %arg4[%and3A_1640] : memref<50192xi32, #tpu.memory_space<vmem>>[vector<16xi32>], vector<16xi32>,
            %and3A_1642 = arith.constant 65535 : i32
            %and3A_1643 = vector.broadcast %and3A_1642 : i32 to vector<16xi32>
            %and3A_1644 = arith.andi %gather3A_1641, %and3A_1643 : vector<16xi32>
            %gather3A_1645 = tpu.vector_load_idx %arg4[%and3A_1644] : memref<50192xi32, #tpu.memory_space<vmem>>[vector<16xi32>], vector<16xi32>,
            %and3A_1646 = arith.constant 65535 : i32
            %and3A_1647 = vector.broadcast %and3A_1646 : i32 to vector<16xi32>
            %and3A_1648 = arith.andi %gather3A_1645, %and3A_1647 : vector<16xi32>
            %gather3A_1649 = tpu.vector_load_idx %arg4[%and3A_1648] : memref<50192xi32, #tpu.memory_space<vmem>>[vector<16xi32>], vector<16xi32>,
            %and3A_1650 = arith.constant 65535 : i32
            %and3A_1651 = vector.broadcast %and3A_1650 : i32 to vector<16xi32>
            %and3A_1652 = arith.andi %gather3A_1649, %and3A_1651 : vector<16xi32>
            %gather3A_1653 = tpu.vector_load_idx %arg4[%and3A_1652] : memref<50192xi32, #tpu.memory_space<vmem>>[vector<16xi32>], vector<16xi32>,
            %and3A_1654 = arith.constant 65535 : i32
            %and3A_1655 = vector.broadcast %and3A_1654 : i32 to vector<16xi32>
            %and3A_1656 = arith.andi %gather3A_1653, %and3A_1655 : vector<16xi32>
            %gather3A_1657 = tpu.vector_load_idx %arg4[%and3A_1656] : memref<50192xi32, #tpu.memory_space<vmem>>[vector<16xi32>], vector<16xi32>,
            %and3A_1658 = arith.constant 65535 : i32
            %and3A_1659 = vector.broadcast %and3A_1658 : i32 to vector<16xi32>
            %and3A_1660 = arith.andi %gather3A_1657, %and3A_1659 : vector<16xi32>
            %gather3A_1661 = tpu.vector_load_idx %arg4[%and3A_1660] : memref<50192xi32, #tpu.memory_space<vmem>>[vector<16xi32>], vector<16xi32>,
            %and3A_1662 = arith.constant -65536 : i32
            %and3A_1663 = vector.broadcast %and3A_1662 : i32 to vector<16xi32>
            %and3A_1664 = arith.andi %gather3A_246, %and3A_1663 : vector<16xi32>
            %and3A_1665 = arith.constant 65535 : i32
            %and3A_1666 = vector.broadcast %and3A_1665 : i32 to vector<16xi32>
            %and3A_1667 = arith.andi %gather3A_1661, %and3A_1666 : vector<16xi32>
            %or3A_1668 = arith.ori %and3A_1664, %and3A_1667 : vector<16xi32>
            %lt3A_1669 = arith.constant 2 : i32
            %lt3A_1670 = vector.broadcast %lt3A_1669 : i32 to vector<16xi32>
            %lt3A_1671 = arith.cmpi slt, %iota3A, %lt3A_1670 : vector<16xi32>
            tpu.vector_store_idx %arg4[%select_n3A_245], %or3A_1668 masked %lt3A_1671 : memref<50192xi32, #tpu.memory_space<vmem>>[vector<16xi32>], vector<16xi32>, vector<16xi1>
            scf.yield %gather3A_1661 : vector<16xi32>
          }
          %and3A_270 = arith.constant 65535 : i32
          %and3A_271 = vector.broadcast %and3A_270 : i32 to vector<16xi32>
          %and3A_272 = arith.andi %cond3A_269, %and3A_271 : vector<16xi32>
          %shift_right_logical3A_273 = arith.constant 16 : i32
          %shift_right_logical3A_274 = vector.broadcast %shift_right_logical3A_273 : i32 to vector<16xi32>
          %shift_right_logical3A_275 = arith.shrui %cond3A_269, %shift_right_logical3A_274 : vector<16xi32>
          %broadcast_in_dim3A_276 = vector.shape_cast %broadcast_in_dim3A_11 : vector<16xi32> to vector<16x1xi32>
          %gather3A_277 = vector.shape_cast %broadcast_in_dim3A_276 : vector<16x1xi32> to vector<16xi32>
          %gather3A_278 = tpu.dynamic_gather %and3A_272[%gather3A_277] in [0] : vector<16xi32>, vector<16xi32> -> vector<16xi32>
          %broadcast_in_dim3A_279 = vector.shape_cast %broadcast_in_dim3A_13 : vector<16xi32> to vector<16x1xi32>
          %gather3A_280 = vector.shape_cast %broadcast_in_dim3A_279 : vector<16x1xi32> to vector<16xi32>
          %gather3A_281 = tpu.dynamic_gather %and3A_272[%gather3A_280] in [0] : vector<16xi32>, vector<16xi32> -> vector<16xi32>
          %broadcast_in_dim3A_282 = vector.shape_cast %broadcast_in_dim3A_11 : vector<16xi32> to vector<16x1xi32>
          %gather3A_283 = vector.shape_cast %broadcast_in_dim3A_282 : vector<16x1xi32> to vector<16xi32>
          %gather3A_284 = tpu.dynamic_gather %shift_right_logical3A_275[%gather3A_283] in [0] : vector<16xi32>, vector<16xi32> -> vector<16xi32>
          %broadcast_in_dim3A_285 = vector.shape_cast %broadcast_in_dim3A_13 : vector<16xi32> to vector<16x1xi32>
          %gather3A_286 = vector.shape_cast %broadcast_in_dim3A_285 : vector<16x1xi32> to vector<16xi32>
          %gather3A_287 = tpu.dynamic_gather %shift_right_logical3A_275[%gather3A_286] in [0] : vector<16xi32>, vector<16xi32> -> vector<16xi32>
          %ne3A_288 = arith.cmpi ne, %gather3A_278, %gather3A_281 : vector<16xi32>
          %lt3A_289 = arith.cmpi slt, %gather3A_284, %gather3A_287 : vector<16xi32>
          %select_n3A_290 = arith.select %lt3A_289, %gather3A_278, %gather3A_281 : vector<16xi1>, vector<16xi32>
          %select_n3A_291 = arith.select %lt3A_289, %gather3A_281, %gather3A_278 : vector<16xi1>, vector<16xi32>
          %select_n3A_292 = arith.select %lt3A_289, %gather3A_284, %gather3A_287 : vector<16xi1>, vector<16xi32>
          %select_n3A_293 = arith.select %lt3A_289, %gather3A_287, %gather3A_284 : vector<16xi1>, vector<16xi32>
          %select_n3A_294 = arith.select %eq3A_5, %select_n3A_290, %select_n3A_291 : vector<16xi1>, vector<16xi32>
          %shift_left3A_295 = arith.constant 16 : i32
          %shift_left3A_296 = vector.broadcast %shift_left3A_295 : i32 to vector<16xi32>
          %shift_left3A_297 = arith.shli %select_n3A_292, %shift_left3A_296 : vector<16xi32>
          %or3A_298 = arith.ori %shift_left3A_297, %select_n3A_291 : vector<16xi32>
          %add3A_299 = arith.constant 1 : i32
          %add3A_300 = vector.broadcast %add3A_299 : i32 to vector<16xi32>
          %add3A_301 = arith.addi %select_n3A_293, %add3A_300 : vector<16xi32>
          %shift_left3A_302 = arith.constant 16 : i32
          %shift_left3A_303 = vector.broadcast %shift_left3A_302 : i32 to vector<16xi32>
          %shift_left3A_304 = arith.shli %add3A_301, %shift_left3A_303 : vector<16xi32>
          %or3A_305 = arith.ori %shift_left3A_304, %select_n3A_291 : vector<16xi32>
          %select_n3A_306 = arith.select %eq3A_5, %or3A_298, %or3A_305 : vector<16xi1>, vector<16xi32>
          %eq3A_307 = arith.constant 1 : i32
          %eq3A_308 = vector.broadcast %eq3A_307 : i32 to vector<16xi32>
          %eq3A_309 = arith.cmpi eq, %iota3A, %eq3A_308 : vector<16xi32>
          %eq3A_310 = arith.cmpi eq, %gather3A_284, %gather3A_287 : vector<16xi32>
          %and3A_311 = arith.andi %eq3A_309, %eq3A_310 : vector<16xi1>
          %or3A_312 = arith.ori %eq3A_5, %and3A_311 : vector<16xi1>
          %and3A_313 = arith.andi %ne3A_288, %or3A_312 : vector<16xi1>
          tpu.vector_store_idx %arg4[%select_n3A_294], %select_n3A_306 masked %and3A_313 : memref<50192xi32, #tpu.memory_space<vmem>>[vector<16xi32>], vector<16xi32>, vector<16xi1>
          %and3A_314 = arith.constant 8191 : i32
          %and3A_315 = vector.broadcast %and3A_314 : i32 to vector<16xi32>
          %and3A_316 = arith.andi %add3A_233, %and3A_315 : vector<16xi32>
          %mul3A_317 = arith.constant 2 : i32
          %mul3A_318 = vector.broadcast %mul3A_317 : i32 to vector<16xi32>
          %mul3A_319 = arith.muli %mul3A_318, %and3A_316 : vector<16xi32>
          %add3A_320 = arith.addi %mul3A_319, %iota3A : vector<16xi32>
          %select_n3A_321 = arith.select %eq3A_5, %shift_right_logical3A_241, %and3A_244 : vector<16xi1>, vector<16xi32>
          %lt3A_322 = arith.constant 2 : i32
          %lt3A_323 = vector.broadcast %lt3A_322 : i32 to vector<16xi32>
          %lt3A_324 = arith.cmpi slt, %iota3A, %lt3A_323 : vector<16xi32>
          %and3A_325 = arith.andi %ne3A_288, %lt3A_324 : vector<16xi1>
          tpu.vector_store_idx %arg6[%add3A_320], %select_n3A_321 masked %and3A_325 : memref<16400xi32, #tpu.memory_space<vmem>>[vector<16xi32>], vector<16xi32>, vector<16xi1>
          %jit3A_326 = arith.constant 1 : i32
          %jit3A_327 = arith.constant 0 : i32
          %broadcast_in_dim3A_328 = vector.broadcast %jit3A_326 : i32 to vector<16xi32>
          %broadcast_in_dim3A_329 = vector.broadcast %jit3A_327 : i32 to vector<16xi32>
          %select_n3A_330 = arith.select %ne3A_288, %broadcast_in_dim3A_328, %broadcast_in_dim3A_329 : vector<16xi1>, vector<16xi32>
          %add3A_331 = arith.addi %add3A_233, %select_n3A_330 : vector<16xi32>
          %broadcast_in_dim3A_332 = arith.constant 3 : i32
          %broadcast_in_dim3A_333 = vector.broadcast %broadcast_in_dim3A_332 : i32 to vector<16xi32>
          %broadcast_in_dim3A_334 = vector.shape_cast %broadcast_in_dim3A_333 : vector<16xi32> to vector<16x1xi32>
          %gather3A_335 = vector.shape_cast %broadcast_in_dim3A_334 : vector<16x1xi32> to vector<16xi32>
          %gather3A_336 = tpu.dynamic_gather %get3A_43[%gather3A_335] in [0] : vector<16xi32>, vector<16xi32> -> vector<16xi32>
          %shift_right_logical3A_337 = arith.constant 16 : i32
          %shift_right_logical3A_338 = vector.broadcast %shift_right_logical3A_337 : i32 to vector<16xi32>
          %shift_right_logical3A_339 = arith.shrui %gather3A_336, %shift_right_logical3A_338 : vector<16xi32>
          %and3A_340 = arith.constant 65535 : i32
          %and3A_341 = vector.broadcast %and3A_340 : i32 to vector<16xi32>
          %and3A_342 = arith.andi %gather3A_336, %and3A_341 : vector<16xi32>
          %select_n3A_343 = arith.select %eq3A_5, %shift_right_logical3A_339, %and3A_342 : vector<16xi1>, vector<16xi32>
          %gather3A_344 = tpu.vector_load_idx %arg4[%select_n3A_343] : memref<50192xi32, #tpu.memory_space<vmem>>[vector<16xi32>], vector<16xi32>,
          %and3A_345 = arith.constant 65535 : i32
          %and3A_346 = vector.broadcast %and3A_345 : i32 to vector<16xi32>
          %and3A_347 = arith.andi %gather3A_344, %and3A_346 : vector<16xi32>
          %gather3A_348 = tpu.vector_load_idx %arg4[%and3A_347] : memref<50192xi32, #tpu.memory_space<vmem>>[vector<16xi32>], vector<16xi32>,
          %and3A_349 = arith.constant 65535 : i32
          %and3A_350 = vector.broadcast %and3A_349 : i32 to vector<16xi32>
          %and3A_351 = arith.andi %gather3A_348, %and3A_350 : vector<16xi32>
          %eq3A_352 = arith.cmpi eq, %and3A_351, %and3A_347 : vector<16xi32>
          %reduce_and3A_353 = arith.constant 1.000000e+00 : f32
          %reduce_and3A_354 = arith.constant 0.000000e+00 : f32
          %reduce_and3A_355 = vector.broadcast %reduce_and3A_353 : f32 to vector<16xf32>
          %reduce_and3A_356 = vector.broadcast %reduce_and3A_354 : f32 to vector<16xf32>
          %reduce_and3A_357 = arith.select %eq3A_352, %reduce_and3A_355, %reduce_and3A_356 : vector<16xi1>, vector<16xf32>
          %reduce_and3A_358 = arith.constant true
          %reduce_and3A_359 = vector.broadcast %reduce_and3A_358 : i1 to vector<16xi1>
          %reduce_and3A_360 = tpu.scan <min>, %reduce_and3A_357 masked %reduce_and3A_359 : vector<16xf32>, vector<16xi1> -> vector<16xf32>
          %reduce_and3A_361 = vector.extract %reduce_and3A_360[15] : f32 from vector<16xf32>
          %reduce_and3A_362 = arith.constant 0.000000e+00 : f32
          %reduce_and3A_363 = arith.cmpf ogt, %reduce_and3A_361, %reduce_and3A_362 : f32
          %convert_element_type3A_364 = arith.extui %reduce_and3A_363 : i1 to i32
          %cond3A_365 = arith.constant 0 : i32
          %cond3A_366 = arith.cmpi ne, %convert_element_type3A_364, %cond3A_365 : i32
          %cond3A_367 = scf.if %cond3A_366 -> (vector<16xi32>) {
            scf.yield %gather3A_348 : vector<16xi32>
          } else {
            %and3A_1606 = arith.constant 65535 : i32
            %and3A_1607 = vector.broadcast %and3A_1606 : i32 to vector<16xi32>
            %and3A_1608 = arith.andi %gather3A_348, %and3A_1607 : vector<16xi32>
            %gather3A_1609 = tpu.vector_load_idx %arg4[%and3A_1608] : memref<50192xi32, #tpu.memory_space<vmem>>[vector<16xi32>], vector<16xi32>,
            %and3A_1610 = arith.constant 65535 : i32
            %and3A_1611 = vector.broadcast %and3A_1610 : i32 to vector<16xi32>
            %and3A_1612 = arith.andi %gather3A_1609, %and3A_1611 : vector<16xi32>
            %gather3A_1613 = tpu.vector_load_idx %arg4[%and3A_1612] : memref<50192xi32, #tpu.memory_space<vmem>>[vector<16xi32>], vector<16xi32>,
            %and3A_1614 = arith.constant 65535 : i32
            %and3A_1615 = vector.broadcast %and3A_1614 : i32 to vector<16xi32>
            %and3A_1616 = arith.andi %gather3A_1613, %and3A_1615 : vector<16xi32>
            %gather3A_1617 = tpu.vector_load_idx %arg4[%and3A_1616] : memref<50192xi32, #tpu.memory_space<vmem>>[vector<16xi32>], vector<16xi32>,
            %and3A_1618 = arith.constant 65535 : i32
            %and3A_1619 = vector.broadcast %and3A_1618 : i32 to vector<16xi32>
            %and3A_1620 = arith.andi %gather3A_1617, %and3A_1619 : vector<16xi32>
            %gather3A_1621 = tpu.vector_load_idx %arg4[%and3A_1620] : memref<50192xi32, #tpu.memory_space<vmem>>[vector<16xi32>], vector<16xi32>,
            %and3A_1622 = arith.constant 65535 : i32
            %and3A_1623 = vector.broadcast %and3A_1622 : i32 to vector<16xi32>
            %and3A_1624 = arith.andi %gather3A_1621, %and3A_1623 : vector<16xi32>
            %gather3A_1625 = tpu.vector_load_idx %arg4[%and3A_1624] : memref<50192xi32, #tpu.memory_space<vmem>>[vector<16xi32>], vector<16xi32>,
            %and3A_1626 = arith.constant 65535 : i32
            %and3A_1627 = vector.broadcast %and3A_1626 : i32 to vector<16xi32>
            %and3A_1628 = arith.andi %gather3A_1625, %and3A_1627 : vector<16xi32>
            %gather3A_1629 = tpu.vector_load_idx %arg4[%and3A_1628] : memref<50192xi32, #tpu.memory_space<vmem>>[vector<16xi32>], vector<16xi32>,
            %and3A_1630 = arith.constant 65535 : i32
            %and3A_1631 = vector.broadcast %and3A_1630 : i32 to vector<16xi32>
            %and3A_1632 = arith.andi %gather3A_1629, %and3A_1631 : vector<16xi32>
            %gather3A_1633 = tpu.vector_load_idx %arg4[%and3A_1632] : memref<50192xi32, #tpu.memory_space<vmem>>[vector<16xi32>], vector<16xi32>,
            %and3A_1634 = arith.constant 65535 : i32
            %and3A_1635 = vector.broadcast %and3A_1634 : i32 to vector<16xi32>
            %and3A_1636 = arith.andi %gather3A_1633, %and3A_1635 : vector<16xi32>
            %gather3A_1637 = tpu.vector_load_idx %arg4[%and3A_1636] : memref<50192xi32, #tpu.memory_space<vmem>>[vector<16xi32>], vector<16xi32>,
            %and3A_1638 = arith.constant 65535 : i32
            %and3A_1639 = vector.broadcast %and3A_1638 : i32 to vector<16xi32>
            %and3A_1640 = arith.andi %gather3A_1637, %and3A_1639 : vector<16xi32>
            %gather3A_1641 = tpu.vector_load_idx %arg4[%and3A_1640] : memref<50192xi32, #tpu.memory_space<vmem>>[vector<16xi32>], vector<16xi32>,
            %and3A_1642 = arith.constant 65535 : i32
            %and3A_1643 = vector.broadcast %and3A_1642 : i32 to vector<16xi32>
            %and3A_1644 = arith.andi %gather3A_1641, %and3A_1643 : vector<16xi32>
            %gather3A_1645 = tpu.vector_load_idx %arg4[%and3A_1644] : memref<50192xi32, #tpu.memory_space<vmem>>[vector<16xi32>], vector<16xi32>,
            %and3A_1646 = arith.constant 65535 : i32
            %and3A_1647 = vector.broadcast %and3A_1646 : i32 to vector<16xi32>
            %and3A_1648 = arith.andi %gather3A_1645, %and3A_1647 : vector<16xi32>
            %gather3A_1649 = tpu.vector_load_idx %arg4[%and3A_1648] : memref<50192xi32, #tpu.memory_space<vmem>>[vector<16xi32>], vector<16xi32>,
            %and3A_1650 = arith.constant 65535 : i32
            %and3A_1651 = vector.broadcast %and3A_1650 : i32 to vector<16xi32>
            %and3A_1652 = arith.andi %gather3A_1649, %and3A_1651 : vector<16xi32>
            %gather3A_1653 = tpu.vector_load_idx %arg4[%and3A_1652] : memref<50192xi32, #tpu.memory_space<vmem>>[vector<16xi32>], vector<16xi32>,
            %and3A_1654 = arith.constant 65535 : i32
            %and3A_1655 = vector.broadcast %and3A_1654 : i32 to vector<16xi32>
            %and3A_1656 = arith.andi %gather3A_1653, %and3A_1655 : vector<16xi32>
            %gather3A_1657 = tpu.vector_load_idx %arg4[%and3A_1656] : memref<50192xi32, #tpu.memory_space<vmem>>[vector<16xi32>], vector<16xi32>,
            %and3A_1658 = arith.constant 65535 : i32
            %and3A_1659 = vector.broadcast %and3A_1658 : i32 to vector<16xi32>
            %and3A_1660 = arith.andi %gather3A_1657, %and3A_1659 : vector<16xi32>
            %gather3A_1661 = tpu.vector_load_idx %arg4[%and3A_1660] : memref<50192xi32, #tpu.memory_space<vmem>>[vector<16xi32>], vector<16xi32>,
            %and3A_1662 = arith.constant -65536 : i32
            %and3A_1663 = vector.broadcast %and3A_1662 : i32 to vector<16xi32>
            %and3A_1664 = arith.andi %gather3A_344, %and3A_1663 : vector<16xi32>
            %and3A_1665 = arith.constant 65535 : i32
            %and3A_1666 = vector.broadcast %and3A_1665 : i32 to vector<16xi32>
            %and3A_1667 = arith.andi %gather3A_1661, %and3A_1666 : vector<16xi32>
            %or3A_1668 = arith.ori %and3A_1664, %and3A_1667 : vector<16xi32>
            %lt3A_1669 = arith.constant 2 : i32
            %lt3A_1670 = vector.broadcast %lt3A_1669 : i32 to vector<16xi32>
            %lt3A_1671 = arith.cmpi slt, %iota3A, %lt3A_1670 : vector<16xi32>
            tpu.vector_store_idx %arg4[%select_n3A_343], %or3A_1668 masked %lt3A_1671 : memref<50192xi32, #tpu.memory_space<vmem>>[vector<16xi32>], vector<16xi32>, vector<16xi1>
            scf.yield %gather3A_1661 : vector<16xi32>
          }
          %and3A_368 = arith.constant 65535 : i32
          %and3A_369 = vector.broadcast %and3A_368 : i32 to vector<16xi32>
          %and3A_370 = arith.andi %cond3A_367, %and3A_369 : vector<16xi32>
          %shift_right_logical3A_371 = arith.constant 16 : i32
          %shift_right_logical3A_372 = vector.broadcast %shift_right_logical3A_371 : i32 to vector<16xi32>
          %shift_right_logical3A_373 = arith.shrui %cond3A_367, %shift_right_logical3A_372 : vector<16xi32>
          %broadcast_in_dim3A_374 = vector.shape_cast %broadcast_in_dim3A_11 : vector<16xi32> to vector<16x1xi32>
          %gather3A_375 = vector.shape_cast %broadcast_in_dim3A_374 : vector<16x1xi32> to vector<16xi32>
          %gather3A_376 = tpu.dynamic_gather %and3A_370[%gather3A_375] in [0] : vector<16xi32>, vector<16xi32> -> vector<16xi32>
          %broadcast_in_dim3A_377 = vector.shape_cast %broadcast_in_dim3A_13 : vector<16xi32> to vector<16x1xi32>
          %gather3A_378 = vector.shape_cast %broadcast_in_dim3A_377 : vector<16x1xi32> to vector<16xi32>
          %gather3A_379 = tpu.dynamic_gather %and3A_370[%gather3A_378] in [0] : vector<16xi32>, vector<16xi32> -> vector<16xi32>
          %broadcast_in_dim3A_380 = vector.shape_cast %broadcast_in_dim3A_11 : vector<16xi32> to vector<16x1xi32>
          %gather3A_381 = vector.shape_cast %broadcast_in_dim3A_380 : vector<16x1xi32> to vector<16xi32>
          %gather3A_382 = tpu.dynamic_gather %shift_right_logical3A_373[%gather3A_381] in [0] : vector<16xi32>, vector<16xi32> -> vector<16xi32>
          %broadcast_in_dim3A_383 = vector.shape_cast %broadcast_in_dim3A_13 : vector<16xi32> to vector<16x1xi32>
          %gather3A_384 = vector.shape_cast %broadcast_in_dim3A_383 : vector<16x1xi32> to vector<16xi32>
          %gather3A_385 = tpu.dynamic_gather %shift_right_logical3A_373[%gather3A_384] in [0] : vector<16xi32>, vector<16xi32> -> vector<16xi32>
          %ne3A_386 = arith.cmpi ne, %gather3A_376, %gather3A_379 : vector<16xi32>
          %lt3A_387 = arith.cmpi slt, %gather3A_382, %gather3A_385 : vector<16xi32>
          %select_n3A_388 = arith.select %lt3A_387, %gather3A_376, %gather3A_379 : vector<16xi1>, vector<16xi32>
          %select_n3A_389 = arith.select %lt3A_387, %gather3A_379, %gather3A_376 : vector<16xi1>, vector<16xi32>
          %select_n3A_390 = arith.select %lt3A_387, %gather3A_382, %gather3A_385 : vector<16xi1>, vector<16xi32>
          %select_n3A_391 = arith.select %lt3A_387, %gather3A_385, %gather3A_382 : vector<16xi1>, vector<16xi32>
          %select_n3A_392 = arith.select %eq3A_5, %select_n3A_388, %select_n3A_389 : vector<16xi1>, vector<16xi32>
          %shift_left3A_393 = arith.constant 16 : i32
          %shift_left3A_394 = vector.broadcast %shift_left3A_393 : i32 to vector<16xi32>
          %shift_left3A_395 = arith.shli %select_n3A_390, %shift_left3A_394 : vector<16xi32>
          %or3A_396 = arith.ori %shift_left3A_395, %select_n3A_389 : vector<16xi32>
          %add3A_397 = arith.constant 1 : i32
          %add3A_398 = vector.broadcast %add3A_397 : i32 to vector<16xi32>
          %add3A_399 = arith.addi %select_n3A_391, %add3A_398 : vector<16xi32>
          %shift_left3A_400 = arith.constant 16 : i32
          %shift_left3A_401 = vector.broadcast %shift_left3A_400 : i32 to vector<16xi32>
          %shift_left3A_402 = arith.shli %add3A_399, %shift_left3A_401 : vector<16xi32>
          %or3A_403 = arith.ori %shift_left3A_402, %select_n3A_389 : vector<16xi32>
          %select_n3A_404 = arith.select %eq3A_5, %or3A_396, %or3A_403 : vector<16xi1>, vector<16xi32>
          %eq3A_405 = arith.constant 1 : i32
          %eq3A_406 = vector.broadcast %eq3A_405 : i32 to vector<16xi32>
          %eq3A_407 = arith.cmpi eq, %iota3A, %eq3A_406 : vector<16xi32>
          %eq3A_408 = arith.cmpi eq, %gather3A_382, %gather3A_385 : vector<16xi32>
          %and3A_409 = arith.andi %eq3A_407, %eq3A_408 : vector<16xi1>
          %or3A_410 = arith.ori %eq3A_5, %and3A_409 : vector<16xi1>
          %and3A_411 = arith.andi %ne3A_386, %or3A_410 : vector<16xi1>
          tpu.vector_store_idx %arg4[%select_n3A_392], %select_n3A_404 masked %and3A_411 : memref<50192xi32, #tpu.memory_space<vmem>>[vector<16xi32>], vector<16xi32>, vector<16xi1>
          %and3A_412 = arith.constant 8191 : i32
          %and3A_413 = vector.broadcast %and3A_412 : i32 to vector<16xi32>
          %and3A_414 = arith.andi %add3A_331, %and3A_413 : vector<16xi32>
          %mul3A_415 = arith.constant 2 : i32
          %mul3A_416 = vector.broadcast %mul3A_415 : i32 to vector<16xi32>
          %mul3A_417 = arith.muli %mul3A_416, %and3A_414 : vector<16xi32>
          %add3A_418 = arith.addi %mul3A_417, %iota3A : vector<16xi32>
          %select_n3A_419 = arith.select %eq3A_5, %shift_right_logical3A_339, %and3A_342 : vector<16xi1>, vector<16xi32>
          %lt3A_420 = arith.constant 2 : i32
          %lt3A_421 = vector.broadcast %lt3A_420 : i32 to vector<16xi32>
          %lt3A_422 = arith.cmpi slt, %iota3A, %lt3A_421 : vector<16xi32>
          %and3A_423 = arith.andi %ne3A_386, %lt3A_422 : vector<16xi1>
          tpu.vector_store_idx %arg6[%add3A_418], %select_n3A_419 masked %and3A_423 : memref<16400xi32, #tpu.memory_space<vmem>>[vector<16xi32>], vector<16xi32>, vector<16xi1>
          %jit3A_424 = arith.constant 1 : i32
          %jit3A_425 = arith.constant 0 : i32
          %broadcast_in_dim3A_426 = vector.broadcast %jit3A_424 : i32 to vector<16xi32>
          %broadcast_in_dim3A_427 = vector.broadcast %jit3A_425 : i32 to vector<16xi32>
          %select_n3A_428 = arith.select %ne3A_386, %broadcast_in_dim3A_426, %broadcast_in_dim3A_427 : vector<16xi1>, vector<16xi32>
          %add3A_429 = arith.addi %add3A_331, %select_n3A_428 : vector<16xi32>
          %broadcast_in_dim3A_430 = arith.constant 4 : i32
          %broadcast_in_dim3A_431 = vector.broadcast %broadcast_in_dim3A_430 : i32 to vector<16xi32>
          %broadcast_in_dim3A_432 = vector.shape_cast %broadcast_in_dim3A_431 : vector<16xi32> to vector<16x1xi32>
          %gather3A_433 = vector.shape_cast %broadcast_in_dim3A_432 : vector<16x1xi32> to vector<16xi32>
          %gather3A_434 = tpu.dynamic_gather %get3A_43[%gather3A_433] in [0] : vector<16xi32>, vector<16xi32> -> vector<16xi32>
          %shift_right_logical3A_435 = arith.constant 16 : i32
          %shift_right_logical3A_436 = vector.broadcast %shift_right_logical3A_435 : i32 to vector<16xi32>
          %shift_right_logical3A_437 = arith.shrui %gather3A_434, %shift_right_logical3A_436 : vector<16xi32>
          %and3A_438 = arith.constant 65535 : i32
          %and3A_439 = vector.broadcast %and3A_438 : i32 to vector<16xi32>
          %and3A_440 = arith.andi %gather3A_434, %and3A_439 : vector<16xi32>
          %select_n3A_441 = arith.select %eq3A_5, %shift_right_logical3A_437, %and3A_440 : vector<16xi1>, vector<16xi32>
          %gather3A_442 = tpu.vector_load_idx %arg4[%select_n3A_441] : memref<50192xi32, #tpu.memory_space<vmem>>[vector<16xi32>], vector<16xi32>,
          %and3A_443 = arith.constant 65535 : i32
          %and3A_444 = vector.broadcast %and3A_443 : i32 to vector<16xi32>
          %and3A_445 = arith.andi %gather3A_442, %and3A_444 : vector<16xi32>
          %gather3A_446 = tpu.vector_load_idx %arg4[%and3A_445] : memref<50192xi32, #tpu.memory_space<vmem>>[vector<16xi32>], vector<16xi32>,
          %and3A_447 = arith.constant 65535 : i32
          %and3A_448 = vector.broadcast %and3A_447 : i32 to vector<16xi32>
          %and3A_449 = arith.andi %gather3A_446, %and3A_448 : vector<16xi32>
          %eq3A_450 = arith.cmpi eq, %and3A_449, %and3A_445 : vector<16xi32>
          %reduce_and3A_451 = arith.constant 1.000000e+00 : f32
          %reduce_and3A_452 = arith.constant 0.000000e+00 : f32
          %reduce_and3A_453 = vector.broadcast %reduce_and3A_451 : f32 to vector<16xf32>
          %reduce_and3A_454 = vector.broadcast %reduce_and3A_452 : f32 to vector<16xf32>
          %reduce_and3A_455 = arith.select %eq3A_450, %reduce_and3A_453, %reduce_and3A_454 : vector<16xi1>, vector<16xf32>
          %reduce_and3A_456 = arith.constant true
          %reduce_and3A_457 = vector.broadcast %reduce_and3A_456 : i1 to vector<16xi1>
          %reduce_and3A_458 = tpu.scan <min>, %reduce_and3A_455 masked %reduce_and3A_457 : vector<16xf32>, vector<16xi1> -> vector<16xf32>
          %reduce_and3A_459 = vector.extract %reduce_and3A_458[15] : f32 from vector<16xf32>
          %reduce_and3A_460 = arith.constant 0.000000e+00 : f32
          %reduce_and3A_461 = arith.cmpf ogt, %reduce_and3A_459, %reduce_and3A_460 : f32
          %convert_element_type3A_462 = arith.extui %reduce_and3A_461 : i1 to i32
          %cond3A_463 = arith.constant 0 : i32
          %cond3A_464 = arith.cmpi ne, %convert_element_type3A_462, %cond3A_463 : i32
          %cond3A_465 = scf.if %cond3A_464 -> (vector<16xi32>) {
            scf.yield %gather3A_446 : vector<16xi32>
          } else {
            %and3A_1606 = arith.constant 65535 : i32
            %and3A_1607 = vector.broadcast %and3A_1606 : i32 to vector<16xi32>
            %and3A_1608 = arith.andi %gather3A_446, %and3A_1607 : vector<16xi32>
            %gather3A_1609 = tpu.vector_load_idx %arg4[%and3A_1608] : memref<50192xi32, #tpu.memory_space<vmem>>[vector<16xi32>], vector<16xi32>,
            %and3A_1610 = arith.constant 65535 : i32
            %and3A_1611 = vector.broadcast %and3A_1610 : i32 to vector<16xi32>
            %and3A_1612 = arith.andi %gather3A_1609, %and3A_1611 : vector<16xi32>
            %gather3A_1613 = tpu.vector_load_idx %arg4[%and3A_1612] : memref<50192xi32, #tpu.memory_space<vmem>>[vector<16xi32>], vector<16xi32>,
            %and3A_1614 = arith.constant 65535 : i32
            %and3A_1615 = vector.broadcast %and3A_1614 : i32 to vector<16xi32>
            %and3A_1616 = arith.andi %gather3A_1613, %and3A_1615 : vector<16xi32>
            %gather3A_1617 = tpu.vector_load_idx %arg4[%and3A_1616] : memref<50192xi32, #tpu.memory_space<vmem>>[vector<16xi32>], vector<16xi32>,
            %and3A_1618 = arith.constant 65535 : i32
            %and3A_1619 = vector.broadcast %and3A_1618 : i32 to vector<16xi32>
            %and3A_1620 = arith.andi %gather3A_1617, %and3A_1619 : vector<16xi32>
            %gather3A_1621 = tpu.vector_load_idx %arg4[%and3A_1620] : memref<50192xi32, #tpu.memory_space<vmem>>[vector<16xi32>], vector<16xi32>,
            %and3A_1622 = arith.constant 65535 : i32
            %and3A_1623 = vector.broadcast %and3A_1622 : i32 to vector<16xi32>
            %and3A_1624 = arith.andi %gather3A_1621, %and3A_1623 : vector<16xi32>
            %gather3A_1625 = tpu.vector_load_idx %arg4[%and3A_1624] : memref<50192xi32, #tpu.memory_space<vmem>>[vector<16xi32>], vector<16xi32>,
            %and3A_1626 = arith.constant 65535 : i32
            %and3A_1627 = vector.broadcast %and3A_1626 : i32 to vector<16xi32>
            %and3A_1628 = arith.andi %gather3A_1625, %and3A_1627 : vector<16xi32>
            %gather3A_1629 = tpu.vector_load_idx %arg4[%and3A_1628] : memref<50192xi32, #tpu.memory_space<vmem>>[vector<16xi32>], vector<16xi32>,
            %and3A_1630 = arith.constant 65535 : i32
            %and3A_1631 = vector.broadcast %and3A_1630 : i32 to vector<16xi32>
            %and3A_1632 = arith.andi %gather3A_1629, %and3A_1631 : vector<16xi32>
            %gather3A_1633 = tpu.vector_load_idx %arg4[%and3A_1632] : memref<50192xi32, #tpu.memory_space<vmem>>[vector<16xi32>], vector<16xi32>,
            %and3A_1634 = arith.constant 65535 : i32
            %and3A_1635 = vector.broadcast %and3A_1634 : i32 to vector<16xi32>
            %and3A_1636 = arith.andi %gather3A_1633, %and3A_1635 : vector<16xi32>
            %gather3A_1637 = tpu.vector_load_idx %arg4[%and3A_1636] : memref<50192xi32, #tpu.memory_space<vmem>>[vector<16xi32>], vector<16xi32>,
            %and3A_1638 = arith.constant 65535 : i32
            %and3A_1639 = vector.broadcast %and3A_1638 : i32 to vector<16xi32>
            %and3A_1640 = arith.andi %gather3A_1637, %and3A_1639 : vector<16xi32>
            %gather3A_1641 = tpu.vector_load_idx %arg4[%and3A_1640] : memref<50192xi32, #tpu.memory_space<vmem>>[vector<16xi32>], vector<16xi32>,
            %and3A_1642 = arith.constant 65535 : i32
            %and3A_1643 = vector.broadcast %and3A_1642 : i32 to vector<16xi32>
            %and3A_1644 = arith.andi %gather3A_1641, %and3A_1643 : vector<16xi32>
            %gather3A_1645 = tpu.vector_load_idx %arg4[%and3A_1644] : memref<50192xi32, #tpu.memory_space<vmem>>[vector<16xi32>], vector<16xi32>,
            %and3A_1646 = arith.constant 65535 : i32
            %and3A_1647 = vector.broadcast %and3A_1646 : i32 to vector<16xi32>
            %and3A_1648 = arith.andi %gather3A_1645, %and3A_1647 : vector<16xi32>
            %gather3A_1649 = tpu.vector_load_idx %arg4[%and3A_1648] : memref<50192xi32, #tpu.memory_space<vmem>>[vector<16xi32>], vector<16xi32>,
            %and3A_1650 = arith.constant 65535 : i32
            %and3A_1651 = vector.broadcast %and3A_1650 : i32 to vector<16xi32>
            %and3A_1652 = arith.andi %gather3A_1649, %and3A_1651 : vector<16xi32>
            %gather3A_1653 = tpu.vector_load_idx %arg4[%and3A_1652] : memref<50192xi32, #tpu.memory_space<vmem>>[vector<16xi32>], vector<16xi32>,
            %and3A_1654 = arith.constant 65535 : i32
            %and3A_1655 = vector.broadcast %and3A_1654 : i32 to vector<16xi32>
            %and3A_1656 = arith.andi %gather3A_1653, %and3A_1655 : vector<16xi32>
            %gather3A_1657 = tpu.vector_load_idx %arg4[%and3A_1656] : memref<50192xi32, #tpu.memory_space<vmem>>[vector<16xi32>], vector<16xi32>,
            %and3A_1658 = arith.constant 65535 : i32
            %and3A_1659 = vector.broadcast %and3A_1658 : i32 to vector<16xi32>
            %and3A_1660 = arith.andi %gather3A_1657, %and3A_1659 : vector<16xi32>
            %gather3A_1661 = tpu.vector_load_idx %arg4[%and3A_1660] : memref<50192xi32, #tpu.memory_space<vmem>>[vector<16xi32>], vector<16xi32>,
            %and3A_1662 = arith.constant -65536 : i32
            %and3A_1663 = vector.broadcast %and3A_1662 : i32 to vector<16xi32>
            %and3A_1664 = arith.andi %gather3A_442, %and3A_1663 : vector<16xi32>
            %and3A_1665 = arith.constant 65535 : i32
            %and3A_1666 = vector.broadcast %and3A_1665 : i32 to vector<16xi32>
            %and3A_1667 = arith.andi %gather3A_1661, %and3A_1666 : vector<16xi32>
            %or3A_1668 = arith.ori %and3A_1664, %and3A_1667 : vector<16xi32>
            %lt3A_1669 = arith.constant 2 : i32
            %lt3A_1670 = vector.broadcast %lt3A_1669 : i32 to vector<16xi32>
            %lt3A_1671 = arith.cmpi slt, %iota3A, %lt3A_1670 : vector<16xi32>
            tpu.vector_store_idx %arg4[%select_n3A_441], %or3A_1668 masked %lt3A_1671 : memref<50192xi32, #tpu.memory_space<vmem>>[vector<16xi32>], vector<16xi32>, vector<16xi1>
            scf.yield %gather3A_1661 : vector<16xi32>
          }
          %and3A_466 = arith.constant 65535 : i32
          %and3A_467 = vector.broadcast %and3A_466 : i32 to vector<16xi32>
          %and3A_468 = arith.andi %cond3A_465, %and3A_467 : vector<16xi32>
          %shift_right_logical3A_469 = arith.constant 16 : i32
          %shift_right_logical3A_470 = vector.broadcast %shift_right_logical3A_469 : i32 to vector<16xi32>
          %shift_right_logical3A_471 = arith.shrui %cond3A_465, %shift_right_logical3A_470 : vector<16xi32>
          %broadcast_in_dim3A_472 = vector.shape_cast %broadcast_in_dim3A_11 : vector<16xi32> to vector<16x1xi32>
          %gather3A_473 = vector.shape_cast %broadcast_in_dim3A_472 : vector<16x1xi32> to vector<16xi32>
          %gather3A_474 = tpu.dynamic_gather %and3A_468[%gather3A_473] in [0] : vector<16xi32>, vector<16xi32> -> vector<16xi32>
          %broadcast_in_dim3A_475 = vector.shape_cast %broadcast_in_dim3A_13 : vector<16xi32> to vector<16x1xi32>
          %gather3A_476 = vector.shape_cast %broadcast_in_dim3A_475 : vector<16x1xi32> to vector<16xi32>
          %gather3A_477 = tpu.dynamic_gather %and3A_468[%gather3A_476] in [0] : vector<16xi32>, vector<16xi32> -> vector<16xi32>
          %broadcast_in_dim3A_478 = vector.shape_cast %broadcast_in_dim3A_11 : vector<16xi32> to vector<16x1xi32>
          %gather3A_479 = vector.shape_cast %broadcast_in_dim3A_478 : vector<16x1xi32> to vector<16xi32>
          %gather3A_480 = tpu.dynamic_gather %shift_right_logical3A_471[%gather3A_479] in [0] : vector<16xi32>, vector<16xi32> -> vector<16xi32>
          %broadcast_in_dim3A_481 = vector.shape_cast %broadcast_in_dim3A_13 : vector<16xi32> to vector<16x1xi32>
          %gather3A_482 = vector.shape_cast %broadcast_in_dim3A_481 : vector<16x1xi32> to vector<16xi32>
          %gather3A_483 = tpu.dynamic_gather %shift_right_logical3A_471[%gather3A_482] in [0] : vector<16xi32>, vector<16xi32> -> vector<16xi32>
          %ne3A_484 = arith.cmpi ne, %gather3A_474, %gather3A_477 : vector<16xi32>
          %lt3A_485 = arith.cmpi slt, %gather3A_480, %gather3A_483 : vector<16xi32>
          %select_n3A_486 = arith.select %lt3A_485, %gather3A_474, %gather3A_477 : vector<16xi1>, vector<16xi32>
          %select_n3A_487 = arith.select %lt3A_485, %gather3A_477, %gather3A_474 : vector<16xi1>, vector<16xi32>
          %select_n3A_488 = arith.select %lt3A_485, %gather3A_480, %gather3A_483 : vector<16xi1>, vector<16xi32>
          %select_n3A_489 = arith.select %lt3A_485, %gather3A_483, %gather3A_480 : vector<16xi1>, vector<16xi32>
          %select_n3A_490 = arith.select %eq3A_5, %select_n3A_486, %select_n3A_487 : vector<16xi1>, vector<16xi32>
          %shift_left3A_491 = arith.constant 16 : i32
          %shift_left3A_492 = vector.broadcast %shift_left3A_491 : i32 to vector<16xi32>
          %shift_left3A_493 = arith.shli %select_n3A_488, %shift_left3A_492 : vector<16xi32>
          %or3A_494 = arith.ori %shift_left3A_493, %select_n3A_487 : vector<16xi32>
          %add3A_495 = arith.constant 1 : i32
          %add3A_496 = vector.broadcast %add3A_495 : i32 to vector<16xi32>
          %add3A_497 = arith.addi %select_n3A_489, %add3A_496 : vector<16xi32>
          %shift_left3A_498 = arith.constant 16 : i32
          %shift_left3A_499 = vector.broadcast %shift_left3A_498 : i32 to vector<16xi32>
          %shift_left3A_500 = arith.shli %add3A_497, %shift_left3A_499 : vector<16xi32>
          %or3A_501 = arith.ori %shift_left3A_500, %select_n3A_487 : vector<16xi32>
          %select_n3A_502 = arith.select %eq3A_5, %or3A_494, %or3A_501 : vector<16xi1>, vector<16xi32>
          %eq3A_503 = arith.constant 1 : i32
          %eq3A_504 = vector.broadcast %eq3A_503 : i32 to vector<16xi32>
          %eq3A_505 = arith.cmpi eq, %iota3A, %eq3A_504 : vector<16xi32>
          %eq3A_506 = arith.cmpi eq, %gather3A_480, %gather3A_483 : vector<16xi32>
          %and3A_507 = arith.andi %eq3A_505, %eq3A_506 : vector<16xi1>
          %or3A_508 = arith.ori %eq3A_5, %and3A_507 : vector<16xi1>
          %and3A_509 = arith.andi %ne3A_484, %or3A_508 : vector<16xi1>
          tpu.vector_store_idx %arg4[%select_n3A_490], %select_n3A_502 masked %and3A_509 : memref<50192xi32, #tpu.memory_space<vmem>>[vector<16xi32>], vector<16xi32>, vector<16xi1>
          %and3A_510 = arith.constant 8191 : i32
          %and3A_511 = vector.broadcast %and3A_510 : i32 to vector<16xi32>
          %and3A_512 = arith.andi %add3A_429, %and3A_511 : vector<16xi32>
          %mul3A_513 = arith.constant 2 : i32
          %mul3A_514 = vector.broadcast %mul3A_513 : i32 to vector<16xi32>
          %mul3A_515 = arith.muli %mul3A_514, %and3A_512 : vector<16xi32>
          %add3A_516 = arith.addi %mul3A_515, %iota3A : vector<16xi32>
          %select_n3A_517 = arith.select %eq3A_5, %shift_right_logical3A_437, %and3A_440 : vector<16xi1>, vector<16xi32>
          %lt3A_518 = arith.constant 2 : i32
          %lt3A_519 = vector.broadcast %lt3A_518 : i32 to vector<16xi32>
          %lt3A_520 = arith.cmpi slt, %iota3A, %lt3A_519 : vector<16xi32>
          %and3A_521 = arith.andi %ne3A_484, %lt3A_520 : vector<16xi1>
          tpu.vector_store_idx %arg6[%add3A_516], %select_n3A_517 masked %and3A_521 : memref<16400xi32, #tpu.memory_space<vmem>>[vector<16xi32>], vector<16xi32>, vector<16xi1>
          %jit3A_522 = arith.constant 1 : i32
          %jit3A_523 = arith.constant 0 : i32
          %broadcast_in_dim3A_524 = vector.broadcast %jit3A_522 : i32 to vector<16xi32>
          %broadcast_in_dim3A_525 = vector.broadcast %jit3A_523 : i32 to vector<16xi32>
          %select_n3A_526 = arith.select %ne3A_484, %broadcast_in_dim3A_524, %broadcast_in_dim3A_525 : vector<16xi1>, vector<16xi32>
          %add3A_527 = arith.addi %add3A_429, %select_n3A_526 : vector<16xi32>
          %broadcast_in_dim3A_528 = arith.constant 5 : i32
          %broadcast_in_dim3A_529 = vector.broadcast %broadcast_in_dim3A_528 : i32 to vector<16xi32>
          %broadcast_in_dim3A_530 = vector.shape_cast %broadcast_in_dim3A_529 : vector<16xi32> to vector<16x1xi32>
          %gather3A_531 = vector.shape_cast %broadcast_in_dim3A_530 : vector<16x1xi32> to vector<16xi32>
          %gather3A_532 = tpu.dynamic_gather %get3A_43[%gather3A_531] in [0] : vector<16xi32>, vector<16xi32> -> vector<16xi32>
          %shift_right_logical3A_533 = arith.constant 16 : i32
          %shift_right_logical3A_534 = vector.broadcast %shift_right_logical3A_533 : i32 to vector<16xi32>
          %shift_right_logical3A_535 = arith.shrui %gather3A_532, %shift_right_logical3A_534 : vector<16xi32>
          %and3A_536 = arith.constant 65535 : i32
          %and3A_537 = vector.broadcast %and3A_536 : i32 to vector<16xi32>
          %and3A_538 = arith.andi %gather3A_532, %and3A_537 : vector<16xi32>
          %select_n3A_539 = arith.select %eq3A_5, %shift_right_logical3A_535, %and3A_538 : vector<16xi1>, vector<16xi32>
          %gather3A_540 = tpu.vector_load_idx %arg4[%select_n3A_539] : memref<50192xi32, #tpu.memory_space<vmem>>[vector<16xi32>], vector<16xi32>,
          %and3A_541 = arith.constant 65535 : i32
          %and3A_542 = vector.broadcast %and3A_541 : i32 to vector<16xi32>
          %and3A_543 = arith.andi %gather3A_540, %and3A_542 : vector<16xi32>
          %gather3A_544 = tpu.vector_load_idx %arg4[%and3A_543] : memref<50192xi32, #tpu.memory_space<vmem>>[vector<16xi32>], vector<16xi32>,
          %and3A_545 = arith.constant 65535 : i32
          %and3A_546 = vector.broadcast %and3A_545 : i32 to vector<16xi32>
          %and3A_547 = arith.andi %gather3A_544, %and3A_546 : vector<16xi32>
          %eq3A_548 = arith.cmpi eq, %and3A_547, %and3A_543 : vector<16xi32>
          %reduce_and3A_549 = arith.constant 1.000000e+00 : f32
          %reduce_and3A_550 = arith.constant 0.000000e+00 : f32
          %reduce_and3A_551 = vector.broadcast %reduce_and3A_549 : f32 to vector<16xf32>
          %reduce_and3A_552 = vector.broadcast %reduce_and3A_550 : f32 to vector<16xf32>
          %reduce_and3A_553 = arith.select %eq3A_548, %reduce_and3A_551, %reduce_and3A_552 : vector<16xi1>, vector<16xf32>
          %reduce_and3A_554 = arith.constant true
          %reduce_and3A_555 = vector.broadcast %reduce_and3A_554 : i1 to vector<16xi1>
          %reduce_and3A_556 = tpu.scan <min>, %reduce_and3A_553 masked %reduce_and3A_555 : vector<16xf32>, vector<16xi1> -> vector<16xf32>
          %reduce_and3A_557 = vector.extract %reduce_and3A_556[15] : f32 from vector<16xf32>
          %reduce_and3A_558 = arith.constant 0.000000e+00 : f32
          %reduce_and3A_559 = arith.cmpf ogt, %reduce_and3A_557, %reduce_and3A_558 : f32
          %convert_element_type3A_560 = arith.extui %reduce_and3A_559 : i1 to i32
          %cond3A_561 = arith.constant 0 : i32
          %cond3A_562 = arith.cmpi ne, %convert_element_type3A_560, %cond3A_561 : i32
          %cond3A_563 = scf.if %cond3A_562 -> (vector<16xi32>) {
            scf.yield %gather3A_544 : vector<16xi32>
          } else {
            %and3A_1606 = arith.constant 65535 : i32
            %and3A_1607 = vector.broadcast %and3A_1606 : i32 to vector<16xi32>
            %and3A_1608 = arith.andi %gather3A_544, %and3A_1607 : vector<16xi32>
            %gather3A_1609 = tpu.vector_load_idx %arg4[%and3A_1608] : memref<50192xi32, #tpu.memory_space<vmem>>[vector<16xi32>], vector<16xi32>,
            %and3A_1610 = arith.constant 65535 : i32
            %and3A_1611 = vector.broadcast %and3A_1610 : i32 to vector<16xi32>
            %and3A_1612 = arith.andi %gather3A_1609, %and3A_1611 : vector<16xi32>
            %gather3A_1613 = tpu.vector_load_idx %arg4[%and3A_1612] : memref<50192xi32, #tpu.memory_space<vmem>>[vector<16xi32>], vector<16xi32>,
            %and3A_1614 = arith.constant 65535 : i32
            %and3A_1615 = vector.broadcast %and3A_1614 : i32 to vector<16xi32>
            %and3A_1616 = arith.andi %gather3A_1613, %and3A_1615 : vector<16xi32>
            %gather3A_1617 = tpu.vector_load_idx %arg4[%and3A_1616] : memref<50192xi32, #tpu.memory_space<vmem>>[vector<16xi32>], vector<16xi32>,
            %and3A_1618 = arith.constant 65535 : i32
            %and3A_1619 = vector.broadcast %and3A_1618 : i32 to vector<16xi32>
            %and3A_1620 = arith.andi %gather3A_1617, %and3A_1619 : vector<16xi32>
            %gather3A_1621 = tpu.vector_load_idx %arg4[%and3A_1620] : memref<50192xi32, #tpu.memory_space<vmem>>[vector<16xi32>], vector<16xi32>,
            %and3A_1622 = arith.constant 65535 : i32
            %and3A_1623 = vector.broadcast %and3A_1622 : i32 to vector<16xi32>
            %and3A_1624 = arith.andi %gather3A_1621, %and3A_1623 : vector<16xi32>
            %gather3A_1625 = tpu.vector_load_idx %arg4[%and3A_1624] : memref<50192xi32, #tpu.memory_space<vmem>>[vector<16xi32>], vector<16xi32>,
            %and3A_1626 = arith.constant 65535 : i32
            %and3A_1627 = vector.broadcast %and3A_1626 : i32 to vector<16xi32>
            %and3A_1628 = arith.andi %gather3A_1625, %and3A_1627 : vector<16xi32>
            %gather3A_1629 = tpu.vector_load_idx %arg4[%and3A_1628] : memref<50192xi32, #tpu.memory_space<vmem>>[vector<16xi32>], vector<16xi32>,
            %and3A_1630 = arith.constant 65535 : i32
            %and3A_1631 = vector.broadcast %and3A_1630 : i32 to vector<16xi32>
            %and3A_1632 = arith.andi %gather3A_1629, %and3A_1631 : vector<16xi32>
            %gather3A_1633 = tpu.vector_load_idx %arg4[%and3A_1632] : memref<50192xi32, #tpu.memory_space<vmem>>[vector<16xi32>], vector<16xi32>,
            %and3A_1634 = arith.constant 65535 : i32
            %and3A_1635 = vector.broadcast %and3A_1634 : i32 to vector<16xi32>
            %and3A_1636 = arith.andi %gather3A_1633, %and3A_1635 : vector<16xi32>
            %gather3A_1637 = tpu.vector_load_idx %arg4[%and3A_1636] : memref<50192xi32, #tpu.memory_space<vmem>>[vector<16xi32>], vector<16xi32>,
            %and3A_1638 = arith.constant 65535 : i32
            %and3A_1639 = vector.broadcast %and3A_1638 : i32 to vector<16xi32>
            %and3A_1640 = arith.andi %gather3A_1637, %and3A_1639 : vector<16xi32>
            %gather3A_1641 = tpu.vector_load_idx %arg4[%and3A_1640] : memref<50192xi32, #tpu.memory_space<vmem>>[vector<16xi32>], vector<16xi32>,
            %and3A_1642 = arith.constant 65535 : i32
            %and3A_1643 = vector.broadcast %and3A_1642 : i32 to vector<16xi32>
            %and3A_1644 = arith.andi %gather3A_1641, %and3A_1643 : vector<16xi32>
            %gather3A_1645 = tpu.vector_load_idx %arg4[%and3A_1644] : memref<50192xi32, #tpu.memory_space<vmem>>[vector<16xi32>], vector<16xi32>,
            %and3A_1646 = arith.constant 65535 : i32
            %and3A_1647 = vector.broadcast %and3A_1646 : i32 to vector<16xi32>
            %and3A_1648 = arith.andi %gather3A_1645, %and3A_1647 : vector<16xi32>
            %gather3A_1649 = tpu.vector_load_idx %arg4[%and3A_1648] : memref<50192xi32, #tpu.memory_space<vmem>>[vector<16xi32>], vector<16xi32>,
            %and3A_1650 = arith.constant 65535 : i32
            %and3A_1651 = vector.broadcast %and3A_1650 : i32 to vector<16xi32>
            %and3A_1652 = arith.andi %gather3A_1649, %and3A_1651 : vector<16xi32>
            %gather3A_1653 = tpu.vector_load_idx %arg4[%and3A_1652] : memref<50192xi32, #tpu.memory_space<vmem>>[vector<16xi32>], vector<16xi32>,
            %and3A_1654 = arith.constant 65535 : i32
            %and3A_1655 = vector.broadcast %and3A_1654 : i32 to vector<16xi32>
            %and3A_1656 = arith.andi %gather3A_1653, %and3A_1655 : vector<16xi32>
            %gather3A_1657 = tpu.vector_load_idx %arg4[%and3A_1656] : memref<50192xi32, #tpu.memory_space<vmem>>[vector<16xi32>], vector<16xi32>,
            %and3A_1658 = arith.constant 65535 : i32
            %and3A_1659 = vector.broadcast %and3A_1658 : i32 to vector<16xi32>
            %and3A_1660 = arith.andi %gather3A_1657, %and3A_1659 : vector<16xi32>
            %gather3A_1661 = tpu.vector_load_idx %arg4[%and3A_1660] : memref<50192xi32, #tpu.memory_space<vmem>>[vector<16xi32>], vector<16xi32>,
            %and3A_1662 = arith.constant -65536 : i32
            %and3A_1663 = vector.broadcast %and3A_1662 : i32 to vector<16xi32>
            %and3A_1664 = arith.andi %gather3A_540, %and3A_1663 : vector<16xi32>
            %and3A_1665 = arith.constant 65535 : i32
            %and3A_1666 = vector.broadcast %and3A_1665 : i32 to vector<16xi32>
            %and3A_1667 = arith.andi %gather3A_1661, %and3A_1666 : vector<16xi32>
            %or3A_1668 = arith.ori %and3A_1664, %and3A_1667 : vector<16xi32>
            %lt3A_1669 = arith.constant 2 : i32
            %lt3A_1670 = vector.broadcast %lt3A_1669 : i32 to vector<16xi32>
            %lt3A_1671 = arith.cmpi slt, %iota3A, %lt3A_1670 : vector<16xi32>
            tpu.vector_store_idx %arg4[%select_n3A_539], %or3A_1668 masked %lt3A_1671 : memref<50192xi32, #tpu.memory_space<vmem>>[vector<16xi32>], vector<16xi32>, vector<16xi1>
            scf.yield %gather3A_1661 : vector<16xi32>
          }
          %and3A_564 = arith.constant 65535 : i32
          %and3A_565 = vector.broadcast %and3A_564 : i32 to vector<16xi32>
          %and3A_566 = arith.andi %cond3A_563, %and3A_565 : vector<16xi32>
          %shift_right_logical3A_567 = arith.constant 16 : i32
          %shift_right_logical3A_568 = vector.broadcast %shift_right_logical3A_567 : i32 to vector<16xi32>
          %shift_right_logical3A_569 = arith.shrui %cond3A_563, %shift_right_logical3A_568 : vector<16xi32>
          %broadcast_in_dim3A_570 = vector.shape_cast %broadcast_in_dim3A_11 : vector<16xi32> to vector<16x1xi32>
          %gather3A_571 = vector.shape_cast %broadcast_in_dim3A_570 : vector<16x1xi32> to vector<16xi32>
          %gather3A_572 = tpu.dynamic_gather %and3A_566[%gather3A_571] in [0] : vector<16xi32>, vector<16xi32> -> vector<16xi32>
          %broadcast_in_dim3A_573 = vector.shape_cast %broadcast_in_dim3A_13 : vector<16xi32> to vector<16x1xi32>
          %gather3A_574 = vector.shape_cast %broadcast_in_dim3A_573 : vector<16x1xi32> to vector<16xi32>
          %gather3A_575 = tpu.dynamic_gather %and3A_566[%gather3A_574] in [0] : vector<16xi32>, vector<16xi32> -> vector<16xi32>
          %broadcast_in_dim3A_576 = vector.shape_cast %broadcast_in_dim3A_11 : vector<16xi32> to vector<16x1xi32>
          %gather3A_577 = vector.shape_cast %broadcast_in_dim3A_576 : vector<16x1xi32> to vector<16xi32>
          %gather3A_578 = tpu.dynamic_gather %shift_right_logical3A_569[%gather3A_577] in [0] : vector<16xi32>, vector<16xi32> -> vector<16xi32>
          %broadcast_in_dim3A_579 = vector.shape_cast %broadcast_in_dim3A_13 : vector<16xi32> to vector<16x1xi32>
          %gather3A_580 = vector.shape_cast %broadcast_in_dim3A_579 : vector<16x1xi32> to vector<16xi32>
          %gather3A_581 = tpu.dynamic_gather %shift_right_logical3A_569[%gather3A_580] in [0] : vector<16xi32>, vector<16xi32> -> vector<16xi32>
          %ne3A_582 = arith.cmpi ne, %gather3A_572, %gather3A_575 : vector<16xi32>
          %lt3A_583 = arith.cmpi slt, %gather3A_578, %gather3A_581 : vector<16xi32>
          %select_n3A_584 = arith.select %lt3A_583, %gather3A_572, %gather3A_575 : vector<16xi1>, vector<16xi32>
          %select_n3A_585 = arith.select %lt3A_583, %gather3A_575, %gather3A_572 : vector<16xi1>, vector<16xi32>
          %select_n3A_586 = arith.select %lt3A_583, %gather3A_578, %gather3A_581 : vector<16xi1>, vector<16xi32>
          %select_n3A_587 = arith.select %lt3A_583, %gather3A_581, %gather3A_578 : vector<16xi1>, vector<16xi32>
          %select_n3A_588 = arith.select %eq3A_5, %select_n3A_584, %select_n3A_585 : vector<16xi1>, vector<16xi32>
          %shift_left3A_589 = arith.constant 16 : i32
          %shift_left3A_590 = vector.broadcast %shift_left3A_589 : i32 to vector<16xi32>
          %shift_left3A_591 = arith.shli %select_n3A_586, %shift_left3A_590 : vector<16xi32>
          %or3A_592 = arith.ori %shift_left3A_591, %select_n3A_585 : vector<16xi32>
          %add3A_593 = arith.constant 1 : i32
          %add3A_594 = vector.broadcast %add3A_593 : i32 to vector<16xi32>
          %add3A_595 = arith.addi %select_n3A_587, %add3A_594 : vector<16xi32>
          %shift_left3A_596 = arith.constant 16 : i32
          %shift_left3A_597 = vector.broadcast %shift_left3A_596 : i32 to vector<16xi32>
          %shift_left3A_598 = arith.shli %add3A_595, %shift_left3A_597 : vector<16xi32>
          %or3A_599 = arith.ori %shift_left3A_598, %select_n3A_585 : vector<16xi32>
          %select_n3A_600 = arith.select %eq3A_5, %or3A_592, %or3A_599 : vector<16xi1>, vector<16xi32>
          %eq3A_601 = arith.constant 1 : i32
          %eq3A_602 = vector.broadcast %eq3A_601 : i32 to vector<16xi32>
          %eq3A_603 = arith.cmpi eq, %iota3A, %eq3A_602 : vector<16xi32>
          %eq3A_604 = arith.cmpi eq, %gather3A_578, %gather3A_581 : vector<16xi32>
          %and3A_605 = arith.andi %eq3A_603, %eq3A_604 : vector<16xi1>
          %or3A_606 = arith.ori %eq3A_5, %and3A_605 : vector<16xi1>
          %and3A_607 = arith.andi %ne3A_582, %or3A_606 : vector<16xi1>
          tpu.vector_store_idx %arg4[%select_n3A_588], %select_n3A_600 masked %and3A_607 : memref<50192xi32, #tpu.memory_space<vmem>>[vector<16xi32>], vector<16xi32>, vector<16xi1>
          %and3A_608 = arith.constant 8191 : i32
          %and3A_609 = vector.broadcast %and3A_608 : i32 to vector<16xi32>
          %and3A_610 = arith.andi %add3A_527, %and3A_609 : vector<16xi32>
          %mul3A_611 = arith.constant 2 : i32
          %mul3A_612 = vector.broadcast %mul3A_611 : i32 to vector<16xi32>
          %mul3A_613 = arith.muli %mul3A_612, %and3A_610 : vector<16xi32>
          %add3A_614 = arith.addi %mul3A_613, %iota3A : vector<16xi32>
          %select_n3A_615 = arith.select %eq3A_5, %shift_right_logical3A_535, %and3A_538 : vector<16xi1>, vector<16xi32>
          %lt3A_616 = arith.constant 2 : i32
          %lt3A_617 = vector.broadcast %lt3A_616 : i32 to vector<16xi32>
          %lt3A_618 = arith.cmpi slt, %iota3A, %lt3A_617 : vector<16xi32>
          %and3A_619 = arith.andi %ne3A_582, %lt3A_618 : vector<16xi1>
          tpu.vector_store_idx %arg6[%add3A_614], %select_n3A_615 masked %and3A_619 : memref<16400xi32, #tpu.memory_space<vmem>>[vector<16xi32>], vector<16xi32>, vector<16xi1>
          %jit3A_620 = arith.constant 1 : i32
          %jit3A_621 = arith.constant 0 : i32
          %broadcast_in_dim3A_622 = vector.broadcast %jit3A_620 : i32 to vector<16xi32>
          %broadcast_in_dim3A_623 = vector.broadcast %jit3A_621 : i32 to vector<16xi32>
          %select_n3A_624 = arith.select %ne3A_582, %broadcast_in_dim3A_622, %broadcast_in_dim3A_623 : vector<16xi1>, vector<16xi32>
          %add3A_625 = arith.addi %add3A_527, %select_n3A_624 : vector<16xi32>
          %broadcast_in_dim3A_626 = arith.constant 6 : i32
          %broadcast_in_dim3A_627 = vector.broadcast %broadcast_in_dim3A_626 : i32 to vector<16xi32>
          %broadcast_in_dim3A_628 = vector.shape_cast %broadcast_in_dim3A_627 : vector<16xi32> to vector<16x1xi32>
          %gather3A_629 = vector.shape_cast %broadcast_in_dim3A_628 : vector<16x1xi32> to vector<16xi32>
          %gather3A_630 = tpu.dynamic_gather %get3A_43[%gather3A_629] in [0] : vector<16xi32>, vector<16xi32> -> vector<16xi32>
          %shift_right_logical3A_631 = arith.constant 16 : i32
          %shift_right_logical3A_632 = vector.broadcast %shift_right_logical3A_631 : i32 to vector<16xi32>
          %shift_right_logical3A_633 = arith.shrui %gather3A_630, %shift_right_logical3A_632 : vector<16xi32>
          %and3A_634 = arith.constant 65535 : i32
          %and3A_635 = vector.broadcast %and3A_634 : i32 to vector<16xi32>
          %and3A_636 = arith.andi %gather3A_630, %and3A_635 : vector<16xi32>
          %select_n3A_637 = arith.select %eq3A_5, %shift_right_logical3A_633, %and3A_636 : vector<16xi1>, vector<16xi32>
          %gather3A_638 = tpu.vector_load_idx %arg4[%select_n3A_637] : memref<50192xi32, #tpu.memory_space<vmem>>[vector<16xi32>], vector<16xi32>,
          %and3A_639 = arith.constant 65535 : i32
          %and3A_640 = vector.broadcast %and3A_639 : i32 to vector<16xi32>
          %and3A_641 = arith.andi %gather3A_638, %and3A_640 : vector<16xi32>
          %gather3A_642 = tpu.vector_load_idx %arg4[%and3A_641] : memref<50192xi32, #tpu.memory_space<vmem>>[vector<16xi32>], vector<16xi32>,
          %and3A_643 = arith.constant 65535 : i32
          %and3A_644 = vector.broadcast %and3A_643 : i32 to vector<16xi32>
          %and3A_645 = arith.andi %gather3A_642, %and3A_644 : vector<16xi32>
          %eq3A_646 = arith.cmpi eq, %and3A_645, %and3A_641 : vector<16xi32>
          %reduce_and3A_647 = arith.constant 1.000000e+00 : f32
          %reduce_and3A_648 = arith.constant 0.000000e+00 : f32
          %reduce_and3A_649 = vector.broadcast %reduce_and3A_647 : f32 to vector<16xf32>
          %reduce_and3A_650 = vector.broadcast %reduce_and3A_648 : f32 to vector<16xf32>
          %reduce_and3A_651 = arith.select %eq3A_646, %reduce_and3A_649, %reduce_and3A_650 : vector<16xi1>, vector<16xf32>
          %reduce_and3A_652 = arith.constant true
          %reduce_and3A_653 = vector.broadcast %reduce_and3A_652 : i1 to vector<16xi1>
          %reduce_and3A_654 = tpu.scan <min>, %reduce_and3A_651 masked %reduce_and3A_653 : vector<16xf32>, vector<16xi1> -> vector<16xf32>
          %reduce_and3A_655 = vector.extract %reduce_and3A_654[15] : f32 from vector<16xf32>
          %reduce_and3A_656 = arith.constant 0.000000e+00 : f32
          %reduce_and3A_657 = arith.cmpf ogt, %reduce_and3A_655, %reduce_and3A_656 : f32
          %convert_element_type3A_658 = arith.extui %reduce_and3A_657 : i1 to i32
          %cond3A_659 = arith.constant 0 : i32
          %cond3A_660 = arith.cmpi ne, %convert_element_type3A_658, %cond3A_659 : i32
          %cond3A_661 = scf.if %cond3A_660 -> (vector<16xi32>) {
            scf.yield %gather3A_642 : vector<16xi32>
          } else {
            %and3A_1606 = arith.constant 65535 : i32
            %and3A_1607 = vector.broadcast %and3A_1606 : i32 to vector<16xi32>
            %and3A_1608 = arith.andi %gather3A_642, %and3A_1607 : vector<16xi32>
            %gather3A_1609 = tpu.vector_load_idx %arg4[%and3A_1608] : memref<50192xi32, #tpu.memory_space<vmem>>[vector<16xi32>], vector<16xi32>,
            %and3A_1610 = arith.constant 65535 : i32
            %and3A_1611 = vector.broadcast %and3A_1610 : i32 to vector<16xi32>
            %and3A_1612 = arith.andi %gather3A_1609, %and3A_1611 : vector<16xi32>
            %gather3A_1613 = tpu.vector_load_idx %arg4[%and3A_1612] : memref<50192xi32, #tpu.memory_space<vmem>>[vector<16xi32>], vector<16xi32>,
            %and3A_1614 = arith.constant 65535 : i32
            %and3A_1615 = vector.broadcast %and3A_1614 : i32 to vector<16xi32>
            %and3A_1616 = arith.andi %gather3A_1613, %and3A_1615 : vector<16xi32>
            %gather3A_1617 = tpu.vector_load_idx %arg4[%and3A_1616] : memref<50192xi32, #tpu.memory_space<vmem>>[vector<16xi32>], vector<16xi32>,
            %and3A_1618 = arith.constant 65535 : i32
            %and3A_1619 = vector.broadcast %and3A_1618 : i32 to vector<16xi32>
            %and3A_1620 = arith.andi %gather3A_1617, %and3A_1619 : vector<16xi32>
            %gather3A_1621 = tpu.vector_load_idx %arg4[%and3A_1620] : memref<50192xi32, #tpu.memory_space<vmem>>[vector<16xi32>], vector<16xi32>,
            %and3A_1622 = arith.constant 65535 : i32
            %and3A_1623 = vector.broadcast %and3A_1622 : i32 to vector<16xi32>
            %and3A_1624 = arith.andi %gather3A_1621, %and3A_1623 : vector<16xi32>
            %gather3A_1625 = tpu.vector_load_idx %arg4[%and3A_1624] : memref<50192xi32, #tpu.memory_space<vmem>>[vector<16xi32>], vector<16xi32>,
            %and3A_1626 = arith.constant 65535 : i32
            %and3A_1627 = vector.broadcast %and3A_1626 : i32 to vector<16xi32>
            %and3A_1628 = arith.andi %gather3A_1625, %and3A_1627 : vector<16xi32>
            %gather3A_1629 = tpu.vector_load_idx %arg4[%and3A_1628] : memref<50192xi32, #tpu.memory_space<vmem>>[vector<16xi32>], vector<16xi32>,
            %and3A_1630 = arith.constant 65535 : i32
            %and3A_1631 = vector.broadcast %and3A_1630 : i32 to vector<16xi32>
            %and3A_1632 = arith.andi %gather3A_1629, %and3A_1631 : vector<16xi32>
            %gather3A_1633 = tpu.vector_load_idx %arg4[%and3A_1632] : memref<50192xi32, #tpu.memory_space<vmem>>[vector<16xi32>], vector<16xi32>,
            %and3A_1634 = arith.constant 65535 : i32
            %and3A_1635 = vector.broadcast %and3A_1634 : i32 to vector<16xi32>
            %and3A_1636 = arith.andi %gather3A_1633, %and3A_1635 : vector<16xi32>
            %gather3A_1637 = tpu.vector_load_idx %arg4[%and3A_1636] : memref<50192xi32, #tpu.memory_space<vmem>>[vector<16xi32>], vector<16xi32>,
            %and3A_1638 = arith.constant 65535 : i32
            %and3A_1639 = vector.broadcast %and3A_1638 : i32 to vector<16xi32>
            %and3A_1640 = arith.andi %gather3A_1637, %and3A_1639 : vector<16xi32>
            %gather3A_1641 = tpu.vector_load_idx %arg4[%and3A_1640] : memref<50192xi32, #tpu.memory_space<vmem>>[vector<16xi32>], vector<16xi32>,
            %and3A_1642 = arith.constant 65535 : i32
            %and3A_1643 = vector.broadcast %and3A_1642 : i32 to vector<16xi32>
            %and3A_1644 = arith.andi %gather3A_1641, %and3A_1643 : vector<16xi32>
            %gather3A_1645 = tpu.vector_load_idx %arg4[%and3A_1644] : memref<50192xi32, #tpu.memory_space<vmem>>[vector<16xi32>], vector<16xi32>,
            %and3A_1646 = arith.constant 65535 : i32
            %and3A_1647 = vector.broadcast %and3A_1646 : i32 to vector<16xi32>
            %and3A_1648 = arith.andi %gather3A_1645, %and3A_1647 : vector<16xi32>
            %gather3A_1649 = tpu.vector_load_idx %arg4[%and3A_1648] : memref<50192xi32, #tpu.memory_space<vmem>>[vector<16xi32>], vector<16xi32>,
            %and3A_1650 = arith.constant 65535 : i32
            %and3A_1651 = vector.broadcast %and3A_1650 : i32 to vector<16xi32>
            %and3A_1652 = arith.andi %gather3A_1649, %and3A_1651 : vector<16xi32>
            %gather3A_1653 = tpu.vector_load_idx %arg4[%and3A_1652] : memref<50192xi32, #tpu.memory_space<vmem>>[vector<16xi32>], vector<16xi32>,
            %and3A_1654 = arith.constant 65535 : i32
            %and3A_1655 = vector.broadcast %and3A_1654 : i32 to vector<16xi32>
            %and3A_1656 = arith.andi %gather3A_1653, %and3A_1655 : vector<16xi32>
            %gather3A_1657 = tpu.vector_load_idx %arg4[%and3A_1656] : memref<50192xi32, #tpu.memory_space<vmem>>[vector<16xi32>], vector<16xi32>,
            %and3A_1658 = arith.constant 65535 : i32
            %and3A_1659 = vector.broadcast %and3A_1658 : i32 to vector<16xi32>
            %and3A_1660 = arith.andi %gather3A_1657, %and3A_1659 : vector<16xi32>
            %gather3A_1661 = tpu.vector_load_idx %arg4[%and3A_1660] : memref<50192xi32, #tpu.memory_space<vmem>>[vector<16xi32>], vector<16xi32>,
            %and3A_1662 = arith.constant -65536 : i32
            %and3A_1663 = vector.broadcast %and3A_1662 : i32 to vector<16xi32>
            %and3A_1664 = arith.andi %gather3A_638, %and3A_1663 : vector<16xi32>
            %and3A_1665 = arith.constant 65535 : i32
            %and3A_1666 = vector.broadcast %and3A_1665 : i32 to vector<16xi32>
            %and3A_1667 = arith.andi %gather3A_1661, %and3A_1666 : vector<16xi32>
            %or3A_1668 = arith.ori %and3A_1664, %and3A_1667 : vector<16xi32>
            %lt3A_1669 = arith.constant 2 : i32
            %lt3A_1670 = vector.broadcast %lt3A_1669 : i32 to vector<16xi32>
            %lt3A_1671 = arith.cmpi slt, %iota3A, %lt3A_1670 : vector<16xi32>
            tpu.vector_store_idx %arg4[%select_n3A_637], %or3A_1668 masked %lt3A_1671 : memref<50192xi32, #tpu.memory_space<vmem>>[vector<16xi32>], vector<16xi32>, vector<16xi1>
            scf.yield %gather3A_1661 : vector<16xi32>
          }
          %and3A_662 = arith.constant 65535 : i32
          %and3A_663 = vector.broadcast %and3A_662 : i32 to vector<16xi32>
          %and3A_664 = arith.andi %cond3A_661, %and3A_663 : vector<16xi32>
          %shift_right_logical3A_665 = arith.constant 16 : i32
          %shift_right_logical3A_666 = vector.broadcast %shift_right_logical3A_665 : i32 to vector<16xi32>
          %shift_right_logical3A_667 = arith.shrui %cond3A_661, %shift_right_logical3A_666 : vector<16xi32>
          %broadcast_in_dim3A_668 = vector.shape_cast %broadcast_in_dim3A_11 : vector<16xi32> to vector<16x1xi32>
          %gather3A_669 = vector.shape_cast %broadcast_in_dim3A_668 : vector<16x1xi32> to vector<16xi32>
          %gather3A_670 = tpu.dynamic_gather %and3A_664[%gather3A_669] in [0] : vector<16xi32>, vector<16xi32> -> vector<16xi32>
          %broadcast_in_dim3A_671 = vector.shape_cast %broadcast_in_dim3A_13 : vector<16xi32> to vector<16x1xi32>
          %gather3A_672 = vector.shape_cast %broadcast_in_dim3A_671 : vector<16x1xi32> to vector<16xi32>
          %gather3A_673 = tpu.dynamic_gather %and3A_664[%gather3A_672] in [0] : vector<16xi32>, vector<16xi32> -> vector<16xi32>
          %broadcast_in_dim3A_674 = vector.shape_cast %broadcast_in_dim3A_11 : vector<16xi32> to vector<16x1xi32>
          %gather3A_675 = vector.shape_cast %broadcast_in_dim3A_674 : vector<16x1xi32> to vector<16xi32>
          %gather3A_676 = tpu.dynamic_gather %shift_right_logical3A_667[%gather3A_675] in [0] : vector<16xi32>, vector<16xi32> -> vector<16xi32>
          %broadcast_in_dim3A_677 = vector.shape_cast %broadcast_in_dim3A_13 : vector<16xi32> to vector<16x1xi32>
          %gather3A_678 = vector.shape_cast %broadcast_in_dim3A_677 : vector<16x1xi32> to vector<16xi32>
          %gather3A_679 = tpu.dynamic_gather %shift_right_logical3A_667[%gather3A_678] in [0] : vector<16xi32>, vector<16xi32> -> vector<16xi32>
          %ne3A_680 = arith.cmpi ne, %gather3A_670, %gather3A_673 : vector<16xi32>
          %lt3A_681 = arith.cmpi slt, %gather3A_676, %gather3A_679 : vector<16xi32>
          %select_n3A_682 = arith.select %lt3A_681, %gather3A_670, %gather3A_673 : vector<16xi1>, vector<16xi32>
          %select_n3A_683 = arith.select %lt3A_681, %gather3A_673, %gather3A_670 : vector<16xi1>, vector<16xi32>
          %select_n3A_684 = arith.select %lt3A_681, %gather3A_676, %gather3A_679 : vector<16xi1>, vector<16xi32>
          %select_n3A_685 = arith.select %lt3A_681, %gather3A_679, %gather3A_676 : vector<16xi1>, vector<16xi32>
          %select_n3A_686 = arith.select %eq3A_5, %select_n3A_682, %select_n3A_683 : vector<16xi1>, vector<16xi32>
          %shift_left3A_687 = arith.constant 16 : i32
          %shift_left3A_688 = vector.broadcast %shift_left3A_687 : i32 to vector<16xi32>
          %shift_left3A_689 = arith.shli %select_n3A_684, %shift_left3A_688 : vector<16xi32>
          %or3A_690 = arith.ori %shift_left3A_689, %select_n3A_683 : vector<16xi32>
          %add3A_691 = arith.constant 1 : i32
          %add3A_692 = vector.broadcast %add3A_691 : i32 to vector<16xi32>
          %add3A_693 = arith.addi %select_n3A_685, %add3A_692 : vector<16xi32>
          %shift_left3A_694 = arith.constant 16 : i32
          %shift_left3A_695 = vector.broadcast %shift_left3A_694 : i32 to vector<16xi32>
          %shift_left3A_696 = arith.shli %add3A_693, %shift_left3A_695 : vector<16xi32>
          %or3A_697 = arith.ori %shift_left3A_696, %select_n3A_683 : vector<16xi32>
          %select_n3A_698 = arith.select %eq3A_5, %or3A_690, %or3A_697 : vector<16xi1>, vector<16xi32>
          %eq3A_699 = arith.constant 1 : i32
          %eq3A_700 = vector.broadcast %eq3A_699 : i32 to vector<16xi32>
          %eq3A_701 = arith.cmpi eq, %iota3A, %eq3A_700 : vector<16xi32>
          %eq3A_702 = arith.cmpi eq, %gather3A_676, %gather3A_679 : vector<16xi32>
          %and3A_703 = arith.andi %eq3A_701, %eq3A_702 : vector<16xi1>
          %or3A_704 = arith.ori %eq3A_5, %and3A_703 : vector<16xi1>
          %and3A_705 = arith.andi %ne3A_680, %or3A_704 : vector<16xi1>
          tpu.vector_store_idx %arg4[%select_n3A_686], %select_n3A_698 masked %and3A_705 : memref<50192xi32, #tpu.memory_space<vmem>>[vector<16xi32>], vector<16xi32>, vector<16xi1>
          %and3A_706 = arith.constant 8191 : i32
          %and3A_707 = vector.broadcast %and3A_706 : i32 to vector<16xi32>
          %and3A_708 = arith.andi %add3A_625, %and3A_707 : vector<16xi32>
          %mul3A_709 = arith.constant 2 : i32
          %mul3A_710 = vector.broadcast %mul3A_709 : i32 to vector<16xi32>
          %mul3A_711 = arith.muli %mul3A_710, %and3A_708 : vector<16xi32>
          %add3A_712 = arith.addi %mul3A_711, %iota3A : vector<16xi32>
          %select_n3A_713 = arith.select %eq3A_5, %shift_right_logical3A_633, %and3A_636 : vector<16xi1>, vector<16xi32>
          %lt3A_714 = arith.constant 2 : i32
          %lt3A_715 = vector.broadcast %lt3A_714 : i32 to vector<16xi32>
          %lt3A_716 = arith.cmpi slt, %iota3A, %lt3A_715 : vector<16xi32>
          %and3A_717 = arith.andi %ne3A_680, %lt3A_716 : vector<16xi1>
          tpu.vector_store_idx %arg6[%add3A_712], %select_n3A_713 masked %and3A_717 : memref<16400xi32, #tpu.memory_space<vmem>>[vector<16xi32>], vector<16xi32>, vector<16xi1>
          %jit3A_718 = arith.constant 1 : i32
          %jit3A_719 = arith.constant 0 : i32
          %broadcast_in_dim3A_720 = vector.broadcast %jit3A_718 : i32 to vector<16xi32>
          %broadcast_in_dim3A_721 = vector.broadcast %jit3A_719 : i32 to vector<16xi32>
          %select_n3A_722 = arith.select %ne3A_680, %broadcast_in_dim3A_720, %broadcast_in_dim3A_721 : vector<16xi1>, vector<16xi32>
          %add3A_723 = arith.addi %add3A_625, %select_n3A_722 : vector<16xi32>
          %broadcast_in_dim3A_724 = arith.constant 7 : i32
          %broadcast_in_dim3A_725 = vector.broadcast %broadcast_in_dim3A_724 : i32 to vector<16xi32>
          %broadcast_in_dim3A_726 = vector.shape_cast %broadcast_in_dim3A_725 : vector<16xi32> to vector<16x1xi32>
          %gather3A_727 = vector.shape_cast %broadcast_in_dim3A_726 : vector<16x1xi32> to vector<16xi32>
          %gather3A_728 = tpu.dynamic_gather %get3A_43[%gather3A_727] in [0] : vector<16xi32>, vector<16xi32> -> vector<16xi32>
          %shift_right_logical3A_729 = arith.constant 16 : i32
          %shift_right_logical3A_730 = vector.broadcast %shift_right_logical3A_729 : i32 to vector<16xi32>
          %shift_right_logical3A_731 = arith.shrui %gather3A_728, %shift_right_logical3A_730 : vector<16xi32>
          %and3A_732 = arith.constant 65535 : i32
          %and3A_733 = vector.broadcast %and3A_732 : i32 to vector<16xi32>
          %and3A_734 = arith.andi %gather3A_728, %and3A_733 : vector<16xi32>
          %select_n3A_735 = arith.select %eq3A_5, %shift_right_logical3A_731, %and3A_734 : vector<16xi1>, vector<16xi32>
          %gather3A_736 = tpu.vector_load_idx %arg4[%select_n3A_735] : memref<50192xi32, #tpu.memory_space<vmem>>[vector<16xi32>], vector<16xi32>,
          %and3A_737 = arith.constant 65535 : i32
          %and3A_738 = vector.broadcast %and3A_737 : i32 to vector<16xi32>
          %and3A_739 = arith.andi %gather3A_736, %and3A_738 : vector<16xi32>
          %gather3A_740 = tpu.vector_load_idx %arg4[%and3A_739] : memref<50192xi32, #tpu.memory_space<vmem>>[vector<16xi32>], vector<16xi32>,
          %and3A_741 = arith.constant 65535 : i32
          %and3A_742 = vector.broadcast %and3A_741 : i32 to vector<16xi32>
          %and3A_743 = arith.andi %gather3A_740, %and3A_742 : vector<16xi32>
          %eq3A_744 = arith.cmpi eq, %and3A_743, %and3A_739 : vector<16xi32>
          %reduce_and3A_745 = arith.constant 1.000000e+00 : f32
          %reduce_and3A_746 = arith.constant 0.000000e+00 : f32
          %reduce_and3A_747 = vector.broadcast %reduce_and3A_745 : f32 to vector<16xf32>
          %reduce_and3A_748 = vector.broadcast %reduce_and3A_746 : f32 to vector<16xf32>
          %reduce_and3A_749 = arith.select %eq3A_744, %reduce_and3A_747, %reduce_and3A_748 : vector<16xi1>, vector<16xf32>
          %reduce_and3A_750 = arith.constant true
          %reduce_and3A_751 = vector.broadcast %reduce_and3A_750 : i1 to vector<16xi1>
          %reduce_and3A_752 = tpu.scan <min>, %reduce_and3A_749 masked %reduce_and3A_751 : vector<16xf32>, vector<16xi1> -> vector<16xf32>
          %reduce_and3A_753 = vector.extract %reduce_and3A_752[15] : f32 from vector<16xf32>
          %reduce_and3A_754 = arith.constant 0.000000e+00 : f32
          %reduce_and3A_755 = arith.cmpf ogt, %reduce_and3A_753, %reduce_and3A_754 : f32
          %convert_element_type3A_756 = arith.extui %reduce_and3A_755 : i1 to i32
          %cond3A_757 = arith.constant 0 : i32
          %cond3A_758 = arith.cmpi ne, %convert_element_type3A_756, %cond3A_757 : i32
          %cond3A_759 = scf.if %cond3A_758 -> (vector<16xi32>) {
            scf.yield %gather3A_740 : vector<16xi32>
          } else {
            %and3A_1606 = arith.constant 65535 : i32
            %and3A_1607 = vector.broadcast %and3A_1606 : i32 to vector<16xi32>
            %and3A_1608 = arith.andi %gather3A_740, %and3A_1607 : vector<16xi32>
            %gather3A_1609 = tpu.vector_load_idx %arg4[%and3A_1608] : memref<50192xi32, #tpu.memory_space<vmem>>[vector<16xi32>], vector<16xi32>,
            %and3A_1610 = arith.constant 65535 : i32
            %and3A_1611 = vector.broadcast %and3A_1610 : i32 to vector<16xi32>
            %and3A_1612 = arith.andi %gather3A_1609, %and3A_1611 : vector<16xi32>
            %gather3A_1613 = tpu.vector_load_idx %arg4[%and3A_1612] : memref<50192xi32, #tpu.memory_space<vmem>>[vector<16xi32>], vector<16xi32>,
            %and3A_1614 = arith.constant 65535 : i32
            %and3A_1615 = vector.broadcast %and3A_1614 : i32 to vector<16xi32>
            %and3A_1616 = arith.andi %gather3A_1613, %and3A_1615 : vector<16xi32>
            %gather3A_1617 = tpu.vector_load_idx %arg4[%and3A_1616] : memref<50192xi32, #tpu.memory_space<vmem>>[vector<16xi32>], vector<16xi32>,
            %and3A_1618 = arith.constant 65535 : i32
            %and3A_1619 = vector.broadcast %and3A_1618 : i32 to vector<16xi32>
            %and3A_1620 = arith.andi %gather3A_1617, %and3A_1619 : vector<16xi32>
            %gather3A_1621 = tpu.vector_load_idx %arg4[%and3A_1620] : memref<50192xi32, #tpu.memory_space<vmem>>[vector<16xi32>], vector<16xi32>,
            %and3A_1622 = arith.constant 65535 : i32
            %and3A_1623 = vector.broadcast %and3A_1622 : i32 to vector<16xi32>
            %and3A_1624 = arith.andi %gather3A_1621, %and3A_1623 : vector<16xi32>
            %gather3A_1625 = tpu.vector_load_idx %arg4[%and3A_1624] : memref<50192xi32, #tpu.memory_space<vmem>>[vector<16xi32>], vector<16xi32>,
            %and3A_1626 = arith.constant 65535 : i32
            %and3A_1627 = vector.broadcast %and3A_1626 : i32 to vector<16xi32>
            %and3A_1628 = arith.andi %gather3A_1625, %and3A_1627 : vector<16xi32>
            %gather3A_1629 = tpu.vector_load_idx %arg4[%and3A_1628] : memref<50192xi32, #tpu.memory_space<vmem>>[vector<16xi32>], vector<16xi32>,
            %and3A_1630 = arith.constant 65535 : i32
            %and3A_1631 = vector.broadcast %and3A_1630 : i32 to vector<16xi32>
            %and3A_1632 = arith.andi %gather3A_1629, %and3A_1631 : vector<16xi32>
            %gather3A_1633 = tpu.vector_load_idx %arg4[%and3A_1632] : memref<50192xi32, #tpu.memory_space<vmem>>[vector<16xi32>], vector<16xi32>,
            %and3A_1634 = arith.constant 65535 : i32
            %and3A_1635 = vector.broadcast %and3A_1634 : i32 to vector<16xi32>
            %and3A_1636 = arith.andi %gather3A_1633, %and3A_1635 : vector<16xi32>
            %gather3A_1637 = tpu.vector_load_idx %arg4[%and3A_1636] : memref<50192xi32, #tpu.memory_space<vmem>>[vector<16xi32>], vector<16xi32>,
            %and3A_1638 = arith.constant 65535 : i32
            %and3A_1639 = vector.broadcast %and3A_1638 : i32 to vector<16xi32>
            %and3A_1640 = arith.andi %gather3A_1637, %and3A_1639 : vector<16xi32>
            %gather3A_1641 = tpu.vector_load_idx %arg4[%and3A_1640] : memref<50192xi32, #tpu.memory_space<vmem>>[vector<16xi32>], vector<16xi32>,
            %and3A_1642 = arith.constant 65535 : i32
            %and3A_1643 = vector.broadcast %and3A_1642 : i32 to vector<16xi32>
            %and3A_1644 = arith.andi %gather3A_1641, %and3A_1643 : vector<16xi32>
            %gather3A_1645 = tpu.vector_load_idx %arg4[%and3A_1644] : memref<50192xi32, #tpu.memory_space<vmem>>[vector<16xi32>], vector<16xi32>,
            %and3A_1646 = arith.constant 65535 : i32
            %and3A_1647 = vector.broadcast %and3A_1646 : i32 to vector<16xi32>
            %and3A_1648 = arith.andi %gather3A_1645, %and3A_1647 : vector<16xi32>
            %gather3A_1649 = tpu.vector_load_idx %arg4[%and3A_1648] : memref<50192xi32, #tpu.memory_space<vmem>>[vector<16xi32>], vector<16xi32>,
            %and3A_1650 = arith.constant 65535 : i32
            %and3A_1651 = vector.broadcast %and3A_1650 : i32 to vector<16xi32>
            %and3A_1652 = arith.andi %gather3A_1649, %and3A_1651 : vector<16xi32>
            %gather3A_1653 = tpu.vector_load_idx %arg4[%and3A_1652] : memref<50192xi32, #tpu.memory_space<vmem>>[vector<16xi32>], vector<16xi32>,
            %and3A_1654 = arith.constant 65535 : i32
            %and3A_1655 = vector.broadcast %and3A_1654 : i32 to vector<16xi32>
            %and3A_1656 = arith.andi %gather3A_1653, %and3A_1655 : vector<16xi32>
            %gather3A_1657 = tpu.vector_load_idx %arg4[%and3A_1656] : memref<50192xi32, #tpu.memory_space<vmem>>[vector<16xi32>], vector<16xi32>,
            %and3A_1658 = arith.constant 65535 : i32
            %and3A_1659 = vector.broadcast %and3A_1658 : i32 to vector<16xi32>
            %and3A_1660 = arith.andi %gather3A_1657, %and3A_1659 : vector<16xi32>
            %gather3A_1661 = tpu.vector_load_idx %arg4[%and3A_1660] : memref<50192xi32, #tpu.memory_space<vmem>>[vector<16xi32>], vector<16xi32>,
            %and3A_1662 = arith.constant -65536 : i32
            %and3A_1663 = vector.broadcast %and3A_1662 : i32 to vector<16xi32>
            %and3A_1664 = arith.andi %gather3A_736, %and3A_1663 : vector<16xi32>
            %and3A_1665 = arith.constant 65535 : i32
            %and3A_1666 = vector.broadcast %and3A_1665 : i32 to vector<16xi32>
            %and3A_1667 = arith.andi %gather3A_1661, %and3A_1666 : vector<16xi32>
            %or3A_1668 = arith.ori %and3A_1664, %and3A_1667 : vector<16xi32>
            %lt3A_1669 = arith.constant 2 : i32
            %lt3A_1670 = vector.broadcast %lt3A_1669 : i32 to vector<16xi32>
            %lt3A_1671 = arith.cmpi slt, %iota3A, %lt3A_1670 : vector<16xi32>
            tpu.vector_store_idx %arg4[%select_n3A_735], %or3A_1668 masked %lt3A_1671 : memref<50192xi32, #tpu.memory_space<vmem>>[vector<16xi32>], vector<16xi32>, vector<16xi1>
            scf.yield %gather3A_1661 : vector<16xi32>
          }
          %and3A_760 = arith.constant 65535 : i32
          %and3A_761 = vector.broadcast %and3A_760 : i32 to vector<16xi32>
          %and3A_762 = arith.andi %cond3A_759, %and3A_761 : vector<16xi32>
          %shift_right_logical3A_763 = arith.constant 16 : i32
          %shift_right_logical3A_764 = vector.broadcast %shift_right_logical3A_763 : i32 to vector<16xi32>
          %shift_right_logical3A_765 = arith.shrui %cond3A_759, %shift_right_logical3A_764 : vector<16xi32>
          %broadcast_in_dim3A_766 = vector.shape_cast %broadcast_in_dim3A_11 : vector<16xi32> to vector<16x1xi32>
          %gather3A_767 = vector.shape_cast %broadcast_in_dim3A_766 : vector<16x1xi32> to vector<16xi32>
          %gather3A_768 = tpu.dynamic_gather %and3A_762[%gather3A_767] in [0] : vector<16xi32>, vector<16xi32> -> vector<16xi32>
          %broadcast_in_dim3A_769 = vector.shape_cast %broadcast_in_dim3A_13 : vector<16xi32> to vector<16x1xi32>
          %gather3A_770 = vector.shape_cast %broadcast_in_dim3A_769 : vector<16x1xi32> to vector<16xi32>
          %gather3A_771 = tpu.dynamic_gather %and3A_762[%gather3A_770] in [0] : vector<16xi32>, vector<16xi32> -> vector<16xi32>
          %broadcast_in_dim3A_772 = vector.shape_cast %broadcast_in_dim3A_11 : vector<16xi32> to vector<16x1xi32>
          %gather3A_773 = vector.shape_cast %broadcast_in_dim3A_772 : vector<16x1xi32> to vector<16xi32>
          %gather3A_774 = tpu.dynamic_gather %shift_right_logical3A_765[%gather3A_773] in [0] : vector<16xi32>, vector<16xi32> -> vector<16xi32>
          %broadcast_in_dim3A_775 = vector.shape_cast %broadcast_in_dim3A_13 : vector<16xi32> to vector<16x1xi32>
          %gather3A_776 = vector.shape_cast %broadcast_in_dim3A_775 : vector<16x1xi32> to vector<16xi32>
          %gather3A_777 = tpu.dynamic_gather %shift_right_logical3A_765[%gather3A_776] in [0] : vector<16xi32>, vector<16xi32> -> vector<16xi32>
          %ne3A_778 = arith.cmpi ne, %gather3A_768, %gather3A_771 : vector<16xi32>
          %lt3A_779 = arith.cmpi slt, %gather3A_774, %gather3A_777 : vector<16xi32>
          %select_n3A_780 = arith.select %lt3A_779, %gather3A_768, %gather3A_771 : vector<16xi1>, vector<16xi32>
          %select_n3A_781 = arith.select %lt3A_779, %gather3A_771, %gather3A_768 : vector<16xi1>, vector<16xi32>
          %select_n3A_782 = arith.select %lt3A_779, %gather3A_774, %gather3A_777 : vector<16xi1>, vector<16xi32>
          %select_n3A_783 = arith.select %lt3A_779, %gather3A_777, %gather3A_774 : vector<16xi1>, vector<16xi32>
          %select_n3A_784 = arith.select %eq3A_5, %select_n3A_780, %select_n3A_781 : vector<16xi1>, vector<16xi32>
          %shift_left3A_785 = arith.constant 16 : i32
          %shift_left3A_786 = vector.broadcast %shift_left3A_785 : i32 to vector<16xi32>
          %shift_left3A_787 = arith.shli %select_n3A_782, %shift_left3A_786 : vector<16xi32>
          %or3A_788 = arith.ori %shift_left3A_787, %select_n3A_781 : vector<16xi32>
          %add3A_789 = arith.constant 1 : i32
          %add3A_790 = vector.broadcast %add3A_789 : i32 to vector<16xi32>
          %add3A_791 = arith.addi %select_n3A_783, %add3A_790 : vector<16xi32>
          %shift_left3A_792 = arith.constant 16 : i32
          %shift_left3A_793 = vector.broadcast %shift_left3A_792 : i32 to vector<16xi32>
          %shift_left3A_794 = arith.shli %add3A_791, %shift_left3A_793 : vector<16xi32>
          %or3A_795 = arith.ori %shift_left3A_794, %select_n3A_781 : vector<16xi32>
          %select_n3A_796 = arith.select %eq3A_5, %or3A_788, %or3A_795 : vector<16xi1>, vector<16xi32>
          %eq3A_797 = arith.constant 1 : i32
          %eq3A_798 = vector.broadcast %eq3A_797 : i32 to vector<16xi32>
          %eq3A_799 = arith.cmpi eq, %iota3A, %eq3A_798 : vector<16xi32>
          %eq3A_800 = arith.cmpi eq, %gather3A_774, %gather3A_777 : vector<16xi32>
          %and3A_801 = arith.andi %eq3A_799, %eq3A_800 : vector<16xi1>
          %or3A_802 = arith.ori %eq3A_5, %and3A_801 : vector<16xi1>
          %and3A_803 = arith.andi %ne3A_778, %or3A_802 : vector<16xi1>
          tpu.vector_store_idx %arg4[%select_n3A_784], %select_n3A_796 masked %and3A_803 : memref<50192xi32, #tpu.memory_space<vmem>>[vector<16xi32>], vector<16xi32>, vector<16xi1>
          %and3A_804 = arith.constant 8191 : i32
          %and3A_805 = vector.broadcast %and3A_804 : i32 to vector<16xi32>
          %and3A_806 = arith.andi %add3A_723, %and3A_805 : vector<16xi32>
          %mul3A_807 = arith.constant 2 : i32
          %mul3A_808 = vector.broadcast %mul3A_807 : i32 to vector<16xi32>
          %mul3A_809 = arith.muli %mul3A_808, %and3A_806 : vector<16xi32>
          %add3A_810 = arith.addi %mul3A_809, %iota3A : vector<16xi32>
          %select_n3A_811 = arith.select %eq3A_5, %shift_right_logical3A_731, %and3A_734 : vector<16xi1>, vector<16xi32>
          %lt3A_812 = arith.constant 2 : i32
          %lt3A_813 = vector.broadcast %lt3A_812 : i32 to vector<16xi32>
          %lt3A_814 = arith.cmpi slt, %iota3A, %lt3A_813 : vector<16xi32>
          %and3A_815 = arith.andi %ne3A_778, %lt3A_814 : vector<16xi1>
          tpu.vector_store_idx %arg6[%add3A_810], %select_n3A_811 masked %and3A_815 : memref<16400xi32, #tpu.memory_space<vmem>>[vector<16xi32>], vector<16xi32>, vector<16xi1>
          %jit3A_816 = arith.constant 1 : i32
          %jit3A_817 = arith.constant 0 : i32
          %broadcast_in_dim3A_818 = vector.broadcast %jit3A_816 : i32 to vector<16xi32>
          %broadcast_in_dim3A_819 = vector.broadcast %jit3A_817 : i32 to vector<16xi32>
          %select_n3A_820 = arith.select %ne3A_778, %broadcast_in_dim3A_818, %broadcast_in_dim3A_819 : vector<16xi1>, vector<16xi32>
          %add3A_821 = arith.addi %add3A_723, %select_n3A_820 : vector<16xi32>
          %broadcast_in_dim3A_822 = arith.constant 8 : i32
          %broadcast_in_dim3A_823 = vector.broadcast %broadcast_in_dim3A_822 : i32 to vector<16xi32>
          %broadcast_in_dim3A_824 = vector.shape_cast %broadcast_in_dim3A_823 : vector<16xi32> to vector<16x1xi32>
          %gather3A_825 = vector.shape_cast %broadcast_in_dim3A_824 : vector<16x1xi32> to vector<16xi32>
          %gather3A_826 = tpu.dynamic_gather %get3A_43[%gather3A_825] in [0] : vector<16xi32>, vector<16xi32> -> vector<16xi32>
          %shift_right_logical3A_827 = arith.constant 16 : i32
          %shift_right_logical3A_828 = vector.broadcast %shift_right_logical3A_827 : i32 to vector<16xi32>
          %shift_right_logical3A_829 = arith.shrui %gather3A_826, %shift_right_logical3A_828 : vector<16xi32>
          %and3A_830 = arith.constant 65535 : i32
          %and3A_831 = vector.broadcast %and3A_830 : i32 to vector<16xi32>
          %and3A_832 = arith.andi %gather3A_826, %and3A_831 : vector<16xi32>
          %select_n3A_833 = arith.select %eq3A_5, %shift_right_logical3A_829, %and3A_832 : vector<16xi1>, vector<16xi32>
          %gather3A_834 = tpu.vector_load_idx %arg4[%select_n3A_833] : memref<50192xi32, #tpu.memory_space<vmem>>[vector<16xi32>], vector<16xi32>,
          %and3A_835 = arith.constant 65535 : i32
          %and3A_836 = vector.broadcast %and3A_835 : i32 to vector<16xi32>
          %and3A_837 = arith.andi %gather3A_834, %and3A_836 : vector<16xi32>
          %gather3A_838 = tpu.vector_load_idx %arg4[%and3A_837] : memref<50192xi32, #tpu.memory_space<vmem>>[vector<16xi32>], vector<16xi32>,
          %and3A_839 = arith.constant 65535 : i32
          %and3A_840 = vector.broadcast %and3A_839 : i32 to vector<16xi32>
          %and3A_841 = arith.andi %gather3A_838, %and3A_840 : vector<16xi32>
          %eq3A_842 = arith.cmpi eq, %and3A_841, %and3A_837 : vector<16xi32>
          %reduce_and3A_843 = arith.constant 1.000000e+00 : f32
          %reduce_and3A_844 = arith.constant 0.000000e+00 : f32
          %reduce_and3A_845 = vector.broadcast %reduce_and3A_843 : f32 to vector<16xf32>
          %reduce_and3A_846 = vector.broadcast %reduce_and3A_844 : f32 to vector<16xf32>
          %reduce_and3A_847 = arith.select %eq3A_842, %reduce_and3A_845, %reduce_and3A_846 : vector<16xi1>, vector<16xf32>
          %reduce_and3A_848 = arith.constant true
          %reduce_and3A_849 = vector.broadcast %reduce_and3A_848 : i1 to vector<16xi1>
          %reduce_and3A_850 = tpu.scan <min>, %reduce_and3A_847 masked %reduce_and3A_849 : vector<16xf32>, vector<16xi1> -> vector<16xf32>
          %reduce_and3A_851 = vector.extract %reduce_and3A_850[15] : f32 from vector<16xf32>
          %reduce_and3A_852 = arith.constant 0.000000e+00 : f32
          %reduce_and3A_853 = arith.cmpf ogt, %reduce_and3A_851, %reduce_and3A_852 : f32
          %convert_element_type3A_854 = arith.extui %reduce_and3A_853 : i1 to i32
          %cond3A_855 = arith.constant 0 : i32
          %cond3A_856 = arith.cmpi ne, %convert_element_type3A_854, %cond3A_855 : i32
          %cond3A_857 = scf.if %cond3A_856 -> (vector<16xi32>) {
            scf.yield %gather3A_838 : vector<16xi32>
          } else {
            %and3A_1606 = arith.constant 65535 : i32
            %and3A_1607 = vector.broadcast %and3A_1606 : i32 to vector<16xi32>
            %and3A_1608 = arith.andi %gather3A_838, %and3A_1607 : vector<16xi32>
            %gather3A_1609 = tpu.vector_load_idx %arg4[%and3A_1608] : memref<50192xi32, #tpu.memory_space<vmem>>[vector<16xi32>], vector<16xi32>,
            %and3A_1610 = arith.constant 65535 : i32
            %and3A_1611 = vector.broadcast %and3A_1610 : i32 to vector<16xi32>
            %and3A_1612 = arith.andi %gather3A_1609, %and3A_1611 : vector<16xi32>
            %gather3A_1613 = tpu.vector_load_idx %arg4[%and3A_1612] : memref<50192xi32, #tpu.memory_space<vmem>>[vector<16xi32>], vector<16xi32>,
            %and3A_1614 = arith.constant 65535 : i32
            %and3A_1615 = vector.broadcast %and3A_1614 : i32 to vector<16xi32>
            %and3A_1616 = arith.andi %gather3A_1613, %and3A_1615 : vector<16xi32>
            %gather3A_1617 = tpu.vector_load_idx %arg4[%and3A_1616] : memref<50192xi32, #tpu.memory_space<vmem>>[vector<16xi32>], vector<16xi32>,
            %and3A_1618 = arith.constant 65535 : i32
            %and3A_1619 = vector.broadcast %and3A_1618 : i32 to vector<16xi32>
            %and3A_1620 = arith.andi %gather3A_1617, %and3A_1619 : vector<16xi32>
            %gather3A_1621 = tpu.vector_load_idx %arg4[%and3A_1620] : memref<50192xi32, #tpu.memory_space<vmem>>[vector<16xi32>], vector<16xi32>,
            %and3A_1622 = arith.constant 65535 : i32
            %and3A_1623 = vector.broadcast %and3A_1622 : i32 to vector<16xi32>
            %and3A_1624 = arith.andi %gather3A_1621, %and3A_1623 : vector<16xi32>
            %gather3A_1625 = tpu.vector_load_idx %arg4[%and3A_1624] : memref<50192xi32, #tpu.memory_space<vmem>>[vector<16xi32>], vector<16xi32>,
            %and3A_1626 = arith.constant 65535 : i32
            %and3A_1627 = vector.broadcast %and3A_1626 : i32 to vector<16xi32>
            %and3A_1628 = arith.andi %gather3A_1625, %and3A_1627 : vector<16xi32>
            %gather3A_1629 = tpu.vector_load_idx %arg4[%and3A_1628] : memref<50192xi32, #tpu.memory_space<vmem>>[vector<16xi32>], vector<16xi32>,
            %and3A_1630 = arith.constant 65535 : i32
            %and3A_1631 = vector.broadcast %and3A_1630 : i32 to vector<16xi32>
            %and3A_1632 = arith.andi %gather3A_1629, %and3A_1631 : vector<16xi32>
            %gather3A_1633 = tpu.vector_load_idx %arg4[%and3A_1632] : memref<50192xi32, #tpu.memory_space<vmem>>[vector<16xi32>], vector<16xi32>,
            %and3A_1634 = arith.constant 65535 : i32
            %and3A_1635 = vector.broadcast %and3A_1634 : i32 to vector<16xi32>
            %and3A_1636 = arith.andi %gather3A_1633, %and3A_1635 : vector<16xi32>
            %gather3A_1637 = tpu.vector_load_idx %arg4[%and3A_1636] : memref<50192xi32, #tpu.memory_space<vmem>>[vector<16xi32>], vector<16xi32>,
            %and3A_1638 = arith.constant 65535 : i32
            %and3A_1639 = vector.broadcast %and3A_1638 : i32 to vector<16xi32>
            %and3A_1640 = arith.andi %gather3A_1637, %and3A_1639 : vector<16xi32>
            %gather3A_1641 = tpu.vector_load_idx %arg4[%and3A_1640] : memref<50192xi32, #tpu.memory_space<vmem>>[vector<16xi32>], vector<16xi32>,
            %and3A_1642 = arith.constant 65535 : i32
            %and3A_1643 = vector.broadcast %and3A_1642 : i32 to vector<16xi32>
            %and3A_1644 = arith.andi %gather3A_1641, %and3A_1643 : vector<16xi32>
            %gather3A_1645 = tpu.vector_load_idx %arg4[%and3A_1644] : memref<50192xi32, #tpu.memory_space<vmem>>[vector<16xi32>], vector<16xi32>,
            %and3A_1646 = arith.constant 65535 : i32
            %and3A_1647 = vector.broadcast %and3A_1646 : i32 to vector<16xi32>
            %and3A_1648 = arith.andi %gather3A_1645, %and3A_1647 : vector<16xi32>
            %gather3A_1649 = tpu.vector_load_idx %arg4[%and3A_1648] : memref<50192xi32, #tpu.memory_space<vmem>>[vector<16xi32>], vector<16xi32>,
            %and3A_1650 = arith.constant 65535 : i32
            %and3A_1651 = vector.broadcast %and3A_1650 : i32 to vector<16xi32>
            %and3A_1652 = arith.andi %gather3A_1649, %and3A_1651 : vector<16xi32>
            %gather3A_1653 = tpu.vector_load_idx %arg4[%and3A_1652] : memref<50192xi32, #tpu.memory_space<vmem>>[vector<16xi32>], vector<16xi32>,
            %and3A_1654 = arith.constant 65535 : i32
            %and3A_1655 = vector.broadcast %and3A_1654 : i32 to vector<16xi32>
            %and3A_1656 = arith.andi %gather3A_1653, %and3A_1655 : vector<16xi32>
            %gather3A_1657 = tpu.vector_load_idx %arg4[%and3A_1656] : memref<50192xi32, #tpu.memory_space<vmem>>[vector<16xi32>], vector<16xi32>,
            %and3A_1658 = arith.constant 65535 : i32
            %and3A_1659 = vector.broadcast %and3A_1658 : i32 to vector<16xi32>
            %and3A_1660 = arith.andi %gather3A_1657, %and3A_1659 : vector<16xi32>
            %gather3A_1661 = tpu.vector_load_idx %arg4[%and3A_1660] : memref<50192xi32, #tpu.memory_space<vmem>>[vector<16xi32>], vector<16xi32>,
            %and3A_1662 = arith.constant -65536 : i32
            %and3A_1663 = vector.broadcast %and3A_1662 : i32 to vector<16xi32>
            %and3A_1664 = arith.andi %gather3A_834, %and3A_1663 : vector<16xi32>
            %and3A_1665 = arith.constant 65535 : i32
            %and3A_1666 = vector.broadcast %and3A_1665 : i32 to vector<16xi32>
            %and3A_1667 = arith.andi %gather3A_1661, %and3A_1666 : vector<16xi32>
            %or3A_1668 = arith.ori %and3A_1664, %and3A_1667 : vector<16xi32>
            %lt3A_1669 = arith.constant 2 : i32
            %lt3A_1670 = vector.broadcast %lt3A_1669 : i32 to vector<16xi32>
            %lt3A_1671 = arith.cmpi slt, %iota3A, %lt3A_1670 : vector<16xi32>
            tpu.vector_store_idx %arg4[%select_n3A_833], %or3A_1668 masked %lt3A_1671 : memref<50192xi32, #tpu.memory_space<vmem>>[vector<16xi32>], vector<16xi32>, vector<16xi1>
            scf.yield %gather3A_1661 : vector<16xi32>
          }
          %and3A_858 = arith.constant 65535 : i32
          %and3A_859 = vector.broadcast %and3A_858 : i32 to vector<16xi32>
          %and3A_860 = arith.andi %cond3A_857, %and3A_859 : vector<16xi32>
          %shift_right_logical3A_861 = arith.constant 16 : i32
          %shift_right_logical3A_862 = vector.broadcast %shift_right_logical3A_861 : i32 to vector<16xi32>
          %shift_right_logical3A_863 = arith.shrui %cond3A_857, %shift_right_logical3A_862 : vector<16xi32>
          %broadcast_in_dim3A_864 = vector.shape_cast %broadcast_in_dim3A_11 : vector<16xi32> to vector<16x1xi32>
          %gather3A_865 = vector.shape_cast %broadcast_in_dim3A_864 : vector<16x1xi32> to vector<16xi32>
          %gather3A_866 = tpu.dynamic_gather %and3A_860[%gather3A_865] in [0] : vector<16xi32>, vector<16xi32> -> vector<16xi32>
          %broadcast_in_dim3A_867 = vector.shape_cast %broadcast_in_dim3A_13 : vector<16xi32> to vector<16x1xi32>
          %gather3A_868 = vector.shape_cast %broadcast_in_dim3A_867 : vector<16x1xi32> to vector<16xi32>
          %gather3A_869 = tpu.dynamic_gather %and3A_860[%gather3A_868] in [0] : vector<16xi32>, vector<16xi32> -> vector<16xi32>
          %broadcast_in_dim3A_870 = vector.shape_cast %broadcast_in_dim3A_11 : vector<16xi32> to vector<16x1xi32>
          %gather3A_871 = vector.shape_cast %broadcast_in_dim3A_870 : vector<16x1xi32> to vector<16xi32>
          %gather3A_872 = tpu.dynamic_gather %shift_right_logical3A_863[%gather3A_871] in [0] : vector<16xi32>, vector<16xi32> -> vector<16xi32>
          %broadcast_in_dim3A_873 = vector.shape_cast %broadcast_in_dim3A_13 : vector<16xi32> to vector<16x1xi32>
          %gather3A_874 = vector.shape_cast %broadcast_in_dim3A_873 : vector<16x1xi32> to vector<16xi32>
          %gather3A_875 = tpu.dynamic_gather %shift_right_logical3A_863[%gather3A_874] in [0] : vector<16xi32>, vector<16xi32> -> vector<16xi32>
          %ne3A_876 = arith.cmpi ne, %gather3A_866, %gather3A_869 : vector<16xi32>
          %lt3A_877 = arith.cmpi slt, %gather3A_872, %gather3A_875 : vector<16xi32>
          %select_n3A_878 = arith.select %lt3A_877, %gather3A_866, %gather3A_869 : vector<16xi1>, vector<16xi32>
          %select_n3A_879 = arith.select %lt3A_877, %gather3A_869, %gather3A_866 : vector<16xi1>, vector<16xi32>
          %select_n3A_880 = arith.select %lt3A_877, %gather3A_872, %gather3A_875 : vector<16xi1>, vector<16xi32>
          %select_n3A_881 = arith.select %lt3A_877, %gather3A_875, %gather3A_872 : vector<16xi1>, vector<16xi32>
          %select_n3A_882 = arith.select %eq3A_5, %select_n3A_878, %select_n3A_879 : vector<16xi1>, vector<16xi32>
          %shift_left3A_883 = arith.constant 16 : i32
          %shift_left3A_884 = vector.broadcast %shift_left3A_883 : i32 to vector<16xi32>
          %shift_left3A_885 = arith.shli %select_n3A_880, %shift_left3A_884 : vector<16xi32>
          %or3A_886 = arith.ori %shift_left3A_885, %select_n3A_879 : vector<16xi32>
          %add3A_887 = arith.constant 1 : i32
          %add3A_888 = vector.broadcast %add3A_887 : i32 to vector<16xi32>
          %add3A_889 = arith.addi %select_n3A_881, %add3A_888 : vector<16xi32>
          %shift_left3A_890 = arith.constant 16 : i32
          %shift_left3A_891 = vector.broadcast %shift_left3A_890 : i32 to vector<16xi32>
          %shift_left3A_892 = arith.shli %add3A_889, %shift_left3A_891 : vector<16xi32>
          %or3A_893 = arith.ori %shift_left3A_892, %select_n3A_879 : vector<16xi32>
          %select_n3A_894 = arith.select %eq3A_5, %or3A_886, %or3A_893 : vector<16xi1>, vector<16xi32>
          %eq3A_895 = arith.constant 1 : i32
          %eq3A_896 = vector.broadcast %eq3A_895 : i32 to vector<16xi32>
          %eq3A_897 = arith.cmpi eq, %iota3A, %eq3A_896 : vector<16xi32>
          %eq3A_898 = arith.cmpi eq, %gather3A_872, %gather3A_875 : vector<16xi32>
          %and3A_899 = arith.andi %eq3A_897, %eq3A_898 : vector<16xi1>
          %or3A_900 = arith.ori %eq3A_5, %and3A_899 : vector<16xi1>
          %and3A_901 = arith.andi %ne3A_876, %or3A_900 : vector<16xi1>
          tpu.vector_store_idx %arg4[%select_n3A_882], %select_n3A_894 masked %and3A_901 : memref<50192xi32, #tpu.memory_space<vmem>>[vector<16xi32>], vector<16xi32>, vector<16xi1>
          %and3A_902 = arith.constant 8191 : i32
          %and3A_903 = vector.broadcast %and3A_902 : i32 to vector<16xi32>
          %and3A_904 = arith.andi %add3A_821, %and3A_903 : vector<16xi32>
          %mul3A_905 = arith.constant 2 : i32
          %mul3A_906 = vector.broadcast %mul3A_905 : i32 to vector<16xi32>
          %mul3A_907 = arith.muli %mul3A_906, %and3A_904 : vector<16xi32>
          %add3A_908 = arith.addi %mul3A_907, %iota3A : vector<16xi32>
          %select_n3A_909 = arith.select %eq3A_5, %shift_right_logical3A_829, %and3A_832 : vector<16xi1>, vector<16xi32>
          %lt3A_910 = arith.constant 2 : i32
          %lt3A_911 = vector.broadcast %lt3A_910 : i32 to vector<16xi32>
          %lt3A_912 = arith.cmpi slt, %iota3A, %lt3A_911 : vector<16xi32>
          %and3A_913 = arith.andi %ne3A_876, %lt3A_912 : vector<16xi1>
          tpu.vector_store_idx %arg6[%add3A_908], %select_n3A_909 masked %and3A_913 : memref<16400xi32, #tpu.memory_space<vmem>>[vector<16xi32>], vector<16xi32>, vector<16xi1>
          %jit3A_914 = arith.constant 1 : i32
          %jit3A_915 = arith.constant 0 : i32
          %broadcast_in_dim3A_916 = vector.broadcast %jit3A_914 : i32 to vector<16xi32>
          %broadcast_in_dim3A_917 = vector.broadcast %jit3A_915 : i32 to vector<16xi32>
          %select_n3A_918 = arith.select %ne3A_876, %broadcast_in_dim3A_916, %broadcast_in_dim3A_917 : vector<16xi1>, vector<16xi32>
          %add3A_919 = arith.addi %add3A_821, %select_n3A_918 : vector<16xi32>
          %broadcast_in_dim3A_920 = arith.constant 9 : i32
          %broadcast_in_dim3A_921 = vector.broadcast %broadcast_in_dim3A_920 : i32 to vector<16xi32>
          %broadcast_in_dim3A_922 = vector.shape_cast %broadcast_in_dim3A_921 : vector<16xi32> to vector<16x1xi32>
          %gather3A_923 = vector.shape_cast %broadcast_in_dim3A_922 : vector<16x1xi32> to vector<16xi32>
          %gather3A_924 = tpu.dynamic_gather %get3A_43[%gather3A_923] in [0] : vector<16xi32>, vector<16xi32> -> vector<16xi32>
          %shift_right_logical3A_925 = arith.constant 16 : i32
          %shift_right_logical3A_926 = vector.broadcast %shift_right_logical3A_925 : i32 to vector<16xi32>
          %shift_right_logical3A_927 = arith.shrui %gather3A_924, %shift_right_logical3A_926 : vector<16xi32>
          %and3A_928 = arith.constant 65535 : i32
          %and3A_929 = vector.broadcast %and3A_928 : i32 to vector<16xi32>
          %and3A_930 = arith.andi %gather3A_924, %and3A_929 : vector<16xi32>
          %select_n3A_931 = arith.select %eq3A_5, %shift_right_logical3A_927, %and3A_930 : vector<16xi1>, vector<16xi32>
          %gather3A_932 = tpu.vector_load_idx %arg4[%select_n3A_931] : memref<50192xi32, #tpu.memory_space<vmem>>[vector<16xi32>], vector<16xi32>,
          %and3A_933 = arith.constant 65535 : i32
          %and3A_934 = vector.broadcast %and3A_933 : i32 to vector<16xi32>
          %and3A_935 = arith.andi %gather3A_932, %and3A_934 : vector<16xi32>
          %gather3A_936 = tpu.vector_load_idx %arg4[%and3A_935] : memref<50192xi32, #tpu.memory_space<vmem>>[vector<16xi32>], vector<16xi32>,
          %and3A_937 = arith.constant 65535 : i32
          %and3A_938 = vector.broadcast %and3A_937 : i32 to vector<16xi32>
          %and3A_939 = arith.andi %gather3A_936, %and3A_938 : vector<16xi32>
          %eq3A_940 = arith.cmpi eq, %and3A_939, %and3A_935 : vector<16xi32>
          %reduce_and3A_941 = arith.constant 1.000000e+00 : f32
          %reduce_and3A_942 = arith.constant 0.000000e+00 : f32
          %reduce_and3A_943 = vector.broadcast %reduce_and3A_941 : f32 to vector<16xf32>
          %reduce_and3A_944 = vector.broadcast %reduce_and3A_942 : f32 to vector<16xf32>
          %reduce_and3A_945 = arith.select %eq3A_940, %reduce_and3A_943, %reduce_and3A_944 : vector<16xi1>, vector<16xf32>
          %reduce_and3A_946 = arith.constant true
          %reduce_and3A_947 = vector.broadcast %reduce_and3A_946 : i1 to vector<16xi1>
          %reduce_and3A_948 = tpu.scan <min>, %reduce_and3A_945 masked %reduce_and3A_947 : vector<16xf32>, vector<16xi1> -> vector<16xf32>
          %reduce_and3A_949 = vector.extract %reduce_and3A_948[15] : f32 from vector<16xf32>
          %reduce_and3A_950 = arith.constant 0.000000e+00 : f32
          %reduce_and3A_951 = arith.cmpf ogt, %reduce_and3A_949, %reduce_and3A_950 : f32
          %convert_element_type3A_952 = arith.extui %reduce_and3A_951 : i1 to i32
          %cond3A_953 = arith.constant 0 : i32
          %cond3A_954 = arith.cmpi ne, %convert_element_type3A_952, %cond3A_953 : i32
          %cond3A_955 = scf.if %cond3A_954 -> (vector<16xi32>) {
            scf.yield %gather3A_936 : vector<16xi32>
          } else {
            %and3A_1606 = arith.constant 65535 : i32
            %and3A_1607 = vector.broadcast %and3A_1606 : i32 to vector<16xi32>
            %and3A_1608 = arith.andi %gather3A_936, %and3A_1607 : vector<16xi32>
            %gather3A_1609 = tpu.vector_load_idx %arg4[%and3A_1608] : memref<50192xi32, #tpu.memory_space<vmem>>[vector<16xi32>], vector<16xi32>,
            %and3A_1610 = arith.constant 65535 : i32
            %and3A_1611 = vector.broadcast %and3A_1610 : i32 to vector<16xi32>
            %and3A_1612 = arith.andi %gather3A_1609, %and3A_1611 : vector<16xi32>
            %gather3A_1613 = tpu.vector_load_idx %arg4[%and3A_1612] : memref<50192xi32, #tpu.memory_space<vmem>>[vector<16xi32>], vector<16xi32>,
            %and3A_1614 = arith.constant 65535 : i32
            %and3A_1615 = vector.broadcast %and3A_1614 : i32 to vector<16xi32>
            %and3A_1616 = arith.andi %gather3A_1613, %and3A_1615 : vector<16xi32>
            %gather3A_1617 = tpu.vector_load_idx %arg4[%and3A_1616] : memref<50192xi32, #tpu.memory_space<vmem>>[vector<16xi32>], vector<16xi32>,
            %and3A_1618 = arith.constant 65535 : i32
            %and3A_1619 = vector.broadcast %and3A_1618 : i32 to vector<16xi32>
            %and3A_1620 = arith.andi %gather3A_1617, %and3A_1619 : vector<16xi32>
            %gather3A_1621 = tpu.vector_load_idx %arg4[%and3A_1620] : memref<50192xi32, #tpu.memory_space<vmem>>[vector<16xi32>], vector<16xi32>,
            %and3A_1622 = arith.constant 65535 : i32
            %and3A_1623 = vector.broadcast %and3A_1622 : i32 to vector<16xi32>
            %and3A_1624 = arith.andi %gather3A_1621, %and3A_1623 : vector<16xi32>
            %gather3A_1625 = tpu.vector_load_idx %arg4[%and3A_1624] : memref<50192xi32, #tpu.memory_space<vmem>>[vector<16xi32>], vector<16xi32>,
            %and3A_1626 = arith.constant 65535 : i32
            %and3A_1627 = vector.broadcast %and3A_1626 : i32 to vector<16xi32>
            %and3A_1628 = arith.andi %gather3A_1625, %and3A_1627 : vector<16xi32>
            %gather3A_1629 = tpu.vector_load_idx %arg4[%and3A_1628] : memref<50192xi32, #tpu.memory_space<vmem>>[vector<16xi32>], vector<16xi32>,
            %and3A_1630 = arith.constant 65535 : i32
            %and3A_1631 = vector.broadcast %and3A_1630 : i32 to vector<16xi32>
            %and3A_1632 = arith.andi %gather3A_1629, %and3A_1631 : vector<16xi32>
            %gather3A_1633 = tpu.vector_load_idx %arg4[%and3A_1632] : memref<50192xi32, #tpu.memory_space<vmem>>[vector<16xi32>], vector<16xi32>,
            %and3A_1634 = arith.constant 65535 : i32
            %and3A_1635 = vector.broadcast %and3A_1634 : i32 to vector<16xi32>
            %and3A_1636 = arith.andi %gather3A_1633, %and3A_1635 : vector<16xi32>
            %gather3A_1637 = tpu.vector_load_idx %arg4[%and3A_1636] : memref<50192xi32, #tpu.memory_space<vmem>>[vector<16xi32>], vector<16xi32>,
            %and3A_1638 = arith.constant 65535 : i32
            %and3A_1639 = vector.broadcast %and3A_1638 : i32 to vector<16xi32>
            %and3A_1640 = arith.andi %gather3A_1637, %and3A_1639 : vector<16xi32>
            %gather3A_1641 = tpu.vector_load_idx %arg4[%and3A_1640] : memref<50192xi32, #tpu.memory_space<vmem>>[vector<16xi32>], vector<16xi32>,
            %and3A_1642 = arith.constant 65535 : i32
            %and3A_1643 = vector.broadcast %and3A_1642 : i32 to vector<16xi32>
            %and3A_1644 = arith.andi %gather3A_1641, %and3A_1643 : vector<16xi32>
            %gather3A_1645 = tpu.vector_load_idx %arg4[%and3A_1644] : memref<50192xi32, #tpu.memory_space<vmem>>[vector<16xi32>], vector<16xi32>,
            %and3A_1646 = arith.constant 65535 : i32
            %and3A_1647 = vector.broadcast %and3A_1646 : i32 to vector<16xi32>
            %and3A_1648 = arith.andi %gather3A_1645, %and3A_1647 : vector<16xi32>
            %gather3A_1649 = tpu.vector_load_idx %arg4[%and3A_1648] : memref<50192xi32, #tpu.memory_space<vmem>>[vector<16xi32>], vector<16xi32>,
            %and3A_1650 = arith.constant 65535 : i32
            %and3A_1651 = vector.broadcast %and3A_1650 : i32 to vector<16xi32>
            %and3A_1652 = arith.andi %gather3A_1649, %and3A_1651 : vector<16xi32>
            %gather3A_1653 = tpu.vector_load_idx %arg4[%and3A_1652] : memref<50192xi32, #tpu.memory_space<vmem>>[vector<16xi32>], vector<16xi32>,
            %and3A_1654 = arith.constant 65535 : i32
            %and3A_1655 = vector.broadcast %and3A_1654 : i32 to vector<16xi32>
            %and3A_1656 = arith.andi %gather3A_1653, %and3A_1655 : vector<16xi32>
            %gather3A_1657 = tpu.vector_load_idx %arg4[%and3A_1656] : memref<50192xi32, #tpu.memory_space<vmem>>[vector<16xi32>], vector<16xi32>,
            %and3A_1658 = arith.constant 65535 : i32
            %and3A_1659 = vector.broadcast %and3A_1658 : i32 to vector<16xi32>
            %and3A_1660 = arith.andi %gather3A_1657, %and3A_1659 : vector<16xi32>
            %gather3A_1661 = tpu.vector_load_idx %arg4[%and3A_1660] : memref<50192xi32, #tpu.memory_space<vmem>>[vector<16xi32>], vector<16xi32>,
            %and3A_1662 = arith.constant -65536 : i32
            %and3A_1663 = vector.broadcast %and3A_1662 : i32 to vector<16xi32>
            %and3A_1664 = arith.andi %gather3A_932, %and3A_1663 : vector<16xi32>
            %and3A_1665 = arith.constant 65535 : i32
            %and3A_1666 = vector.broadcast %and3A_1665 : i32 to vector<16xi32>
            %and3A_1667 = arith.andi %gather3A_1661, %and3A_1666 : vector<16xi32>
            %or3A_1668 = arith.ori %and3A_1664, %and3A_1667 : vector<16xi32>
            %lt3A_1669 = arith.constant 2 : i32
            %lt3A_1670 = vector.broadcast %lt3A_1669 : i32 to vector<16xi32>
            %lt3A_1671 = arith.cmpi slt, %iota3A, %lt3A_1670 : vector<16xi32>
            tpu.vector_store_idx %arg4[%select_n3A_931], %or3A_1668 masked %lt3A_1671 : memref<50192xi32, #tpu.memory_space<vmem>>[vector<16xi32>], vector<16xi32>, vector<16xi1>
            scf.yield %gather3A_1661 : vector<16xi32>
          }
          %and3A_956 = arith.constant 65535 : i32
          %and3A_957 = vector.broadcast %and3A_956 : i32 to vector<16xi32>
          %and3A_958 = arith.andi %cond3A_955, %and3A_957 : vector<16xi32>
          %shift_right_logical3A_959 = arith.constant 16 : i32
          %shift_right_logical3A_960 = vector.broadcast %shift_right_logical3A_959 : i32 to vector<16xi32>
          %shift_right_logical3A_961 = arith.shrui %cond3A_955, %shift_right_logical3A_960 : vector<16xi32>
          %broadcast_in_dim3A_962 = vector.shape_cast %broadcast_in_dim3A_11 : vector<16xi32> to vector<16x1xi32>
          %gather3A_963 = vector.shape_cast %broadcast_in_dim3A_962 : vector<16x1xi32> to vector<16xi32>
          %gather3A_964 = tpu.dynamic_gather %and3A_958[%gather3A_963] in [0] : vector<16xi32>, vector<16xi32> -> vector<16xi32>
          %broadcast_in_dim3A_965 = vector.shape_cast %broadcast_in_dim3A_13 : vector<16xi32> to vector<16x1xi32>
          %gather3A_966 = vector.shape_cast %broadcast_in_dim3A_965 : vector<16x1xi32> to vector<16xi32>
          %gather3A_967 = tpu.dynamic_gather %and3A_958[%gather3A_966] in [0] : vector<16xi32>, vector<16xi32> -> vector<16xi32>
          %broadcast_in_dim3A_968 = vector.shape_cast %broadcast_in_dim3A_11 : vector<16xi32> to vector<16x1xi32>
          %gather3A_969 = vector.shape_cast %broadcast_in_dim3A_968 : vector<16x1xi32> to vector<16xi32>
          %gather3A_970 = tpu.dynamic_gather %shift_right_logical3A_961[%gather3A_969] in [0] : vector<16xi32>, vector<16xi32> -> vector<16xi32>
          %broadcast_in_dim3A_971 = vector.shape_cast %broadcast_in_dim3A_13 : vector<16xi32> to vector<16x1xi32>
          %gather3A_972 = vector.shape_cast %broadcast_in_dim3A_971 : vector<16x1xi32> to vector<16xi32>
          %gather3A_973 = tpu.dynamic_gather %shift_right_logical3A_961[%gather3A_972] in [0] : vector<16xi32>, vector<16xi32> -> vector<16xi32>
          %ne3A_974 = arith.cmpi ne, %gather3A_964, %gather3A_967 : vector<16xi32>
          %lt3A_975 = arith.cmpi slt, %gather3A_970, %gather3A_973 : vector<16xi32>
          %select_n3A_976 = arith.select %lt3A_975, %gather3A_964, %gather3A_967 : vector<16xi1>, vector<16xi32>
          %select_n3A_977 = arith.select %lt3A_975, %gather3A_967, %gather3A_964 : vector<16xi1>, vector<16xi32>
          %select_n3A_978 = arith.select %lt3A_975, %gather3A_970, %gather3A_973 : vector<16xi1>, vector<16xi32>
          %select_n3A_979 = arith.select %lt3A_975, %gather3A_973, %gather3A_970 : vector<16xi1>, vector<16xi32>
          %select_n3A_980 = arith.select %eq3A_5, %select_n3A_976, %select_n3A_977 : vector<16xi1>, vector<16xi32>
          %shift_left3A_981 = arith.constant 16 : i32
          %shift_left3A_982 = vector.broadcast %shift_left3A_981 : i32 to vector<16xi32>
          %shift_left3A_983 = arith.shli %select_n3A_978, %shift_left3A_982 : vector<16xi32>
          %or3A_984 = arith.ori %shift_left3A_983, %select_n3A_977 : vector<16xi32>
          %add3A_985 = arith.constant 1 : i32
          %add3A_986 = vector.broadcast %add3A_985 : i32 to vector<16xi32>
          %add3A_987 = arith.addi %select_n3A_979, %add3A_986 : vector<16xi32>
          %shift_left3A_988 = arith.constant 16 : i32
          %shift_left3A_989 = vector.broadcast %shift_left3A_988 : i32 to vector<16xi32>
          %shift_left3A_990 = arith.shli %add3A_987, %shift_left3A_989 : vector<16xi32>
          %or3A_991 = arith.ori %shift_left3A_990, %select_n3A_977 : vector<16xi32>
          %select_n3A_992 = arith.select %eq3A_5, %or3A_984, %or3A_991 : vector<16xi1>, vector<16xi32>
          %eq3A_993 = arith.constant 1 : i32
          %eq3A_994 = vector.broadcast %eq3A_993 : i32 to vector<16xi32>
          %eq3A_995 = arith.cmpi eq, %iota3A, %eq3A_994 : vector<16xi32>
          %eq3A_996 = arith.cmpi eq, %gather3A_970, %gather3A_973 : vector<16xi32>
          %and3A_997 = arith.andi %eq3A_995, %eq3A_996 : vector<16xi1>
          %or3A_998 = arith.ori %eq3A_5, %and3A_997 : vector<16xi1>
          %and3A_999 = arith.andi %ne3A_974, %or3A_998 : vector<16xi1>
          tpu.vector_store_idx %arg4[%select_n3A_980], %select_n3A_992 masked %and3A_999 : memref<50192xi32, #tpu.memory_space<vmem>>[vector<16xi32>], vector<16xi32>, vector<16xi1>
          %and3A_1000 = arith.constant 8191 : i32
          %and3A_1001 = vector.broadcast %and3A_1000 : i32 to vector<16xi32>
          %and3A_1002 = arith.andi %add3A_919, %and3A_1001 : vector<16xi32>
          %mul3A_1003 = arith.constant 2 : i32
          %mul3A_1004 = vector.broadcast %mul3A_1003 : i32 to vector<16xi32>
          %mul3A_1005 = arith.muli %mul3A_1004, %and3A_1002 : vector<16xi32>
          %add3A_1006 = arith.addi %mul3A_1005, %iota3A : vector<16xi32>
          %select_n3A_1007 = arith.select %eq3A_5, %shift_right_logical3A_927, %and3A_930 : vector<16xi1>, vector<16xi32>
          %lt3A_1008 = arith.constant 2 : i32
          %lt3A_1009 = vector.broadcast %lt3A_1008 : i32 to vector<16xi32>
          %lt3A_1010 = arith.cmpi slt, %iota3A, %lt3A_1009 : vector<16xi32>
          %and3A_1011 = arith.andi %ne3A_974, %lt3A_1010 : vector<16xi1>
          tpu.vector_store_idx %arg6[%add3A_1006], %select_n3A_1007 masked %and3A_1011 : memref<16400xi32, #tpu.memory_space<vmem>>[vector<16xi32>], vector<16xi32>, vector<16xi1>
          %jit3A_1012 = arith.constant 1 : i32
          %jit3A_1013 = arith.constant 0 : i32
          %broadcast_in_dim3A_1014 = vector.broadcast %jit3A_1012 : i32 to vector<16xi32>
          %broadcast_in_dim3A_1015 = vector.broadcast %jit3A_1013 : i32 to vector<16xi32>
          %select_n3A_1016 = arith.select %ne3A_974, %broadcast_in_dim3A_1014, %broadcast_in_dim3A_1015 : vector<16xi1>, vector<16xi32>
          %add3A_1017 = arith.addi %add3A_919, %select_n3A_1016 : vector<16xi32>
          %broadcast_in_dim3A_1018 = arith.constant 10 : i32
          %broadcast_in_dim3A_1019 = vector.broadcast %broadcast_in_dim3A_1018 : i32 to vector<16xi32>
          %broadcast_in_dim3A_1020 = vector.shape_cast %broadcast_in_dim3A_1019 : vector<16xi32> to vector<16x1xi32>
          %gather3A_1021 = vector.shape_cast %broadcast_in_dim3A_1020 : vector<16x1xi32> to vector<16xi32>
          %gather3A_1022 = tpu.dynamic_gather %get3A_43[%gather3A_1021] in [0] : vector<16xi32>, vector<16xi32> -> vector<16xi32>
          %shift_right_logical3A_1023 = arith.constant 16 : i32
          %shift_right_logical3A_1024 = vector.broadcast %shift_right_logical3A_1023 : i32 to vector<16xi32>
          %shift_right_logical3A_1025 = arith.shrui %gather3A_1022, %shift_right_logical3A_1024 : vector<16xi32>
          %and3A_1026 = arith.constant 65535 : i32
          %and3A_1027 = vector.broadcast %and3A_1026 : i32 to vector<16xi32>
          %and3A_1028 = arith.andi %gather3A_1022, %and3A_1027 : vector<16xi32>
          %select_n3A_1029 = arith.select %eq3A_5, %shift_right_logical3A_1025, %and3A_1028 : vector<16xi1>, vector<16xi32>
          %gather3A_1030 = tpu.vector_load_idx %arg4[%select_n3A_1029] : memref<50192xi32, #tpu.memory_space<vmem>>[vector<16xi32>], vector<16xi32>,
          %and3A_1031 = arith.constant 65535 : i32
          %and3A_1032 = vector.broadcast %and3A_1031 : i32 to vector<16xi32>
          %and3A_1033 = arith.andi %gather3A_1030, %and3A_1032 : vector<16xi32>
          %gather3A_1034 = tpu.vector_load_idx %arg4[%and3A_1033] : memref<50192xi32, #tpu.memory_space<vmem>>[vector<16xi32>], vector<16xi32>,
          %and3A_1035 = arith.constant 65535 : i32
          %and3A_1036 = vector.broadcast %and3A_1035 : i32 to vector<16xi32>
          %and3A_1037 = arith.andi %gather3A_1034, %and3A_1036 : vector<16xi32>
          %eq3A_1038 = arith.cmpi eq, %and3A_1037, %and3A_1033 : vector<16xi32>
          %reduce_and3A_1039 = arith.constant 1.000000e+00 : f32
          %reduce_and3A_1040 = arith.constant 0.000000e+00 : f32
          %reduce_and3A_1041 = vector.broadcast %reduce_and3A_1039 : f32 to vector<16xf32>
          %reduce_and3A_1042 = vector.broadcast %reduce_and3A_1040 : f32 to vector<16xf32>
          %reduce_and3A_1043 = arith.select %eq3A_1038, %reduce_and3A_1041, %reduce_and3A_1042 : vector<16xi1>, vector<16xf32>
          %reduce_and3A_1044 = arith.constant true
          %reduce_and3A_1045 = vector.broadcast %reduce_and3A_1044 : i1 to vector<16xi1>
          %reduce_and3A_1046 = tpu.scan <min>, %reduce_and3A_1043 masked %reduce_and3A_1045 : vector<16xf32>, vector<16xi1> -> vector<16xf32>
          %reduce_and3A_1047 = vector.extract %reduce_and3A_1046[15] : f32 from vector<16xf32>
          %reduce_and3A_1048 = arith.constant 0.000000e+00 : f32
          %reduce_and3A_1049 = arith.cmpf ogt, %reduce_and3A_1047, %reduce_and3A_1048 : f32
          %convert_element_type3A_1050 = arith.extui %reduce_and3A_1049 : i1 to i32
          %cond3A_1051 = arith.constant 0 : i32
          %cond3A_1052 = arith.cmpi ne, %convert_element_type3A_1050, %cond3A_1051 : i32
          %cond3A_1053 = scf.if %cond3A_1052 -> (vector<16xi32>) {
            scf.yield %gather3A_1034 : vector<16xi32>
          } else {
            %and3A_1606 = arith.constant 65535 : i32
            %and3A_1607 = vector.broadcast %and3A_1606 : i32 to vector<16xi32>
            %and3A_1608 = arith.andi %gather3A_1034, %and3A_1607 : vector<16xi32>
            %gather3A_1609 = tpu.vector_load_idx %arg4[%and3A_1608] : memref<50192xi32, #tpu.memory_space<vmem>>[vector<16xi32>], vector<16xi32>,
            %and3A_1610 = arith.constant 65535 : i32
            %and3A_1611 = vector.broadcast %and3A_1610 : i32 to vector<16xi32>
            %and3A_1612 = arith.andi %gather3A_1609, %and3A_1611 : vector<16xi32>
            %gather3A_1613 = tpu.vector_load_idx %arg4[%and3A_1612] : memref<50192xi32, #tpu.memory_space<vmem>>[vector<16xi32>], vector<16xi32>,
            %and3A_1614 = arith.constant 65535 : i32
            %and3A_1615 = vector.broadcast %and3A_1614 : i32 to vector<16xi32>
            %and3A_1616 = arith.andi %gather3A_1613, %and3A_1615 : vector<16xi32>
            %gather3A_1617 = tpu.vector_load_idx %arg4[%and3A_1616] : memref<50192xi32, #tpu.memory_space<vmem>>[vector<16xi32>], vector<16xi32>,
            %and3A_1618 = arith.constant 65535 : i32
            %and3A_1619 = vector.broadcast %and3A_1618 : i32 to vector<16xi32>
            %and3A_1620 = arith.andi %gather3A_1617, %and3A_1619 : vector<16xi32>
            %gather3A_1621 = tpu.vector_load_idx %arg4[%and3A_1620] : memref<50192xi32, #tpu.memory_space<vmem>>[vector<16xi32>], vector<16xi32>,
            %and3A_1622 = arith.constant 65535 : i32
            %and3A_1623 = vector.broadcast %and3A_1622 : i32 to vector<16xi32>
            %and3A_1624 = arith.andi %gather3A_1621, %and3A_1623 : vector<16xi32>
            %gather3A_1625 = tpu.vector_load_idx %arg4[%and3A_1624] : memref<50192xi32, #tpu.memory_space<vmem>>[vector<16xi32>], vector<16xi32>,
            %and3A_1626 = arith.constant 65535 : i32
            %and3A_1627 = vector.broadcast %and3A_1626 : i32 to vector<16xi32>
            %and3A_1628 = arith.andi %gather3A_1625, %and3A_1627 : vector<16xi32>
            %gather3A_1629 = tpu.vector_load_idx %arg4[%and3A_1628] : memref<50192xi32, #tpu.memory_space<vmem>>[vector<16xi32>], vector<16xi32>,
            %and3A_1630 = arith.constant 65535 : i32
            %and3A_1631 = vector.broadcast %and3A_1630 : i32 to vector<16xi32>
            %and3A_1632 = arith.andi %gather3A_1629, %and3A_1631 : vector<16xi32>
            %gather3A_1633 = tpu.vector_load_idx %arg4[%and3A_1632] : memref<50192xi32, #tpu.memory_space<vmem>>[vector<16xi32>], vector<16xi32>,
            %and3A_1634 = arith.constant 65535 : i32
            %and3A_1635 = vector.broadcast %and3A_1634 : i32 to vector<16xi32>
            %and3A_1636 = arith.andi %gather3A_1633, %and3A_1635 : vector<16xi32>
            %gather3A_1637 = tpu.vector_load_idx %arg4[%and3A_1636] : memref<50192xi32, #tpu.memory_space<vmem>>[vector<16xi32>], vector<16xi32>,
            %and3A_1638 = arith.constant 65535 : i32
            %and3A_1639 = vector.broadcast %and3A_1638 : i32 to vector<16xi32>
            %and3A_1640 = arith.andi %gather3A_1637, %and3A_1639 : vector<16xi32>
            %gather3A_1641 = tpu.vector_load_idx %arg4[%and3A_1640] : memref<50192xi32, #tpu.memory_space<vmem>>[vector<16xi32>], vector<16xi32>,
            %and3A_1642 = arith.constant 65535 : i32
            %and3A_1643 = vector.broadcast %and3A_1642 : i32 to vector<16xi32>
            %and3A_1644 = arith.andi %gather3A_1641, %and3A_1643 : vector<16xi32>
            %gather3A_1645 = tpu.vector_load_idx %arg4[%and3A_1644] : memref<50192xi32, #tpu.memory_space<vmem>>[vector<16xi32>], vector<16xi32>,
            %and3A_1646 = arith.constant 65535 : i32
            %and3A_1647 = vector.broadcast %and3A_1646 : i32 to vector<16xi32>
            %and3A_1648 = arith.andi %gather3A_1645, %and3A_1647 : vector<16xi32>
            %gather3A_1649 = tpu.vector_load_idx %arg4[%and3A_1648] : memref<50192xi32, #tpu.memory_space<vmem>>[vector<16xi32>], vector<16xi32>,
            %and3A_1650 = arith.constant 65535 : i32
            %and3A_1651 = vector.broadcast %and3A_1650 : i32 to vector<16xi32>
            %and3A_1652 = arith.andi %gather3A_1649, %and3A_1651 : vector<16xi32>
            %gather3A_1653 = tpu.vector_load_idx %arg4[%and3A_1652] : memref<50192xi32, #tpu.memory_space<vmem>>[vector<16xi32>], vector<16xi32>,
            %and3A_1654 = arith.constant 65535 : i32
            %and3A_1655 = vector.broadcast %and3A_1654 : i32 to vector<16xi32>
            %and3A_1656 = arith.andi %gather3A_1653, %and3A_1655 : vector<16xi32>
            %gather3A_1657 = tpu.vector_load_idx %arg4[%and3A_1656] : memref<50192xi32, #tpu.memory_space<vmem>>[vector<16xi32>], vector<16xi32>,
            %and3A_1658 = arith.constant 65535 : i32
            %and3A_1659 = vector.broadcast %and3A_1658 : i32 to vector<16xi32>
            %and3A_1660 = arith.andi %gather3A_1657, %and3A_1659 : vector<16xi32>
            %gather3A_1661 = tpu.vector_load_idx %arg4[%and3A_1660] : memref<50192xi32, #tpu.memory_space<vmem>>[vector<16xi32>], vector<16xi32>,
            %and3A_1662 = arith.constant -65536 : i32
            %and3A_1663 = vector.broadcast %and3A_1662 : i32 to vector<16xi32>
            %and3A_1664 = arith.andi %gather3A_1030, %and3A_1663 : vector<16xi32>
            %and3A_1665 = arith.constant 65535 : i32
            %and3A_1666 = vector.broadcast %and3A_1665 : i32 to vector<16xi32>
            %and3A_1667 = arith.andi %gather3A_1661, %and3A_1666 : vector<16xi32>
            %or3A_1668 = arith.ori %and3A_1664, %and3A_1667 : vector<16xi32>
            %lt3A_1669 = arith.constant 2 : i32
            %lt3A_1670 = vector.broadcast %lt3A_1669 : i32 to vector<16xi32>
            %lt3A_1671 = arith.cmpi slt, %iota3A, %lt3A_1670 : vector<16xi32>
            tpu.vector_store_idx %arg4[%select_n3A_1029], %or3A_1668 masked %lt3A_1671 : memref<50192xi32, #tpu.memory_space<vmem>>[vector<16xi32>], vector<16xi32>, vector<16xi1>
            scf.yield %gather3A_1661 : vector<16xi32>
          }
          %and3A_1054 = arith.constant 65535 : i32
          %and3A_1055 = vector.broadcast %and3A_1054 : i32 to vector<16xi32>
          %and3A_1056 = arith.andi %cond3A_1053, %and3A_1055 : vector<16xi32>
          %shift_right_logical3A_1057 = arith.constant 16 : i32
          %shift_right_logical3A_1058 = vector.broadcast %shift_right_logical3A_1057 : i32 to vector<16xi32>
          %shift_right_logical3A_1059 = arith.shrui %cond3A_1053, %shift_right_logical3A_1058 : vector<16xi32>
          %broadcast_in_dim3A_1060 = vector.shape_cast %broadcast_in_dim3A_11 : vector<16xi32> to vector<16x1xi32>
          %gather3A_1061 = vector.shape_cast %broadcast_in_dim3A_1060 : vector<16x1xi32> to vector<16xi32>
          %gather3A_1062 = tpu.dynamic_gather %and3A_1056[%gather3A_1061] in [0] : vector<16xi32>, vector<16xi32> -> vector<16xi32>
          %broadcast_in_dim3A_1063 = vector.shape_cast %broadcast_in_dim3A_13 : vector<16xi32> to vector<16x1xi32>
          %gather3A_1064 = vector.shape_cast %broadcast_in_dim3A_1063 : vector<16x1xi32> to vector<16xi32>
          %gather3A_1065 = tpu.dynamic_gather %and3A_1056[%gather3A_1064] in [0] : vector<16xi32>, vector<16xi32> -> vector<16xi32>
          %broadcast_in_dim3A_1066 = vector.shape_cast %broadcast_in_dim3A_11 : vector<16xi32> to vector<16x1xi32>
          %gather3A_1067 = vector.shape_cast %broadcast_in_dim3A_1066 : vector<16x1xi32> to vector<16xi32>
          %gather3A_1068 = tpu.dynamic_gather %shift_right_logical3A_1059[%gather3A_1067] in [0] : vector<16xi32>, vector<16xi32> -> vector<16xi32>
          %broadcast_in_dim3A_1069 = vector.shape_cast %broadcast_in_dim3A_13 : vector<16xi32> to vector<16x1xi32>
          %gather3A_1070 = vector.shape_cast %broadcast_in_dim3A_1069 : vector<16x1xi32> to vector<16xi32>
          %gather3A_1071 = tpu.dynamic_gather %shift_right_logical3A_1059[%gather3A_1070] in [0] : vector<16xi32>, vector<16xi32> -> vector<16xi32>
          %ne3A_1072 = arith.cmpi ne, %gather3A_1062, %gather3A_1065 : vector<16xi32>
          %lt3A_1073 = arith.cmpi slt, %gather3A_1068, %gather3A_1071 : vector<16xi32>
          %select_n3A_1074 = arith.select %lt3A_1073, %gather3A_1062, %gather3A_1065 : vector<16xi1>, vector<16xi32>
          %select_n3A_1075 = arith.select %lt3A_1073, %gather3A_1065, %gather3A_1062 : vector<16xi1>, vector<16xi32>
          %select_n3A_1076 = arith.select %lt3A_1073, %gather3A_1068, %gather3A_1071 : vector<16xi1>, vector<16xi32>
          %select_n3A_1077 = arith.select %lt3A_1073, %gather3A_1071, %gather3A_1068 : vector<16xi1>, vector<16xi32>
          %select_n3A_1078 = arith.select %eq3A_5, %select_n3A_1074, %select_n3A_1075 : vector<16xi1>, vector<16xi32>
          %shift_left3A_1079 = arith.constant 16 : i32
          %shift_left3A_1080 = vector.broadcast %shift_left3A_1079 : i32 to vector<16xi32>
          %shift_left3A_1081 = arith.shli %select_n3A_1076, %shift_left3A_1080 : vector<16xi32>
          %or3A_1082 = arith.ori %shift_left3A_1081, %select_n3A_1075 : vector<16xi32>
          %add3A_1083 = arith.constant 1 : i32
          %add3A_1084 = vector.broadcast %add3A_1083 : i32 to vector<16xi32>
          %add3A_1085 = arith.addi %select_n3A_1077, %add3A_1084 : vector<16xi32>
          %shift_left3A_1086 = arith.constant 16 : i32
          %shift_left3A_1087 = vector.broadcast %shift_left3A_1086 : i32 to vector<16xi32>
          %shift_left3A_1088 = arith.shli %add3A_1085, %shift_left3A_1087 : vector<16xi32>
          %or3A_1089 = arith.ori %shift_left3A_1088, %select_n3A_1075 : vector<16xi32>
          %select_n3A_1090 = arith.select %eq3A_5, %or3A_1082, %or3A_1089 : vector<16xi1>, vector<16xi32>
          %eq3A_1091 = arith.constant 1 : i32
          %eq3A_1092 = vector.broadcast %eq3A_1091 : i32 to vector<16xi32>
          %eq3A_1093 = arith.cmpi eq, %iota3A, %eq3A_1092 : vector<16xi32>
          %eq3A_1094 = arith.cmpi eq, %gather3A_1068, %gather3A_1071 : vector<16xi32>
          %and3A_1095 = arith.andi %eq3A_1093, %eq3A_1094 : vector<16xi1>
          %or3A_1096 = arith.ori %eq3A_5, %and3A_1095 : vector<16xi1>
          %and3A_1097 = arith.andi %ne3A_1072, %or3A_1096 : vector<16xi1>
          tpu.vector_store_idx %arg4[%select_n3A_1078], %select_n3A_1090 masked %and3A_1097 : memref<50192xi32, #tpu.memory_space<vmem>>[vector<16xi32>], vector<16xi32>, vector<16xi1>
          %and3A_1098 = arith.constant 8191 : i32
          %and3A_1099 = vector.broadcast %and3A_1098 : i32 to vector<16xi32>
          %and3A_1100 = arith.andi %add3A_1017, %and3A_1099 : vector<16xi32>
          %mul3A_1101 = arith.constant 2 : i32
          %mul3A_1102 = vector.broadcast %mul3A_1101 : i32 to vector<16xi32>
          %mul3A_1103 = arith.muli %mul3A_1102, %and3A_1100 : vector<16xi32>
          %add3A_1104 = arith.addi %mul3A_1103, %iota3A : vector<16xi32>
          %select_n3A_1105 = arith.select %eq3A_5, %shift_right_logical3A_1025, %and3A_1028 : vector<16xi1>, vector<16xi32>
          %lt3A_1106 = arith.constant 2 : i32
          %lt3A_1107 = vector.broadcast %lt3A_1106 : i32 to vector<16xi32>
          %lt3A_1108 = arith.cmpi slt, %iota3A, %lt3A_1107 : vector<16xi32>
          %and3A_1109 = arith.andi %ne3A_1072, %lt3A_1108 : vector<16xi1>
          tpu.vector_store_idx %arg6[%add3A_1104], %select_n3A_1105 masked %and3A_1109 : memref<16400xi32, #tpu.memory_space<vmem>>[vector<16xi32>], vector<16xi32>, vector<16xi1>
          %jit3A_1110 = arith.constant 1 : i32
          %jit3A_1111 = arith.constant 0 : i32
          %broadcast_in_dim3A_1112 = vector.broadcast %jit3A_1110 : i32 to vector<16xi32>
          %broadcast_in_dim3A_1113 = vector.broadcast %jit3A_1111 : i32 to vector<16xi32>
          %select_n3A_1114 = arith.select %ne3A_1072, %broadcast_in_dim3A_1112, %broadcast_in_dim3A_1113 : vector<16xi1>, vector<16xi32>
          %add3A_1115 = arith.addi %add3A_1017, %select_n3A_1114 : vector<16xi32>
          %broadcast_in_dim3A_1116 = arith.constant 11 : i32
          %broadcast_in_dim3A_1117 = vector.broadcast %broadcast_in_dim3A_1116 : i32 to vector<16xi32>
          %broadcast_in_dim3A_1118 = vector.shape_cast %broadcast_in_dim3A_1117 : vector<16xi32> to vector<16x1xi32>
          %gather3A_1119 = vector.shape_cast %broadcast_in_dim3A_1118 : vector<16x1xi32> to vector<16xi32>
          %gather3A_1120 = tpu.dynamic_gather %get3A_43[%gather3A_1119] in [0] : vector<16xi32>, vector<16xi32> -> vector<16xi32>
          %shift_right_logical3A_1121 = arith.constant 16 : i32
          %shift_right_logical3A_1122 = vector.broadcast %shift_right_logical3A_1121 : i32 to vector<16xi32>
          %shift_right_logical3A_1123 = arith.shrui %gather3A_1120, %shift_right_logical3A_1122 : vector<16xi32>
          %and3A_1124 = arith.constant 65535 : i32
          %and3A_1125 = vector.broadcast %and3A_1124 : i32 to vector<16xi32>
          %and3A_1126 = arith.andi %gather3A_1120, %and3A_1125 : vector<16xi32>
          %select_n3A_1127 = arith.select %eq3A_5, %shift_right_logical3A_1123, %and3A_1126 : vector<16xi1>, vector<16xi32>
          %gather3A_1128 = tpu.vector_load_idx %arg4[%select_n3A_1127] : memref<50192xi32, #tpu.memory_space<vmem>>[vector<16xi32>], vector<16xi32>,
          %and3A_1129 = arith.constant 65535 : i32
          %and3A_1130 = vector.broadcast %and3A_1129 : i32 to vector<16xi32>
          %and3A_1131 = arith.andi %gather3A_1128, %and3A_1130 : vector<16xi32>
          %gather3A_1132 = tpu.vector_load_idx %arg4[%and3A_1131] : memref<50192xi32, #tpu.memory_space<vmem>>[vector<16xi32>], vector<16xi32>,
          %and3A_1133 = arith.constant 65535 : i32
          %and3A_1134 = vector.broadcast %and3A_1133 : i32 to vector<16xi32>
          %and3A_1135 = arith.andi %gather3A_1132, %and3A_1134 : vector<16xi32>
          %eq3A_1136 = arith.cmpi eq, %and3A_1135, %and3A_1131 : vector<16xi32>
          %reduce_and3A_1137 = arith.constant 1.000000e+00 : f32
          %reduce_and3A_1138 = arith.constant 0.000000e+00 : f32
          %reduce_and3A_1139 = vector.broadcast %reduce_and3A_1137 : f32 to vector<16xf32>
          %reduce_and3A_1140 = vector.broadcast %reduce_and3A_1138 : f32 to vector<16xf32>
          %reduce_and3A_1141 = arith.select %eq3A_1136, %reduce_and3A_1139, %reduce_and3A_1140 : vector<16xi1>, vector<16xf32>
          %reduce_and3A_1142 = arith.constant true
          %reduce_and3A_1143 = vector.broadcast %reduce_and3A_1142 : i1 to vector<16xi1>
          %reduce_and3A_1144 = tpu.scan <min>, %reduce_and3A_1141 masked %reduce_and3A_1143 : vector<16xf32>, vector<16xi1> -> vector<16xf32>
          %reduce_and3A_1145 = vector.extract %reduce_and3A_1144[15] : f32 from vector<16xf32>
          %reduce_and3A_1146 = arith.constant 0.000000e+00 : f32
          %reduce_and3A_1147 = arith.cmpf ogt, %reduce_and3A_1145, %reduce_and3A_1146 : f32
          %convert_element_type3A_1148 = arith.extui %reduce_and3A_1147 : i1 to i32
          %cond3A_1149 = arith.constant 0 : i32
          %cond3A_1150 = arith.cmpi ne, %convert_element_type3A_1148, %cond3A_1149 : i32
          %cond3A_1151 = scf.if %cond3A_1150 -> (vector<16xi32>) {
            scf.yield %gather3A_1132 : vector<16xi32>
          } else {
            %and3A_1606 = arith.constant 65535 : i32
            %and3A_1607 = vector.broadcast %and3A_1606 : i32 to vector<16xi32>
            %and3A_1608 = arith.andi %gather3A_1132, %and3A_1607 : vector<16xi32>
            %gather3A_1609 = tpu.vector_load_idx %arg4[%and3A_1608] : memref<50192xi32, #tpu.memory_space<vmem>>[vector<16xi32>], vector<16xi32>,
            %and3A_1610 = arith.constant 65535 : i32
            %and3A_1611 = vector.broadcast %and3A_1610 : i32 to vector<16xi32>
            %and3A_1612 = arith.andi %gather3A_1609, %and3A_1611 : vector<16xi32>
            %gather3A_1613 = tpu.vector_load_idx %arg4[%and3A_1612] : memref<50192xi32, #tpu.memory_space<vmem>>[vector<16xi32>], vector<16xi32>,
            %and3A_1614 = arith.constant 65535 : i32
            %and3A_1615 = vector.broadcast %and3A_1614 : i32 to vector<16xi32>
            %and3A_1616 = arith.andi %gather3A_1613, %and3A_1615 : vector<16xi32>
            %gather3A_1617 = tpu.vector_load_idx %arg4[%and3A_1616] : memref<50192xi32, #tpu.memory_space<vmem>>[vector<16xi32>], vector<16xi32>,
            %and3A_1618 = arith.constant 65535 : i32
            %and3A_1619 = vector.broadcast %and3A_1618 : i32 to vector<16xi32>
            %and3A_1620 = arith.andi %gather3A_1617, %and3A_1619 : vector<16xi32>
            %gather3A_1621 = tpu.vector_load_idx %arg4[%and3A_1620] : memref<50192xi32, #tpu.memory_space<vmem>>[vector<16xi32>], vector<16xi32>,
            %and3A_1622 = arith.constant 65535 : i32
            %and3A_1623 = vector.broadcast %and3A_1622 : i32 to vector<16xi32>
            %and3A_1624 = arith.andi %gather3A_1621, %and3A_1623 : vector<16xi32>
            %gather3A_1625 = tpu.vector_load_idx %arg4[%and3A_1624] : memref<50192xi32, #tpu.memory_space<vmem>>[vector<16xi32>], vector<16xi32>,
            %and3A_1626 = arith.constant 65535 : i32
            %and3A_1627 = vector.broadcast %and3A_1626 : i32 to vector<16xi32>
            %and3A_1628 = arith.andi %gather3A_1625, %and3A_1627 : vector<16xi32>
            %gather3A_1629 = tpu.vector_load_idx %arg4[%and3A_1628] : memref<50192xi32, #tpu.memory_space<vmem>>[vector<16xi32>], vector<16xi32>,
            %and3A_1630 = arith.constant 65535 : i32
            %and3A_1631 = vector.broadcast %and3A_1630 : i32 to vector<16xi32>
            %and3A_1632 = arith.andi %gather3A_1629, %and3A_1631 : vector<16xi32>
            %gather3A_1633 = tpu.vector_load_idx %arg4[%and3A_1632] : memref<50192xi32, #tpu.memory_space<vmem>>[vector<16xi32>], vector<16xi32>,
            %and3A_1634 = arith.constant 65535 : i32
            %and3A_1635 = vector.broadcast %and3A_1634 : i32 to vector<16xi32>
            %and3A_1636 = arith.andi %gather3A_1633, %and3A_1635 : vector<16xi32>
            %gather3A_1637 = tpu.vector_load_idx %arg4[%and3A_1636] : memref<50192xi32, #tpu.memory_space<vmem>>[vector<16xi32>], vector<16xi32>,
            %and3A_1638 = arith.constant 65535 : i32
            %and3A_1639 = vector.broadcast %and3A_1638 : i32 to vector<16xi32>
            %and3A_1640 = arith.andi %gather3A_1637, %and3A_1639 : vector<16xi32>
            %gather3A_1641 = tpu.vector_load_idx %arg4[%and3A_1640] : memref<50192xi32, #tpu.memory_space<vmem>>[vector<16xi32>], vector<16xi32>,
            %and3A_1642 = arith.constant 65535 : i32
            %and3A_1643 = vector.broadcast %and3A_1642 : i32 to vector<16xi32>
            %and3A_1644 = arith.andi %gather3A_1641, %and3A_1643 : vector<16xi32>
            %gather3A_1645 = tpu.vector_load_idx %arg4[%and3A_1644] : memref<50192xi32, #tpu.memory_space<vmem>>[vector<16xi32>], vector<16xi32>,
            %and3A_1646 = arith.constant 65535 : i32
            %and3A_1647 = vector.broadcast %and3A_1646 : i32 to vector<16xi32>
            %and3A_1648 = arith.andi %gather3A_1645, %and3A_1647 : vector<16xi32>
            %gather3A_1649 = tpu.vector_load_idx %arg4[%and3A_1648] : memref<50192xi32, #tpu.memory_space<vmem>>[vector<16xi32>], vector<16xi32>,
            %and3A_1650 = arith.constant 65535 : i32
            %and3A_1651 = vector.broadcast %and3A_1650 : i32 to vector<16xi32>
            %and3A_1652 = arith.andi %gather3A_1649, %and3A_1651 : vector<16xi32>
            %gather3A_1653 = tpu.vector_load_idx %arg4[%and3A_1652] : memref<50192xi32, #tpu.memory_space<vmem>>[vector<16xi32>], vector<16xi32>,
            %and3A_1654 = arith.constant 65535 : i32
            %and3A_1655 = vector.broadcast %and3A_1654 : i32 to vector<16xi32>
            %and3A_1656 = arith.andi %gather3A_1653, %and3A_1655 : vector<16xi32>
            %gather3A_1657 = tpu.vector_load_idx %arg4[%and3A_1656] : memref<50192xi32, #tpu.memory_space<vmem>>[vector<16xi32>], vector<16xi32>,
            %and3A_1658 = arith.constant 65535 : i32
            %and3A_1659 = vector.broadcast %and3A_1658 : i32 to vector<16xi32>
            %and3A_1660 = arith.andi %gather3A_1657, %and3A_1659 : vector<16xi32>
            %gather3A_1661 = tpu.vector_load_idx %arg4[%and3A_1660] : memref<50192xi32, #tpu.memory_space<vmem>>[vector<16xi32>], vector<16xi32>,
            %and3A_1662 = arith.constant -65536 : i32
            %and3A_1663 = vector.broadcast %and3A_1662 : i32 to vector<16xi32>
            %and3A_1664 = arith.andi %gather3A_1128, %and3A_1663 : vector<16xi32>
            %and3A_1665 = arith.constant 65535 : i32
            %and3A_1666 = vector.broadcast %and3A_1665 : i32 to vector<16xi32>
            %and3A_1667 = arith.andi %gather3A_1661, %and3A_1666 : vector<16xi32>
            %or3A_1668 = arith.ori %and3A_1664, %and3A_1667 : vector<16xi32>
            %lt3A_1669 = arith.constant 2 : i32
            %lt3A_1670 = vector.broadcast %lt3A_1669 : i32 to vector<16xi32>
            %lt3A_1671 = arith.cmpi slt, %iota3A, %lt3A_1670 : vector<16xi32>
            tpu.vector_store_idx %arg4[%select_n3A_1127], %or3A_1668 masked %lt3A_1671 : memref<50192xi32, #tpu.memory_space<vmem>>[vector<16xi32>], vector<16xi32>, vector<16xi1>
            scf.yield %gather3A_1661 : vector<16xi32>
          }
          %and3A_1152 = arith.constant 65535 : i32
          %and3A_1153 = vector.broadcast %and3A_1152 : i32 to vector<16xi32>
          %and3A_1154 = arith.andi %cond3A_1151, %and3A_1153 : vector<16xi32>
          %shift_right_logical3A_1155 = arith.constant 16 : i32
          %shift_right_logical3A_1156 = vector.broadcast %shift_right_logical3A_1155 : i32 to vector<16xi32>
          %shift_right_logical3A_1157 = arith.shrui %cond3A_1151, %shift_right_logical3A_1156 : vector<16xi32>
          %broadcast_in_dim3A_1158 = vector.shape_cast %broadcast_in_dim3A_11 : vector<16xi32> to vector<16x1xi32>
          %gather3A_1159 = vector.shape_cast %broadcast_in_dim3A_1158 : vector<16x1xi32> to vector<16xi32>
          %gather3A_1160 = tpu.dynamic_gather %and3A_1154[%gather3A_1159] in [0] : vector<16xi32>, vector<16xi32> -> vector<16xi32>
          %broadcast_in_dim3A_1161 = vector.shape_cast %broadcast_in_dim3A_13 : vector<16xi32> to vector<16x1xi32>
          %gather3A_1162 = vector.shape_cast %broadcast_in_dim3A_1161 : vector<16x1xi32> to vector<16xi32>
          %gather3A_1163 = tpu.dynamic_gather %and3A_1154[%gather3A_1162] in [0] : vector<16xi32>, vector<16xi32> -> vector<16xi32>
          %broadcast_in_dim3A_1164 = vector.shape_cast %broadcast_in_dim3A_11 : vector<16xi32> to vector<16x1xi32>
          %gather3A_1165 = vector.shape_cast %broadcast_in_dim3A_1164 : vector<16x1xi32> to vector<16xi32>
          %gather3A_1166 = tpu.dynamic_gather %shift_right_logical3A_1157[%gather3A_1165] in [0] : vector<16xi32>, vector<16xi32> -> vector<16xi32>
          %broadcast_in_dim3A_1167 = vector.shape_cast %broadcast_in_dim3A_13 : vector<16xi32> to vector<16x1xi32>
          %gather3A_1168 = vector.shape_cast %broadcast_in_dim3A_1167 : vector<16x1xi32> to vector<16xi32>
          %gather3A_1169 = tpu.dynamic_gather %shift_right_logical3A_1157[%gather3A_1168] in [0] : vector<16xi32>, vector<16xi32> -> vector<16xi32>
          %ne3A_1170 = arith.cmpi ne, %gather3A_1160, %gather3A_1163 : vector<16xi32>
          %lt3A_1171 = arith.cmpi slt, %gather3A_1166, %gather3A_1169 : vector<16xi32>
          %select_n3A_1172 = arith.select %lt3A_1171, %gather3A_1160, %gather3A_1163 : vector<16xi1>, vector<16xi32>
          %select_n3A_1173 = arith.select %lt3A_1171, %gather3A_1163, %gather3A_1160 : vector<16xi1>, vector<16xi32>
          %select_n3A_1174 = arith.select %lt3A_1171, %gather3A_1166, %gather3A_1169 : vector<16xi1>, vector<16xi32>
          %select_n3A_1175 = arith.select %lt3A_1171, %gather3A_1169, %gather3A_1166 : vector<16xi1>, vector<16xi32>
          %select_n3A_1176 = arith.select %eq3A_5, %select_n3A_1172, %select_n3A_1173 : vector<16xi1>, vector<16xi32>
          %shift_left3A_1177 = arith.constant 16 : i32
          %shift_left3A_1178 = vector.broadcast %shift_left3A_1177 : i32 to vector<16xi32>
          %shift_left3A_1179 = arith.shli %select_n3A_1174, %shift_left3A_1178 : vector<16xi32>
          %or3A_1180 = arith.ori %shift_left3A_1179, %select_n3A_1173 : vector<16xi32>
          %add3A_1181 = arith.constant 1 : i32
          %add3A_1182 = vector.broadcast %add3A_1181 : i32 to vector<16xi32>
          %add3A_1183 = arith.addi %select_n3A_1175, %add3A_1182 : vector<16xi32>
          %shift_left3A_1184 = arith.constant 16 : i32
          %shift_left3A_1185 = vector.broadcast %shift_left3A_1184 : i32 to vector<16xi32>
          %shift_left3A_1186 = arith.shli %add3A_1183, %shift_left3A_1185 : vector<16xi32>
          %or3A_1187 = arith.ori %shift_left3A_1186, %select_n3A_1173 : vector<16xi32>
          %select_n3A_1188 = arith.select %eq3A_5, %or3A_1180, %or3A_1187 : vector<16xi1>, vector<16xi32>
          %eq3A_1189 = arith.constant 1 : i32
          %eq3A_1190 = vector.broadcast %eq3A_1189 : i32 to vector<16xi32>
          %eq3A_1191 = arith.cmpi eq, %iota3A, %eq3A_1190 : vector<16xi32>
          %eq3A_1192 = arith.cmpi eq, %gather3A_1166, %gather3A_1169 : vector<16xi32>
          %and3A_1193 = arith.andi %eq3A_1191, %eq3A_1192 : vector<16xi1>
          %or3A_1194 = arith.ori %eq3A_5, %and3A_1193 : vector<16xi1>
          %and3A_1195 = arith.andi %ne3A_1170, %or3A_1194 : vector<16xi1>
          tpu.vector_store_idx %arg4[%select_n3A_1176], %select_n3A_1188 masked %and3A_1195 : memref<50192xi32, #tpu.memory_space<vmem>>[vector<16xi32>], vector<16xi32>, vector<16xi1>
          %and3A_1196 = arith.constant 8191 : i32
          %and3A_1197 = vector.broadcast %and3A_1196 : i32 to vector<16xi32>
          %and3A_1198 = arith.andi %add3A_1115, %and3A_1197 : vector<16xi32>
          %mul3A_1199 = arith.constant 2 : i32
          %mul3A_1200 = vector.broadcast %mul3A_1199 : i32 to vector<16xi32>
          %mul3A_1201 = arith.muli %mul3A_1200, %and3A_1198 : vector<16xi32>
          %add3A_1202 = arith.addi %mul3A_1201, %iota3A : vector<16xi32>
          %select_n3A_1203 = arith.select %eq3A_5, %shift_right_logical3A_1123, %and3A_1126 : vector<16xi1>, vector<16xi32>
          %lt3A_1204 = arith.constant 2 : i32
          %lt3A_1205 = vector.broadcast %lt3A_1204 : i32 to vector<16xi32>
          %lt3A_1206 = arith.cmpi slt, %iota3A, %lt3A_1205 : vector<16xi32>
          %and3A_1207 = arith.andi %ne3A_1170, %lt3A_1206 : vector<16xi1>
          tpu.vector_store_idx %arg6[%add3A_1202], %select_n3A_1203 masked %and3A_1207 : memref<16400xi32, #tpu.memory_space<vmem>>[vector<16xi32>], vector<16xi32>, vector<16xi1>
          %jit3A_1208 = arith.constant 1 : i32
          %jit3A_1209 = arith.constant 0 : i32
          %broadcast_in_dim3A_1210 = vector.broadcast %jit3A_1208 : i32 to vector<16xi32>
          %broadcast_in_dim3A_1211 = vector.broadcast %jit3A_1209 : i32 to vector<16xi32>
          %select_n3A_1212 = arith.select %ne3A_1170, %broadcast_in_dim3A_1210, %broadcast_in_dim3A_1211 : vector<16xi1>, vector<16xi32>
          %add3A_1213 = arith.addi %add3A_1115, %select_n3A_1212 : vector<16xi32>
          %broadcast_in_dim3A_1214 = arith.constant 12 : i32
          %broadcast_in_dim3A_1215 = vector.broadcast %broadcast_in_dim3A_1214 : i32 to vector<16xi32>
          %broadcast_in_dim3A_1216 = vector.shape_cast %broadcast_in_dim3A_1215 : vector<16xi32> to vector<16x1xi32>
          %gather3A_1217 = vector.shape_cast %broadcast_in_dim3A_1216 : vector<16x1xi32> to vector<16xi32>
          %gather3A_1218 = tpu.dynamic_gather %get3A_43[%gather3A_1217] in [0] : vector<16xi32>, vector<16xi32> -> vector<16xi32>
          %shift_right_logical3A_1219 = arith.constant 16 : i32
          %shift_right_logical3A_1220 = vector.broadcast %shift_right_logical3A_1219 : i32 to vector<16xi32>
          %shift_right_logical3A_1221 = arith.shrui %gather3A_1218, %shift_right_logical3A_1220 : vector<16xi32>
          %and3A_1222 = arith.constant 65535 : i32
          %and3A_1223 = vector.broadcast %and3A_1222 : i32 to vector<16xi32>
          %and3A_1224 = arith.andi %gather3A_1218, %and3A_1223 : vector<16xi32>
          %select_n3A_1225 = arith.select %eq3A_5, %shift_right_logical3A_1221, %and3A_1224 : vector<16xi1>, vector<16xi32>
          %gather3A_1226 = tpu.vector_load_idx %arg4[%select_n3A_1225] : memref<50192xi32, #tpu.memory_space<vmem>>[vector<16xi32>], vector<16xi32>,
          %and3A_1227 = arith.constant 65535 : i32
          %and3A_1228 = vector.broadcast %and3A_1227 : i32 to vector<16xi32>
          %and3A_1229 = arith.andi %gather3A_1226, %and3A_1228 : vector<16xi32>
          %gather3A_1230 = tpu.vector_load_idx %arg4[%and3A_1229] : memref<50192xi32, #tpu.memory_space<vmem>>[vector<16xi32>], vector<16xi32>,
          %and3A_1231 = arith.constant 65535 : i32
          %and3A_1232 = vector.broadcast %and3A_1231 : i32 to vector<16xi32>
          %and3A_1233 = arith.andi %gather3A_1230, %and3A_1232 : vector<16xi32>
          %eq3A_1234 = arith.cmpi eq, %and3A_1233, %and3A_1229 : vector<16xi32>
          %reduce_and3A_1235 = arith.constant 1.000000e+00 : f32
          %reduce_and3A_1236 = arith.constant 0.000000e+00 : f32
          %reduce_and3A_1237 = vector.broadcast %reduce_and3A_1235 : f32 to vector<16xf32>
          %reduce_and3A_1238 = vector.broadcast %reduce_and3A_1236 : f32 to vector<16xf32>
          %reduce_and3A_1239 = arith.select %eq3A_1234, %reduce_and3A_1237, %reduce_and3A_1238 : vector<16xi1>, vector<16xf32>
          %reduce_and3A_1240 = arith.constant true
          %reduce_and3A_1241 = vector.broadcast %reduce_and3A_1240 : i1 to vector<16xi1>
          %reduce_and3A_1242 = tpu.scan <min>, %reduce_and3A_1239 masked %reduce_and3A_1241 : vector<16xf32>, vector<16xi1> -> vector<16xf32>
          %reduce_and3A_1243 = vector.extract %reduce_and3A_1242[15] : f32 from vector<16xf32>
          %reduce_and3A_1244 = arith.constant 0.000000e+00 : f32
          %reduce_and3A_1245 = arith.cmpf ogt, %reduce_and3A_1243, %reduce_and3A_1244 : f32
          %convert_element_type3A_1246 = arith.extui %reduce_and3A_1245 : i1 to i32
          %cond3A_1247 = arith.constant 0 : i32
          %cond3A_1248 = arith.cmpi ne, %convert_element_type3A_1246, %cond3A_1247 : i32
          %cond3A_1249 = scf.if %cond3A_1248 -> (vector<16xi32>) {
            scf.yield %gather3A_1230 : vector<16xi32>
          } else {
            %and3A_1606 = arith.constant 65535 : i32
            %and3A_1607 = vector.broadcast %and3A_1606 : i32 to vector<16xi32>
            %and3A_1608 = arith.andi %gather3A_1230, %and3A_1607 : vector<16xi32>
            %gather3A_1609 = tpu.vector_load_idx %arg4[%and3A_1608] : memref<50192xi32, #tpu.memory_space<vmem>>[vector<16xi32>], vector<16xi32>,
            %and3A_1610 = arith.constant 65535 : i32
            %and3A_1611 = vector.broadcast %and3A_1610 : i32 to vector<16xi32>
            %and3A_1612 = arith.andi %gather3A_1609, %and3A_1611 : vector<16xi32>
            %gather3A_1613 = tpu.vector_load_idx %arg4[%and3A_1612] : memref<50192xi32, #tpu.memory_space<vmem>>[vector<16xi32>], vector<16xi32>,
            %and3A_1614 = arith.constant 65535 : i32
            %and3A_1615 = vector.broadcast %and3A_1614 : i32 to vector<16xi32>
            %and3A_1616 = arith.andi %gather3A_1613, %and3A_1615 : vector<16xi32>
            %gather3A_1617 = tpu.vector_load_idx %arg4[%and3A_1616] : memref<50192xi32, #tpu.memory_space<vmem>>[vector<16xi32>], vector<16xi32>,
            %and3A_1618 = arith.constant 65535 : i32
            %and3A_1619 = vector.broadcast %and3A_1618 : i32 to vector<16xi32>
            %and3A_1620 = arith.andi %gather3A_1617, %and3A_1619 : vector<16xi32>
            %gather3A_1621 = tpu.vector_load_idx %arg4[%and3A_1620] : memref<50192xi32, #tpu.memory_space<vmem>>[vector<16xi32>], vector<16xi32>,
            %and3A_1622 = arith.constant 65535 : i32
            %and3A_1623 = vector.broadcast %and3A_1622 : i32 to vector<16xi32>
            %and3A_1624 = arith.andi %gather3A_1621, %and3A_1623 : vector<16xi32>
            %gather3A_1625 = tpu.vector_load_idx %arg4[%and3A_1624] : memref<50192xi32, #tpu.memory_space<vmem>>[vector<16xi32>], vector<16xi32>,
            %and3A_1626 = arith.constant 65535 : i32
            %and3A_1627 = vector.broadcast %and3A_1626 : i32 to vector<16xi32>
            %and3A_1628 = arith.andi %gather3A_1625, %and3A_1627 : vector<16xi32>
            %gather3A_1629 = tpu.vector_load_idx %arg4[%and3A_1628] : memref<50192xi32, #tpu.memory_space<vmem>>[vector<16xi32>], vector<16xi32>,
            %and3A_1630 = arith.constant 65535 : i32
            %and3A_1631 = vector.broadcast %and3A_1630 : i32 to vector<16xi32>
            %and3A_1632 = arith.andi %gather3A_1629, %and3A_1631 : vector<16xi32>
            %gather3A_1633 = tpu.vector_load_idx %arg4[%and3A_1632] : memref<50192xi32, #tpu.memory_space<vmem>>[vector<16xi32>], vector<16xi32>,
            %and3A_1634 = arith.constant 65535 : i32
            %and3A_1635 = vector.broadcast %and3A_1634 : i32 to vector<16xi32>
            %and3A_1636 = arith.andi %gather3A_1633, %and3A_1635 : vector<16xi32>
            %gather3A_1637 = tpu.vector_load_idx %arg4[%and3A_1636] : memref<50192xi32, #tpu.memory_space<vmem>>[vector<16xi32>], vector<16xi32>,
            %and3A_1638 = arith.constant 65535 : i32
            %and3A_1639 = vector.broadcast %and3A_1638 : i32 to vector<16xi32>
            %and3A_1640 = arith.andi %gather3A_1637, %and3A_1639 : vector<16xi32>
            %gather3A_1641 = tpu.vector_load_idx %arg4[%and3A_1640] : memref<50192xi32, #tpu.memory_space<vmem>>[vector<16xi32>], vector<16xi32>,
            %and3A_1642 = arith.constant 65535 : i32
            %and3A_1643 = vector.broadcast %and3A_1642 : i32 to vector<16xi32>
            %and3A_1644 = arith.andi %gather3A_1641, %and3A_1643 : vector<16xi32>
            %gather3A_1645 = tpu.vector_load_idx %arg4[%and3A_1644] : memref<50192xi32, #tpu.memory_space<vmem>>[vector<16xi32>], vector<16xi32>,
            %and3A_1646 = arith.constant 65535 : i32
            %and3A_1647 = vector.broadcast %and3A_1646 : i32 to vector<16xi32>
            %and3A_1648 = arith.andi %gather3A_1645, %and3A_1647 : vector<16xi32>
            %gather3A_1649 = tpu.vector_load_idx %arg4[%and3A_1648] : memref<50192xi32, #tpu.memory_space<vmem>>[vector<16xi32>], vector<16xi32>,
            %and3A_1650 = arith.constant 65535 : i32
            %and3A_1651 = vector.broadcast %and3A_1650 : i32 to vector<16xi32>
            %and3A_1652 = arith.andi %gather3A_1649, %and3A_1651 : vector<16xi32>
            %gather3A_1653 = tpu.vector_load_idx %arg4[%and3A_1652] : memref<50192xi32, #tpu.memory_space<vmem>>[vector<16xi32>], vector<16xi32>,
            %and3A_1654 = arith.constant 65535 : i32
            %and3A_1655 = vector.broadcast %and3A_1654 : i32 to vector<16xi32>
            %and3A_1656 = arith.andi %gather3A_1653, %and3A_1655 : vector<16xi32>
            %gather3A_1657 = tpu.vector_load_idx %arg4[%and3A_1656] : memref<50192xi32, #tpu.memory_space<vmem>>[vector<16xi32>], vector<16xi32>,
            %and3A_1658 = arith.constant 65535 : i32
            %and3A_1659 = vector.broadcast %and3A_1658 : i32 to vector<16xi32>
            %and3A_1660 = arith.andi %gather3A_1657, %and3A_1659 : vector<16xi32>
            %gather3A_1661 = tpu.vector_load_idx %arg4[%and3A_1660] : memref<50192xi32, #tpu.memory_space<vmem>>[vector<16xi32>], vector<16xi32>,
            %and3A_1662 = arith.constant -65536 : i32
            %and3A_1663 = vector.broadcast %and3A_1662 : i32 to vector<16xi32>
            %and3A_1664 = arith.andi %gather3A_1226, %and3A_1663 : vector<16xi32>
            %and3A_1665 = arith.constant 65535 : i32
            %and3A_1666 = vector.broadcast %and3A_1665 : i32 to vector<16xi32>
            %and3A_1667 = arith.andi %gather3A_1661, %and3A_1666 : vector<16xi32>
            %or3A_1668 = arith.ori %and3A_1664, %and3A_1667 : vector<16xi32>
            %lt3A_1669 = arith.constant 2 : i32
            %lt3A_1670 = vector.broadcast %lt3A_1669 : i32 to vector<16xi32>
            %lt3A_1671 = arith.cmpi slt, %iota3A, %lt3A_1670 : vector<16xi32>
            tpu.vector_store_idx %arg4[%select_n3A_1225], %or3A_1668 masked %lt3A_1671 : memref<50192xi32, #tpu.memory_space<vmem>>[vector<16xi32>], vector<16xi32>, vector<16xi1>
            scf.yield %gather3A_1661 : vector<16xi32>
          }
          %and3A_1250 = arith.constant 65535 : i32
          %and3A_1251 = vector.broadcast %and3A_1250 : i32 to vector<16xi32>
          %and3A_1252 = arith.andi %cond3A_1249, %and3A_1251 : vector<16xi32>
          %shift_right_logical3A_1253 = arith.constant 16 : i32
          %shift_right_logical3A_1254 = vector.broadcast %shift_right_logical3A_1253 : i32 to vector<16xi32>
          %shift_right_logical3A_1255 = arith.shrui %cond3A_1249, %shift_right_logical3A_1254 : vector<16xi32>
          %broadcast_in_dim3A_1256 = vector.shape_cast %broadcast_in_dim3A_11 : vector<16xi32> to vector<16x1xi32>
          %gather3A_1257 = vector.shape_cast %broadcast_in_dim3A_1256 : vector<16x1xi32> to vector<16xi32>
          %gather3A_1258 = tpu.dynamic_gather %and3A_1252[%gather3A_1257] in [0] : vector<16xi32>, vector<16xi32> -> vector<16xi32>
          %broadcast_in_dim3A_1259 = vector.shape_cast %broadcast_in_dim3A_13 : vector<16xi32> to vector<16x1xi32>
          %gather3A_1260 = vector.shape_cast %broadcast_in_dim3A_1259 : vector<16x1xi32> to vector<16xi32>
          %gather3A_1261 = tpu.dynamic_gather %and3A_1252[%gather3A_1260] in [0] : vector<16xi32>, vector<16xi32> -> vector<16xi32>
          %broadcast_in_dim3A_1262 = vector.shape_cast %broadcast_in_dim3A_11 : vector<16xi32> to vector<16x1xi32>
          %gather3A_1263 = vector.shape_cast %broadcast_in_dim3A_1262 : vector<16x1xi32> to vector<16xi32>
          %gather3A_1264 = tpu.dynamic_gather %shift_right_logical3A_1255[%gather3A_1263] in [0] : vector<16xi32>, vector<16xi32> -> vector<16xi32>
          %broadcast_in_dim3A_1265 = vector.shape_cast %broadcast_in_dim3A_13 : vector<16xi32> to vector<16x1xi32>
          %gather3A_1266 = vector.shape_cast %broadcast_in_dim3A_1265 : vector<16x1xi32> to vector<16xi32>
          %gather3A_1267 = tpu.dynamic_gather %shift_right_logical3A_1255[%gather3A_1266] in [0] : vector<16xi32>, vector<16xi32> -> vector<16xi32>
          %ne3A_1268 = arith.cmpi ne, %gather3A_1258, %gather3A_1261 : vector<16xi32>
          %lt3A_1269 = arith.cmpi slt, %gather3A_1264, %gather3A_1267 : vector<16xi32>
          %select_n3A_1270 = arith.select %lt3A_1269, %gather3A_1258, %gather3A_1261 : vector<16xi1>, vector<16xi32>
          %select_n3A_1271 = arith.select %lt3A_1269, %gather3A_1261, %gather3A_1258 : vector<16xi1>, vector<16xi32>
          %select_n3A_1272 = arith.select %lt3A_1269, %gather3A_1264, %gather3A_1267 : vector<16xi1>, vector<16xi32>
          %select_n3A_1273 = arith.select %lt3A_1269, %gather3A_1267, %gather3A_1264 : vector<16xi1>, vector<16xi32>
          %select_n3A_1274 = arith.select %eq3A_5, %select_n3A_1270, %select_n3A_1271 : vector<16xi1>, vector<16xi32>
          %shift_left3A_1275 = arith.constant 16 : i32
          %shift_left3A_1276 = vector.broadcast %shift_left3A_1275 : i32 to vector<16xi32>
          %shift_left3A_1277 = arith.shli %select_n3A_1272, %shift_left3A_1276 : vector<16xi32>
          %or3A_1278 = arith.ori %shift_left3A_1277, %select_n3A_1271 : vector<16xi32>
          %add3A_1279 = arith.constant 1 : i32
          %add3A_1280 = vector.broadcast %add3A_1279 : i32 to vector<16xi32>
          %add3A_1281 = arith.addi %select_n3A_1273, %add3A_1280 : vector<16xi32>
          %shift_left3A_1282 = arith.constant 16 : i32
          %shift_left3A_1283 = vector.broadcast %shift_left3A_1282 : i32 to vector<16xi32>
          %shift_left3A_1284 = arith.shli %add3A_1281, %shift_left3A_1283 : vector<16xi32>
          %or3A_1285 = arith.ori %shift_left3A_1284, %select_n3A_1271 : vector<16xi32>
          %select_n3A_1286 = arith.select %eq3A_5, %or3A_1278, %or3A_1285 : vector<16xi1>, vector<16xi32>
          %eq3A_1287 = arith.constant 1 : i32
          %eq3A_1288 = vector.broadcast %eq3A_1287 : i32 to vector<16xi32>
          %eq3A_1289 = arith.cmpi eq, %iota3A, %eq3A_1288 : vector<16xi32>
          %eq3A_1290 = arith.cmpi eq, %gather3A_1264, %gather3A_1267 : vector<16xi32>
          %and3A_1291 = arith.andi %eq3A_1289, %eq3A_1290 : vector<16xi1>
          %or3A_1292 = arith.ori %eq3A_5, %and3A_1291 : vector<16xi1>
          %and3A_1293 = arith.andi %ne3A_1268, %or3A_1292 : vector<16xi1>
          tpu.vector_store_idx %arg4[%select_n3A_1274], %select_n3A_1286 masked %and3A_1293 : memref<50192xi32, #tpu.memory_space<vmem>>[vector<16xi32>], vector<16xi32>, vector<16xi1>
          %and3A_1294 = arith.constant 8191 : i32
          %and3A_1295 = vector.broadcast %and3A_1294 : i32 to vector<16xi32>
          %and3A_1296 = arith.andi %add3A_1213, %and3A_1295 : vector<16xi32>
          %mul3A_1297 = arith.constant 2 : i32
          %mul3A_1298 = vector.broadcast %mul3A_1297 : i32 to vector<16xi32>
          %mul3A_1299 = arith.muli %mul3A_1298, %and3A_1296 : vector<16xi32>
          %add3A_1300 = arith.addi %mul3A_1299, %iota3A : vector<16xi32>
          %select_n3A_1301 = arith.select %eq3A_5, %shift_right_logical3A_1221, %and3A_1224 : vector<16xi1>, vector<16xi32>
          %lt3A_1302 = arith.constant 2 : i32
          %lt3A_1303 = vector.broadcast %lt3A_1302 : i32 to vector<16xi32>
          %lt3A_1304 = arith.cmpi slt, %iota3A, %lt3A_1303 : vector<16xi32>
          %and3A_1305 = arith.andi %ne3A_1268, %lt3A_1304 : vector<16xi1>
          tpu.vector_store_idx %arg6[%add3A_1300], %select_n3A_1301 masked %and3A_1305 : memref<16400xi32, #tpu.memory_space<vmem>>[vector<16xi32>], vector<16xi32>, vector<16xi1>
          %jit3A_1306 = arith.constant 1 : i32
          %jit3A_1307 = arith.constant 0 : i32
          %broadcast_in_dim3A_1308 = vector.broadcast %jit3A_1306 : i32 to vector<16xi32>
          %broadcast_in_dim3A_1309 = vector.broadcast %jit3A_1307 : i32 to vector<16xi32>
          %select_n3A_1310 = arith.select %ne3A_1268, %broadcast_in_dim3A_1308, %broadcast_in_dim3A_1309 : vector<16xi1>, vector<16xi32>
          %add3A_1311 = arith.addi %add3A_1213, %select_n3A_1310 : vector<16xi32>
          %broadcast_in_dim3A_1312 = arith.constant 13 : i32
          %broadcast_in_dim3A_1313 = vector.broadcast %broadcast_in_dim3A_1312 : i32 to vector<16xi32>
          %broadcast_in_dim3A_1314 = vector.shape_cast %broadcast_in_dim3A_1313 : vector<16xi32> to vector<16x1xi32>
          %gather3A_1315 = vector.shape_cast %broadcast_in_dim3A_1314 : vector<16x1xi32> to vector<16xi32>
          %gather3A_1316 = tpu.dynamic_gather %get3A_43[%gather3A_1315] in [0] : vector<16xi32>, vector<16xi32> -> vector<16xi32>
          %shift_right_logical3A_1317 = arith.constant 16 : i32
          %shift_right_logical3A_1318 = vector.broadcast %shift_right_logical3A_1317 : i32 to vector<16xi32>
          %shift_right_logical3A_1319 = arith.shrui %gather3A_1316, %shift_right_logical3A_1318 : vector<16xi32>
          %and3A_1320 = arith.constant 65535 : i32
          %and3A_1321 = vector.broadcast %and3A_1320 : i32 to vector<16xi32>
          %and3A_1322 = arith.andi %gather3A_1316, %and3A_1321 : vector<16xi32>
          %select_n3A_1323 = arith.select %eq3A_5, %shift_right_logical3A_1319, %and3A_1322 : vector<16xi1>, vector<16xi32>
          %gather3A_1324 = tpu.vector_load_idx %arg4[%select_n3A_1323] : memref<50192xi32, #tpu.memory_space<vmem>>[vector<16xi32>], vector<16xi32>,
          %and3A_1325 = arith.constant 65535 : i32
          %and3A_1326 = vector.broadcast %and3A_1325 : i32 to vector<16xi32>
          %and3A_1327 = arith.andi %gather3A_1324, %and3A_1326 : vector<16xi32>
          %gather3A_1328 = tpu.vector_load_idx %arg4[%and3A_1327] : memref<50192xi32, #tpu.memory_space<vmem>>[vector<16xi32>], vector<16xi32>,
          %and3A_1329 = arith.constant 65535 : i32
          %and3A_1330 = vector.broadcast %and3A_1329 : i32 to vector<16xi32>
          %and3A_1331 = arith.andi %gather3A_1328, %and3A_1330 : vector<16xi32>
          %eq3A_1332 = arith.cmpi eq, %and3A_1331, %and3A_1327 : vector<16xi32>
          %reduce_and3A_1333 = arith.constant 1.000000e+00 : f32
          %reduce_and3A_1334 = arith.constant 0.000000e+00 : f32
          %reduce_and3A_1335 = vector.broadcast %reduce_and3A_1333 : f32 to vector<16xf32>
          %reduce_and3A_1336 = vector.broadcast %reduce_and3A_1334 : f32 to vector<16xf32>
          %reduce_and3A_1337 = arith.select %eq3A_1332, %reduce_and3A_1335, %reduce_and3A_1336 : vector<16xi1>, vector<16xf32>
          %reduce_and3A_1338 = arith.constant true
          %reduce_and3A_1339 = vector.broadcast %reduce_and3A_1338 : i1 to vector<16xi1>
          %reduce_and3A_1340 = tpu.scan <min>, %reduce_and3A_1337 masked %reduce_and3A_1339 : vector<16xf32>, vector<16xi1> -> vector<16xf32>
          %reduce_and3A_1341 = vector.extract %reduce_and3A_1340[15] : f32 from vector<16xf32>
          %reduce_and3A_1342 = arith.constant 0.000000e+00 : f32
          %reduce_and3A_1343 = arith.cmpf ogt, %reduce_and3A_1341, %reduce_and3A_1342 : f32
          %convert_element_type3A_1344 = arith.extui %reduce_and3A_1343 : i1 to i32
          %cond3A_1345 = arith.constant 0 : i32
          %cond3A_1346 = arith.cmpi ne, %convert_element_type3A_1344, %cond3A_1345 : i32
          %cond3A_1347 = scf.if %cond3A_1346 -> (vector<16xi32>) {
            scf.yield %gather3A_1328 : vector<16xi32>
          } else {
            %and3A_1606 = arith.constant 65535 : i32
            %and3A_1607 = vector.broadcast %and3A_1606 : i32 to vector<16xi32>
            %and3A_1608 = arith.andi %gather3A_1328, %and3A_1607 : vector<16xi32>
            %gather3A_1609 = tpu.vector_load_idx %arg4[%and3A_1608] : memref<50192xi32, #tpu.memory_space<vmem>>[vector<16xi32>], vector<16xi32>,
            %and3A_1610 = arith.constant 65535 : i32
            %and3A_1611 = vector.broadcast %and3A_1610 : i32 to vector<16xi32>
            %and3A_1612 = arith.andi %gather3A_1609, %and3A_1611 : vector<16xi32>
            %gather3A_1613 = tpu.vector_load_idx %arg4[%and3A_1612] : memref<50192xi32, #tpu.memory_space<vmem>>[vector<16xi32>], vector<16xi32>,
            %and3A_1614 = arith.constant 65535 : i32
            %and3A_1615 = vector.broadcast %and3A_1614 : i32 to vector<16xi32>
            %and3A_1616 = arith.andi %gather3A_1613, %and3A_1615 : vector<16xi32>
            %gather3A_1617 = tpu.vector_load_idx %arg4[%and3A_1616] : memref<50192xi32, #tpu.memory_space<vmem>>[vector<16xi32>], vector<16xi32>,
            %and3A_1618 = arith.constant 65535 : i32
            %and3A_1619 = vector.broadcast %and3A_1618 : i32 to vector<16xi32>
            %and3A_1620 = arith.andi %gather3A_1617, %and3A_1619 : vector<16xi32>
            %gather3A_1621 = tpu.vector_load_idx %arg4[%and3A_1620] : memref<50192xi32, #tpu.memory_space<vmem>>[vector<16xi32>], vector<16xi32>,
            %and3A_1622 = arith.constant 65535 : i32
            %and3A_1623 = vector.broadcast %and3A_1622 : i32 to vector<16xi32>
            %and3A_1624 = arith.andi %gather3A_1621, %and3A_1623 : vector<16xi32>
            %gather3A_1625 = tpu.vector_load_idx %arg4[%and3A_1624] : memref<50192xi32, #tpu.memory_space<vmem>>[vector<16xi32>], vector<16xi32>,
            %and3A_1626 = arith.constant 65535 : i32
            %and3A_1627 = vector.broadcast %and3A_1626 : i32 to vector<16xi32>
            %and3A_1628 = arith.andi %gather3A_1625, %and3A_1627 : vector<16xi32>
            %gather3A_1629 = tpu.vector_load_idx %arg4[%and3A_1628] : memref<50192xi32, #tpu.memory_space<vmem>>[vector<16xi32>], vector<16xi32>,
            %and3A_1630 = arith.constant 65535 : i32
            %and3A_1631 = vector.broadcast %and3A_1630 : i32 to vector<16xi32>
            %and3A_1632 = arith.andi %gather3A_1629, %and3A_1631 : vector<16xi32>
            %gather3A_1633 = tpu.vector_load_idx %arg4[%and3A_1632] : memref<50192xi32, #tpu.memory_space<vmem>>[vector<16xi32>], vector<16xi32>,
            %and3A_1634 = arith.constant 65535 : i32
            %and3A_1635 = vector.broadcast %and3A_1634 : i32 to vector<16xi32>
            %and3A_1636 = arith.andi %gather3A_1633, %and3A_1635 : vector<16xi32>
            %gather3A_1637 = tpu.vector_load_idx %arg4[%and3A_1636] : memref<50192xi32, #tpu.memory_space<vmem>>[vector<16xi32>], vector<16xi32>,
            %and3A_1638 = arith.constant 65535 : i32
            %and3A_1639 = vector.broadcast %and3A_1638 : i32 to vector<16xi32>
            %and3A_1640 = arith.andi %gather3A_1637, %and3A_1639 : vector<16xi32>
            %gather3A_1641 = tpu.vector_load_idx %arg4[%and3A_1640] : memref<50192xi32, #tpu.memory_space<vmem>>[vector<16xi32>], vector<16xi32>,
            %and3A_1642 = arith.constant 65535 : i32
            %and3A_1643 = vector.broadcast %and3A_1642 : i32 to vector<16xi32>
            %and3A_1644 = arith.andi %gather3A_1641, %and3A_1643 : vector<16xi32>
            %gather3A_1645 = tpu.vector_load_idx %arg4[%and3A_1644] : memref<50192xi32, #tpu.memory_space<vmem>>[vector<16xi32>], vector<16xi32>,
            %and3A_1646 = arith.constant 65535 : i32
            %and3A_1647 = vector.broadcast %and3A_1646 : i32 to vector<16xi32>
            %and3A_1648 = arith.andi %gather3A_1645, %and3A_1647 : vector<16xi32>
            %gather3A_1649 = tpu.vector_load_idx %arg4[%and3A_1648] : memref<50192xi32, #tpu.memory_space<vmem>>[vector<16xi32>], vector<16xi32>,
            %and3A_1650 = arith.constant 65535 : i32
            %and3A_1651 = vector.broadcast %and3A_1650 : i32 to vector<16xi32>
            %and3A_1652 = arith.andi %gather3A_1649, %and3A_1651 : vector<16xi32>
            %gather3A_1653 = tpu.vector_load_idx %arg4[%and3A_1652] : memref<50192xi32, #tpu.memory_space<vmem>>[vector<16xi32>], vector<16xi32>,
            %and3A_1654 = arith.constant 65535 : i32
            %and3A_1655 = vector.broadcast %and3A_1654 : i32 to vector<16xi32>
            %and3A_1656 = arith.andi %gather3A_1653, %and3A_1655 : vector<16xi32>
            %gather3A_1657 = tpu.vector_load_idx %arg4[%and3A_1656] : memref<50192xi32, #tpu.memory_space<vmem>>[vector<16xi32>], vector<16xi32>,
            %and3A_1658 = arith.constant 65535 : i32
            %and3A_1659 = vector.broadcast %and3A_1658 : i32 to vector<16xi32>
            %and3A_1660 = arith.andi %gather3A_1657, %and3A_1659 : vector<16xi32>
            %gather3A_1661 = tpu.vector_load_idx %arg4[%and3A_1660] : memref<50192xi32, #tpu.memory_space<vmem>>[vector<16xi32>], vector<16xi32>,
            %and3A_1662 = arith.constant -65536 : i32
            %and3A_1663 = vector.broadcast %and3A_1662 : i32 to vector<16xi32>
            %and3A_1664 = arith.andi %gather3A_1324, %and3A_1663 : vector<16xi32>
            %and3A_1665 = arith.constant 65535 : i32
            %and3A_1666 = vector.broadcast %and3A_1665 : i32 to vector<16xi32>
            %and3A_1667 = arith.andi %gather3A_1661, %and3A_1666 : vector<16xi32>
            %or3A_1668 = arith.ori %and3A_1664, %and3A_1667 : vector<16xi32>
            %lt3A_1669 = arith.constant 2 : i32
            %lt3A_1670 = vector.broadcast %lt3A_1669 : i32 to vector<16xi32>
            %lt3A_1671 = arith.cmpi slt, %iota3A, %lt3A_1670 : vector<16xi32>
            tpu.vector_store_idx %arg4[%select_n3A_1323], %or3A_1668 masked %lt3A_1671 : memref<50192xi32, #tpu.memory_space<vmem>>[vector<16xi32>], vector<16xi32>, vector<16xi1>
            scf.yield %gather3A_1661 : vector<16xi32>
          }
          %and3A_1348 = arith.constant 65535 : i32
          %and3A_1349 = vector.broadcast %and3A_1348 : i32 to vector<16xi32>
          %and3A_1350 = arith.andi %cond3A_1347, %and3A_1349 : vector<16xi32>
          %shift_right_logical3A_1351 = arith.constant 16 : i32
          %shift_right_logical3A_1352 = vector.broadcast %shift_right_logical3A_1351 : i32 to vector<16xi32>
          %shift_right_logical3A_1353 = arith.shrui %cond3A_1347, %shift_right_logical3A_1352 : vector<16xi32>
          %broadcast_in_dim3A_1354 = vector.shape_cast %broadcast_in_dim3A_11 : vector<16xi32> to vector<16x1xi32>
          %gather3A_1355 = vector.shape_cast %broadcast_in_dim3A_1354 : vector<16x1xi32> to vector<16xi32>
          %gather3A_1356 = tpu.dynamic_gather %and3A_1350[%gather3A_1355] in [0] : vector<16xi32>, vector<16xi32> -> vector<16xi32>
          %broadcast_in_dim3A_1357 = vector.shape_cast %broadcast_in_dim3A_13 : vector<16xi32> to vector<16x1xi32>
          %gather3A_1358 = vector.shape_cast %broadcast_in_dim3A_1357 : vector<16x1xi32> to vector<16xi32>
          %gather3A_1359 = tpu.dynamic_gather %and3A_1350[%gather3A_1358] in [0] : vector<16xi32>, vector<16xi32> -> vector<16xi32>
          %broadcast_in_dim3A_1360 = vector.shape_cast %broadcast_in_dim3A_11 : vector<16xi32> to vector<16x1xi32>
          %gather3A_1361 = vector.shape_cast %broadcast_in_dim3A_1360 : vector<16x1xi32> to vector<16xi32>
          %gather3A_1362 = tpu.dynamic_gather %shift_right_logical3A_1353[%gather3A_1361] in [0] : vector<16xi32>, vector<16xi32> -> vector<16xi32>
          %broadcast_in_dim3A_1363 = vector.shape_cast %broadcast_in_dim3A_13 : vector<16xi32> to vector<16x1xi32>
          %gather3A_1364 = vector.shape_cast %broadcast_in_dim3A_1363 : vector<16x1xi32> to vector<16xi32>
          %gather3A_1365 = tpu.dynamic_gather %shift_right_logical3A_1353[%gather3A_1364] in [0] : vector<16xi32>, vector<16xi32> -> vector<16xi32>
          %ne3A_1366 = arith.cmpi ne, %gather3A_1356, %gather3A_1359 : vector<16xi32>
          %lt3A_1367 = arith.cmpi slt, %gather3A_1362, %gather3A_1365 : vector<16xi32>
          %select_n3A_1368 = arith.select %lt3A_1367, %gather3A_1356, %gather3A_1359 : vector<16xi1>, vector<16xi32>
          %select_n3A_1369 = arith.select %lt3A_1367, %gather3A_1359, %gather3A_1356 : vector<16xi1>, vector<16xi32>
          %select_n3A_1370 = arith.select %lt3A_1367, %gather3A_1362, %gather3A_1365 : vector<16xi1>, vector<16xi32>
          %select_n3A_1371 = arith.select %lt3A_1367, %gather3A_1365, %gather3A_1362 : vector<16xi1>, vector<16xi32>
          %select_n3A_1372 = arith.select %eq3A_5, %select_n3A_1368, %select_n3A_1369 : vector<16xi1>, vector<16xi32>
          %shift_left3A_1373 = arith.constant 16 : i32
          %shift_left3A_1374 = vector.broadcast %shift_left3A_1373 : i32 to vector<16xi32>
          %shift_left3A_1375 = arith.shli %select_n3A_1370, %shift_left3A_1374 : vector<16xi32>
          %or3A_1376 = arith.ori %shift_left3A_1375, %select_n3A_1369 : vector<16xi32>
          %add3A_1377 = arith.constant 1 : i32
          %add3A_1378 = vector.broadcast %add3A_1377 : i32 to vector<16xi32>
          %add3A_1379 = arith.addi %select_n3A_1371, %add3A_1378 : vector<16xi32>
          %shift_left3A_1380 = arith.constant 16 : i32
          %shift_left3A_1381 = vector.broadcast %shift_left3A_1380 : i32 to vector<16xi32>
          %shift_left3A_1382 = arith.shli %add3A_1379, %shift_left3A_1381 : vector<16xi32>
          %or3A_1383 = arith.ori %shift_left3A_1382, %select_n3A_1369 : vector<16xi32>
          %select_n3A_1384 = arith.select %eq3A_5, %or3A_1376, %or3A_1383 : vector<16xi1>, vector<16xi32>
          %eq3A_1385 = arith.constant 1 : i32
          %eq3A_1386 = vector.broadcast %eq3A_1385 : i32 to vector<16xi32>
          %eq3A_1387 = arith.cmpi eq, %iota3A, %eq3A_1386 : vector<16xi32>
          %eq3A_1388 = arith.cmpi eq, %gather3A_1362, %gather3A_1365 : vector<16xi32>
          %and3A_1389 = arith.andi %eq3A_1387, %eq3A_1388 : vector<16xi1>
          %or3A_1390 = arith.ori %eq3A_5, %and3A_1389 : vector<16xi1>
          %and3A_1391 = arith.andi %ne3A_1366, %or3A_1390 : vector<16xi1>
          tpu.vector_store_idx %arg4[%select_n3A_1372], %select_n3A_1384 masked %and3A_1391 : memref<50192xi32, #tpu.memory_space<vmem>>[vector<16xi32>], vector<16xi32>, vector<16xi1>
          %and3A_1392 = arith.constant 8191 : i32
          %and3A_1393 = vector.broadcast %and3A_1392 : i32 to vector<16xi32>
          %and3A_1394 = arith.andi %add3A_1311, %and3A_1393 : vector<16xi32>
          %mul3A_1395 = arith.constant 2 : i32
          %mul3A_1396 = vector.broadcast %mul3A_1395 : i32 to vector<16xi32>
          %mul3A_1397 = arith.muli %mul3A_1396, %and3A_1394 : vector<16xi32>
          %add3A_1398 = arith.addi %mul3A_1397, %iota3A : vector<16xi32>
          %select_n3A_1399 = arith.select %eq3A_5, %shift_right_logical3A_1319, %and3A_1322 : vector<16xi1>, vector<16xi32>
          %lt3A_1400 = arith.constant 2 : i32
          %lt3A_1401 = vector.broadcast %lt3A_1400 : i32 to vector<16xi32>
          %lt3A_1402 = arith.cmpi slt, %iota3A, %lt3A_1401 : vector<16xi32>
          %and3A_1403 = arith.andi %ne3A_1366, %lt3A_1402 : vector<16xi1>
          tpu.vector_store_idx %arg6[%add3A_1398], %select_n3A_1399 masked %and3A_1403 : memref<16400xi32, #tpu.memory_space<vmem>>[vector<16xi32>], vector<16xi32>, vector<16xi1>
          %jit3A_1404 = arith.constant 1 : i32
          %jit3A_1405 = arith.constant 0 : i32
          %broadcast_in_dim3A_1406 = vector.broadcast %jit3A_1404 : i32 to vector<16xi32>
          %broadcast_in_dim3A_1407 = vector.broadcast %jit3A_1405 : i32 to vector<16xi32>
          %select_n3A_1408 = arith.select %ne3A_1366, %broadcast_in_dim3A_1406, %broadcast_in_dim3A_1407 : vector<16xi1>, vector<16xi32>
          %add3A_1409 = arith.addi %add3A_1311, %select_n3A_1408 : vector<16xi32>
          %broadcast_in_dim3A_1410 = arith.constant 14 : i32
          %broadcast_in_dim3A_1411 = vector.broadcast %broadcast_in_dim3A_1410 : i32 to vector<16xi32>
          %broadcast_in_dim3A_1412 = vector.shape_cast %broadcast_in_dim3A_1411 : vector<16xi32> to vector<16x1xi32>
          %gather3A_1413 = vector.shape_cast %broadcast_in_dim3A_1412 : vector<16x1xi32> to vector<16xi32>
          %gather3A_1414 = tpu.dynamic_gather %get3A_43[%gather3A_1413] in [0] : vector<16xi32>, vector<16xi32> -> vector<16xi32>
          %shift_right_logical3A_1415 = arith.constant 16 : i32
          %shift_right_logical3A_1416 = vector.broadcast %shift_right_logical3A_1415 : i32 to vector<16xi32>
          %shift_right_logical3A_1417 = arith.shrui %gather3A_1414, %shift_right_logical3A_1416 : vector<16xi32>
          %and3A_1418 = arith.constant 65535 : i32
          %and3A_1419 = vector.broadcast %and3A_1418 : i32 to vector<16xi32>
          %and3A_1420 = arith.andi %gather3A_1414, %and3A_1419 : vector<16xi32>
          %select_n3A_1421 = arith.select %eq3A_5, %shift_right_logical3A_1417, %and3A_1420 : vector<16xi1>, vector<16xi32>
          %gather3A_1422 = tpu.vector_load_idx %arg4[%select_n3A_1421] : memref<50192xi32, #tpu.memory_space<vmem>>[vector<16xi32>], vector<16xi32>,
          %and3A_1423 = arith.constant 65535 : i32
          %and3A_1424 = vector.broadcast %and3A_1423 : i32 to vector<16xi32>
          %and3A_1425 = arith.andi %gather3A_1422, %and3A_1424 : vector<16xi32>
          %gather3A_1426 = tpu.vector_load_idx %arg4[%and3A_1425] : memref<50192xi32, #tpu.memory_space<vmem>>[vector<16xi32>], vector<16xi32>,
          %and3A_1427 = arith.constant 65535 : i32
          %and3A_1428 = vector.broadcast %and3A_1427 : i32 to vector<16xi32>
          %and3A_1429 = arith.andi %gather3A_1426, %and3A_1428 : vector<16xi32>
          %eq3A_1430 = arith.cmpi eq, %and3A_1429, %and3A_1425 : vector<16xi32>
          %reduce_and3A_1431 = arith.constant 1.000000e+00 : f32
          %reduce_and3A_1432 = arith.constant 0.000000e+00 : f32
          %reduce_and3A_1433 = vector.broadcast %reduce_and3A_1431 : f32 to vector<16xf32>
          %reduce_and3A_1434 = vector.broadcast %reduce_and3A_1432 : f32 to vector<16xf32>
          %reduce_and3A_1435 = arith.select %eq3A_1430, %reduce_and3A_1433, %reduce_and3A_1434 : vector<16xi1>, vector<16xf32>
          %reduce_and3A_1436 = arith.constant true
          %reduce_and3A_1437 = vector.broadcast %reduce_and3A_1436 : i1 to vector<16xi1>
          %reduce_and3A_1438 = tpu.scan <min>, %reduce_and3A_1435 masked %reduce_and3A_1437 : vector<16xf32>, vector<16xi1> -> vector<16xf32>
          %reduce_and3A_1439 = vector.extract %reduce_and3A_1438[15] : f32 from vector<16xf32>
          %reduce_and3A_1440 = arith.constant 0.000000e+00 : f32
          %reduce_and3A_1441 = arith.cmpf ogt, %reduce_and3A_1439, %reduce_and3A_1440 : f32
          %convert_element_type3A_1442 = arith.extui %reduce_and3A_1441 : i1 to i32
          %cond3A_1443 = arith.constant 0 : i32
          %cond3A_1444 = arith.cmpi ne, %convert_element_type3A_1442, %cond3A_1443 : i32
          %cond3A_1445 = scf.if %cond3A_1444 -> (vector<16xi32>) {
            scf.yield %gather3A_1426 : vector<16xi32>
          } else {
            %and3A_1606 = arith.constant 65535 : i32
            %and3A_1607 = vector.broadcast %and3A_1606 : i32 to vector<16xi32>
            %and3A_1608 = arith.andi %gather3A_1426, %and3A_1607 : vector<16xi32>
            %gather3A_1609 = tpu.vector_load_idx %arg4[%and3A_1608] : memref<50192xi32, #tpu.memory_space<vmem>>[vector<16xi32>], vector<16xi32>,
            %and3A_1610 = arith.constant 65535 : i32
            %and3A_1611 = vector.broadcast %and3A_1610 : i32 to vector<16xi32>
            %and3A_1612 = arith.andi %gather3A_1609, %and3A_1611 : vector<16xi32>
            %gather3A_1613 = tpu.vector_load_idx %arg4[%and3A_1612] : memref<50192xi32, #tpu.memory_space<vmem>>[vector<16xi32>], vector<16xi32>,
            %and3A_1614 = arith.constant 65535 : i32
            %and3A_1615 = vector.broadcast %and3A_1614 : i32 to vector<16xi32>
            %and3A_1616 = arith.andi %gather3A_1613, %and3A_1615 : vector<16xi32>
            %gather3A_1617 = tpu.vector_load_idx %arg4[%and3A_1616] : memref<50192xi32, #tpu.memory_space<vmem>>[vector<16xi32>], vector<16xi32>,
            %and3A_1618 = arith.constant 65535 : i32
            %and3A_1619 = vector.broadcast %and3A_1618 : i32 to vector<16xi32>
            %and3A_1620 = arith.andi %gather3A_1617, %and3A_1619 : vector<16xi32>
            %gather3A_1621 = tpu.vector_load_idx %arg4[%and3A_1620] : memref<50192xi32, #tpu.memory_space<vmem>>[vector<16xi32>], vector<16xi32>,
            %and3A_1622 = arith.constant 65535 : i32
            %and3A_1623 = vector.broadcast %and3A_1622 : i32 to vector<16xi32>
            %and3A_1624 = arith.andi %gather3A_1621, %and3A_1623 : vector<16xi32>
            %gather3A_1625 = tpu.vector_load_idx %arg4[%and3A_1624] : memref<50192xi32, #tpu.memory_space<vmem>>[vector<16xi32>], vector<16xi32>,
            %and3A_1626 = arith.constant 65535 : i32
            %and3A_1627 = vector.broadcast %and3A_1626 : i32 to vector<16xi32>
            %and3A_1628 = arith.andi %gather3A_1625, %and3A_1627 : vector<16xi32>
            %gather3A_1629 = tpu.vector_load_idx %arg4[%and3A_1628] : memref<50192xi32, #tpu.memory_space<vmem>>[vector<16xi32>], vector<16xi32>,
            %and3A_1630 = arith.constant 65535 : i32
            %and3A_1631 = vector.broadcast %and3A_1630 : i32 to vector<16xi32>
            %and3A_1632 = arith.andi %gather3A_1629, %and3A_1631 : vector<16xi32>
            %gather3A_1633 = tpu.vector_load_idx %arg4[%and3A_1632] : memref<50192xi32, #tpu.memory_space<vmem>>[vector<16xi32>], vector<16xi32>,
            %and3A_1634 = arith.constant 65535 : i32
            %and3A_1635 = vector.broadcast %and3A_1634 : i32 to vector<16xi32>
            %and3A_1636 = arith.andi %gather3A_1633, %and3A_1635 : vector<16xi32>
            %gather3A_1637 = tpu.vector_load_idx %arg4[%and3A_1636] : memref<50192xi32, #tpu.memory_space<vmem>>[vector<16xi32>], vector<16xi32>,
            %and3A_1638 = arith.constant 65535 : i32
            %and3A_1639 = vector.broadcast %and3A_1638 : i32 to vector<16xi32>
            %and3A_1640 = arith.andi %gather3A_1637, %and3A_1639 : vector<16xi32>
            %gather3A_1641 = tpu.vector_load_idx %arg4[%and3A_1640] : memref<50192xi32, #tpu.memory_space<vmem>>[vector<16xi32>], vector<16xi32>,
            %and3A_1642 = arith.constant 65535 : i32
            %and3A_1643 = vector.broadcast %and3A_1642 : i32 to vector<16xi32>
            %and3A_1644 = arith.andi %gather3A_1641, %and3A_1643 : vector<16xi32>
            %gather3A_1645 = tpu.vector_load_idx %arg4[%and3A_1644] : memref<50192xi32, #tpu.memory_space<vmem>>[vector<16xi32>], vector<16xi32>,
            %and3A_1646 = arith.constant 65535 : i32
            %and3A_1647 = vector.broadcast %and3A_1646 : i32 to vector<16xi32>
            %and3A_1648 = arith.andi %gather3A_1645, %and3A_1647 : vector<16xi32>
            %gather3A_1649 = tpu.vector_load_idx %arg4[%and3A_1648] : memref<50192xi32, #tpu.memory_space<vmem>>[vector<16xi32>], vector<16xi32>,
            %and3A_1650 = arith.constant 65535 : i32
            %and3A_1651 = vector.broadcast %and3A_1650 : i32 to vector<16xi32>
            %and3A_1652 = arith.andi %gather3A_1649, %and3A_1651 : vector<16xi32>
            %gather3A_1653 = tpu.vector_load_idx %arg4[%and3A_1652] : memref<50192xi32, #tpu.memory_space<vmem>>[vector<16xi32>], vector<16xi32>,
            %and3A_1654 = arith.constant 65535 : i32
            %and3A_1655 = vector.broadcast %and3A_1654 : i32 to vector<16xi32>
            %and3A_1656 = arith.andi %gather3A_1653, %and3A_1655 : vector<16xi32>
            %gather3A_1657 = tpu.vector_load_idx %arg4[%and3A_1656] : memref<50192xi32, #tpu.memory_space<vmem>>[vector<16xi32>], vector<16xi32>,
            %and3A_1658 = arith.constant 65535 : i32
            %and3A_1659 = vector.broadcast %and3A_1658 : i32 to vector<16xi32>
            %and3A_1660 = arith.andi %gather3A_1657, %and3A_1659 : vector<16xi32>
            %gather3A_1661 = tpu.vector_load_idx %arg4[%and3A_1660] : memref<50192xi32, #tpu.memory_space<vmem>>[vector<16xi32>], vector<16xi32>,
            %and3A_1662 = arith.constant -65536 : i32
            %and3A_1663 = vector.broadcast %and3A_1662 : i32 to vector<16xi32>
            %and3A_1664 = arith.andi %gather3A_1422, %and3A_1663 : vector<16xi32>
            %and3A_1665 = arith.constant 65535 : i32
            %and3A_1666 = vector.broadcast %and3A_1665 : i32 to vector<16xi32>
            %and3A_1667 = arith.andi %gather3A_1661, %and3A_1666 : vector<16xi32>
            %or3A_1668 = arith.ori %and3A_1664, %and3A_1667 : vector<16xi32>
            %lt3A_1669 = arith.constant 2 : i32
            %lt3A_1670 = vector.broadcast %lt3A_1669 : i32 to vector<16xi32>
            %lt3A_1671 = arith.cmpi slt, %iota3A, %lt3A_1670 : vector<16xi32>
            tpu.vector_store_idx %arg4[%select_n3A_1421], %or3A_1668 masked %lt3A_1671 : memref<50192xi32, #tpu.memory_space<vmem>>[vector<16xi32>], vector<16xi32>, vector<16xi1>
            scf.yield %gather3A_1661 : vector<16xi32>
          }
          %and3A_1446 = arith.constant 65535 : i32
          %and3A_1447 = vector.broadcast %and3A_1446 : i32 to vector<16xi32>
          %and3A_1448 = arith.andi %cond3A_1445, %and3A_1447 : vector<16xi32>
          %shift_right_logical3A_1449 = arith.constant 16 : i32
          %shift_right_logical3A_1450 = vector.broadcast %shift_right_logical3A_1449 : i32 to vector<16xi32>
          %shift_right_logical3A_1451 = arith.shrui %cond3A_1445, %shift_right_logical3A_1450 : vector<16xi32>
          %broadcast_in_dim3A_1452 = vector.shape_cast %broadcast_in_dim3A_11 : vector<16xi32> to vector<16x1xi32>
          %gather3A_1453 = vector.shape_cast %broadcast_in_dim3A_1452 : vector<16x1xi32> to vector<16xi32>
          %gather3A_1454 = tpu.dynamic_gather %and3A_1448[%gather3A_1453] in [0] : vector<16xi32>, vector<16xi32> -> vector<16xi32>
          %broadcast_in_dim3A_1455 = vector.shape_cast %broadcast_in_dim3A_13 : vector<16xi32> to vector<16x1xi32>
          %gather3A_1456 = vector.shape_cast %broadcast_in_dim3A_1455 : vector<16x1xi32> to vector<16xi32>
          %gather3A_1457 = tpu.dynamic_gather %and3A_1448[%gather3A_1456] in [0] : vector<16xi32>, vector<16xi32> -> vector<16xi32>
          %broadcast_in_dim3A_1458 = vector.shape_cast %broadcast_in_dim3A_11 : vector<16xi32> to vector<16x1xi32>
          %gather3A_1459 = vector.shape_cast %broadcast_in_dim3A_1458 : vector<16x1xi32> to vector<16xi32>
          %gather3A_1460 = tpu.dynamic_gather %shift_right_logical3A_1451[%gather3A_1459] in [0] : vector<16xi32>, vector<16xi32> -> vector<16xi32>
          %broadcast_in_dim3A_1461 = vector.shape_cast %broadcast_in_dim3A_13 : vector<16xi32> to vector<16x1xi32>
          %gather3A_1462 = vector.shape_cast %broadcast_in_dim3A_1461 : vector<16x1xi32> to vector<16xi32>
          %gather3A_1463 = tpu.dynamic_gather %shift_right_logical3A_1451[%gather3A_1462] in [0] : vector<16xi32>, vector<16xi32> -> vector<16xi32>
          %ne3A_1464 = arith.cmpi ne, %gather3A_1454, %gather3A_1457 : vector<16xi32>
          %lt3A_1465 = arith.cmpi slt, %gather3A_1460, %gather3A_1463 : vector<16xi32>
          %select_n3A_1466 = arith.select %lt3A_1465, %gather3A_1454, %gather3A_1457 : vector<16xi1>, vector<16xi32>
          %select_n3A_1467 = arith.select %lt3A_1465, %gather3A_1457, %gather3A_1454 : vector<16xi1>, vector<16xi32>
          %select_n3A_1468 = arith.select %lt3A_1465, %gather3A_1460, %gather3A_1463 : vector<16xi1>, vector<16xi32>
          %select_n3A_1469 = arith.select %lt3A_1465, %gather3A_1463, %gather3A_1460 : vector<16xi1>, vector<16xi32>
          %select_n3A_1470 = arith.select %eq3A_5, %select_n3A_1466, %select_n3A_1467 : vector<16xi1>, vector<16xi32>
          %shift_left3A_1471 = arith.constant 16 : i32
          %shift_left3A_1472 = vector.broadcast %shift_left3A_1471 : i32 to vector<16xi32>
          %shift_left3A_1473 = arith.shli %select_n3A_1468, %shift_left3A_1472 : vector<16xi32>
          %or3A_1474 = arith.ori %shift_left3A_1473, %select_n3A_1467 : vector<16xi32>
          %add3A_1475 = arith.constant 1 : i32
          %add3A_1476 = vector.broadcast %add3A_1475 : i32 to vector<16xi32>
          %add3A_1477 = arith.addi %select_n3A_1469, %add3A_1476 : vector<16xi32>
          %shift_left3A_1478 = arith.constant 16 : i32
          %shift_left3A_1479 = vector.broadcast %shift_left3A_1478 : i32 to vector<16xi32>
          %shift_left3A_1480 = arith.shli %add3A_1477, %shift_left3A_1479 : vector<16xi32>
          %or3A_1481 = arith.ori %shift_left3A_1480, %select_n3A_1467 : vector<16xi32>
          %select_n3A_1482 = arith.select %eq3A_5, %or3A_1474, %or3A_1481 : vector<16xi1>, vector<16xi32>
          %eq3A_1483 = arith.constant 1 : i32
          %eq3A_1484 = vector.broadcast %eq3A_1483 : i32 to vector<16xi32>
          %eq3A_1485 = arith.cmpi eq, %iota3A, %eq3A_1484 : vector<16xi32>
          %eq3A_1486 = arith.cmpi eq, %gather3A_1460, %gather3A_1463 : vector<16xi32>
          %and3A_1487 = arith.andi %eq3A_1485, %eq3A_1486 : vector<16xi1>
          %or3A_1488 = arith.ori %eq3A_5, %and3A_1487 : vector<16xi1>
          %and3A_1489 = arith.andi %ne3A_1464, %or3A_1488 : vector<16xi1>
          tpu.vector_store_idx %arg4[%select_n3A_1470], %select_n3A_1482 masked %and3A_1489 : memref<50192xi32, #tpu.memory_space<vmem>>[vector<16xi32>], vector<16xi32>, vector<16xi1>
          %and3A_1490 = arith.constant 8191 : i32
          %and3A_1491 = vector.broadcast %and3A_1490 : i32 to vector<16xi32>
          %and3A_1492 = arith.andi %add3A_1409, %and3A_1491 : vector<16xi32>
          %mul3A_1493 = arith.constant 2 : i32
          %mul3A_1494 = vector.broadcast %mul3A_1493 : i32 to vector<16xi32>
          %mul3A_1495 = arith.muli %mul3A_1494, %and3A_1492 : vector<16xi32>
          %add3A_1496 = arith.addi %mul3A_1495, %iota3A : vector<16xi32>
          %select_n3A_1497 = arith.select %eq3A_5, %shift_right_logical3A_1417, %and3A_1420 : vector<16xi1>, vector<16xi32>
          %lt3A_1498 = arith.constant 2 : i32
          %lt3A_1499 = vector.broadcast %lt3A_1498 : i32 to vector<16xi32>
          %lt3A_1500 = arith.cmpi slt, %iota3A, %lt3A_1499 : vector<16xi32>
          %and3A_1501 = arith.andi %ne3A_1464, %lt3A_1500 : vector<16xi1>
          tpu.vector_store_idx %arg6[%add3A_1496], %select_n3A_1497 masked %and3A_1501 : memref<16400xi32, #tpu.memory_space<vmem>>[vector<16xi32>], vector<16xi32>, vector<16xi1>
          %jit3A_1502 = arith.constant 1 : i32
          %jit3A_1503 = arith.constant 0 : i32
          %broadcast_in_dim3A_1504 = vector.broadcast %jit3A_1502 : i32 to vector<16xi32>
          %broadcast_in_dim3A_1505 = vector.broadcast %jit3A_1503 : i32 to vector<16xi32>
          %select_n3A_1506 = arith.select %ne3A_1464, %broadcast_in_dim3A_1504, %broadcast_in_dim3A_1505 : vector<16xi1>, vector<16xi32>
          %add3A_1507 = arith.addi %add3A_1409, %select_n3A_1506 : vector<16xi32>
          %broadcast_in_dim3A_1508 = arith.constant 15 : i32
          %broadcast_in_dim3A_1509 = vector.broadcast %broadcast_in_dim3A_1508 : i32 to vector<16xi32>
          %broadcast_in_dim3A_1510 = vector.shape_cast %broadcast_in_dim3A_1509 : vector<16xi32> to vector<16x1xi32>
          %gather3A_1511 = vector.shape_cast %broadcast_in_dim3A_1510 : vector<16x1xi32> to vector<16xi32>
          %gather3A_1512 = tpu.dynamic_gather %get3A_43[%gather3A_1511] in [0] : vector<16xi32>, vector<16xi32> -> vector<16xi32>
          %shift_right_logical3A_1513 = arith.constant 16 : i32
          %shift_right_logical3A_1514 = vector.broadcast %shift_right_logical3A_1513 : i32 to vector<16xi32>
          %shift_right_logical3A_1515 = arith.shrui %gather3A_1512, %shift_right_logical3A_1514 : vector<16xi32>
          %and3A_1516 = arith.constant 65535 : i32
          %and3A_1517 = vector.broadcast %and3A_1516 : i32 to vector<16xi32>
          %and3A_1518 = arith.andi %gather3A_1512, %and3A_1517 : vector<16xi32>
          %select_n3A_1519 = arith.select %eq3A_5, %shift_right_logical3A_1515, %and3A_1518 : vector<16xi1>, vector<16xi32>
          %gather3A_1520 = tpu.vector_load_idx %arg4[%select_n3A_1519] : memref<50192xi32, #tpu.memory_space<vmem>>[vector<16xi32>], vector<16xi32>,
          %and3A_1521 = arith.constant 65535 : i32
          %and3A_1522 = vector.broadcast %and3A_1521 : i32 to vector<16xi32>
          %and3A_1523 = arith.andi %gather3A_1520, %and3A_1522 : vector<16xi32>
          %gather3A_1524 = tpu.vector_load_idx %arg4[%and3A_1523] : memref<50192xi32, #tpu.memory_space<vmem>>[vector<16xi32>], vector<16xi32>,
          %and3A_1525 = arith.constant 65535 : i32
          %and3A_1526 = vector.broadcast %and3A_1525 : i32 to vector<16xi32>
          %and3A_1527 = arith.andi %gather3A_1524, %and3A_1526 : vector<16xi32>
          %eq3A_1528 = arith.cmpi eq, %and3A_1527, %and3A_1523 : vector<16xi32>
          %reduce_and3A_1529 = arith.constant 1.000000e+00 : f32
          %reduce_and3A_1530 = arith.constant 0.000000e+00 : f32
          %reduce_and3A_1531 = vector.broadcast %reduce_and3A_1529 : f32 to vector<16xf32>
          %reduce_and3A_1532 = vector.broadcast %reduce_and3A_1530 : f32 to vector<16xf32>
          %reduce_and3A_1533 = arith.select %eq3A_1528, %reduce_and3A_1531, %reduce_and3A_1532 : vector<16xi1>, vector<16xf32>
          %reduce_and3A_1534 = arith.constant true
          %reduce_and3A_1535 = vector.broadcast %reduce_and3A_1534 : i1 to vector<16xi1>
          %reduce_and3A_1536 = tpu.scan <min>, %reduce_and3A_1533 masked %reduce_and3A_1535 : vector<16xf32>, vector<16xi1> -> vector<16xf32>
          %reduce_and3A_1537 = vector.extract %reduce_and3A_1536[15] : f32 from vector<16xf32>
          %reduce_and3A_1538 = arith.constant 0.000000e+00 : f32
          %reduce_and3A_1539 = arith.cmpf ogt, %reduce_and3A_1537, %reduce_and3A_1538 : f32
          %convert_element_type3A_1540 = arith.extui %reduce_and3A_1539 : i1 to i32
          %cond3A_1541 = arith.constant 0 : i32
          %cond3A_1542 = arith.cmpi ne, %convert_element_type3A_1540, %cond3A_1541 : i32
          %cond3A_1543 = scf.if %cond3A_1542 -> (vector<16xi32>) {
            scf.yield %gather3A_1524 : vector<16xi32>
          } else {
            %and3A_1606 = arith.constant 65535 : i32
            %and3A_1607 = vector.broadcast %and3A_1606 : i32 to vector<16xi32>
            %and3A_1608 = arith.andi %gather3A_1524, %and3A_1607 : vector<16xi32>
            %gather3A_1609 = tpu.vector_load_idx %arg4[%and3A_1608] : memref<50192xi32, #tpu.memory_space<vmem>>[vector<16xi32>], vector<16xi32>,
            %and3A_1610 = arith.constant 65535 : i32
            %and3A_1611 = vector.broadcast %and3A_1610 : i32 to vector<16xi32>
            %and3A_1612 = arith.andi %gather3A_1609, %and3A_1611 : vector<16xi32>
            %gather3A_1613 = tpu.vector_load_idx %arg4[%and3A_1612] : memref<50192xi32, #tpu.memory_space<vmem>>[vector<16xi32>], vector<16xi32>,
            %and3A_1614 = arith.constant 65535 : i32
            %and3A_1615 = vector.broadcast %and3A_1614 : i32 to vector<16xi32>
            %and3A_1616 = arith.andi %gather3A_1613, %and3A_1615 : vector<16xi32>
            %gather3A_1617 = tpu.vector_load_idx %arg4[%and3A_1616] : memref<50192xi32, #tpu.memory_space<vmem>>[vector<16xi32>], vector<16xi32>,
            %and3A_1618 = arith.constant 65535 : i32
            %and3A_1619 = vector.broadcast %and3A_1618 : i32 to vector<16xi32>
            %and3A_1620 = arith.andi %gather3A_1617, %and3A_1619 : vector<16xi32>
            %gather3A_1621 = tpu.vector_load_idx %arg4[%and3A_1620] : memref<50192xi32, #tpu.memory_space<vmem>>[vector<16xi32>], vector<16xi32>,
            %and3A_1622 = arith.constant 65535 : i32
            %and3A_1623 = vector.broadcast %and3A_1622 : i32 to vector<16xi32>
            %and3A_1624 = arith.andi %gather3A_1621, %and3A_1623 : vector<16xi32>
            %gather3A_1625 = tpu.vector_load_idx %arg4[%and3A_1624] : memref<50192xi32, #tpu.memory_space<vmem>>[vector<16xi32>], vector<16xi32>,
            %and3A_1626 = arith.constant 65535 : i32
            %and3A_1627 = vector.broadcast %and3A_1626 : i32 to vector<16xi32>
            %and3A_1628 = arith.andi %gather3A_1625, %and3A_1627 : vector<16xi32>
            %gather3A_1629 = tpu.vector_load_idx %arg4[%and3A_1628] : memref<50192xi32, #tpu.memory_space<vmem>>[vector<16xi32>], vector<16xi32>,
            %and3A_1630 = arith.constant 65535 : i32
            %and3A_1631 = vector.broadcast %and3A_1630 : i32 to vector<16xi32>
            %and3A_1632 = arith.andi %gather3A_1629, %and3A_1631 : vector<16xi32>
            %gather3A_1633 = tpu.vector_load_idx %arg4[%and3A_1632] : memref<50192xi32, #tpu.memory_space<vmem>>[vector<16xi32>], vector<16xi32>,
            %and3A_1634 = arith.constant 65535 : i32
            %and3A_1635 = vector.broadcast %and3A_1634 : i32 to vector<16xi32>
            %and3A_1636 = arith.andi %gather3A_1633, %and3A_1635 : vector<16xi32>
            %gather3A_1637 = tpu.vector_load_idx %arg4[%and3A_1636] : memref<50192xi32, #tpu.memory_space<vmem>>[vector<16xi32>], vector<16xi32>,
            %and3A_1638 = arith.constant 65535 : i32
            %and3A_1639 = vector.broadcast %and3A_1638 : i32 to vector<16xi32>
            %and3A_1640 = arith.andi %gather3A_1637, %and3A_1639 : vector<16xi32>
            %gather3A_1641 = tpu.vector_load_idx %arg4[%and3A_1640] : memref<50192xi32, #tpu.memory_space<vmem>>[vector<16xi32>], vector<16xi32>,
            %and3A_1642 = arith.constant 65535 : i32
            %and3A_1643 = vector.broadcast %and3A_1642 : i32 to vector<16xi32>
            %and3A_1644 = arith.andi %gather3A_1641, %and3A_1643 : vector<16xi32>
            %gather3A_1645 = tpu.vector_load_idx %arg4[%and3A_1644] : memref<50192xi32, #tpu.memory_space<vmem>>[vector<16xi32>], vector<16xi32>,
            %and3A_1646 = arith.constant 65535 : i32
            %and3A_1647 = vector.broadcast %and3A_1646 : i32 to vector<16xi32>
            %and3A_1648 = arith.andi %gather3A_1645, %and3A_1647 : vector<16xi32>
            %gather3A_1649 = tpu.vector_load_idx %arg4[%and3A_1648] : memref<50192xi32, #tpu.memory_space<vmem>>[vector<16xi32>], vector<16xi32>,
            %and3A_1650 = arith.constant 65535 : i32
            %and3A_1651 = vector.broadcast %and3A_1650 : i32 to vector<16xi32>
            %and3A_1652 = arith.andi %gather3A_1649, %and3A_1651 : vector<16xi32>
            %gather3A_1653 = tpu.vector_load_idx %arg4[%and3A_1652] : memref<50192xi32, #tpu.memory_space<vmem>>[vector<16xi32>], vector<16xi32>,
            %and3A_1654 = arith.constant 65535 : i32
            %and3A_1655 = vector.broadcast %and3A_1654 : i32 to vector<16xi32>
            %and3A_1656 = arith.andi %gather3A_1653, %and3A_1655 : vector<16xi32>
            %gather3A_1657 = tpu.vector_load_idx %arg4[%and3A_1656] : memref<50192xi32, #tpu.memory_space<vmem>>[vector<16xi32>], vector<16xi32>,
            %and3A_1658 = arith.constant 65535 : i32
            %and3A_1659 = vector.broadcast %and3A_1658 : i32 to vector<16xi32>
            %and3A_1660 = arith.andi %gather3A_1657, %and3A_1659 : vector<16xi32>
            %gather3A_1661 = tpu.vector_load_idx %arg4[%and3A_1660] : memref<50192xi32, #tpu.memory_space<vmem>>[vector<16xi32>], vector<16xi32>,
            %and3A_1662 = arith.constant -65536 : i32
            %and3A_1663 = vector.broadcast %and3A_1662 : i32 to vector<16xi32>
            %and3A_1664 = arith.andi %gather3A_1520, %and3A_1663 : vector<16xi32>
            %and3A_1665 = arith.constant 65535 : i32
            %and3A_1666 = vector.broadcast %and3A_1665 : i32 to vector<16xi32>
            %and3A_1667 = arith.andi %gather3A_1661, %and3A_1666 : vector<16xi32>
            %or3A_1668 = arith.ori %and3A_1664, %and3A_1667 : vector<16xi32>
            %lt3A_1669 = arith.constant 2 : i32
            %lt3A_1670 = vector.broadcast %lt3A_1669 : i32 to vector<16xi32>
            %lt3A_1671 = arith.cmpi slt, %iota3A, %lt3A_1670 : vector<16xi32>
            tpu.vector_store_idx %arg4[%select_n3A_1519], %or3A_1668 masked %lt3A_1671 : memref<50192xi32, #tpu.memory_space<vmem>>[vector<16xi32>], vector<16xi32>, vector<16xi1>
            scf.yield %gather3A_1661 : vector<16xi32>
          }
          %and3A_1544 = arith.constant 65535 : i32
          %and3A_1545 = vector.broadcast %and3A_1544 : i32 to vector<16xi32>
          %and3A_1546 = arith.andi %cond3A_1543, %and3A_1545 : vector<16xi32>
          %shift_right_logical3A_1547 = arith.constant 16 : i32
          %shift_right_logical3A_1548 = vector.broadcast %shift_right_logical3A_1547 : i32 to vector<16xi32>
          %shift_right_logical3A_1549 = arith.shrui %cond3A_1543, %shift_right_logical3A_1548 : vector<16xi32>
          %broadcast_in_dim3A_1550 = vector.shape_cast %broadcast_in_dim3A_11 : vector<16xi32> to vector<16x1xi32>
          %gather3A_1551 = vector.shape_cast %broadcast_in_dim3A_1550 : vector<16x1xi32> to vector<16xi32>
          %gather3A_1552 = tpu.dynamic_gather %and3A_1546[%gather3A_1551] in [0] : vector<16xi32>, vector<16xi32> -> vector<16xi32>
          %broadcast_in_dim3A_1553 = vector.shape_cast %broadcast_in_dim3A_13 : vector<16xi32> to vector<16x1xi32>
          %gather3A_1554 = vector.shape_cast %broadcast_in_dim3A_1553 : vector<16x1xi32> to vector<16xi32>
          %gather3A_1555 = tpu.dynamic_gather %and3A_1546[%gather3A_1554] in [0] : vector<16xi32>, vector<16xi32> -> vector<16xi32>
          %broadcast_in_dim3A_1556 = vector.shape_cast %broadcast_in_dim3A_11 : vector<16xi32> to vector<16x1xi32>
          %gather3A_1557 = vector.shape_cast %broadcast_in_dim3A_1556 : vector<16x1xi32> to vector<16xi32>
          %gather3A_1558 = tpu.dynamic_gather %shift_right_logical3A_1549[%gather3A_1557] in [0] : vector<16xi32>, vector<16xi32> -> vector<16xi32>
          %broadcast_in_dim3A_1559 = vector.shape_cast %broadcast_in_dim3A_13 : vector<16xi32> to vector<16x1xi32>
          %gather3A_1560 = vector.shape_cast %broadcast_in_dim3A_1559 : vector<16x1xi32> to vector<16xi32>
          %gather3A_1561 = tpu.dynamic_gather %shift_right_logical3A_1549[%gather3A_1560] in [0] : vector<16xi32>, vector<16xi32> -> vector<16xi32>
          %ne3A_1562 = arith.cmpi ne, %gather3A_1552, %gather3A_1555 : vector<16xi32>
          %lt3A_1563 = arith.cmpi slt, %gather3A_1558, %gather3A_1561 : vector<16xi32>
          %select_n3A_1564 = arith.select %lt3A_1563, %gather3A_1552, %gather3A_1555 : vector<16xi1>, vector<16xi32>
          %select_n3A_1565 = arith.select %lt3A_1563, %gather3A_1555, %gather3A_1552 : vector<16xi1>, vector<16xi32>
          %select_n3A_1566 = arith.select %lt3A_1563, %gather3A_1558, %gather3A_1561 : vector<16xi1>, vector<16xi32>
          %select_n3A_1567 = arith.select %lt3A_1563, %gather3A_1561, %gather3A_1558 : vector<16xi1>, vector<16xi32>
          %select_n3A_1568 = arith.select %eq3A_5, %select_n3A_1564, %select_n3A_1565 : vector<16xi1>, vector<16xi32>
          %shift_left3A_1569 = arith.constant 16 : i32
          %shift_left3A_1570 = vector.broadcast %shift_left3A_1569 : i32 to vector<16xi32>
          %shift_left3A_1571 = arith.shli %select_n3A_1566, %shift_left3A_1570 : vector<16xi32>
          %or3A_1572 = arith.ori %shift_left3A_1571, %select_n3A_1565 : vector<16xi32>
          %add3A_1573 = arith.constant 1 : i32
          %add3A_1574 = vector.broadcast %add3A_1573 : i32 to vector<16xi32>
          %add3A_1575 = arith.addi %select_n3A_1567, %add3A_1574 : vector<16xi32>
          %shift_left3A_1576 = arith.constant 16 : i32
          %shift_left3A_1577 = vector.broadcast %shift_left3A_1576 : i32 to vector<16xi32>
          %shift_left3A_1578 = arith.shli %add3A_1575, %shift_left3A_1577 : vector<16xi32>
          %or3A_1579 = arith.ori %shift_left3A_1578, %select_n3A_1565 : vector<16xi32>
          %select_n3A_1580 = arith.select %eq3A_5, %or3A_1572, %or3A_1579 : vector<16xi1>, vector<16xi32>
          %eq3A_1581 = arith.constant 1 : i32
          %eq3A_1582 = vector.broadcast %eq3A_1581 : i32 to vector<16xi32>
          %eq3A_1583 = arith.cmpi eq, %iota3A, %eq3A_1582 : vector<16xi32>
          %eq3A_1584 = arith.cmpi eq, %gather3A_1558, %gather3A_1561 : vector<16xi32>
          %and3A_1585 = arith.andi %eq3A_1583, %eq3A_1584 : vector<16xi1>
          %or3A_1586 = arith.ori %eq3A_5, %and3A_1585 : vector<16xi1>
          %and3A_1587 = arith.andi %ne3A_1562, %or3A_1586 : vector<16xi1>
          tpu.vector_store_idx %arg4[%select_n3A_1568], %select_n3A_1580 masked %and3A_1587 : memref<50192xi32, #tpu.memory_space<vmem>>[vector<16xi32>], vector<16xi32>, vector<16xi1>
          %and3A_1588 = arith.constant 8191 : i32
          %and3A_1589 = vector.broadcast %and3A_1588 : i32 to vector<16xi32>
          %and3A_1590 = arith.andi %add3A_1507, %and3A_1589 : vector<16xi32>
          %mul3A_1591 = arith.constant 2 : i32
          %mul3A_1592 = vector.broadcast %mul3A_1591 : i32 to vector<16xi32>
          %mul3A_1593 = arith.muli %mul3A_1592, %and3A_1590 : vector<16xi32>
          %add3A_1594 = arith.addi %mul3A_1593, %iota3A : vector<16xi32>
          %select_n3A_1595 = arith.select %eq3A_5, %shift_right_logical3A_1515, %and3A_1518 : vector<16xi1>, vector<16xi32>
          %lt3A_1596 = arith.constant 2 : i32
          %lt3A_1597 = vector.broadcast %lt3A_1596 : i32 to vector<16xi32>
          %lt3A_1598 = arith.cmpi slt, %iota3A, %lt3A_1597 : vector<16xi32>
          %and3A_1599 = arith.andi %ne3A_1562, %lt3A_1598 : vector<16xi1>
          tpu.vector_store_idx %arg6[%add3A_1594], %select_n3A_1595 masked %and3A_1599 : memref<16400xi32, #tpu.memory_space<vmem>>[vector<16xi32>], vector<16xi32>, vector<16xi1>
          %jit3A_1600 = arith.constant 1 : i32
          %jit3A_1601 = arith.constant 0 : i32
          %broadcast_in_dim3A_1602 = vector.broadcast %jit3A_1600 : i32 to vector<16xi32>
          %broadcast_in_dim3A_1603 = vector.broadcast %jit3A_1601 : i32 to vector<16xi32>
          %select_n3A_1604 = arith.select %ne3A_1562, %broadcast_in_dim3A_1602, %broadcast_in_dim3A_1603 : vector<16xi1>, vector<16xi32>
          %add3A_1605 = arith.addi %add3A_1507, %select_n3A_1604 : vector<16xi32>
          scf.yield %add3A_1605 : vector<16xi32>
        }
        %scan3A_32 = arith.constant 128 : i32
        %slice3A = vector.extract_strided_slice %scan3A_31 {offsets = [0], sizes = [1], strides = [1]} : vector<16xi32> to vector<1xi32>
        %squeeze3A = vector.extract %slice3A[0] : i32 from vector<1xi32>
        %shift_right_logical3A = arith.constant 12 : i32
        %shift_right_logical3A_33 = arith.shrui %squeeze3A, %shift_right_logical3A : i32
        %gt3A = arith.cmpi sgt, %shift_right_logical3A_33, %scan3A_25 : i32
        %convert_element_type3A_34 = arith.extui %gt3A : i1 to i32
        %cond3A_35 = arith.constant 0 : i32
        %cond3A_36 = arith.cmpi ne, %convert_element_type3A_34, %cond3A_35 : i32
        scf.if %cond3A_36 {
          %and3A_39 = arith.constant 1 : i32
          %and3A_40 = arith.andi %scan3A_25, %and3A_39 : i32
          %mul3A_41 = arith.constant 2 : i32
          %mul3A_42 = arith.muli %and3A_40, %mul3A_41 : i32
          %mul3A_43 = arith.constant 4096 : i32
          %mul3A_44 = arith.muli %mul3A_42, %mul3A_43 : i32
          %multiple_of3A = tpu.assume_multiple %mul3A_44, 8192 : i32
          %mul3A_45 = arith.constant 2 : i32
          %mul3A_46 = arith.muli %scan3A_25, %mul3A_45 : i32
          %mul3A_47 = arith.constant 4096 : i32
          %mul3A_48 = arith.muli %mul3A_46, %mul3A_47 : i32
          %multiple_of3A_49 = tpu.assume_multiple %mul3A_48, 8192 : i32
          "tpu.region"() ({
            %run_scoped3A = tpu.sem_alloc : memref<!tpu.dma_semaphore, #tpu.memory_space<semaphore_mem>>
            %dma_start3A = tpu.memref_slice %arg6[%multiple_of3A] : memref<16400xi32, #tpu.memory_space<vmem>> -> memref<8192xi32, #tpu.memory_space<vmem>>
            %dma_start3A_50 = tpu.memref_slice %arg3[%arg1, %multiple_of3A_49] : memref<4x100352xi32, #tpu.memory_space<hbm>> -> memref<1x8192xi32, #tpu.memory_space<hbm>>
            %dma_start3A_51 = tpu.memref_squeeze %dma_start3A_50 : memref<1x8192xi32, #tpu.memory_space<hbm>> -> memref<8192xi32, #tpu.memory_space<hbm>>
            %dma_start3A_52 = tpu.memref_slice %arg3[%arg1, %multiple_of3A_49] : memref<4x100352xi32, #tpu.memory_space<hbm>> -> memref<1x8192xi32, #tpu.memory_space<hbm>>
            %dma_start3A_53 = tpu.memref_squeeze %dma_start3A_52 : memref<1x8192xi32, #tpu.memory_space<hbm>> -> memref<8192xi32, #tpu.memory_space<hbm>>
            %dma_start3A_54 = tpu.memref_slice %arg6[%multiple_of3A] : memref<16400xi32, #tpu.memory_space<vmem>> -> memref<8192xi32, #tpu.memory_space<vmem>>
            tpu.enqueue_dma source(%dma_start3A_54 : memref<8192xi32, #tpu.memory_space<vmem>>) target(%dma_start3A_53 : memref<8192xi32, #tpu.memory_space<hbm>>) target_semaphore(%run_scoped3A : memref<!tpu.dma_semaphore, #tpu.memory_space<semaphore_mem>>)
            %dma_wait3A = tpu.memref_slice %arg6[%multiple_of3A] : memref<16400xi32, #tpu.memory_space<vmem>> -> memref<8192xi32, #tpu.memory_space<vmem>>
            %dma_wait3A_55 = tpu.memref_slice %arg3[%arg1, %multiple_of3A_49] : memref<4x100352xi32, #tpu.memory_space<hbm>> -> memref<1x8192xi32, #tpu.memory_space<hbm>>
            %dma_wait3A_56 = tpu.memref_squeeze %dma_wait3A_55 : memref<1x8192xi32, #tpu.memory_space<hbm>> -> memref<8192xi32, #tpu.memory_space<hbm>>
            %dma_wait3A_57 = tpu.memref_slice %arg3[%arg1, %multiple_of3A_49] : memref<4x100352xi32, #tpu.memory_space<hbm>> -> memref<1x8192xi32, #tpu.memory_space<hbm>>
            %dma_wait3A_58 = tpu.memref_squeeze %dma_wait3A_57 : memref<1x8192xi32, #tpu.memory_space<hbm>> -> memref<8192xi32, #tpu.memory_space<hbm>>
            %dma_wait3A_59 = tpu.memref_slice %arg6[%multiple_of3A] : memref<16400xi32, #tpu.memory_space<vmem>> -> memref<8192xi32, #tpu.memory_space<vmem>>
            tpu.wait_dma2 semaphore(%run_scoped3A : memref<!tpu.dma_semaphore, #tpu.memory_space<semaphore_mem>>) src(%dma_wait3A_59 : memref<8192xi32, #tpu.memory_space<vmem>>) dst(%dma_wait3A_58 : memref<8192xi32, #tpu.memory_space<hbm>>)
            tpu.yield
          }) : () -> ()
        } else {
        }
        %gt3A_37 = arith.cmpi sgt, %shift_right_logical3A_33, %scan3A_25 : i32
        %add3A = arith.constant 1 : i32
        %add3A_38 = arith.addi %scan3A_25, %add3A : i32
        %select_n3A = arith.select %gt3A_37, %add3A_38, %scan3A_25 : i32
        scf.yield %scan3A_31, %select_n3A : vector<16xi32>, i32
      }
      %scan3A_22 = arith.constant 49 : i32
      "tpu.region"() ({
        %run_scoped3A = tpu.sem_alloc : memref<!tpu.dma_semaphore, #tpu.memory_space<semaphore_mem>>
        %dma_start3A = arith.constant 0 : i32
        %dma_start3A_23 = tpu.memref_slice %arg6[%dma_start3A] : memref<16400xi32, #tpu.memory_space<vmem>> -> memref<2048xi32, #tpu.memory_space<vmem>>
        %dma_start3A_24 = arith.constant 98304 : i32
        %dma_start3A_25 = tpu.memref_slice %arg3[%arg1, %dma_start3A_24] : memref<4x100352xi32, #tpu.memory_space<hbm>> -> memref<1x2048xi32, #tpu.memory_space<hbm>>
        %dma_start3A_26 = tpu.memref_squeeze %dma_start3A_25 : memref<1x2048xi32, #tpu.memory_space<hbm>> -> memref<2048xi32, #tpu.memory_space<hbm>>
        %dma_start3A_27 = arith.constant 98304 : i32
        %dma_start3A_28 = tpu.memref_slice %arg3[%arg1, %dma_start3A_27] : memref<4x100352xi32, #tpu.memory_space<hbm>> -> memref<1x2048xi32, #tpu.memory_space<hbm>>
        %dma_start3A_29 = tpu.memref_squeeze %dma_start3A_28 : memref<1x2048xi32, #tpu.memory_space<hbm>> -> memref<2048xi32, #tpu.memory_space<hbm>>
        %dma_start3A_30 = arith.constant 0 : i32
        %dma_start3A_31 = tpu.memref_slice %arg6[%dma_start3A_30] : memref<16400xi32, #tpu.memory_space<vmem>> -> memref<2048xi32, #tpu.memory_space<vmem>>
        tpu.enqueue_dma source(%dma_start3A_31 : memref<2048xi32, #tpu.memory_space<vmem>>) target(%dma_start3A_29 : memref<2048xi32, #tpu.memory_space<hbm>>) target_semaphore(%run_scoped3A : memref<!tpu.dma_semaphore, #tpu.memory_space<semaphore_mem>>)
        %dma_wait3A = arith.constant 0 : i32
        %dma_wait3A_32 = tpu.memref_slice %arg6[%dma_wait3A] : memref<16400xi32, #tpu.memory_space<vmem>> -> memref<2048xi32, #tpu.memory_space<vmem>>
        %dma_wait3A_33 = arith.constant 98304 : i32
        %dma_wait3A_34 = tpu.memref_slice %arg3[%arg1, %dma_wait3A_33] : memref<4x100352xi32, #tpu.memory_space<hbm>> -> memref<1x2048xi32, #tpu.memory_space<hbm>>
        %dma_wait3A_35 = tpu.memref_squeeze %dma_wait3A_34 : memref<1x2048xi32, #tpu.memory_space<hbm>> -> memref<2048xi32, #tpu.memory_space<hbm>>
        %dma_wait3A_36 = arith.constant 98304 : i32
        %dma_wait3A_37 = tpu.memref_slice %arg3[%arg1, %dma_wait3A_36] : memref<4x100352xi32, #tpu.memory_space<hbm>> -> memref<1x2048xi32, #tpu.memory_space<hbm>>
        %dma_wait3A_38 = tpu.memref_squeeze %dma_wait3A_37 : memref<1x2048xi32, #tpu.memory_space<hbm>> -> memref<2048xi32, #tpu.memory_space<hbm>>
        %dma_wait3A_39 = arith.constant 0 : i32
        %dma_wait3A_40 = tpu.memref_slice %arg6[%dma_wait3A_39] : memref<16400xi32, #tpu.memory_space<vmem>> -> memref<2048xi32, #tpu.memory_space<vmem>>
        tpu.wait_dma2 semaphore(%run_scoped3A : memref<!tpu.dma_semaphore, #tpu.memory_space<semaphore_mem>>) src(%dma_wait3A_40 : memref<2048xi32, #tpu.memory_space<vmem>>) dst(%dma_wait3A_38 : memref<2048xi32, #tpu.memory_space<hbm>>)
        tpu.yield
      }) : () -> ()
    } else {
    }
    return
  }
}

module attributes {stable_mosaic.version = 14 : i64} {
  func.func @_weights_body(%arg0: i32, %arg1: i32, %arg2: memref<1x32x224x224xf32, #tpu.memory_space<vmem>>, %arg3: memref<1x223x224xf32, #tpu.memory_space<vmem>>, %arg4: memref<1x224x223xf32, #tpu.memory_space<vmem>>, %arg5: memref<223x224xf32, #tpu.memory_space<vmem>>, %arg6: memref<224x223xf32, #tpu.memory_space<vmem>>) attributes {dimension_semantics = [#tpu.dimension_semantics<arbitrary>, #tpu.dimension_semantics<arbitrary>], iteration_bounds = array<i64: 4, 3>, scalar_prefetch = 0 : i64, scratch_operands = 2 : i64, tpu.core_type = #tpu.core_type<tc>, window_params = [{transform_indices = @transform_0, window_bounds = array<i64: 1, 32, 224, 224>}, {transform_indices = @transform_1, window_bounds = array<i64: 1, 223, 224>}, {transform_indices = @transform_2, window_bounds = array<i64: 1, 224, 223>}]} {
    %get3A = arith.constant 0 : index
    %get3A_0 = arith.constant 0 : index
    %get3A_1 = arith.constant 0 : index
    %get3A_2 = arith.constant 0 : index
    %get3A_3 = vector.load %arg2[%get3A, %get3A_0, %get3A_1, %get3A_2] : memref<1x32x224x224xf32, #tpu.memory_space<vmem>>, vector<1x1x224x224xf32>
    %get3A_4 = vector.shape_cast %get3A_3 : vector<1x1x224x224xf32> to vector<224x224xf32>
    %slice3A = vector.extract_strided_slice %get3A_4 {offsets = [1, 0], sizes = [223, 224], strides = [1, 1]} : vector<224x224xf32> to vector<223x224xf32>
    %slice3A_5 = vector.extract_strided_slice %get3A_4 {offsets = [0, 0], sizes = [223, 224], strides = [1, 1]} : vector<224x224xf32> to vector<223x224xf32>
    %sub3A = arith.subf %slice3A, %slice3A_5 : vector<223x224xf32>
    %slice3A_6 = vector.extract_strided_slice %get3A_4 {offsets = [0, 1], sizes = [224, 223], strides = [1, 1]} : vector<224x224xf32> to vector<224x223xf32>
    %slice3A_7 = vector.extract_strided_slice %get3A_4 {offsets = [0, 0], sizes = [224, 223], strides = [1, 1]} : vector<224x224xf32> to vector<224x223xf32>
    %sub3A_8 = arith.subf %slice3A_6, %slice3A_7 : vector<224x223xf32>
    %mul3A = arith.mulf %sub3A, %sub3A : vector<223x224xf32>
    %mul3A_9 = arith.mulf %sub3A_8, %sub3A_8 : vector<224x223xf32>
    %get3A_10 = arith.constant 0 : index
    %get3A_11 = arith.constant 1 : index
    %get3A_12 = arith.constant 0 : index
    %get3A_13 = arith.constant 0 : index
    %get3A_14 = vector.load %arg2[%get3A_10, %get3A_11, %get3A_12, %get3A_13] : memref<1x32x224x224xf32, #tpu.memory_space<vmem>>, vector<1x1x224x224xf32>
    %get3A_15 = vector.shape_cast %get3A_14 : vector<1x1x224x224xf32> to vector<224x224xf32>
    %slice3A_16 = vector.extract_strided_slice %get3A_15 {offsets = [1, 0], sizes = [223, 224], strides = [1, 1]} : vector<224x224xf32> to vector<223x224xf32>
    %slice3A_17 = vector.extract_strided_slice %get3A_15 {offsets = [0, 0], sizes = [223, 224], strides = [1, 1]} : vector<224x224xf32> to vector<223x224xf32>
    %sub3A_18 = arith.subf %slice3A_16, %slice3A_17 : vector<223x224xf32>
    %slice3A_19 = vector.extract_strided_slice %get3A_15 {offsets = [0, 1], sizes = [224, 223], strides = [1, 1]} : vector<224x224xf32> to vector<224x223xf32>
    %slice3A_20 = vector.extract_strided_slice %get3A_15 {offsets = [0, 0], sizes = [224, 223], strides = [1, 1]} : vector<224x224xf32> to vector<224x223xf32>
    %sub3A_21 = arith.subf %slice3A_19, %slice3A_20 : vector<224x223xf32>
    %mul3A_22 = arith.mulf %sub3A_18, %sub3A_18 : vector<223x224xf32>
    %add3A = arith.addf %mul3A, %mul3A_22 : vector<223x224xf32>
    %mul3A_23 = arith.mulf %sub3A_21, %sub3A_21 : vector<224x223xf32>
    %add3A_24 = arith.addf %mul3A_9, %mul3A_23 : vector<224x223xf32>
    %get3A_25 = arith.constant 0 : index
    %get3A_26 = arith.constant 2 : index
    %get3A_27 = arith.constant 0 : index
    %get3A_28 = arith.constant 0 : index
    %get3A_29 = vector.load %arg2[%get3A_25, %get3A_26, %get3A_27, %get3A_28] : memref<1x32x224x224xf32, #tpu.memory_space<vmem>>, vector<1x1x224x224xf32>
    %get3A_30 = vector.shape_cast %get3A_29 : vector<1x1x224x224xf32> to vector<224x224xf32>
    %slice3A_31 = vector.extract_strided_slice %get3A_30 {offsets = [1, 0], sizes = [223, 224], strides = [1, 1]} : vector<224x224xf32> to vector<223x224xf32>
    %slice3A_32 = vector.extract_strided_slice %get3A_30 {offsets = [0, 0], sizes = [223, 224], strides = [1, 1]} : vector<224x224xf32> to vector<223x224xf32>
    %sub3A_33 = arith.subf %slice3A_31, %slice3A_32 : vector<223x224xf32>
    %slice3A_34 = vector.extract_strided_slice %get3A_30 {offsets = [0, 1], sizes = [224, 223], strides = [1, 1]} : vector<224x224xf32> to vector<224x223xf32>
    %slice3A_35 = vector.extract_strided_slice %get3A_30 {offsets = [0, 0], sizes = [224, 223], strides = [1, 1]} : vector<224x224xf32> to vector<224x223xf32>
    %sub3A_36 = arith.subf %slice3A_34, %slice3A_35 : vector<224x223xf32>
    %mul3A_37 = arith.mulf %sub3A_33, %sub3A_33 : vector<223x224xf32>
    %add3A_38 = arith.addf %add3A, %mul3A_37 : vector<223x224xf32>
    %mul3A_39 = arith.mulf %sub3A_36, %sub3A_36 : vector<224x223xf32>
    %add3A_40 = arith.addf %add3A_24, %mul3A_39 : vector<224x223xf32>
    %get3A_41 = arith.constant 0 : index
    %get3A_42 = arith.constant 3 : index
    %get3A_43 = arith.constant 0 : index
    %get3A_44 = arith.constant 0 : index
    %get3A_45 = vector.load %arg2[%get3A_41, %get3A_42, %get3A_43, %get3A_44] : memref<1x32x224x224xf32, #tpu.memory_space<vmem>>, vector<1x1x224x224xf32>
    %get3A_46 = vector.shape_cast %get3A_45 : vector<1x1x224x224xf32> to vector<224x224xf32>
    %slice3A_47 = vector.extract_strided_slice %get3A_46 {offsets = [1, 0], sizes = [223, 224], strides = [1, 1]} : vector<224x224xf32> to vector<223x224xf32>
    %slice3A_48 = vector.extract_strided_slice %get3A_46 {offsets = [0, 0], sizes = [223, 224], strides = [1, 1]} : vector<224x224xf32> to vector<223x224xf32>
    %sub3A_49 = arith.subf %slice3A_47, %slice3A_48 : vector<223x224xf32>
    %slice3A_50 = vector.extract_strided_slice %get3A_46 {offsets = [0, 1], sizes = [224, 223], strides = [1, 1]} : vector<224x224xf32> to vector<224x223xf32>
    %slice3A_51 = vector.extract_strided_slice %get3A_46 {offsets = [0, 0], sizes = [224, 223], strides = [1, 1]} : vector<224x224xf32> to vector<224x223xf32>
    %sub3A_52 = arith.subf %slice3A_50, %slice3A_51 : vector<224x223xf32>
    %mul3A_53 = arith.mulf %sub3A_49, %sub3A_49 : vector<223x224xf32>
    %add3A_54 = arith.addf %add3A_38, %mul3A_53 : vector<223x224xf32>
    %mul3A_55 = arith.mulf %sub3A_52, %sub3A_52 : vector<224x223xf32>
    %add3A_56 = arith.addf %add3A_40, %mul3A_55 : vector<224x223xf32>
    %get3A_57 = arith.constant 0 : index
    %get3A_58 = arith.constant 4 : index
    %get3A_59 = arith.constant 0 : index
    %get3A_60 = arith.constant 0 : index
    %get3A_61 = vector.load %arg2[%get3A_57, %get3A_58, %get3A_59, %get3A_60] : memref<1x32x224x224xf32, #tpu.memory_space<vmem>>, vector<1x1x224x224xf32>
    %get3A_62 = vector.shape_cast %get3A_61 : vector<1x1x224x224xf32> to vector<224x224xf32>
    %slice3A_63 = vector.extract_strided_slice %get3A_62 {offsets = [1, 0], sizes = [223, 224], strides = [1, 1]} : vector<224x224xf32> to vector<223x224xf32>
    %slice3A_64 = vector.extract_strided_slice %get3A_62 {offsets = [0, 0], sizes = [223, 224], strides = [1, 1]} : vector<224x224xf32> to vector<223x224xf32>
    %sub3A_65 = arith.subf %slice3A_63, %slice3A_64 : vector<223x224xf32>
    %slice3A_66 = vector.extract_strided_slice %get3A_62 {offsets = [0, 1], sizes = [224, 223], strides = [1, 1]} : vector<224x224xf32> to vector<224x223xf32>
    %slice3A_67 = vector.extract_strided_slice %get3A_62 {offsets = [0, 0], sizes = [224, 223], strides = [1, 1]} : vector<224x224xf32> to vector<224x223xf32>
    %sub3A_68 = arith.subf %slice3A_66, %slice3A_67 : vector<224x223xf32>
    %mul3A_69 = arith.mulf %sub3A_65, %sub3A_65 : vector<223x224xf32>
    %add3A_70 = arith.addf %add3A_54, %mul3A_69 : vector<223x224xf32>
    %mul3A_71 = arith.mulf %sub3A_68, %sub3A_68 : vector<224x223xf32>
    %add3A_72 = arith.addf %add3A_56, %mul3A_71 : vector<224x223xf32>
    %get3A_73 = arith.constant 0 : index
    %get3A_74 = arith.constant 5 : index
    %get3A_75 = arith.constant 0 : index
    %get3A_76 = arith.constant 0 : index
    %get3A_77 = vector.load %arg2[%get3A_73, %get3A_74, %get3A_75, %get3A_76] : memref<1x32x224x224xf32, #tpu.memory_space<vmem>>, vector<1x1x224x224xf32>
    %get3A_78 = vector.shape_cast %get3A_77 : vector<1x1x224x224xf32> to vector<224x224xf32>
    %slice3A_79 = vector.extract_strided_slice %get3A_78 {offsets = [1, 0], sizes = [223, 224], strides = [1, 1]} : vector<224x224xf32> to vector<223x224xf32>
    %slice3A_80 = vector.extract_strided_slice %get3A_78 {offsets = [0, 0], sizes = [223, 224], strides = [1, 1]} : vector<224x224xf32> to vector<223x224xf32>
    %sub3A_81 = arith.subf %slice3A_79, %slice3A_80 : vector<223x224xf32>
    %slice3A_82 = vector.extract_strided_slice %get3A_78 {offsets = [0, 1], sizes = [224, 223], strides = [1, 1]} : vector<224x224xf32> to vector<224x223xf32>
    %slice3A_83 = vector.extract_strided_slice %get3A_78 {offsets = [0, 0], sizes = [224, 223], strides = [1, 1]} : vector<224x224xf32> to vector<224x223xf32>
    %sub3A_84 = arith.subf %slice3A_82, %slice3A_83 : vector<224x223xf32>
    %mul3A_85 = arith.mulf %sub3A_81, %sub3A_81 : vector<223x224xf32>
    %add3A_86 = arith.addf %add3A_70, %mul3A_85 : vector<223x224xf32>
    %mul3A_87 = arith.mulf %sub3A_84, %sub3A_84 : vector<224x223xf32>
    %add3A_88 = arith.addf %add3A_72, %mul3A_87 : vector<224x223xf32>
    %get3A_89 = arith.constant 0 : index
    %get3A_90 = arith.constant 6 : index
    %get3A_91 = arith.constant 0 : index
    %get3A_92 = arith.constant 0 : index
    %get3A_93 = vector.load %arg2[%get3A_89, %get3A_90, %get3A_91, %get3A_92] : memref<1x32x224x224xf32, #tpu.memory_space<vmem>>, vector<1x1x224x224xf32>
    %get3A_94 = vector.shape_cast %get3A_93 : vector<1x1x224x224xf32> to vector<224x224xf32>
    %slice3A_95 = vector.extract_strided_slice %get3A_94 {offsets = [1, 0], sizes = [223, 224], strides = [1, 1]} : vector<224x224xf32> to vector<223x224xf32>
    %slice3A_96 = vector.extract_strided_slice %get3A_94 {offsets = [0, 0], sizes = [223, 224], strides = [1, 1]} : vector<224x224xf32> to vector<223x224xf32>
    %sub3A_97 = arith.subf %slice3A_95, %slice3A_96 : vector<223x224xf32>
    %slice3A_98 = vector.extract_strided_slice %get3A_94 {offsets = [0, 1], sizes = [224, 223], strides = [1, 1]} : vector<224x224xf32> to vector<224x223xf32>
    %slice3A_99 = vector.extract_strided_slice %get3A_94 {offsets = [0, 0], sizes = [224, 223], strides = [1, 1]} : vector<224x224xf32> to vector<224x223xf32>
    %sub3A_100 = arith.subf %slice3A_98, %slice3A_99 : vector<224x223xf32>
    %mul3A_101 = arith.mulf %sub3A_97, %sub3A_97 : vector<223x224xf32>
    %add3A_102 = arith.addf %add3A_86, %mul3A_101 : vector<223x224xf32>
    %mul3A_103 = arith.mulf %sub3A_100, %sub3A_100 : vector<224x223xf32>
    %add3A_104 = arith.addf %add3A_88, %mul3A_103 : vector<224x223xf32>
    %get3A_105 = arith.constant 0 : index
    %get3A_106 = arith.constant 7 : index
    %get3A_107 = arith.constant 0 : index
    %get3A_108 = arith.constant 0 : index
    %get3A_109 = vector.load %arg2[%get3A_105, %get3A_106, %get3A_107, %get3A_108] : memref<1x32x224x224xf32, #tpu.memory_space<vmem>>, vector<1x1x224x224xf32>
    %get3A_110 = vector.shape_cast %get3A_109 : vector<1x1x224x224xf32> to vector<224x224xf32>
    %slice3A_111 = vector.extract_strided_slice %get3A_110 {offsets = [1, 0], sizes = [223, 224], strides = [1, 1]} : vector<224x224xf32> to vector<223x224xf32>
    %slice3A_112 = vector.extract_strided_slice %get3A_110 {offsets = [0, 0], sizes = [223, 224], strides = [1, 1]} : vector<224x224xf32> to vector<223x224xf32>
    %sub3A_113 = arith.subf %slice3A_111, %slice3A_112 : vector<223x224xf32>
    %slice3A_114 = vector.extract_strided_slice %get3A_110 {offsets = [0, 1], sizes = [224, 223], strides = [1, 1]} : vector<224x224xf32> to vector<224x223xf32>
    %slice3A_115 = vector.extract_strided_slice %get3A_110 {offsets = [0, 0], sizes = [224, 223], strides = [1, 1]} : vector<224x224xf32> to vector<224x223xf32>
    %sub3A_116 = arith.subf %slice3A_114, %slice3A_115 : vector<224x223xf32>
    %mul3A_117 = arith.mulf %sub3A_113, %sub3A_113 : vector<223x224xf32>
    %add3A_118 = arith.addf %add3A_102, %mul3A_117 : vector<223x224xf32>
    %mul3A_119 = arith.mulf %sub3A_116, %sub3A_116 : vector<224x223xf32>
    %add3A_120 = arith.addf %add3A_104, %mul3A_119 : vector<224x223xf32>
    %get3A_121 = arith.constant 0 : index
    %get3A_122 = arith.constant 8 : index
    %get3A_123 = arith.constant 0 : index
    %get3A_124 = arith.constant 0 : index
    %get3A_125 = vector.load %arg2[%get3A_121, %get3A_122, %get3A_123, %get3A_124] : memref<1x32x224x224xf32, #tpu.memory_space<vmem>>, vector<1x1x224x224xf32>
    %get3A_126 = vector.shape_cast %get3A_125 : vector<1x1x224x224xf32> to vector<224x224xf32>
    %slice3A_127 = vector.extract_strided_slice %get3A_126 {offsets = [1, 0], sizes = [223, 224], strides = [1, 1]} : vector<224x224xf32> to vector<223x224xf32>
    %slice3A_128 = vector.extract_strided_slice %get3A_126 {offsets = [0, 0], sizes = [223, 224], strides = [1, 1]} : vector<224x224xf32> to vector<223x224xf32>
    %sub3A_129 = arith.subf %slice3A_127, %slice3A_128 : vector<223x224xf32>
    %slice3A_130 = vector.extract_strided_slice %get3A_126 {offsets = [0, 1], sizes = [224, 223], strides = [1, 1]} : vector<224x224xf32> to vector<224x223xf32>
    %slice3A_131 = vector.extract_strided_slice %get3A_126 {offsets = [0, 0], sizes = [224, 223], strides = [1, 1]} : vector<224x224xf32> to vector<224x223xf32>
    %sub3A_132 = arith.subf %slice3A_130, %slice3A_131 : vector<224x223xf32>
    %mul3A_133 = arith.mulf %sub3A_129, %sub3A_129 : vector<223x224xf32>
    %add3A_134 = arith.addf %add3A_118, %mul3A_133 : vector<223x224xf32>
    %mul3A_135 = arith.mulf %sub3A_132, %sub3A_132 : vector<224x223xf32>
    %add3A_136 = arith.addf %add3A_120, %mul3A_135 : vector<224x223xf32>
    %get3A_137 = arith.constant 0 : index
    %get3A_138 = arith.constant 9 : index
    %get3A_139 = arith.constant 0 : index
    %get3A_140 = arith.constant 0 : index
    %get3A_141 = vector.load %arg2[%get3A_137, %get3A_138, %get3A_139, %get3A_140] : memref<1x32x224x224xf32, #tpu.memory_space<vmem>>, vector<1x1x224x224xf32>
    %get3A_142 = vector.shape_cast %get3A_141 : vector<1x1x224x224xf32> to vector<224x224xf32>
    %slice3A_143 = vector.extract_strided_slice %get3A_142 {offsets = [1, 0], sizes = [223, 224], strides = [1, 1]} : vector<224x224xf32> to vector<223x224xf32>
    %slice3A_144 = vector.extract_strided_slice %get3A_142 {offsets = [0, 0], sizes = [223, 224], strides = [1, 1]} : vector<224x224xf32> to vector<223x224xf32>
    %sub3A_145 = arith.subf %slice3A_143, %slice3A_144 : vector<223x224xf32>
    %slice3A_146 = vector.extract_strided_slice %get3A_142 {offsets = [0, 1], sizes = [224, 223], strides = [1, 1]} : vector<224x224xf32> to vector<224x223xf32>
    %slice3A_147 = vector.extract_strided_slice %get3A_142 {offsets = [0, 0], sizes = [224, 223], strides = [1, 1]} : vector<224x224xf32> to vector<224x223xf32>
    %sub3A_148 = arith.subf %slice3A_146, %slice3A_147 : vector<224x223xf32>
    %mul3A_149 = arith.mulf %sub3A_145, %sub3A_145 : vector<223x224xf32>
    %add3A_150 = arith.addf %add3A_134, %mul3A_149 : vector<223x224xf32>
    %mul3A_151 = arith.mulf %sub3A_148, %sub3A_148 : vector<224x223xf32>
    %add3A_152 = arith.addf %add3A_136, %mul3A_151 : vector<224x223xf32>
    %get3A_153 = arith.constant 0 : index
    %get3A_154 = arith.constant 10 : index
    %get3A_155 = arith.constant 0 : index
    %get3A_156 = arith.constant 0 : index
    %get3A_157 = vector.load %arg2[%get3A_153, %get3A_154, %get3A_155, %get3A_156] : memref<1x32x224x224xf32, #tpu.memory_space<vmem>>, vector<1x1x224x224xf32>
    %get3A_158 = vector.shape_cast %get3A_157 : vector<1x1x224x224xf32> to vector<224x224xf32>
    %slice3A_159 = vector.extract_strided_slice %get3A_158 {offsets = [1, 0], sizes = [223, 224], strides = [1, 1]} : vector<224x224xf32> to vector<223x224xf32>
    %slice3A_160 = vector.extract_strided_slice %get3A_158 {offsets = [0, 0], sizes = [223, 224], strides = [1, 1]} : vector<224x224xf32> to vector<223x224xf32>
    %sub3A_161 = arith.subf %slice3A_159, %slice3A_160 : vector<223x224xf32>
    %slice3A_162 = vector.extract_strided_slice %get3A_158 {offsets = [0, 1], sizes = [224, 223], strides = [1, 1]} : vector<224x224xf32> to vector<224x223xf32>
    %slice3A_163 = vector.extract_strided_slice %get3A_158 {offsets = [0, 0], sizes = [224, 223], strides = [1, 1]} : vector<224x224xf32> to vector<224x223xf32>
    %sub3A_164 = arith.subf %slice3A_162, %slice3A_163 : vector<224x223xf32>
    %mul3A_165 = arith.mulf %sub3A_161, %sub3A_161 : vector<223x224xf32>
    %add3A_166 = arith.addf %add3A_150, %mul3A_165 : vector<223x224xf32>
    %mul3A_167 = arith.mulf %sub3A_164, %sub3A_164 : vector<224x223xf32>
    %add3A_168 = arith.addf %add3A_152, %mul3A_167 : vector<224x223xf32>
    %get3A_169 = arith.constant 0 : index
    %get3A_170 = arith.constant 11 : index
    %get3A_171 = arith.constant 0 : index
    %get3A_172 = arith.constant 0 : index
    %get3A_173 = vector.load %arg2[%get3A_169, %get3A_170, %get3A_171, %get3A_172] : memref<1x32x224x224xf32, #tpu.memory_space<vmem>>, vector<1x1x224x224xf32>
    %get3A_174 = vector.shape_cast %get3A_173 : vector<1x1x224x224xf32> to vector<224x224xf32>
    %slice3A_175 = vector.extract_strided_slice %get3A_174 {offsets = [1, 0], sizes = [223, 224], strides = [1, 1]} : vector<224x224xf32> to vector<223x224xf32>
    %slice3A_176 = vector.extract_strided_slice %get3A_174 {offsets = [0, 0], sizes = [223, 224], strides = [1, 1]} : vector<224x224xf32> to vector<223x224xf32>
    %sub3A_177 = arith.subf %slice3A_175, %slice3A_176 : vector<223x224xf32>
    %slice3A_178 = vector.extract_strided_slice %get3A_174 {offsets = [0, 1], sizes = [224, 223], strides = [1, 1]} : vector<224x224xf32> to vector<224x223xf32>
    %slice3A_179 = vector.extract_strided_slice %get3A_174 {offsets = [0, 0], sizes = [224, 223], strides = [1, 1]} : vector<224x224xf32> to vector<224x223xf32>
    %sub3A_180 = arith.subf %slice3A_178, %slice3A_179 : vector<224x223xf32>
    %mul3A_181 = arith.mulf %sub3A_177, %sub3A_177 : vector<223x224xf32>
    %add3A_182 = arith.addf %add3A_166, %mul3A_181 : vector<223x224xf32>
    %mul3A_183 = arith.mulf %sub3A_180, %sub3A_180 : vector<224x223xf32>
    %add3A_184 = arith.addf %add3A_168, %mul3A_183 : vector<224x223xf32>
    %get3A_185 = arith.constant 0 : index
    %get3A_186 = arith.constant 12 : index
    %get3A_187 = arith.constant 0 : index
    %get3A_188 = arith.constant 0 : index
    %get3A_189 = vector.load %arg2[%get3A_185, %get3A_186, %get3A_187, %get3A_188] : memref<1x32x224x224xf32, #tpu.memory_space<vmem>>, vector<1x1x224x224xf32>
    %get3A_190 = vector.shape_cast %get3A_189 : vector<1x1x224x224xf32> to vector<224x224xf32>
    %slice3A_191 = vector.extract_strided_slice %get3A_190 {offsets = [1, 0], sizes = [223, 224], strides = [1, 1]} : vector<224x224xf32> to vector<223x224xf32>
    %slice3A_192 = vector.extract_strided_slice %get3A_190 {offsets = [0, 0], sizes = [223, 224], strides = [1, 1]} : vector<224x224xf32> to vector<223x224xf32>
    %sub3A_193 = arith.subf %slice3A_191, %slice3A_192 : vector<223x224xf32>
    %slice3A_194 = vector.extract_strided_slice %get3A_190 {offsets = [0, 1], sizes = [224, 223], strides = [1, 1]} : vector<224x224xf32> to vector<224x223xf32>
    %slice3A_195 = vector.extract_strided_slice %get3A_190 {offsets = [0, 0], sizes = [224, 223], strides = [1, 1]} : vector<224x224xf32> to vector<224x223xf32>
    %sub3A_196 = arith.subf %slice3A_194, %slice3A_195 : vector<224x223xf32>
    %mul3A_197 = arith.mulf %sub3A_193, %sub3A_193 : vector<223x224xf32>
    %add3A_198 = arith.addf %add3A_182, %mul3A_197 : vector<223x224xf32>
    %mul3A_199 = arith.mulf %sub3A_196, %sub3A_196 : vector<224x223xf32>
    %add3A_200 = arith.addf %add3A_184, %mul3A_199 : vector<224x223xf32>
    %get3A_201 = arith.constant 0 : index
    %get3A_202 = arith.constant 13 : index
    %get3A_203 = arith.constant 0 : index
    %get3A_204 = arith.constant 0 : index
    %get3A_205 = vector.load %arg2[%get3A_201, %get3A_202, %get3A_203, %get3A_204] : memref<1x32x224x224xf32, #tpu.memory_space<vmem>>, vector<1x1x224x224xf32>
    %get3A_206 = vector.shape_cast %get3A_205 : vector<1x1x224x224xf32> to vector<224x224xf32>
    %slice3A_207 = vector.extract_strided_slice %get3A_206 {offsets = [1, 0], sizes = [223, 224], strides = [1, 1]} : vector<224x224xf32> to vector<223x224xf32>
    %slice3A_208 = vector.extract_strided_slice %get3A_206 {offsets = [0, 0], sizes = [223, 224], strides = [1, 1]} : vector<224x224xf32> to vector<223x224xf32>
    %sub3A_209 = arith.subf %slice3A_207, %slice3A_208 : vector<223x224xf32>
    %slice3A_210 = vector.extract_strided_slice %get3A_206 {offsets = [0, 1], sizes = [224, 223], strides = [1, 1]} : vector<224x224xf32> to vector<224x223xf32>
    %slice3A_211 = vector.extract_strided_slice %get3A_206 {offsets = [0, 0], sizes = [224, 223], strides = [1, 1]} : vector<224x224xf32> to vector<224x223xf32>
    %sub3A_212 = arith.subf %slice3A_210, %slice3A_211 : vector<224x223xf32>
    %mul3A_213 = arith.mulf %sub3A_209, %sub3A_209 : vector<223x224xf32>
    %add3A_214 = arith.addf %add3A_198, %mul3A_213 : vector<223x224xf32>
    %mul3A_215 = arith.mulf %sub3A_212, %sub3A_212 : vector<224x223xf32>
    %add3A_216 = arith.addf %add3A_200, %mul3A_215 : vector<224x223xf32>
    %get3A_217 = arith.constant 0 : index
    %get3A_218 = arith.constant 14 : index
    %get3A_219 = arith.constant 0 : index
    %get3A_220 = arith.constant 0 : index
    %get3A_221 = vector.load %arg2[%get3A_217, %get3A_218, %get3A_219, %get3A_220] : memref<1x32x224x224xf32, #tpu.memory_space<vmem>>, vector<1x1x224x224xf32>
    %get3A_222 = vector.shape_cast %get3A_221 : vector<1x1x224x224xf32> to vector<224x224xf32>
    %slice3A_223 = vector.extract_strided_slice %get3A_222 {offsets = [1, 0], sizes = [223, 224], strides = [1, 1]} : vector<224x224xf32> to vector<223x224xf32>
    %slice3A_224 = vector.extract_strided_slice %get3A_222 {offsets = [0, 0], sizes = [223, 224], strides = [1, 1]} : vector<224x224xf32> to vector<223x224xf32>
    %sub3A_225 = arith.subf %slice3A_223, %slice3A_224 : vector<223x224xf32>
    %slice3A_226 = vector.extract_strided_slice %get3A_222 {offsets = [0, 1], sizes = [224, 223], strides = [1, 1]} : vector<224x224xf32> to vector<224x223xf32>
    %slice3A_227 = vector.extract_strided_slice %get3A_222 {offsets = [0, 0], sizes = [224, 223], strides = [1, 1]} : vector<224x224xf32> to vector<224x223xf32>
    %sub3A_228 = arith.subf %slice3A_226, %slice3A_227 : vector<224x223xf32>
    %mul3A_229 = arith.mulf %sub3A_225, %sub3A_225 : vector<223x224xf32>
    %add3A_230 = arith.addf %add3A_214, %mul3A_229 : vector<223x224xf32>
    %mul3A_231 = arith.mulf %sub3A_228, %sub3A_228 : vector<224x223xf32>
    %add3A_232 = arith.addf %add3A_216, %mul3A_231 : vector<224x223xf32>
    %get3A_233 = arith.constant 0 : index
    %get3A_234 = arith.constant 15 : index
    %get3A_235 = arith.constant 0 : index
    %get3A_236 = arith.constant 0 : index
    %get3A_237 = vector.load %arg2[%get3A_233, %get3A_234, %get3A_235, %get3A_236] : memref<1x32x224x224xf32, #tpu.memory_space<vmem>>, vector<1x1x224x224xf32>
    %get3A_238 = vector.shape_cast %get3A_237 : vector<1x1x224x224xf32> to vector<224x224xf32>
    %slice3A_239 = vector.extract_strided_slice %get3A_238 {offsets = [1, 0], sizes = [223, 224], strides = [1, 1]} : vector<224x224xf32> to vector<223x224xf32>
    %slice3A_240 = vector.extract_strided_slice %get3A_238 {offsets = [0, 0], sizes = [223, 224], strides = [1, 1]} : vector<224x224xf32> to vector<223x224xf32>
    %sub3A_241 = arith.subf %slice3A_239, %slice3A_240 : vector<223x224xf32>
    %slice3A_242 = vector.extract_strided_slice %get3A_238 {offsets = [0, 1], sizes = [224, 223], strides = [1, 1]} : vector<224x224xf32> to vector<224x223xf32>
    %slice3A_243 = vector.extract_strided_slice %get3A_238 {offsets = [0, 0], sizes = [224, 223], strides = [1, 1]} : vector<224x224xf32> to vector<224x223xf32>
    %sub3A_244 = arith.subf %slice3A_242, %slice3A_243 : vector<224x223xf32>
    %mul3A_245 = arith.mulf %sub3A_241, %sub3A_241 : vector<223x224xf32>
    %add3A_246 = arith.addf %add3A_230, %mul3A_245 : vector<223x224xf32>
    %mul3A_247 = arith.mulf %sub3A_244, %sub3A_244 : vector<224x223xf32>
    %add3A_248 = arith.addf %add3A_232, %mul3A_247 : vector<224x223xf32>
    %get3A_249 = arith.constant 0 : index
    %get3A_250 = arith.constant 16 : index
    %get3A_251 = arith.constant 0 : index
    %get3A_252 = arith.constant 0 : index
    %get3A_253 = vector.load %arg2[%get3A_249, %get3A_250, %get3A_251, %get3A_252] : memref<1x32x224x224xf32, #tpu.memory_space<vmem>>, vector<1x1x224x224xf32>
    %get3A_254 = vector.shape_cast %get3A_253 : vector<1x1x224x224xf32> to vector<224x224xf32>
    %slice3A_255 = vector.extract_strided_slice %get3A_254 {offsets = [1, 0], sizes = [223, 224], strides = [1, 1]} : vector<224x224xf32> to vector<223x224xf32>
    %slice3A_256 = vector.extract_strided_slice %get3A_254 {offsets = [0, 0], sizes = [223, 224], strides = [1, 1]} : vector<224x224xf32> to vector<223x224xf32>
    %sub3A_257 = arith.subf %slice3A_255, %slice3A_256 : vector<223x224xf32>
    %slice3A_258 = vector.extract_strided_slice %get3A_254 {offsets = [0, 1], sizes = [224, 223], strides = [1, 1]} : vector<224x224xf32> to vector<224x223xf32>
    %slice3A_259 = vector.extract_strided_slice %get3A_254 {offsets = [0, 0], sizes = [224, 223], strides = [1, 1]} : vector<224x224xf32> to vector<224x223xf32>
    %sub3A_260 = arith.subf %slice3A_258, %slice3A_259 : vector<224x223xf32>
    %mul3A_261 = arith.mulf %sub3A_257, %sub3A_257 : vector<223x224xf32>
    %add3A_262 = arith.addf %add3A_246, %mul3A_261 : vector<223x224xf32>
    %mul3A_263 = arith.mulf %sub3A_260, %sub3A_260 : vector<224x223xf32>
    %add3A_264 = arith.addf %add3A_248, %mul3A_263 : vector<224x223xf32>
    %get3A_265 = arith.constant 0 : index
    %get3A_266 = arith.constant 17 : index
    %get3A_267 = arith.constant 0 : index
    %get3A_268 = arith.constant 0 : index
    %get3A_269 = vector.load %arg2[%get3A_265, %get3A_266, %get3A_267, %get3A_268] : memref<1x32x224x224xf32, #tpu.memory_space<vmem>>, vector<1x1x224x224xf32>
    %get3A_270 = vector.shape_cast %get3A_269 : vector<1x1x224x224xf32> to vector<224x224xf32>
    %slice3A_271 = vector.extract_strided_slice %get3A_270 {offsets = [1, 0], sizes = [223, 224], strides = [1, 1]} : vector<224x224xf32> to vector<223x224xf32>
    %slice3A_272 = vector.extract_strided_slice %get3A_270 {offsets = [0, 0], sizes = [223, 224], strides = [1, 1]} : vector<224x224xf32> to vector<223x224xf32>
    %sub3A_273 = arith.subf %slice3A_271, %slice3A_272 : vector<223x224xf32>
    %slice3A_274 = vector.extract_strided_slice %get3A_270 {offsets = [0, 1], sizes = [224, 223], strides = [1, 1]} : vector<224x224xf32> to vector<224x223xf32>
    %slice3A_275 = vector.extract_strided_slice %get3A_270 {offsets = [0, 0], sizes = [224, 223], strides = [1, 1]} : vector<224x224xf32> to vector<224x223xf32>
    %sub3A_276 = arith.subf %slice3A_274, %slice3A_275 : vector<224x223xf32>
    %mul3A_277 = arith.mulf %sub3A_273, %sub3A_273 : vector<223x224xf32>
    %add3A_278 = arith.addf %add3A_262, %mul3A_277 : vector<223x224xf32>
    %mul3A_279 = arith.mulf %sub3A_276, %sub3A_276 : vector<224x223xf32>
    %add3A_280 = arith.addf %add3A_264, %mul3A_279 : vector<224x223xf32>
    %get3A_281 = arith.constant 0 : index
    %get3A_282 = arith.constant 18 : index
    %get3A_283 = arith.constant 0 : index
    %get3A_284 = arith.constant 0 : index
    %get3A_285 = vector.load %arg2[%get3A_281, %get3A_282, %get3A_283, %get3A_284] : memref<1x32x224x224xf32, #tpu.memory_space<vmem>>, vector<1x1x224x224xf32>
    %get3A_286 = vector.shape_cast %get3A_285 : vector<1x1x224x224xf32> to vector<224x224xf32>
    %slice3A_287 = vector.extract_strided_slice %get3A_286 {offsets = [1, 0], sizes = [223, 224], strides = [1, 1]} : vector<224x224xf32> to vector<223x224xf32>
    %slice3A_288 = vector.extract_strided_slice %get3A_286 {offsets = [0, 0], sizes = [223, 224], strides = [1, 1]} : vector<224x224xf32> to vector<223x224xf32>
    %sub3A_289 = arith.subf %slice3A_287, %slice3A_288 : vector<223x224xf32>
    %slice3A_290 = vector.extract_strided_slice %get3A_286 {offsets = [0, 1], sizes = [224, 223], strides = [1, 1]} : vector<224x224xf32> to vector<224x223xf32>
    %slice3A_291 = vector.extract_strided_slice %get3A_286 {offsets = [0, 0], sizes = [224, 223], strides = [1, 1]} : vector<224x224xf32> to vector<224x223xf32>
    %sub3A_292 = arith.subf %slice3A_290, %slice3A_291 : vector<224x223xf32>
    %mul3A_293 = arith.mulf %sub3A_289, %sub3A_289 : vector<223x224xf32>
    %add3A_294 = arith.addf %add3A_278, %mul3A_293 : vector<223x224xf32>
    %mul3A_295 = arith.mulf %sub3A_292, %sub3A_292 : vector<224x223xf32>
    %add3A_296 = arith.addf %add3A_280, %mul3A_295 : vector<224x223xf32>
    %get3A_297 = arith.constant 0 : index
    %get3A_298 = arith.constant 19 : index
    %get3A_299 = arith.constant 0 : index
    %get3A_300 = arith.constant 0 : index
    %get3A_301 = vector.load %arg2[%get3A_297, %get3A_298, %get3A_299, %get3A_300] : memref<1x32x224x224xf32, #tpu.memory_space<vmem>>, vector<1x1x224x224xf32>
    %get3A_302 = vector.shape_cast %get3A_301 : vector<1x1x224x224xf32> to vector<224x224xf32>
    %slice3A_303 = vector.extract_strided_slice %get3A_302 {offsets = [1, 0], sizes = [223, 224], strides = [1, 1]} : vector<224x224xf32> to vector<223x224xf32>
    %slice3A_304 = vector.extract_strided_slice %get3A_302 {offsets = [0, 0], sizes = [223, 224], strides = [1, 1]} : vector<224x224xf32> to vector<223x224xf32>
    %sub3A_305 = arith.subf %slice3A_303, %slice3A_304 : vector<223x224xf32>
    %slice3A_306 = vector.extract_strided_slice %get3A_302 {offsets = [0, 1], sizes = [224, 223], strides = [1, 1]} : vector<224x224xf32> to vector<224x223xf32>
    %slice3A_307 = vector.extract_strided_slice %get3A_302 {offsets = [0, 0], sizes = [224, 223], strides = [1, 1]} : vector<224x224xf32> to vector<224x223xf32>
    %sub3A_308 = arith.subf %slice3A_306, %slice3A_307 : vector<224x223xf32>
    %mul3A_309 = arith.mulf %sub3A_305, %sub3A_305 : vector<223x224xf32>
    %add3A_310 = arith.addf %add3A_294, %mul3A_309 : vector<223x224xf32>
    %mul3A_311 = arith.mulf %sub3A_308, %sub3A_308 : vector<224x223xf32>
    %add3A_312 = arith.addf %add3A_296, %mul3A_311 : vector<224x223xf32>
    %get3A_313 = arith.constant 0 : index
    %get3A_314 = arith.constant 20 : index
    %get3A_315 = arith.constant 0 : index
    %get3A_316 = arith.constant 0 : index
    %get3A_317 = vector.load %arg2[%get3A_313, %get3A_314, %get3A_315, %get3A_316] : memref<1x32x224x224xf32, #tpu.memory_space<vmem>>, vector<1x1x224x224xf32>
    %get3A_318 = vector.shape_cast %get3A_317 : vector<1x1x224x224xf32> to vector<224x224xf32>
    %slice3A_319 = vector.extract_strided_slice %get3A_318 {offsets = [1, 0], sizes = [223, 224], strides = [1, 1]} : vector<224x224xf32> to vector<223x224xf32>
    %slice3A_320 = vector.extract_strided_slice %get3A_318 {offsets = [0, 0], sizes = [223, 224], strides = [1, 1]} : vector<224x224xf32> to vector<223x224xf32>
    %sub3A_321 = arith.subf %slice3A_319, %slice3A_320 : vector<223x224xf32>
    %slice3A_322 = vector.extract_strided_slice %get3A_318 {offsets = [0, 1], sizes = [224, 223], strides = [1, 1]} : vector<224x224xf32> to vector<224x223xf32>
    %slice3A_323 = vector.extract_strided_slice %get3A_318 {offsets = [0, 0], sizes = [224, 223], strides = [1, 1]} : vector<224x224xf32> to vector<224x223xf32>
    %sub3A_324 = arith.subf %slice3A_322, %slice3A_323 : vector<224x223xf32>
    %mul3A_325 = arith.mulf %sub3A_321, %sub3A_321 : vector<223x224xf32>
    %add3A_326 = arith.addf %add3A_310, %mul3A_325 : vector<223x224xf32>
    %mul3A_327 = arith.mulf %sub3A_324, %sub3A_324 : vector<224x223xf32>
    %add3A_328 = arith.addf %add3A_312, %mul3A_327 : vector<224x223xf32>
    %get3A_329 = arith.constant 0 : index
    %get3A_330 = arith.constant 21 : index
    %get3A_331 = arith.constant 0 : index
    %get3A_332 = arith.constant 0 : index
    %get3A_333 = vector.load %arg2[%get3A_329, %get3A_330, %get3A_331, %get3A_332] : memref<1x32x224x224xf32, #tpu.memory_space<vmem>>, vector<1x1x224x224xf32>
    %get3A_334 = vector.shape_cast %get3A_333 : vector<1x1x224x224xf32> to vector<224x224xf32>
    %slice3A_335 = vector.extract_strided_slice %get3A_334 {offsets = [1, 0], sizes = [223, 224], strides = [1, 1]} : vector<224x224xf32> to vector<223x224xf32>
    %slice3A_336 = vector.extract_strided_slice %get3A_334 {offsets = [0, 0], sizes = [223, 224], strides = [1, 1]} : vector<224x224xf32> to vector<223x224xf32>
    %sub3A_337 = arith.subf %slice3A_335, %slice3A_336 : vector<223x224xf32>
    %slice3A_338 = vector.extract_strided_slice %get3A_334 {offsets = [0, 1], sizes = [224, 223], strides = [1, 1]} : vector<224x224xf32> to vector<224x223xf32>
    %slice3A_339 = vector.extract_strided_slice %get3A_334 {offsets = [0, 0], sizes = [224, 223], strides = [1, 1]} : vector<224x224xf32> to vector<224x223xf32>
    %sub3A_340 = arith.subf %slice3A_338, %slice3A_339 : vector<224x223xf32>
    %mul3A_341 = arith.mulf %sub3A_337, %sub3A_337 : vector<223x224xf32>
    %add3A_342 = arith.addf %add3A_326, %mul3A_341 : vector<223x224xf32>
    %mul3A_343 = arith.mulf %sub3A_340, %sub3A_340 : vector<224x223xf32>
    %add3A_344 = arith.addf %add3A_328, %mul3A_343 : vector<224x223xf32>
    %get3A_345 = arith.constant 0 : index
    %get3A_346 = arith.constant 22 : index
    %get3A_347 = arith.constant 0 : index
    %get3A_348 = arith.constant 0 : index
    %get3A_349 = vector.load %arg2[%get3A_345, %get3A_346, %get3A_347, %get3A_348] : memref<1x32x224x224xf32, #tpu.memory_space<vmem>>, vector<1x1x224x224xf32>
    %get3A_350 = vector.shape_cast %get3A_349 : vector<1x1x224x224xf32> to vector<224x224xf32>
    %slice3A_351 = vector.extract_strided_slice %get3A_350 {offsets = [1, 0], sizes = [223, 224], strides = [1, 1]} : vector<224x224xf32> to vector<223x224xf32>
    %slice3A_352 = vector.extract_strided_slice %get3A_350 {offsets = [0, 0], sizes = [223, 224], strides = [1, 1]} : vector<224x224xf32> to vector<223x224xf32>
    %sub3A_353 = arith.subf %slice3A_351, %slice3A_352 : vector<223x224xf32>
    %slice3A_354 = vector.extract_strided_slice %get3A_350 {offsets = [0, 1], sizes = [224, 223], strides = [1, 1]} : vector<224x224xf32> to vector<224x223xf32>
    %slice3A_355 = vector.extract_strided_slice %get3A_350 {offsets = [0, 0], sizes = [224, 223], strides = [1, 1]} : vector<224x224xf32> to vector<224x223xf32>
    %sub3A_356 = arith.subf %slice3A_354, %slice3A_355 : vector<224x223xf32>
    %mul3A_357 = arith.mulf %sub3A_353, %sub3A_353 : vector<223x224xf32>
    %add3A_358 = arith.addf %add3A_342, %mul3A_357 : vector<223x224xf32>
    %mul3A_359 = arith.mulf %sub3A_356, %sub3A_356 : vector<224x223xf32>
    %add3A_360 = arith.addf %add3A_344, %mul3A_359 : vector<224x223xf32>
    %get3A_361 = arith.constant 0 : index
    %get3A_362 = arith.constant 23 : index
    %get3A_363 = arith.constant 0 : index
    %get3A_364 = arith.constant 0 : index
    %get3A_365 = vector.load %arg2[%get3A_361, %get3A_362, %get3A_363, %get3A_364] : memref<1x32x224x224xf32, #tpu.memory_space<vmem>>, vector<1x1x224x224xf32>
    %get3A_366 = vector.shape_cast %get3A_365 : vector<1x1x224x224xf32> to vector<224x224xf32>
    %slice3A_367 = vector.extract_strided_slice %get3A_366 {offsets = [1, 0], sizes = [223, 224], strides = [1, 1]} : vector<224x224xf32> to vector<223x224xf32>
    %slice3A_368 = vector.extract_strided_slice %get3A_366 {offsets = [0, 0], sizes = [223, 224], strides = [1, 1]} : vector<224x224xf32> to vector<223x224xf32>
    %sub3A_369 = arith.subf %slice3A_367, %slice3A_368 : vector<223x224xf32>
    %slice3A_370 = vector.extract_strided_slice %get3A_366 {offsets = [0, 1], sizes = [224, 223], strides = [1, 1]} : vector<224x224xf32> to vector<224x223xf32>
    %slice3A_371 = vector.extract_strided_slice %get3A_366 {offsets = [0, 0], sizes = [224, 223], strides = [1, 1]} : vector<224x224xf32> to vector<224x223xf32>
    %sub3A_372 = arith.subf %slice3A_370, %slice3A_371 : vector<224x223xf32>
    %mul3A_373 = arith.mulf %sub3A_369, %sub3A_369 : vector<223x224xf32>
    %add3A_374 = arith.addf %add3A_358, %mul3A_373 : vector<223x224xf32>
    %mul3A_375 = arith.mulf %sub3A_372, %sub3A_372 : vector<224x223xf32>
    %add3A_376 = arith.addf %add3A_360, %mul3A_375 : vector<224x223xf32>
    %get3A_377 = arith.constant 0 : index
    %get3A_378 = arith.constant 24 : index
    %get3A_379 = arith.constant 0 : index
    %get3A_380 = arith.constant 0 : index
    %get3A_381 = vector.load %arg2[%get3A_377, %get3A_378, %get3A_379, %get3A_380] : memref<1x32x224x224xf32, #tpu.memory_space<vmem>>, vector<1x1x224x224xf32>
    %get3A_382 = vector.shape_cast %get3A_381 : vector<1x1x224x224xf32> to vector<224x224xf32>
    %slice3A_383 = vector.extract_strided_slice %get3A_382 {offsets = [1, 0], sizes = [223, 224], strides = [1, 1]} : vector<224x224xf32> to vector<223x224xf32>
    %slice3A_384 = vector.extract_strided_slice %get3A_382 {offsets = [0, 0], sizes = [223, 224], strides = [1, 1]} : vector<224x224xf32> to vector<223x224xf32>
    %sub3A_385 = arith.subf %slice3A_383, %slice3A_384 : vector<223x224xf32>
    %slice3A_386 = vector.extract_strided_slice %get3A_382 {offsets = [0, 1], sizes = [224, 223], strides = [1, 1]} : vector<224x224xf32> to vector<224x223xf32>
    %slice3A_387 = vector.extract_strided_slice %get3A_382 {offsets = [0, 0], sizes = [224, 223], strides = [1, 1]} : vector<224x224xf32> to vector<224x223xf32>
    %sub3A_388 = arith.subf %slice3A_386, %slice3A_387 : vector<224x223xf32>
    %mul3A_389 = arith.mulf %sub3A_385, %sub3A_385 : vector<223x224xf32>
    %add3A_390 = arith.addf %add3A_374, %mul3A_389 : vector<223x224xf32>
    %mul3A_391 = arith.mulf %sub3A_388, %sub3A_388 : vector<224x223xf32>
    %add3A_392 = arith.addf %add3A_376, %mul3A_391 : vector<224x223xf32>
    %get3A_393 = arith.constant 0 : index
    %get3A_394 = arith.constant 25 : index
    %get3A_395 = arith.constant 0 : index
    %get3A_396 = arith.constant 0 : index
    %get3A_397 = vector.load %arg2[%get3A_393, %get3A_394, %get3A_395, %get3A_396] : memref<1x32x224x224xf32, #tpu.memory_space<vmem>>, vector<1x1x224x224xf32>
    %get3A_398 = vector.shape_cast %get3A_397 : vector<1x1x224x224xf32> to vector<224x224xf32>
    %slice3A_399 = vector.extract_strided_slice %get3A_398 {offsets = [1, 0], sizes = [223, 224], strides = [1, 1]} : vector<224x224xf32> to vector<223x224xf32>
    %slice3A_400 = vector.extract_strided_slice %get3A_398 {offsets = [0, 0], sizes = [223, 224], strides = [1, 1]} : vector<224x224xf32> to vector<223x224xf32>
    %sub3A_401 = arith.subf %slice3A_399, %slice3A_400 : vector<223x224xf32>
    %slice3A_402 = vector.extract_strided_slice %get3A_398 {offsets = [0, 1], sizes = [224, 223], strides = [1, 1]} : vector<224x224xf32> to vector<224x223xf32>
    %slice3A_403 = vector.extract_strided_slice %get3A_398 {offsets = [0, 0], sizes = [224, 223], strides = [1, 1]} : vector<224x224xf32> to vector<224x223xf32>
    %sub3A_404 = arith.subf %slice3A_402, %slice3A_403 : vector<224x223xf32>
    %mul3A_405 = arith.mulf %sub3A_401, %sub3A_401 : vector<223x224xf32>
    %add3A_406 = arith.addf %add3A_390, %mul3A_405 : vector<223x224xf32>
    %mul3A_407 = arith.mulf %sub3A_404, %sub3A_404 : vector<224x223xf32>
    %add3A_408 = arith.addf %add3A_392, %mul3A_407 : vector<224x223xf32>
    %get3A_409 = arith.constant 0 : index
    %get3A_410 = arith.constant 26 : index
    %get3A_411 = arith.constant 0 : index
    %get3A_412 = arith.constant 0 : index
    %get3A_413 = vector.load %arg2[%get3A_409, %get3A_410, %get3A_411, %get3A_412] : memref<1x32x224x224xf32, #tpu.memory_space<vmem>>, vector<1x1x224x224xf32>
    %get3A_414 = vector.shape_cast %get3A_413 : vector<1x1x224x224xf32> to vector<224x224xf32>
    %slice3A_415 = vector.extract_strided_slice %get3A_414 {offsets = [1, 0], sizes = [223, 224], strides = [1, 1]} : vector<224x224xf32> to vector<223x224xf32>
    %slice3A_416 = vector.extract_strided_slice %get3A_414 {offsets = [0, 0], sizes = [223, 224], strides = [1, 1]} : vector<224x224xf32> to vector<223x224xf32>
    %sub3A_417 = arith.subf %slice3A_415, %slice3A_416 : vector<223x224xf32>
    %slice3A_418 = vector.extract_strided_slice %get3A_414 {offsets = [0, 1], sizes = [224, 223], strides = [1, 1]} : vector<224x224xf32> to vector<224x223xf32>
    %slice3A_419 = vector.extract_strided_slice %get3A_414 {offsets = [0, 0], sizes = [224, 223], strides = [1, 1]} : vector<224x224xf32> to vector<224x223xf32>
    %sub3A_420 = arith.subf %slice3A_418, %slice3A_419 : vector<224x223xf32>
    %mul3A_421 = arith.mulf %sub3A_417, %sub3A_417 : vector<223x224xf32>
    %add3A_422 = arith.addf %add3A_406, %mul3A_421 : vector<223x224xf32>
    %mul3A_423 = arith.mulf %sub3A_420, %sub3A_420 : vector<224x223xf32>
    %add3A_424 = arith.addf %add3A_408, %mul3A_423 : vector<224x223xf32>
    %get3A_425 = arith.constant 0 : index
    %get3A_426 = arith.constant 27 : index
    %get3A_427 = arith.constant 0 : index
    %get3A_428 = arith.constant 0 : index
    %get3A_429 = vector.load %arg2[%get3A_425, %get3A_426, %get3A_427, %get3A_428] : memref<1x32x224x224xf32, #tpu.memory_space<vmem>>, vector<1x1x224x224xf32>
    %get3A_430 = vector.shape_cast %get3A_429 : vector<1x1x224x224xf32> to vector<224x224xf32>
    %slice3A_431 = vector.extract_strided_slice %get3A_430 {offsets = [1, 0], sizes = [223, 224], strides = [1, 1]} : vector<224x224xf32> to vector<223x224xf32>
    %slice3A_432 = vector.extract_strided_slice %get3A_430 {offsets = [0, 0], sizes = [223, 224], strides = [1, 1]} : vector<224x224xf32> to vector<223x224xf32>
    %sub3A_433 = arith.subf %slice3A_431, %slice3A_432 : vector<223x224xf32>
    %slice3A_434 = vector.extract_strided_slice %get3A_430 {offsets = [0, 1], sizes = [224, 223], strides = [1, 1]} : vector<224x224xf32> to vector<224x223xf32>
    %slice3A_435 = vector.extract_strided_slice %get3A_430 {offsets = [0, 0], sizes = [224, 223], strides = [1, 1]} : vector<224x224xf32> to vector<224x223xf32>
    %sub3A_436 = arith.subf %slice3A_434, %slice3A_435 : vector<224x223xf32>
    %mul3A_437 = arith.mulf %sub3A_433, %sub3A_433 : vector<223x224xf32>
    %add3A_438 = arith.addf %add3A_422, %mul3A_437 : vector<223x224xf32>
    %mul3A_439 = arith.mulf %sub3A_436, %sub3A_436 : vector<224x223xf32>
    %add3A_440 = arith.addf %add3A_424, %mul3A_439 : vector<224x223xf32>
    %get3A_441 = arith.constant 0 : index
    %get3A_442 = arith.constant 28 : index
    %get3A_443 = arith.constant 0 : index
    %get3A_444 = arith.constant 0 : index
    %get3A_445 = vector.load %arg2[%get3A_441, %get3A_442, %get3A_443, %get3A_444] : memref<1x32x224x224xf32, #tpu.memory_space<vmem>>, vector<1x1x224x224xf32>
    %get3A_446 = vector.shape_cast %get3A_445 : vector<1x1x224x224xf32> to vector<224x224xf32>
    %slice3A_447 = vector.extract_strided_slice %get3A_446 {offsets = [1, 0], sizes = [223, 224], strides = [1, 1]} : vector<224x224xf32> to vector<223x224xf32>
    %slice3A_448 = vector.extract_strided_slice %get3A_446 {offsets = [0, 0], sizes = [223, 224], strides = [1, 1]} : vector<224x224xf32> to vector<223x224xf32>
    %sub3A_449 = arith.subf %slice3A_447, %slice3A_448 : vector<223x224xf32>
    %slice3A_450 = vector.extract_strided_slice %get3A_446 {offsets = [0, 1], sizes = [224, 223], strides = [1, 1]} : vector<224x224xf32> to vector<224x223xf32>
    %slice3A_451 = vector.extract_strided_slice %get3A_446 {offsets = [0, 0], sizes = [224, 223], strides = [1, 1]} : vector<224x224xf32> to vector<224x223xf32>
    %sub3A_452 = arith.subf %slice3A_450, %slice3A_451 : vector<224x223xf32>
    %mul3A_453 = arith.mulf %sub3A_449, %sub3A_449 : vector<223x224xf32>
    %add3A_454 = arith.addf %add3A_438, %mul3A_453 : vector<223x224xf32>
    %mul3A_455 = arith.mulf %sub3A_452, %sub3A_452 : vector<224x223xf32>
    %add3A_456 = arith.addf %add3A_440, %mul3A_455 : vector<224x223xf32>
    %get3A_457 = arith.constant 0 : index
    %get3A_458 = arith.constant 29 : index
    %get3A_459 = arith.constant 0 : index
    %get3A_460 = arith.constant 0 : index
    %get3A_461 = vector.load %arg2[%get3A_457, %get3A_458, %get3A_459, %get3A_460] : memref<1x32x224x224xf32, #tpu.memory_space<vmem>>, vector<1x1x224x224xf32>
    %get3A_462 = vector.shape_cast %get3A_461 : vector<1x1x224x224xf32> to vector<224x224xf32>
    %slice3A_463 = vector.extract_strided_slice %get3A_462 {offsets = [1, 0], sizes = [223, 224], strides = [1, 1]} : vector<224x224xf32> to vector<223x224xf32>
    %slice3A_464 = vector.extract_strided_slice %get3A_462 {offsets = [0, 0], sizes = [223, 224], strides = [1, 1]} : vector<224x224xf32> to vector<223x224xf32>
    %sub3A_465 = arith.subf %slice3A_463, %slice3A_464 : vector<223x224xf32>
    %slice3A_466 = vector.extract_strided_slice %get3A_462 {offsets = [0, 1], sizes = [224, 223], strides = [1, 1]} : vector<224x224xf32> to vector<224x223xf32>
    %slice3A_467 = vector.extract_strided_slice %get3A_462 {offsets = [0, 0], sizes = [224, 223], strides = [1, 1]} : vector<224x224xf32> to vector<224x223xf32>
    %sub3A_468 = arith.subf %slice3A_466, %slice3A_467 : vector<224x223xf32>
    %mul3A_469 = arith.mulf %sub3A_465, %sub3A_465 : vector<223x224xf32>
    %add3A_470 = arith.addf %add3A_454, %mul3A_469 : vector<223x224xf32>
    %mul3A_471 = arith.mulf %sub3A_468, %sub3A_468 : vector<224x223xf32>
    %add3A_472 = arith.addf %add3A_456, %mul3A_471 : vector<224x223xf32>
    %get3A_473 = arith.constant 0 : index
    %get3A_474 = arith.constant 30 : index
    %get3A_475 = arith.constant 0 : index
    %get3A_476 = arith.constant 0 : index
    %get3A_477 = vector.load %arg2[%get3A_473, %get3A_474, %get3A_475, %get3A_476] : memref<1x32x224x224xf32, #tpu.memory_space<vmem>>, vector<1x1x224x224xf32>
    %get3A_478 = vector.shape_cast %get3A_477 : vector<1x1x224x224xf32> to vector<224x224xf32>
    %slice3A_479 = vector.extract_strided_slice %get3A_478 {offsets = [1, 0], sizes = [223, 224], strides = [1, 1]} : vector<224x224xf32> to vector<223x224xf32>
    %slice3A_480 = vector.extract_strided_slice %get3A_478 {offsets = [0, 0], sizes = [223, 224], strides = [1, 1]} : vector<224x224xf32> to vector<223x224xf32>
    %sub3A_481 = arith.subf %slice3A_479, %slice3A_480 : vector<223x224xf32>
    %slice3A_482 = vector.extract_strided_slice %get3A_478 {offsets = [0, 1], sizes = [224, 223], strides = [1, 1]} : vector<224x224xf32> to vector<224x223xf32>
    %slice3A_483 = vector.extract_strided_slice %get3A_478 {offsets = [0, 0], sizes = [224, 223], strides = [1, 1]} : vector<224x224xf32> to vector<224x223xf32>
    %sub3A_484 = arith.subf %slice3A_482, %slice3A_483 : vector<224x223xf32>
    %mul3A_485 = arith.mulf %sub3A_481, %sub3A_481 : vector<223x224xf32>
    %add3A_486 = arith.addf %add3A_470, %mul3A_485 : vector<223x224xf32>
    %mul3A_487 = arith.mulf %sub3A_484, %sub3A_484 : vector<224x223xf32>
    %add3A_488 = arith.addf %add3A_472, %mul3A_487 : vector<224x223xf32>
    %get3A_489 = arith.constant 0 : index
    %get3A_490 = arith.constant 31 : index
    %get3A_491 = arith.constant 0 : index
    %get3A_492 = arith.constant 0 : index
    %get3A_493 = vector.load %arg2[%get3A_489, %get3A_490, %get3A_491, %get3A_492] : memref<1x32x224x224xf32, #tpu.memory_space<vmem>>, vector<1x1x224x224xf32>
    %get3A_494 = vector.shape_cast %get3A_493 : vector<1x1x224x224xf32> to vector<224x224xf32>
    %slice3A_495 = vector.extract_strided_slice %get3A_494 {offsets = [1, 0], sizes = [223, 224], strides = [1, 1]} : vector<224x224xf32> to vector<223x224xf32>
    %slice3A_496 = vector.extract_strided_slice %get3A_494 {offsets = [0, 0], sizes = [223, 224], strides = [1, 1]} : vector<224x224xf32> to vector<223x224xf32>
    %sub3A_497 = arith.subf %slice3A_495, %slice3A_496 : vector<223x224xf32>
    %slice3A_498 = vector.extract_strided_slice %get3A_494 {offsets = [0, 1], sizes = [224, 223], strides = [1, 1]} : vector<224x224xf32> to vector<224x223xf32>
    %slice3A_499 = vector.extract_strided_slice %get3A_494 {offsets = [0, 0], sizes = [224, 223], strides = [1, 1]} : vector<224x224xf32> to vector<224x223xf32>
    %sub3A_500 = arith.subf %slice3A_498, %slice3A_499 : vector<224x223xf32>
    %mul3A_501 = arith.mulf %sub3A_497, %sub3A_497 : vector<223x224xf32>
    %add3A_502 = arith.addf %add3A_486, %mul3A_501 : vector<223x224xf32>
    %mul3A_503 = arith.mulf %sub3A_500, %sub3A_500 : vector<224x223xf32>
    %add3A_504 = arith.addf %add3A_488, %mul3A_503 : vector<224x223xf32>
    %eq3A = arith.constant 0 : i32
    %eq3A_505 = arith.cmpi eq, %arg1, %eq3A : i32
    %get3A_506 = arith.constant 0 : index
    %get3A_507 = arith.constant 0 : index
    %get3A_508 = vector.load %arg5[%get3A_506, %get3A_507] : memref<223x224xf32, #tpu.memory_space<vmem>>, vector<223x224xf32>
    %add3A_509 = arith.addf %get3A_508, %add3A_502 : vector<223x224xf32>
    %select_n3A = arith.select %eq3A_505, %add3A_502, %add3A_509 : vector<223x224xf32>
    %swap3A = arith.constant 0 : index
    %swap3A_510 = arith.constant 0 : index
    %swap3A_511 = vector.load %arg5[%swap3A, %swap3A_510] : memref<223x224xf32, #tpu.memory_space<vmem>>, vector<223x224xf32>
    tpu.vector_store %arg5[%swap3A, %swap3A_510], %select_n3A {strides = array<i32>} : memref<223x224xf32, #tpu.memory_space<vmem>>, vector<223x224xf32>,
    %eq3A_512 = arith.constant 0 : i32
    %eq3A_513 = arith.cmpi eq, %arg1, %eq3A_512 : i32
    %get3A_514 = arith.constant 0 : index
    %get3A_515 = arith.constant 0 : index
    %get3A_516 = vector.load %arg6[%get3A_514, %get3A_515] : memref<224x223xf32, #tpu.memory_space<vmem>>, vector<224x223xf32>
    %add3A_517 = arith.addf %get3A_516, %add3A_504 : vector<224x223xf32>
    %select_n3A_518 = arith.select %eq3A_513, %add3A_504, %add3A_517 : vector<224x223xf32>
    %swap3A_519 = arith.constant 0 : index
    %swap3A_520 = arith.constant 0 : index
    %swap3A_521 = vector.load %arg6[%swap3A_519, %swap3A_520] : memref<224x223xf32, #tpu.memory_space<vmem>>, vector<224x223xf32>
    tpu.vector_store %arg6[%swap3A_519, %swap3A_520], %select_n3A_518 {strides = array<i32>} : memref<224x223xf32, #tpu.memory_space<vmem>>, vector<224x223xf32>,
    %eq3A_522 = arith.constant 2 : i32
    %eq3A_523 = arith.cmpi eq, %arg1, %eq3A_522 : i32
    %convert_element_type3A = arith.extui %eq3A_523 : i1 to i32
    %cond3A = arith.constant 0 : i32
    %cond3A_524 = arith.cmpi ne, %convert_element_type3A, %cond3A : i32
    scf.if %cond3A_524 {
      %get3A_525 = arith.constant 0 : index
      %get3A_526 = arith.constant 0 : index
      %get3A_527 = vector.load %arg5[%get3A_525, %get3A_526] : memref<223x224xf32, #tpu.memory_space<vmem>>, vector<223x224xf32>
      %swap3A_528 = arith.constant 0 : index
      %swap3A_529 = arith.constant 0 : index
      %swap3A_530 = arith.constant 0 : index
      %swap3A_531 = vector.load %arg3[%swap3A_528, %swap3A_529, %swap3A_530] : memref<1x223x224xf32, #tpu.memory_space<vmem>>, vector<1x223x224xf32>
      %swap3A_532 = vector.shape_cast %swap3A_531 : vector<1x223x224xf32> to vector<223x224xf32>
      %swap3A_533 = vector.shape_cast %get3A_527 : vector<223x224xf32> to vector<1x223x224xf32>
      tpu.vector_store %arg3[%swap3A_528, %swap3A_529, %swap3A_530], %swap3A_533 {strides = array<i32>} : memref<1x223x224xf32, #tpu.memory_space<vmem>>, vector<1x223x224xf32>,
      %get3A_534 = arith.constant 0 : index
      %get3A_535 = arith.constant 0 : index
      %get3A_536 = vector.load %arg6[%get3A_534, %get3A_535] : memref<224x223xf32, #tpu.memory_space<vmem>>, vector<224x223xf32>
      %swap3A_537 = arith.constant 0 : index
      %swap3A_538 = arith.constant 0 : index
      %swap3A_539 = arith.constant 0 : index
      %swap3A_540 = vector.load %arg4[%swap3A_537, %swap3A_538, %swap3A_539] : memref<1x224x223xf32, #tpu.memory_space<vmem>>, vector<1x224x223xf32>
      %swap3A_541 = vector.shape_cast %swap3A_540 : vector<1x224x223xf32> to vector<224x223xf32>
      %swap3A_542 = vector.shape_cast %get3A_536 : vector<224x223xf32> to vector<1x224x223xf32>
      tpu.vector_store %arg4[%swap3A_537, %swap3A_538, %swap3A_539], %swap3A_542 {strides = array<i32>} : memref<1x224x223xf32, #tpu.memory_space<vmem>>, vector<1x224x223xf32>,
    } else {
    }
    return
  }
  func.func @transform_0(%arg0: i32, %arg1: i32) -> (i32, i32, i32, i32) {
    %c0_i32 = arith.constant 0 : i32
    %c0_i32_0 = arith.constant 0 : i32
    %c0_i32_1 = arith.constant 0 : i32
    return %arg0, %arg1, %c0_i32, %c0_i32_0 : i32, i32, i32, i32
  }
  func.func @transform_1(%arg0: i32, %arg1: i32) -> (i32, i32, i32) {
    %c0_i32 = arith.constant 0 : i32
    %c0_i32_0 = arith.constant 0 : i32
    %c0_i32_1 = arith.constant 0 : i32
    return %arg0, %c0_i32, %c0_i32_0 : i32, i32, i32
  }
  func.func @transform_2(%arg0: i32, %arg1: i32) -> (i32, i32, i32) {
    %c0_i32 = arith.constant 0 : i32
    %c0_i32_0 = arith.constant 0 : i32
    %c0_i32_1 = arith.constant 0 : i32
    return %arg0, %c0_i32, %c0_i32_0 : i32, i32, i32
  }
}

</mosaic_0001>

<sc_bundles>
// kernel: kernel.4.cloned.1.call-start
scs
__scs_entry_jumppad:
0x0: {  	(pc) =	sbr.rel $0x88, $3  }
0x1: {  	(tag) =	ssettag $0x0;
	lr =	simm.s32 $0x1  }
0x2: {  	[smem:$0x3FA0] =	sst lr;
	_ =	strace $0xD0000000  }
0x3: {  	_ = 	snop  }
0x4: {  	_ = 	snop  }
0x5: {  	_ = 	snop  }
0x6: {  	_ = 	snop  }
0x7: {  	_ = 	snop  }
__scs_overlays_trampoline_lowered:
0x8: {  	[smem:$0x3FAF] =	sst s0  }
0x9: {  	[smem:$0x3FB0] =	sst s1  }
0xa: {  	[smem:$0x3FB1] =	sst s2  }
0xb: {  	[smem:$0x3FB2] =	sst s3  }
0xc: {  	[smem:$0x3FB3] =	sst s4  }
0xd: {  	[smem:$0x3FB4] =	sst s5  }
0xe: {  	[smem:$0x3FB5] =	sst s6  }
0xf: {  	[smem:$0x3FB6] =	sst s7  }
0x10: {  	[smem:$0x3FB7] =	sst s8  }
0x11: {  	[smem:$0x3FB8] =	sst s9;
	s0 =	simm.s32 @!p0 $0x0  }
0x12: {  	s1 =	sld [smem:$0x3F9E];
	s0 =	simm.s32 @p0 $0x1  }
0x13: {  	[smem:$0x3FB9] =	sst s0;
	s0 =	simm.s32 @!p1 $0x0  }
0x14: {  	s2 =	sld [smem:$0x3F9D];
	s0 =	simm.s32 @p1 $0x1  }
0x15: {  	[smem:$0x3FBA] =	sst s0;
	s0 =	simm.s32 @!p2 $0x0  }
0x16: {  	s3 =	sld [smem:$0x3FDB];
	s0 =	simm.s32 @p2 $0x1  }
0x17: {  	s4 =	simm.s32 $0x1BF5;
	[smem:$0x3FBC] =	sst s0  }
0x18: {  	s0 =	sld [smem:$0x3F9F];
	_ =	swait.ge [sflag:s4], $0x0  }
0x19: {  	s7 =	sld [smem:$0x3FA0]  }
0x1a: {  	s8 =	sadd.s32 $0xFFFFE003, lr  }
0x1b: {  	s9 =	sadd.s32 $0xFFFFFEF7, lr;
	s5 =	simm.s32 $0xFFFFFFFF;
	p2 =	slt.u32 s8, $0xFFFFF086  }
0x1c: {  	p1 =	slt.u32 s9, $0xF7A;
	s5 =	simm.s32 @!p2 $0x0  }
0x1d: {  	s5 =	simm.s32 @p1 $0x1;
	p0 =	seq.s32 s7, s2  }
0x1e: {  	s7 =	smul.u32 @!p0 $0xF7A, s2;
	p2 =	seq.s32 @!p0 s5, $0x0  }
0x1f: {  	s9 =	smul.u32 $0xF7A, s1;
	s8 =	simm.s32 @!p0 $0x1BF5;
	p2 =	por !p2, p0  }
0x20: {  	[sflag:s8] =	ssyncset.s32 @!p0 $0xFFFFF086;
	s6 =	sadd.s32 @!p0 s3, s7;
	s7 =	simm.s32 @!p0 $0x108  }
0x21: {  	s3 =	sadd.s32 s3, s9;
	s6 =	sadd.s32 @!p0 $0x88, s6;
	s7 =	simm.s32 @p2 $0x1082  }
0x22: {  	[simem:s7], [sflag:s8] =	dma.local @!p0 [hbm:s6], $0xF7A  }
0x23: {  	s9 =	sor.u32 $0xD0000000, s2;
	s6 =	simm.s32 $0x108;
	_ =	swait.ge @!p0 [sflag:s8], $0x0  }
0x24: {  	s3 =	sadd.s32 $0x88, s3;
	s6 =	simm.s32 @!p1 $0x1082;
	[sflag:s4] =	ssyncset.s32 $0xFFFFF086  }
0x25: {  	[simem:s6], [sflag:s4] =	dma.local [hbm:s3], $0xF7A  }
0x26: {  	[smem:$0x3FA0] =	sst s1;
	(tag) =	ssettag s2;
	_ =	strace s9  }
0x27: {  	s1 =	sld [smem:$0x3FB0]  }
0x28: {  	s2 =	sld [smem:$0x3FB1]  }
0x29: {  	s4 =	sld [smem:$0x3FB3]  }
0x2a: {  	p0 =	seq.s32 s5, $0x0;
	s5 =	sld [smem:$0x3FB4]  }
0x2b: {  	s6 =	sld [smem:$0x3FB5]  }
0x2c: {  	s7 =	sld [smem:$0x3FB6]  }
0x2d: {  	s3 =	simm.s32 $0x108;
	s8 =	sld [smem:$0x3FB7]  }
0x2e: {  	s3 =	simm.s32 @!p0 $0x1082;
	s9 =	sld [smem:$0x3FB8]  }
0x2f: {  	lr =	sadd.s32 s0, s3;
	s0 =	sld [smem:$0x3FAF]  }
0x30: {  	s3 =	sld [smem:$0x3FB2]  }
0x31: {  	[smem:$0x3FBB] =	sst s10  }
0x32: {  	s10 =	sld [smem:$0x3FB9];
	_ =	sdelay $0x3  }
0x33: {  	p0 =	seq.s32 s10, $0x1;
	s10 =	sld [smem:$0x3FBB];
	_ =	sdelay $0x3  }
0x34: {  	[smem:$0x3FBB] =	sst s10  }
0x35: {  	s10 =	sld [smem:$0x3FBA];
	_ =	sdelay $0x3  }
0x36: {  	p1 =	seq.s32 s10, $0x1;
	s10 =	sld [smem:$0x3FBB];
	_ =	sdelay $0x3  }
0x37: {  	[smem:$0x3FBB] =	sst s10  }
0x38: {  	s10 =	sld [smem:$0x3FBC]  }
0x39: {  	_ = 	snop;
	(pc) =	sbr.ind lr, $3  }
0x3a: {  	_ = 	snop  }
0x3b: {  	_ = 	snop  }
0x3c: {  	p2 =	seq.s32 s10, $0x1;
	s10 =	sld [smem:$0x3FBB]  }
0x3d: {  	_ =	shalt  }
0x3e: {  	_ =	shalt  }
0x3f: {  	_ =	shalt  }
0x40: {  	_ =	shalt  }
0x41: {  	_ =	shalt  }
0x42: {  	_ =	shalt  }
0x43: {  	_ =	shalt  }
0x44: {  	_ =	shalt  }
0x45: {  	_ =	shalt  }
0x46: {  	_ =	shalt  }
0x47: {  	_ =	shalt  }
0x48: {  	_ =	shalt  }
0x49: {  	_ =	shalt  }
0x4a: {  	_ =	shalt  }
0x4b: {  	_ =	shalt  }
0x4c: {  	_ =	shalt  }
0x4d: {  	_ =	shalt  }
0x4e: {  	_ =	shalt  }
0x4f: {  	_ =	shalt  }
0x50: {  	_ =	shalt  }
0x51: {  	_ =	shalt  }
0x52: {  	_ =	shalt  }
0x53: {  	_ =	shalt  }
0x54: {  	_ =	shalt  }
0x55: {  	_ =	shalt  }
0x56: {  	_ =	shalt  }
0x57: {  	_ =	shalt  }
0x58: {  	_ =	shalt  }
0x59: {  	_ =	shalt  }
0x5a: {  	_ =	shalt  }
0x5b: {  	_ =	shalt  }
0x5c: {  	_ =	shalt  }
0x5d: {  	_ =	shalt  }
0x5e: {  	_ =	shalt  }
0x5f: {  	_ =	shalt  }
0x60: {  	_ =	shalt  }
0x61: {  	_ =	shalt  }
0x62: {  	_ =	shalt  }
0x63: {  	_ =	shalt  }
0x64: {  	_ =	shalt  }
0x65: {  	_ =	shalt  }
0x66: {  	_ =	shalt  }
0x67: {  	_ =	shalt  }
0x68: {  	_ =	shalt  }
0x69: {  	_ =	shalt  }
0x6a: {  	_ =	shalt  }
0x6b: {  	_ =	shalt  }
0x6c: {  	_ =	shalt  }
0x6d: {  	_ =	shalt  }
0x6e: {  	_ =	shalt  }
0x6f: {  	_ =	shalt  }
0x70: {  	_ =	shalt  }
0x71: {  	_ =	shalt  }
0x72: {  	_ =	shalt  }
0x73: {  	_ =	shalt  }
0x74: {  	_ =	shalt  }
0x75: {  	_ =	shalt  }
0x76: {  	_ =	shalt  }
0x77: {  	_ =	shalt  }
0x78: {  	_ =	shalt  }
0x79: {  	_ =	shalt  }
0x7a: {  	_ =	shalt  }
0x7b: {  	_ =	shalt  }
0x7c: {  	_ =	shalt  }
0x7d: {  	_ =	shalt  }
0x7e: {  	_ =	shalt  }
0x7f: {  	_ =	shalt  }
0x80: {  	_ =	shalt  }
0x81: {  	_ =	shalt  }
0x82: {  	_ =	shalt  }
0x83: {  	_ =	shalt  }
0x84: {  	_ =	shalt  }
0x85: {  	_ =	shalt  }
0x86: {  	_ =	shalt  }
0x87: {  	_ =	shalt  }
.Lfunc_end0:
.L_simem_size_0:
called_computation_lowered:
.L_overlay_start_0:
0x88: {  	s2 =	sld [smem:$0x3FD9]  }
0x89: {  	s3 =	sld [smem:$0x3FFE];
	_ =	sdelay $0x1  }
0x8a: {  	s1 =	srdreg.scid  }
0x8b: {  	s0 =	sand.u32 $0x1, s1  }
0x8c: {  	s17 =	sshll.u32 s0, $0xA;
	s2 =	sadd.s32 s3, s2  }
0x8d: {  	s2 =	sadd.s32 s2, s17  }
0x8e: {  	[smem:$0x3FC7] =	sst s2  }
0x8f: {  	_ = 	snop  }
0x90: {  	s2 =	sld [smem:$0x3FD0];
	(tm) =	ssettm $0x1  }
0x91: {  	s18 =	sld [smem:$0x3FFB];
	_ =	sdelay $0x3  }
0x92: {  	_ =	strace s18  }
0x93: {  	s3 =	sld [smem:$0x3FFC];
	_ =	sdelay $0x3  }
0x94: {  	_ =	strace s3  }
0x95: {  	s3 =	sld [smem:$0x3FFD];
	_ =	sdelay $0x3  }
0x96: {  	_ =	strace s3  }
0x97: {  	_ =	strace $0x8FFFFFFF  }
0x98: {  	s19 =	sld [smem:$0x3FDB];
	_ =	sdelay $0x1  }
0x99: {  	s4 =	simm.s32 $_scs_section_size  }
0x9a: {  	s5 =	simm.s32 $_size__tile_overlayer_lowered;
	s6 =	simm.s32 $_tile_overlayer_lowered  }
0x9b: {  	s22 =	simm.s32 $0x1BFF;
	s21 =	sshll.u32 s6, $0x1;
	s3 =	sadd.s32 s4, s19  }
0x9c: {  	s7 =	simm.s32 $0x0;
	s20 =	sshll.u32 s5, $0x1;
	s5 =	sadd.s32 s21, s3  }
0x9d: {  	[timem:s7], [sflag:s22] =	dma.local [hbm:s5], s20  }
0x9e: {  	_ =	swait.ge [sflag:s22], s20  }
0x9f: {  	s4 =	ssub.s32 $0x0, s20;
	[sflag:s22] =	ssyncset.done $0x0  }
0xa0: {  	[sflag:s22] =	ssyncadd.s32 s4;
	_ =	sdelay $0x1  }
0xa1: {  	s23 =	simm.s32 $0x1B8B  }
0xa2: {  	_ =	swait.ge [sflag:s23], $0x1  }
0xa3: {  	[sflag:s23] =	ssyncset.done $0x0  }
0xa4: {  	s25 =	simm.s32 $0x1B8E;
	s24 =	sld [smem:$0x3FFE];
	[sflag:s23] =	ssyncadd.s32 $0xFFFFFFFF  }
0xa5: {  	s26 =	simm.s32 $execute0_lowered;
	[smem:$0x3FD2] =	sst s25  }
0xa6: {  	s5 =	sshll.u32 s26, $0x1;
	_ =	strace $0x80000046;
	[dreg:$0x1] =	wrdreg $0xFFFFFFFF  }
0xa7: {  	s28 =	simm.s32 $_size_execute0_lowered;
	s3 =	sadd.s32 s3, s5;
	[dreg:$0x0] =	wrdreg $0x0  }
0xa8: {  	s5 =	sshll.u32 s28, $0x1;
	[dreg:$0x2] =	wrdreg s3  }
0xa9: {  	[dreg:$0x3] =	wrdreg s5  }
0xaa: {  	[dreg:$0x4] =	wrdreg $0xC0  }
0xab: {  	_ =	task [dreg:s7], $0x5FFFF  }
0xac: {  	[dreg:$0x1] =	wrdreg $0xFFFFFFFF  }
0xad: {  	[dreg:$0x0] =	wrdreg $0x60  }
0xae: {  	[dreg:$0x2] =	wrdreg s2  }
0xaf: {  	[dreg:$0x3] =	wrdreg s24  }
0xb0: {  	[dreg:$0x4] =	wrdreg $0x9  }
0xb1: {  	_ =	task.clear_ibuf [dreg:s7], $0x5FFFF;
	_ =	strace $0x90000046  }
0xb2: {  	s29 =	simm.s32 $0x9;
	_ =	strace $0x80000048  }
0xb3: {  	_ =	swait.ge [sflag:s29], $0x1  }
0xb4: {  	[sflag:s29] =	ssyncadd.s32 $0xFFFFFFFF  }
0xb5: {  	_ =	strace $0x90000048  }
0xb6: {  	_ =	sfence  }
0xb7: {  	s30 =	sld [smem:$0x0];
	_ =	sdelay $0x2  }
0xb8: {  	s31 =	sshll.u32 s1, $0xD;
	s1 =	sshrl.u32 s1, $0x2  }
0xb9: {  	s3 =	sand.u32 $0x4000, s31;
	s1 =	sadd.s32 s1, s30  }
0xba: {  	s0 =	sor.u32 s3, s0;
	s1 =	sshll.u32 s1, $0x11  }
0xbb: {  	s0 =	sor.u32 s1, s0  }
0xbc: {  	s0 =	sadd.s32 $0x8F2B, s0  }
0xbd: {  	[sflag:s0] =	ssyncadd.remote.s32 $0x1  }
0xbe: {  	_ =	sfence.sel $0xFFFF  }
0xbf: {  	[dreg:$0x0] =	wrdreg $0xFFFFFFFF;
	(pc) =	sbr.abs _section_cstart, $3  }
0xc0: {  	[dreg:$0x1] =	wrdreg $0xFFFFFFFF  }
0xc1: {  	_ =	task.clear_ibuf [dreg:s7], $0x2FFFF;
	_ =	strace $0x9FFFFFFF  }
0xc2: {  	(tm) =	ssettm $0x7FFFFFFF  }
0xc3: {  	_ =	shalt  }
tec
execute0_lowered:
.L_overlay_start_1:
0x0: {  	(tag) =	ssettag $0x1  }
0x1: {  	s0 =	srdreg.scid  }
0x2: {  	s0 =	sand.u32 $0x1, s0  }
0x3: {  	s1 =	stileid.u32;
	p0 =	seq.s32 s0, $0x1  }
0x4: {  	p1 =	sgt.u32 @!p0 s1, $0x3  }
0x5: {  	p0 =	por p0, p1  }
.Ltmp0:
0x6: {  	_ = 	snop;
	(pc) =	sbr.rel @p0 .LBB2_8-.Ltmp0, $4  }
0x7: {  	s2 =	rddreg [dreg:$0x0]  }
0x8: {  	s3 =	rddreg [dreg:$0x1];
	s6 =	simm.s32 $0x0  }
0x9: {  	[smem:$0x7FF] =	sst s6  }
0xa: {  	s0 =	rddreg [dreg:$0x2];
	_ =	strace $0x80000047  }
0xb: {  	s4 =	sshll.u32 s1, $0x4  }
0xc: {  	s4 =	sadd.s32 s4, s3  }
0xd: {  	s5 =	sshll.u32 s1, $0x7;
	v0 =	vlaneseq.u32;
	s7 =	simm.s32 $0x0;
	s4 =	sadd.s32 $0xC000, s4  }
.LBB2_2:
0xe: {  	p0 =	sne.s32 s7, $0xC3F0  }
.Ltmp1:
0xf: {  	_ = 	snop;
	(pc) =	sbr.rel @p0 .LBB2_2-.Ltmp1, $3  }
0x10: {  	_ =	sdelay $0x1  }
0x11: {  	v1 =	vor.u32 s7, v0  }
0x12: {  	s7 =	sadd.s32 $0x10, s7;
	[tilespmem:s6+$0x0] =	vst v1;
	s6 =	sadd.s32 $0x10, s6  }
0x13: {  	v19 =	vimm.s32 $0x0  }
0x14: {  	v0 =	vimm.s32 $0x0;
	vm0 =	vmmov $0x1;
	v1 =	vimm.f32 $0.0e+00  }
0x15: {  	v2 =	vimm.s32 $0x1;
	vm1 =	vcmask $0x704;
	v3 =	vlaneseq.u32  }
0x16: {  	vm2 =	vmmov $0x3;
	v4 =	vimm.s32 $0x2;
	v5 =	vimm.s32 $0x3  }
0x17: {  	v6 =	vimm.s32 $0x4;
	v7 =	vimm.s32 $0x5;
	v8 =	vimm.s32 $0x6  }
0x18: {  	s6 =	simm.s32 $0x0;
	s7 =	simm.s32 $0x80;
	v9 =	vimm.s32 $0x7;
	v10 =	vimm.s32 $0x8;
	v11 =	vimm.s32 $0x9  }
0x19: {  	s8 =	simm.s32 $0x200;
	s9 =	simm.s32 $0xC480;
	s10 =	simm.s32 $0x1;
	v12 =	vimm.s32 $0xA;
	v13 =	vimm.s32 $0xB;
	v14 =	vimm.s32 $0xC  }
0x1a: {  	s11 =	simm.s32 $0x0;
	s12 =	simm.s32 $0xCD00;
	v15 =	vimm.s32 $0xD;
	v16 =	vimm.s32 $0xE;
	v17 =	vimm.s32 $0xF;
	s13 =	simm.s32 $0x0  }
.LBB2_4:
0x1b: {  	s14 =	sshll.u32 s13, $0xD  }
0x1c: {  	s14 =	sor.u32 s5, s14  }
0x1d: {  	s14 =	sshrl.u32 s14, $0x3  }
0x1e: {  	s14 =	sadd.s32 s2, s14  }
0x1f: {  	[tilespmem:s9], [sflag:$0x1] =	stream.strided.gather [hbm4b:s14+s7], $0x800, s8, s7, $0x38;
	[tilespmem:$0x10D80] =	vst v63  }
0x20: {  	_ =	swait.ge [sflag:s10], $0x800  }
0x21: {  	[sflag:s10] =	ssyncset.done $0x0  }
0x22: {  	s14 =	simm.s32 $0x0;
	[sflag:s10] =	ssyncadd.s32 $0xFFFFF800  }
.LBB2_5:
0x23: {  	s15 =	sshra.s32 s14, $0x2  }
0x24: {  	v18 =	vld [tilespmem:s15+$0xC480];
	_ =	sdelay $0x4  }
0x25: {  	v20 =	vperm.xlane v18, v0;
	_ =	sdelay $0x1  }
0x26: {  	v21 =	vshrl.u32 v20, $0x10;
	v20 =	vand.u32 $0xFFFF, v20  }
0x27: {  	v20 =	vsel vm0, v21, v20;
	_ =	sdelay $0x4  }
0x28: {  	v21 =	vld.idx.msk [tilespmem:v20+s11+$0x0], $0xffff;
	_ =	sdelay $0x4  }
0x29: {  	v22 =	vand.u32 $0xFFFF, v21;
	_ =	sdelay $0x4  }
0x2a: {  	v22 =	vld.idx.msk [tilespmem:v22+s11+$0x0], $0xffff;
	_ =	sdelay $0x4  }
0x2b: {  	v23 =	vxor.u32 v21, v22  }
0x2c: {  	v23 =	vand.u32 $0xFFFF, v23  }
0x2d: {  	vm3 =	veq.s32 v23, $0x0  }
0x2e: {  	v23 =	vsel vm3, $0x3F800000, v1  }
0x2f: {  	(xrf0) =	vmin.scan.msk.f32 $0xffff, v23;
	_ =	sdelay $0x5  }
0x30: {  	v23, _, _ =	vpop (xrf0)  }
0x31: {  	(v2sf) =	vpush v23, $0xF;
	_ =	sdelay $0xd  }
0x32: {  	v23 =	vand.u32 $0xFFFF, v22  }
0x33: {  	s31 =	spop (v2sf)  }
0x34: {  	p0 =	sgt.f32 s31, $0.0e+00;
	_ =	sdelay $0x1  }
0x35: {  	s15 =	simm.s32 @!p0 $0x0  }
0x36: {  	v24 =	vld.idx.msk @!p0 [tilespmem:v23+s15+$0x0], $0xffff;
	_ =	sdelay $0x4  }
0x37: {  	v24 =	vand.u32 @!p0 $0xFFFF, v24;
	_ =	sdelay $0x4  }
0x38: {  	v24 =	vld.idx.msk @!p0 [tilespmem:v24+s15+$0x0], $0xffff;
	_ =	sdelay $0x4  }
0x39: {  	v24 =	vand.u32 @!p0 $0xFFFF, v24;
	_ =	sdelay $0x4  }
0x3a: {  	v24 =	vld.idx.msk @!p0 [tilespmem:v24+s15+$0x0], $0xffff;
	_ =	sdelay $0x4  }
0x3b: {  	v24 =	vand.u32 @!p0 $0xFFFF, v24;
	_ =	sdelay $0x4  }
0x3c: {  	v24 =	vld.idx.msk @!p0 [tilespmem:v24+s15+$0x0], $0xffff;
	_ =	sdelay $0x4  }
0x3d: {  	v24 =	vand.u32 @!p0 $0xFFFF, v24;
	_ =	sdelay $0x4  }
0x3e: {  	v24 =	vld.idx.msk @!p0 [tilespmem:v24+s15+$0x0], $0xffff;
	_ =	sdelay $0x4  }
0x3f: {  	v24 =	vand.u32 @!p0 $0xFFFF, v24;
	_ =	sdelay $0x4  }
0x40: {  	v24 =	vld.idx.msk @!p0 [tilespmem:v24+s15+$0x0], $0xffff;
	_ =	sdelay $0x4  }
0x41: {  	v24 =	vand.u32 @!p0 $0xFFFF, v24;
	_ =	sdelay $0x4  }
0x42: {  	v24 =	vld.idx.msk @!p0 [tilespmem:v24+s15+$0x0], $0xffff;
	_ =	sdelay $0x4  }
0x43: {  	v24 =	vand.u32 @!p0 $0xFFFF, v24;
	_ =	sdelay $0x4  }
0x44: {  	v24 =	vld.idx.msk @!p0 [tilespmem:v24+s15+$0x0], $0xffff;
	_ =	sdelay $0x4  }
0x45: {  	v24 =	vand.u32 @!p0 $0xFFFF, v24;
	_ =	sdelay $0x4  }
0x46: {  	v24 =	vld.idx.msk @!p0 [tilespmem:v24+s15+$0x0], $0xffff;
	_ =	sdelay $0x4  }
0x47: {  	v24 =	vand.u32 @!p0 $0xFFFF, v24;
	_ =	sdelay $0x4  }
0x48: {  	v24 =	vld.idx.msk @!p0 [tilespmem:v24+s15+$0x0], $0xffff;
	_ =	sdelay $0x4  }
0x49: {  	v24 =	vand.u32 @!p0 $0xFFFF, v24;
	_ =	sdelay $0x4  }
0x4a: {  	v24 =	vld.idx.msk @!p0 [tilespmem:v24+s15+$0x0], $0xffff;
	_ =	sdelay $0x4  }
0x4b: {  	v24 =	vand.u32 @!p0 $0xFFFF, v24;
	_ =	sdelay $0x4  }
0x4c: {  	v24 =	vld.idx.msk @!p0 [tilespmem:v24+s15+$0x0], $0xffff;
	_ =	sdelay $0x4  }
0x4d: {  	v24 =	vand.u32 @!p0 $0xFFFF, v24;
	_ =	sdelay $0x4  }
0x4e: {  	v24 =	vld.idx.msk @!p0 [tilespmem:v24+s15+$0x0], $0xffff;
	_ =	sdelay $0x4  }
0x4f: {  	v24 =	vand.u32 @!p0 $0xFFFF, v24;
	_ =	sdelay $0x4  }
0x50: {  	v24 =	vld.idx.msk @!p0 [tilespmem:v24+s15+$0x0], $0xffff;
	_ =	sdelay $0x4  }
0x51: {  	v22 =	vpsel p0, v22, v24  }
0x52: {  	v28 =	vperm.xlane v18, v2;
	v24 =	vand.u32 @!p0 $0xFFFF, v24;
	v22 =	vshrl.u32 v22, $0x10  }
0x53: {  	v23 =	vpsel p0, v23, v24;
	v25 =	vperm.xlane v22, v0;
	v22 =	vperm.xlane v22, v2  }
0x54: {  	v62 =	vshll.u32 v19, $0x1;
	v26 =	vperm.xlane v23, v0;
	v23 =	vperm.xlane v23, v2  }
0x55: {  	v29 =	vshrl.u32 v28, $0x10;
	v28 =	vand.u32 $0xFFFF, v28;
	vm5 =	veq.s32 v25, v22  }
0x56: {  	vm4 =	vlt.s32 v25, v22;
	vm3 =	vne.s32 v26, v23;
	vm5 =	vmand vm5, vm1  }
0x57: {  	v27 =	vsel vm4, v26, v23;
	v23 =	vsel vm4, v23, v26;
	vm13 =	vmor vm5, vm0  }
0x58: {  	v60 =	vsel vm4, v25, v22;
	v22 =	vsel vm4, v22, v25;
	vm4 =	vmand vm3, vm13  }
0x59: {  	vm14 =	vmand vm3, vm2;
	v61 =	vsel vm0, v27, v23;
	v27 =	vand.u32 $0x3FFE, v62  }
0x5a: {  	v28 =	vsel vm0, v29, v28;
	v22 =	vshll.u32 v22, $0x10;
	v27 =	vadd.s32 v3, v27  }
0x5b: {  	v21 =	vand.u32 @!p0 $0xFFFF0000, v21;
	v26 =	vshll.u32 v60, $0x10;
	v22 =	vadd.s32 $0x10000, v22  }
0x5c: {  	v21 =	vor.u32 @!p0 v21, v24;
	v63 =	vor.u32 v23, v26;
	v22 =	vor.u32 v23, v22  }
0x5d: {  	[tilespmem:v20+s15+$0x0] =	vst.idx.msk @!p0 $0x3, v21;
	v26 =	vsel vm0, v63, v22  }
0x5e: {  	[tilespmem:v61+s11+$0x0] =	vst.idx.msk vm4, v26  }
0x5f: {  	[tilespmem:v27+s12+$0x0] =	vst.idx.msk vm14, v20  }
0x60: {  	v20 =	vld.idx.msk [tilespmem:v28+s11+$0x0], $0xffff;
	_ =	sdelay $0x4  }
0x61: {  	v29 =	vand.u32 $0xFFFF, v20;
	_ =	sdelay $0x4  }
0x62: {  	v21 =	vld.idx.msk [tilespmem:v29+s11+$0x0], $0xffff;
	_ =	sdelay $0x4  }
0x63: {  	v30 =	vxor.u32 v20, v21  }
0x64: {  	v22 =	vand.u32 $0xFFFF, v30  }
0x65: {  	vm15 =	veq.s32 v22, $0x0  }
0x66: {  	v22 =	vsel vm15, $0x3F800000, v1  }
0x67: {  	(xrf0) =	vmin.scan.msk.f32 $0xffff, v22;
	_ =	sdelay $0x5  }
0x68: {  	v22, _, _ =	vpop (xrf0)  }
0x69: {  	(v2sf) =	vpush v22, $0xF;
	_ =	sdelay $0xd  }
0x6a: {  	v22 =	vand.u32 $0xFFFF, v21  }
0x6b: {  	s16 =	spop (v2sf)  }
0x6c: {  	p0 =	sgt.f32 s16, $0.0e+00;
	_ =	sdelay $0x1  }
0x6d: {  	s15 =	simm.s32 @!p0 $0x0  }
0x6e: {  	v23 =	vld.idx.msk @!p0 [tilespmem:v22+s15+$0x0], $0xffff;
	_ =	sdelay $0x4  }
0x6f: {  	v23 =	vand.u32 @!p0 $0xFFFF, v23;
	_ =	sdelay $0x4  }
0x70: {  	v23 =	vld.idx.msk @!p0 [tilespmem:v23+s15+$0x0], $0xffff;
	_ =	sdelay $0x4  }
0x71: {  	v23 =	vand.u32 @!p0 $0xFFFF, v23;
	_ =	sdelay $0x4  }
0x72: {  	v23 =	vld.idx.msk @!p0 [tilespmem:v23+s15+$0x0], $0xffff;
	_ =	sdelay $0x4  }
0x73: {  	v23 =	vand.u32 @!p0 $0xFFFF, v23;
	_ =	sdelay $0x4  }
0x74: {  	v23 =	vld.idx.msk @!p0 [tilespmem:v23+s15+$0x0], $0xffff;
	_ =	sdelay $0x4  }
0x75: {  	v23 =	vand.u32 @!p0 $0xFFFF, v23;
	_ =	sdelay $0x4  }
0x76: {  	v23 =	vld.idx.msk @!p0 [tilespmem:v23+s15+$0x0], $0xffff;
	_ =	sdelay $0x4  }
0x77: {  	v23 =	vand.u32 @!p0 $0xFFFF, v23;
	_ =	sdelay $0x4  }
0x78: {  	v23 =	vld.idx.msk @!p0 [tilespmem:v23+s15+$0x0], $0xffff;
	_ =	sdelay $0x4  }
0x79: {  	v23 =	vand.u32 @!p0 $0xFFFF, v23;
	_ =	sdelay $0x4  }
0x7a: {  	v23 =	vld.idx.msk @!p0 [tilespmem:v23+s15+$0x0], $0xffff;
	_ =	sdelay $0x4  }
0x7b: {  	v23 =	vand.u32 @!p0 $0xFFFF, v23;
	_ =	sdelay $0x4  }
0x7c: {  	v23 =	vld.idx.msk @!p0 [tilespmem:v23+s15+$0x0], $0xffff;
	_ =	sdelay $0x4  }
0x7d: {  	v23 =	vand.u32 @!p0 $0xFFFF, v23;
	_ =	sdelay $0x4  }
0x7e: {  	v23 =	vld.idx.msk @!p0 [tilespmem:v23+s15+$0x0], $0xffff;
	_ =	sdelay $0x4  }
0x7f: {  	v23 =	vand.u32 @!p0 $0xFFFF, v23;
	_ =	sdelay $0x4  }
0x80: {  	v23 =	vld.idx.msk @!p0 [tilespmem:v23+s15+$0x0], $0xffff;
	_ =	sdelay $0x4  }
0x81: {  	v23 =	vand.u32 @!p0 $0xFFFF, v23;
	_ =	sdelay $0x4  }
0x82: {  	v23 =	vld.idx.msk @!p0 [tilespmem:v23+s15+$0x0], $0xffff;
	_ =	sdelay $0x4  }
0x83: {  	v23 =	vand.u32 @!p0 $0xFFFF, v23;
	_ =	sdelay $0x4  }
0x84: {  	v23 =	vld.idx.msk @!p0 [tilespmem:v23+s15+$0x0], $0xffff;
	_ =	sdelay $0x4  }
0x85: {  	v23 =	vand.u32 @!p0 $0xFFFF, v23;
	_ =	sdelay $0x4  }
0x86: {  	v23 =	vld.idx.msk @!p0 [tilespmem:v23+s15+$0x0], $0xffff;
	_ =	sdelay $0x4  }
0x87: {  	v23 =	vand.u32 @!p0 $0xFFFF, v23;
	_ =	sdelay $0x4  }
0x88: {  	v23 =	vld.idx.msk @!p0 [tilespmem:v23+s15+$0x0], $0xffff;
	_ =	sdelay $0x3  }
0x89: {  	v32 =	vsel vm3, $0x1, v0  }
0x8a: {  	v19 =	vadd.s32 v32, v19;
	v21 =	vpsel p0, v21, v23  }
0x8b: {  	v38 =	vperm.xlane v18, v4;
	v37 =	vshll.u32 v19, $0x1;
	v21 =	vshrl.u32 v21, $0x10  }
0x8c: {  	v23 =	vand.u32 @!p0 $0xFFFF, v23;
	v31 =	vperm.xlane v21, v0;
	v21 =	vperm.xlane v21, v2  }
0x8d: {  	v39 =	vshrl.u32 v38, $0x10;
	v25 =	vand.u32 $0x3FFE, v37;
	v22 =	vpsel p0, v22, v23  }
0x8e: {  	v33 =	vperm.xlane v22, v0;
	v22 =	vperm.xlane v22, v2;
	vm9 =	veq.s32 v31, v21  }
0x8f: {  	v27 =	vand.u32 $0xFFFF, v38;
	vm8 =	vlt.s32 v31, v21;
	vm5 =	vmand vm9, vm1  }
0x90: {  	vm3 =	vne.s32 v33, v22;
	v34 =	vsel vm8, v33, v22;
	vm10 =	vmor vm5, vm0  }
0x91: {  	v22 =	vsel vm8, v22, v33;
	v35 =	vsel vm8, v31, v21;
	vm4 =	vmand vm3, vm10  }
0x92: {  	v21 =	vsel vm8, v21, v31;
	vm11 =	vmand vm3, vm2;
	v36 =	vsel vm0, v34, v22  }
0x93: {  	v25 =	vadd.s32 v3, v25;
	v27 =	vsel vm0, v39, v27;
	v21 =	vshll.u32 v21, $0x10  }
0x94: {  	v20 =	vand.u32 @!p0 $0xFFFF0000, v20;
	v26 =	vshll.u32 v35, $0x10;
	v21 =	vadd.s32 $0x10000, v21  }
0x95: {  	v20 =	vor.u32 @!p0 v20, v23;
	v40 =	vor.u32 v22, v26;
	v21 =	vor.u32 v22, v21  }
0x96: {  	[tilespmem:v28+s15+$0x0] =	vst.idx.msk @!p0 $0x3, v20;
	v20 =	vsel vm0, v40, v21  }
0x97: {  	[tilespmem:v36+s11+$0x0] =	vst.idx.msk vm4, v20  }
0x98: {  	[tilespmem:v25+s12+$0x0] =	vst.idx.msk vm11, v28  }
0x99: {  	v20 =	vld.idx.msk [tilespmem:v27+s11+$0x0], $0xffff;
	_ =	sdelay $0x4  }
0x9a: {  	v41 =	vand.u32 $0xFFFF, v20;
	_ =	sdelay $0x4  }
0x9b: {  	v21 =	vld.idx.msk [tilespmem:v41+s11+$0x0], $0xffff;
	_ =	sdelay $0x4  }
0x9c: {  	v42 =	vxor.u32 v20, v21  }
0x9d: {  	v22 =	vand.u32 $0xFFFF, v42  }
0x9e: {  	vm12 =	veq.s32 v22, $0x0  }
0x9f: {  	v22 =	vsel vm12, $0x3F800000, v1  }
0xa0: {  	(xrf0) =	vmin.scan.msk.f32 $0xffff, v22;
	_ =	sdelay $0x5  }
0xa1: {  	v22, _, _ =	vpop (xrf0)  }
0xa2: {  	(v2sf) =	vpush v22, $0xF;
	_ =	sdelay $0xd  }
0xa3: {  	v22 =	vand.u32 $0xFFFF, v21  }
0xa4: {  	s17 =	spop (v2sf)  }
0xa5: {  	p0 =	sgt.f32 s17, $0.0e+00;
	_ =	sdelay $0x1  }
0xa6: {  	s15 =	simm.s32 @!p0 $0x0  }
0xa7: {  	v23 =	vld.idx.msk @!p0 [tilespmem:v22+s15+$0x0], $0xffff;
	_ =	sdelay $0x4  }
0xa8: {  	v23 =	vand.u32 @!p0 $0xFFFF, v23;
	_ =	sdelay $0x4  }
0xa9: {  	v23 =	vld.idx.msk @!p0 [tilespmem:v23+s15+$0x0], $0xffff;
	_ =	sdelay $0x4  }
0xaa: {  	v23 =	vand.u32 @!p0 $0xFFFF, v23;
	_ =	sdelay $0x4  }
0xab: {  	v23 =	vld.idx.msk @!p0 [tilespmem:v23+s15+$0x0], $0xffff;
	_ =	sdelay $0x4  }
0xac: {  	v23 =	vand.u32 @!p0 $0xFFFF, v23;
	_ =	sdelay $0x4  }
0xad: {  	v23 =	vld.idx.msk @!p0 [tilespmem:v23+s15+$0x0], $0xffff;
	_ =	sdelay $0x4  }
0xae: {  	v23 =	vand.u32 @!p0 $0xFFFF, v23;
	_ =	sdelay $0x4  }
0xaf: {  	v23 =	vld.idx.msk @!p0 [tilespmem:v23+s15+$0x0], $0xffff;
	_ =	sdelay $0x4  }
0xb0: {  	v23 =	vand.u32 @!p0 $0xFFFF, v23;
	_ =	sdelay $0x4  }
0xb1: {  	v23 =	vld.idx.msk @!p0 [tilespmem:v23+s15+$0x0], $0xffff;
	_ =	sdelay $0x4  }
0xb2: {  	v23 =	vand.u32 @!p0 $0xFFFF, v23;
	_ =	sdelay $0x4  }
0xb3: {  	v23 =	vld.idx.msk @!p0 [tilespmem:v23+s15+$0x0], $0xffff;
	_ =	sdelay $0x4  }
0xb4: {  	v23 =	vand.u32 @!p0 $0xFFFF, v23;
	_ =	sdelay $0x4  }
0xb5: {  	v23 =	vld.idx.msk @!p0 [tilespmem:v23+s15+$0x0], $0xffff;
	_ =	sdelay $0x4  }
0xb6: {  	v23 =	vand.u32 @!p0 $0xFFFF, v23;
	_ =	sdelay $0x4  }
0xb7: {  	v23 =	vld.idx.msk @!p0 [tilespmem:v23+s15+$0x0], $0xffff;
	_ =	sdelay $0x4  }
0xb8: {  	v23 =	vand.u32 @!p0 $0xFFFF, v23;
	_ =	sdelay $0x4  }
0xb9: {  	v23 =	vld.idx.msk @!p0 [tilespmem:v23+s15+$0x0], $0xffff;
	_ =	sdelay $0x4  }
0xba: {  	v23 =	vand.u32 @!p0 $0xFFFF, v23;
	_ =	sdelay $0x4  }
0xbb: {  	v23 =	vld.idx.msk @!p0 [tilespmem:v23+s15+$0x0], $0xffff;
	_ =	sdelay $0x4  }
0xbc: {  	v23 =	vand.u32 @!p0 $0xFFFF, v23;
	_ =	sdelay $0x4  }
0xbd: {  	v23 =	vld.idx.msk @!p0 [tilespmem:v23+s15+$0x0], $0xffff;
	_ =	sdelay $0x4  }
0xbe: {  	v23 =	vand.u32 @!p0 $0xFFFF, v23;
	_ =	sdelay $0x4  }
0xbf: {  	v23 =	vld.idx.msk @!p0 [tilespmem:v23+s15+$0x0], $0xffff;
	_ =	sdelay $0x4  }
0xc0: {  	v23 =	vand.u32 @!p0 $0xFFFF, v23;
	_ =	sdelay $0x4  }
0xc1: {  	v23 =	vld.idx.msk @!p0 [tilespmem:v23+s15+$0x0], $0xffff;
	_ =	sdelay $0x3  }
0xc2: {  	v44 =	vsel vm3, $0x1, v0  }
0xc3: {  	v19 =	vadd.s32 v44, v19;
	v21 =	vpsel p0, v21, v23  }
0xc4: {  	v50 =	vperm.xlane v18, v5;
	v49 =	vshll.u32 v19, $0x1;
	v21 =	vshrl.u32 v21, $0x10  }
0xc5: {  	v23 =	vand.u32 @!p0 $0xFFFF, v23;
	v43 =	vperm.xlane v21, v0;
	v21 =	vperm.xlane v21, v2  }
0xc6: {  	v51 =	vshrl.u32 v50, $0x10;
	v25 =	vand.u32 $0x3FFE, v49;
	v22 =	vpsel p0, v22, v23  }
0xc7: {  	v45 =	vperm.xlane v22, v0;
	v22 =	vperm.xlane v22, v2;
	vm14 =	veq.s32 v43, v21  }
0xc8: {  	v28 =	vand.u32 $0xFFFF, v50;
	vm13 =	vlt.s32 v43, v21;
	vm5 =	vmand vm14, vm1  }
0xc9: {  	vm3 =	vne.s32 v45, v22;
	v46 =	vsel vm13, v45, v22;
	vm15 =	vmor vm5, vm0  }
0xca: {  	v22 =	vsel vm13, v22, v45;
	v47 =	vsel vm13, v43, v21;
	vm4 =	vmand vm3, vm15  }
0xcb: {  	v21 =	vsel vm13, v21, v43;
	vm8 =	vmand vm3, vm2;
	v48 =	vsel vm0, v46, v22  }
0xcc: {  	v25 =	vadd.s32 v3, v25;
	v28 =	vsel vm0, v51, v28;
	v21 =	vshll.u32 v21, $0x10  }
0xcd: {  	v20 =	vand.u32 @!p0 $0xFFFF0000, v20;
	v26 =	vshll.u32 v47, $0x10;
	v21 =	vadd.s32 $0x10000, v21  }
0xce: {  	v20 =	vor.u32 @!p0 v20, v23;
	v52 =	vor.u32 v22, v26;
	v21 =	vor.u32 v22, v21  }
0xcf: {  	[tilespmem:v27+s15+$0x0] =	vst.idx.msk @!p0 $0x3, v20;
	v20 =	vsel vm0, v52, v21  }
0xd0: {  	[tilespmem:v48+s11+$0x0] =	vst.idx.msk vm4, v20  }
0xd1: {  	[tilespmem:v25+s12+$0x0] =	vst.idx.msk vm8, v27  }
0xd2: {  	v20 =	vld.idx.msk [tilespmem:v28+s11+$0x0], $0xffff;
	_ =	sdelay $0x4  }
0xd3: {  	v53 =	vand.u32 $0xFFFF, v20;
	_ =	sdelay $0x4  }
0xd4: {  	v21 =	vld.idx.msk [tilespmem:v53+s11+$0x0], $0xffff;
	_ =	sdelay $0x4  }
0xd5: {  	v54 =	vxor.u32 v20, v21  }
0xd6: {  	v22 =	vand.u32 $0xFFFF, v54  }
0xd7: {  	vm9 =	veq.s32 v22, $0x0  }
0xd8: {  	v22 =	vsel vm9, $0x3F800000, v1  }
0xd9: {  	(xrf0) =	vmin.scan.msk.f32 $0xffff, v22;
	_ =	sdelay $0x5  }
0xda: {  	v22, _, _ =	vpop (xrf0)  }
0xdb: {  	(v2sf) =	vpush v22, $0xF;
	_ =	sdelay $0xd  }
0xdc: {  	v22 =	vand.u32 $0xFFFF, v21  }
0xdd: {  	s18 =	spop (v2sf)  }
0xde: {  	p0 =	sgt.f32 s18, $0.0e+00;
	_ =	sdelay $0x1  }
0xdf: {  	s15 =	simm.s32 @!p0 $0x0  }
0xe0: {  	v23 =	vld.idx.msk @!p0 [tilespmem:v22+s15+$0x0], $0xffff;
	_ =	sdelay $0x4  }
0xe1: {  	v23 =	vand.u32 @!p0 $0xFFFF, v23;
	_ =	sdelay $0x4  }
0xe2: {  	v23 =	vld.idx.msk @!p0 [tilespmem:v23+s15+$0x0], $0xffff;
	_ =	sdelay $0x4  }
0xe3: {  	v23 =	vand.u32 @!p0 $0xFFFF, v23;
	_ =	sdelay $0x4  }
0xe4: {  	v23 =	vld.idx.msk @!p0 [tilespmem:v23+s15+$0x0], $0xffff;
	_ =	sdelay $0x4  }
0xe5: {  	v23 =	vand.u32 @!p0 $0xFFFF, v23;
	_ =	sdelay $0x4  }
0xe6: {  	v23 =	vld.idx.msk @!p0 [tilespmem:v23+s15+$0x0], $0xffff;
	_ =	sdelay $0x4  }
0xe7: {  	v23 =	vand.u32 @!p0 $0xFFFF, v23;
	_ =	sdelay $0x4  }
0xe8: {  	v23 =	vld.idx.msk @!p0 [tilespmem:v23+s15+$0x0], $0xffff;
	_ =	sdelay $0x4  }
0xe9: {  	v23 =	vand.u32 @!p0 $0xFFFF, v23;
	_ =	sdelay $0x4  }
0xea: {  	v23 =	vld.idx.msk @!p0 [tilespmem:v23+s15+$0x0], $0xffff;
	_ =	sdelay $0x4  }
0xeb: {  	v23 =	vand.u32 @!p0 $0xFFFF, v23;
	_ =	sdelay $0x4  }
0xec: {  	v23 =	vld.idx.msk @!p0 [tilespmem:v23+s15+$0x0], $0xffff;
	_ =	sdelay $0x4  }
0xed: {  	v23 =	vand.u32 @!p0 $0xFFFF, v23;
	_ =	sdelay $0x4  }
0xee: {  	v23 =	vld.idx.msk @!p0 [tilespmem:v23+s15+$0x0], $0xffff;
	_ =	sdelay $0x4  }
0xef: {  	v23 =	vand.u32 @!p0 $0xFFFF, v23;
	_ =	sdelay $0x4  }
0xf0: {  	v23 =	vld.idx.msk @!p0 [tilespmem:v23+s15+$0x0], $0xffff;
	_ =	sdelay $0x4  }
0xf1: {  	v23 =	vand.u32 @!p0 $0xFFFF, v23;
	_ =	sdelay $0x4  }
0xf2: {  	v23 =	vld.idx.msk @!p0 [tilespmem:v23+s15+$0x0], $0xffff;
	_ =	sdelay $0x4  }
0xf3: {  	v23 =	vand.u32 @!p0 $0xFFFF, v23;
	_ =	sdelay $0x4  }
0xf4: {  	v23 =	vld.idx.msk @!p0 [tilespmem:v23+s15+$0x0], $0xffff;
	_ =	sdelay $0x4  }
0xf5: {  	v23 =	vand.u32 @!p0 $0xFFFF, v23;
	_ =	sdelay $0x4  }
0xf6: {  	v23 =	vld.idx.msk @!p0 [tilespmem:v23+s15+$0x0], $0xffff;
	_ =	sdelay $0x4  }
0xf7: {  	v23 =	vand.u32 @!p0 $0xFFFF, v23;
	_ =	sdelay $0x4  }
0xf8: {  	v23 =	vld.idx.msk @!p0 [tilespmem:v23+s15+$0x0], $0xffff;
	_ =	sdelay $0x4  }
0xf9: {  	v23 =	vand.u32 @!p0 $0xFFFF, v23;
	_ =	sdelay $0x4  }
0xfa: {  	v23 =	vld.idx.msk @!p0 [tilespmem:v23+s15+$0x0], $0xffff;
	_ =	sdelay $0x3  }
0xfb: {  	v56 =	vsel vm3, $0x1, v0  }
0xfc: {  	v19 =	vadd.s32 v56, v19;
	v21 =	vpsel p0, v21, v23  }
0xfd: {  	v62 =	vperm.xlane v18, v6;
	v61 =	vshll.u32 v19, $0x1;
	v21 =	vshrl.u32 v21, $0x10  }
0xfe: {  	v23 =	vand.u32 @!p0 $0xFFFF, v23;
	v55 =	vperm.xlane v21, v0;
	v21 =	vperm.xlane v21, v2  }
0xff: {  	v63 =	vshrl.u32 v62, $0x10;
	v25 =	vand.u32 $0x3FFE, v61;
	v22 =	vpsel p0, v22, v23  }
0x100: {  	v57 =	vperm.xlane v22, v0;
	v22 =	vperm.xlane v22, v2;
	vm11 =	veq.s32 v55, v21  }
0x101: {  	v27 =	vand.u32 $0xFFFF, v62;
	vm10 =	vlt.s32 v55, v21;
	vm5 =	vmand vm11, vm1  }
0x102: {  	vm3 =	vne.s32 v57, v22;
	v58 =	vsel vm10, v57, v22;
	vm12 =	vmor vm5, vm0  }
0x103: {  	v22 =	vsel vm10, v22, v57;
	v59 =	vsel vm10, v55, v21;
	vm4 =	vmand vm3, vm12  }
0x104: {  	v21 =	vsel vm10, v21, v55;
	vm13 =	vmand vm3, vm2;
	v60 =	vsel vm0, v58, v22  }
0x105: {  	v25 =	vadd.s32 v3, v25;
	v27 =	vsel vm0, v63, v27;
	v21 =	vshll.u32 v21, $0x10  }
0x106: {  	v20 =	vand.u32 @!p0 $0xFFFF0000, v20;
	v26 =	vshll.u32 v59, $0x10;
	v21 =	vadd.s32 $0x10000, v21  }
0x107: {  	v20 =	vor.u32 @!p0 v20, v23;
	v26 =	vor.u32 v22, v26;
	v21 =	vor.u32 v22, v21  }
0x108: {  	[tilespmem:v28+s15+$0x0] =	vst.idx.msk @!p0 $0x3, v20;
	v20 =	vsel vm0, v26, v21  }
0x109: {  	[tilespmem:v60+s11+$0x0] =	vst.idx.msk vm4, v20  }
0x10a: {  	[tilespmem:v25+s12+$0x0] =	vst.idx.msk vm13, v28  }
0x10b: {  	v20 =	vld.idx.msk [tilespmem:v27+s11+$0x0], $0xffff;
	_ =	sdelay $0x4  }
0x10c: {  	v29 =	vand.u32 $0xFFFF, v20;
	_ =	sdelay $0x4  }
0x10d: {  	v21 =	vld.idx.msk [tilespmem:v29+s11+$0x0], $0xffff;
	_ =	sdelay $0x4  }
0x10e: {  	v30 =	vxor.u32 v20, v21  }
0x10f: {  	v22 =	vand.u32 $0xFFFF, v30  }
0x110: {  	vm14 =	veq.s32 v22, $0x0  }
0x111: {  	v22 =	vsel vm14, $0x3F800000, v1  }
0x112: {  	(xrf0) =	vmin.scan.msk.f32 $0xffff, v22;
	_ =	sdelay $0x5  }
0x113: {  	v22, _, _ =	vpop (xrf0)  }
0x114: {  	(v2sf) =	vpush v22, $0xF;
	_ =	sdelay $0xd  }
0x115: {  	v22 =	vand.u32 $0xFFFF, v21  }
0x116: {  	s19 =	spop (v2sf)  }
0x117: {  	p0 =	sgt.f32 s19, $0.0e+00;
	_ =	sdelay $0x1  }
0x118: {  	s15 =	simm.s32 @!p0 $0x0  }
0x119: {  	v23 =	vld.idx.msk @!p0 [tilespmem:v22+s15+$0x0], $0xffff;
	_ =	sdelay $0x4  }
0x11a: {  	v23 =	vand.u32 @!p0 $0xFFFF, v23;
	_ =	sdelay $0x4  }
0x11b: {  	v23 =	vld.idx.msk @!p0 [tilespmem:v23+s15+$0x0], $0xffff;
	_ =	sdelay $0x4  }
0x11c: {  	v23 =	vand.u32 @!p0 $0xFFFF, v23;
	_ =	sdelay $0x4  }
0x11d: {  	v23 =	vld.idx.msk @!p0 [tilespmem:v23+s15+$0x0], $0xffff;
	_ =	sdelay $0x4  }
0x11e: {  	v23 =	vand.u32 @!p0 $0xFFFF, v23;
	_ =	sdelay $0x4  }
0x11f: {  	v23 =	vld.idx.msk @!p0 [tilespmem:v23+s15+$0x0], $0xffff;
	_ =	sdelay $0x4  }
0x120: {  	v23 =	vand.u32 @!p0 $0xFFFF, v23;
	_ =	sdelay $0x4  }
0x121: {  	v23 =	vld.idx.msk @!p0 [tilespmem:v23+s15+$0x0], $0xffff;
	_ =	sdelay $0x4  }
0x122: {  	v23 =	vand.u32 @!p0 $0xFFFF, v23;
	_ =	sdelay $0x4  }
0x123: {  	v23 =	vld.idx.msk @!p0 [tilespmem:v23+s15+$0x0], $0xffff;
	_ =	sdelay $0x4  }
0x124: {  	v23 =	vand.u32 @!p0 $0xFFFF, v23;
	_ =	sdelay $0x4  }
0x125: {  	v23 =	vld.idx.msk @!p0 [tilespmem:v23+s15+$0x0], $0xffff;
	_ =	sdelay $0x4  }
0x126: {  	v23 =	vand.u32 @!p0 $0xFFFF, v23;
	_ =	sdelay $0x4  }
0x127: {  	v23 =	vld.idx.msk @!p0 [tilespmem:v23+s15+$0x0], $0xffff;
	_ =	sdelay $0x4  }
0x128: {  	v23 =	vand.u32 @!p0 $0xFFFF, v23;
	_ =	sdelay $0x4  }
0x129: {  	v23 =	vld.idx.msk @!p0 [tilespmem:v23+s15+$0x0], $0xffff;
	_ =	sdelay $0x4  }
0x12a: {  	v23 =	vand.u32 @!p0 $0xFFFF, v23;
	_ =	sdelay $0x4  }
0x12b: {  	v23 =	vld.idx.msk @!p0 [tilespmem:v23+s15+$0x0], $0xffff;
	_ =	sdelay $0x4  }
0x12c: {  	v23 =	vand.u32 @!p0 $0xFFFF, v23;
	_ =	sdelay $0x4  }
0x12d: {  	v23 =	vld.idx.msk @!p0 [tilespmem:v23+s15+$0x0], $0xffff;
	_ =	sdelay $0x4  }
0x12e: {  	v23 =	vand.u32 @!p0 $0xFFFF, v23;
	_ =	sdelay $0x4  }
0x12f: {  	v23 =	vld.idx.msk @!p0 [tilespmem:v23+s15+$0x0], $0xffff;
	_ =	sdelay $0x4  }
0x130: {  	v23 =	vand.u32 @!p0 $0xFFFF, v23;
	_ =	sdelay $0x4  }
0x131: {  	v23 =	vld.idx.msk @!p0 [tilespmem:v23+s15+$0x0], $0xffff;
	_ =	sdelay $0x4  }
0x132: {  	v23 =	vand.u32 @!p0 $0xFFFF, v23;
	_ =	sdelay $0x4  }
0x133: {  	v23 =	vld.idx.msk @!p0 [tilespmem:v23+s15+$0x0], $0xffff;
	_ =	sdelay $0x3  }
0x134: {  	v32 =	vsel vm3, $0x1, v0  }
0x135: {  	v19 =	vadd.s32 v32, v19;
	v21 =	vpsel p0, v21, v23  }
0x136: {  	v38 =	vperm.xlane v18, v7;
	v37 =	vshll.u32 v19, $0x1;
	v21 =	vshrl.u32 v21, $0x10  }
0x137: {  	v23 =	vand.u32 @!p0 $0xFFFF, v23;
	v31 =	vperm.xlane v21, v0;
	v21 =	vperm.xlane v21, v2  }
0x138: {  	v39 =	vshrl.u32 v38, $0x10;
	v25 =	vand.u32 $0x3FFE, v37;
	v22 =	vpsel p0, v22, v23  }
0x139: {  	v33 =	vperm.xlane v22, v0;
	v22 =	vperm.xlane v22, v2;
	vm8 =	veq.s32 v31, v21  }
0x13a: {  	v28 =	vand.u32 $0xFFFF, v38;
	vm15 =	vlt.s32 v31, v21;
	vm5 =	vmand vm8, vm1  }
0x13b: {  	vm3 =	vne.s32 v33, v22;
	v34 =	vsel vm15, v33, v22;
	vm9 =	vmor vm5, vm0  }
0x13c: {  	v22 =	vsel vm15, v22, v33;
	v35 =	vsel vm15, v31, v21;
	vm4 =	vmand vm3, vm9  }
0x13d: {  	v21 =	vsel vm15, v21, v31;
	vm10 =	vmand vm3, vm2;
	v36 =	vsel vm0, v34, v22  }
0x13e: {  	v25 =	vadd.s32 v3, v25;
	v28 =	vsel vm0, v39, v28;
	v21 =	vshll.u32 v21, $0x10  }
0x13f: {  	v20 =	vand.u32 @!p0 $0xFFFF0000, v20;
	v26 =	vshll.u32 v35, $0x10;
	v21 =	vadd.s32 $0x10000, v21  }
0x140: {  	v20 =	vor.u32 @!p0 v20, v23;
	v40 =	vor.u32 v22, v26;
	v21 =	vor.u32 v22, v21  }
0x141: {  	[tilespmem:v27+s15+$0x0] =	vst.idx.msk @!p0 $0x3, v20;
	v20 =	vsel vm0, v40, v21  }
0x142: {  	[tilespmem:v36+s11+$0x0] =	vst.idx.msk vm4, v20  }
0x143: {  	[tilespmem:v25+s12+$0x0] =	vst.idx.msk vm10, v27  }
0x144: {  	v20 =	vld.idx.msk [tilespmem:v28+s11+$0x0], $0xffff;
	_ =	sdelay $0x4  }
0x145: {  	v41 =	vand.u32 $0xFFFF, v20;
	_ =	sdelay $0x4  }
0x146: {  	v21 =	vld.idx.msk [tilespmem:v41+s11+$0x0], $0xffff;
	_ =	sdelay $0x4  }
0x147: {  	v42 =	vxor.u32 v20, v21  }
0x148: {  	v22 =	vand.u32 $0xFFFF, v42  }
0x149: {  	vm11 =	veq.s32 v22, $0x0  }
0x14a: {  	v22 =	vsel vm11, $0x3F800000, v1  }
0x14b: {  	(xrf0) =	vmin.scan.msk.f32 $0xffff, v22;
	_ =	sdelay $0x5  }
0x14c: {  	v22, _, _ =	vpop (xrf0)  }
0x14d: {  	(v2sf) =	vpush v22, $0xF;
	_ =	sdelay $0xd  }
0x14e: {  	v22 =	vand.u32 $0xFFFF, v21  }
0x14f: {  	s20 =	spop (v2sf)  }
0x150: {  	p0 =	sgt.f32 s20, $0.0e+00;
	_ =	sdelay $0x1  }
0x151: {  	s15 =	simm.s32 @!p0 $0x0  }
0x152: {  	v23 =	vld.idx.msk @!p0 [tilespmem:v22+s15+$0x0], $0xffff;
	_ =	sdelay $0x4  }
0x153: {  	v23 =	vand.u32 @!p0 $0xFFFF, v23;
	_ =	sdelay $0x4  }
0x154: {  	v23 =	vld.idx.msk @!p0 [tilespmem:v23+s15+$0x0], $0xffff;
	_ =	sdelay $0x4  }
0x155: {  	v23 =	vand.u32 @!p0 $0xFFFF, v23;
	_ =	sdelay $0x4  }
0x156: {  	v23 =	vld.idx.msk @!p0 [tilespmem:v23+s15+$0x0], $0xffff;
	_ =	sdelay $0x4  }
0x157: {  	v23 =	vand.u32 @!p0 $0xFFFF, v23;
	_ =	sdelay $0x4  }
0x158: {  	v23 =	vld.idx.msk @!p0 [tilespmem:v23+s15+$0x0], $0xffff;
	_ =	sdelay $0x4  }
0x159: {  	v23 =	vand.u32 @!p0 $0xFFFF, v23;
	_ =	sdelay $0x4  }
0x15a: {  	v23 =	vld.idx.msk @!p0 [tilespmem:v23+s15+$0x0], $0xffff;
	_ =	sdelay $0x4  }
0x15b: {  	v23 =	vand.u32 @!p0 $0xFFFF, v23;
	_ =	sdelay $0x4  }
0x15c: {  	v23 =	vld.idx.msk @!p0 [tilespmem:v23+s15+$0x0], $0xffff;
	_ =	sdelay $0x4  }
0x15d: {  	v23 =	vand.u32 @!p0 $0xFFFF, v23;
	_ =	sdelay $0x4  }
0x15e: {  	v23 =	vld.idx.msk @!p0 [tilespmem:v23+s15+$0x0], $0xffff;
	_ =	sdelay $0x4  }
0x15f: {  	v23 =	vand.u32 @!p0 $0xFFFF, v23;
	_ =	sdelay $0x4  }
0x160: {  	v23 =	vld.idx.msk @!p0 [tilespmem:v23+s15+$0x0], $0xffff;
	_ =	sdelay $0x4  }
0x161: {  	v23 =	vand.u32 @!p0 $0xFFFF, v23;
	_ =	sdelay $0x4  }
0x162: {  	v23 =	vld.idx.msk @!p0 [tilespmem:v23+s15+$0x0], $0xffff;
	_ =	sdelay $0x4  }
0x163: {  	v23 =	vand.u32 @!p0 $0xFFFF, v23;
	_ =	sdelay $0x4  }
0x164: {  	v23 =	vld.idx.msk @!p0 [tilespmem:v23+s15+$0x0], $0xffff;
	_ =	sdelay $0x4  }
0x165: {  	v23 =	vand.u32 @!p0 $0xFFFF, v23;
	_ =	sdelay $0x4  }
0x166: {  	v23 =	vld.idx.msk @!p0 [tilespmem:v23+s15+$0x0], $0xffff;
	_ =	sdelay $0x4  }
0x167: {  	v23 =	vand.u32 @!p0 $0xFFFF, v23;
	_ =	sdelay $0x4  }
0x168: {  	v23 =	vld.idx.msk @!p0 [tilespmem:v23+s15+$0x0], $0xffff;
	_ =	sdelay $0x4  }
0x169: {  	v23 =	vand.u32 @!p0 $0xFFFF, v23;
	_ =	sdelay $0x4  }
0x16a: {  	v23 =	vld.idx.msk @!p0 [tilespmem:v23+s15+$0x0], $0xffff;
	_ =	sdelay $0x4  }
0x16b: {  	v23 =	vand.u32 @!p0 $0xFFFF, v23;
	_ =	sdelay $0x4  }
0x16c: {  	v23 =	vld.idx.msk @!p0 [tilespmem:v23+s15+$0x0], $0xffff;
	_ =	sdelay $0x3  }
0x16d: {  	v44 =	vsel vm3, $0x1, v0  }
0x16e: {  	v19 =	vadd.s32 v44, v19;
	v21 =	vpsel p0, v21, v23  }
0x16f: {  	v50 =	vperm.xlane v18, v8;
	v49 =	vshll.u32 v19, $0x1;
	v21 =	vshrl.u32 v21, $0x10  }
0x170: {  	v23 =	vand.u32 @!p0 $0xFFFF, v23;
	v43 =	vperm.xlane v21, v0;
	v21 =	vperm.xlane v21, v2  }
0x171: {  	v51 =	vshrl.u32 v50, $0x10;
	v25 =	vand.u32 $0x3FFE, v49;
	v22 =	vpsel p0, v22, v23  }
0x172: {  	v45 =	vperm.xlane v22, v0;
	v22 =	vperm.xlane v22, v2;
	vm13 =	veq.s32 v43, v21  }
0x173: {  	v27 =	vand.u32 $0xFFFF, v50;
	vm12 =	vlt.s32 v43, v21;
	vm5 =	vmand vm13, vm1  }
0x174: {  	vm3 =	vne.s32 v45, v22;
	v46 =	vsel vm12, v45, v22;
	vm14 =	vmor vm5, vm0  }
0x175: {  	v22 =	vsel vm12, v22, v45;
	v47 =	vsel vm12, v43, v21;
	vm4 =	vmand vm3, vm14  }
0x176: {  	v21 =	vsel vm12, v21, v43;
	vm15 =	vmand vm3, vm2;
	v48 =	vsel vm0, v46, v22  }
0x177: {  	v25 =	vadd.s32 v3, v25;
	v27 =	vsel vm0, v51, v27;
	v21 =	vshll.u32 v21, $0x10  }
0x178: {  	v20 =	vand.u32 @!p0 $0xFFFF0000, v20;
	v26 =	vshll.u32 v47, $0x10;
	v21 =	vadd.s32 $0x10000, v21  }
0x179: {  	v20 =	vor.u32 @!p0 v20, v23;
	v52 =	vor.u32 v22, v26;
	v21 =	vor.u32 v22, v21  }
0x17a: {  	[tilespmem:v28+s15+$0x0] =	vst.idx.msk @!p0 $0x3, v20;
	v20 =	vsel vm0, v52, v21  }
0x17b: {  	[tilespmem:v48+s11+$0x0] =	vst.idx.msk vm4, v20  }
0x17c: {  	[tilespmem:v25+s12+$0x0] =	vst.idx.msk vm15, v28  }
0x17d: {  	v20 =	vld.idx.msk [tilespmem:v27+s11+$0x0], $0xffff;
	_ =	sdelay $0x4  }
0x17e: {  	v53 =	vand.u32 $0xFFFF, v20;
	_ =	sdelay $0x4  }
0x17f: {  	v21 =	vld.idx.msk [tilespmem:v53+s11+$0x0], $0xffff;
	_ =	sdelay $0x4  }
0x180: {  	v54 =	vxor.u32 v20, v21  }
0x181: {  	v22 =	vand.u32 $0xFFFF, v54  }
0x182: {  	vm8 =	veq.s32 v22, $0x0  }
0x183: {  	v22 =	vsel vm8, $0x3F800000, v1  }
0x184: {  	(xrf0) =	vmin.scan.msk.f32 $0xffff, v22;
	_ =	sdelay $0x5  }
0x185: {  	v22, _, _ =	vpop (xrf0)  }
0x186: {  	(v2sf) =	vpush v22, $0xF;
	_ =	sdelay $0xd  }
0x187: {  	v22 =	vand.u32 $0xFFFF, v21  }
0x188: {  	s21 =	spop (v2sf)  }
0x189: {  	p0 =	sgt.f32 s21, $0.0e+00;
	_ =	sdelay $0x1  }
0x18a: {  	s15 =	simm.s32 @!p0 $0x0  }
0x18b: {  	v23 =	vld.idx.msk @!p0 [tilespmem:v22+s15+$0x0], $0xffff;
	_ =	sdelay $0x4  }
0x18c: {  	v23 =	vand.u32 @!p0 $0xFFFF, v23;
	_ =	sdelay $0x4  }
0x18d: {  	v23 =	vld.idx.msk @!p0 [tilespmem:v23+s15+$0x0], $0xffff;
	_ =	sdelay $0x4  }
0x18e: {  	v23 =	vand.u32 @!p0 $0xFFFF, v23;
	_ =	sdelay $0x4  }
0x18f: {  	v23 =	vld.idx.msk @!p0 [tilespmem:v23+s15+$0x0], $0xffff;
	_ =	sdelay $0x4  }
0x190: {  	v23 =	vand.u32 @!p0 $0xFFFF, v23;
	_ =	sdelay $0x4  }
0x191: {  	v23 =	vld.idx.msk @!p0 [tilespmem:v23+s15+$0x0], $0xffff;
	_ =	sdelay $0x4  }
0x192: {  	v23 =	vand.u32 @!p0 $0xFFFF, v23;
	_ =	sdelay $0x4  }
0x193: {  	v23 =	vld.idx.msk @!p0 [tilespmem:v23+s15+$0x0], $0xffff;
	_ =	sdelay $0x4  }
0x194: {  	v23 =	vand.u32 @!p0 $0xFFFF, v23;
	_ =	sdelay $0x4  }
0x195: {  	v23 =	vld.idx.msk @!p0 [tilespmem:v23+s15+$0x0], $0xffff;
	_ =	sdelay $0x4  }
0x196: {  	v23 =	vand.u32 @!p0 $0xFFFF, v23;
	_ =	sdelay $0x4  }
0x197: {  	v23 =	vld.idx.msk @!p0 [tilespmem:v23+s15+$0x0], $0xffff;
	_ =	sdelay $0x4  }
0x198: {  	v23 =	vand.u32 @!p0 $0xFFFF, v23;
	_ =	sdelay $0x4  }
0x199: {  	v23 =	vld.idx.msk @!p0 [tilespmem:v23+s15+$0x0], $0xffff;
	_ =	sdelay $0x4  }
0x19a: {  	v23 =	vand.u32 @!p0 $0xFFFF, v23;
	_ =	sdelay $0x4  }
0x19b: {  	v23 =	vld.idx.msk @!p0 [tilespmem:v23+s15+$0x0], $0xffff;
	_ =	sdelay $0x4  }
0x19c: {  	v23 =	vand.u32 @!p0 $0xFFFF, v23;
	_ =	sdelay $0x4  }
0x19d: {  	v23 =	vld.idx.msk @!p0 [tilespmem:v23+s15+$0x0], $0xffff;
	_ =	sdelay $0x4  }
0x19e: {  	v23 =	vand.u32 @!p0 $0xFFFF, v23;
	_ =	sdelay $0x4  }
0x19f: {  	v23 =	vld.idx.msk @!p0 [tilespmem:v23+s15+$0x0], $0xffff;
	_ =	sdelay $0x4  }
0x1a0: {  	v23 =	vand.u32 @!p0 $0xFFFF, v23;
	_ =	sdelay $0x4  }
0x1a1: {  	v23 =	vld.idx.msk @!p0 [tilespmem:v23+s15+$0x0], $0xffff;
	_ =	sdelay $0x4  }
0x1a2: {  	v23 =	vand.u32 @!p0 $0xFFFF, v23;
	_ =	sdelay $0x4  }
0x1a3: {  	v23 =	vld.idx.msk @!p0 [tilespmem:v23+s15+$0x0], $0xffff;
	_ =	sdelay $0x4  }
0x1a4: {  	v23 =	vand.u32 @!p0 $0xFFFF, v23;
	_ =	sdelay $0x4  }
0x1a5: {  	v23 =	vld.idx.msk @!p0 [tilespmem:v23+s15+$0x0], $0xffff;
	_ =	sdelay $0x3  }
0x1a6: {  	v56 =	vsel vm3, $0x1, v0  }
0x1a7: {  	v19 =	vadd.s32 v56, v19;
	v21 =	vpsel p0, v21, v23  }
0x1a8: {  	v62 =	vperm.xlane v18, v9;
	v61 =	vshll.u32 v19, $0x1;
	v21 =	vshrl.u32 v21, $0x10  }
0x1a9: {  	v23 =	vand.u32 @!p0 $0xFFFF, v23;
	v55 =	vperm.xlane v21, v0;
	v21 =	vperm.xlane v21, v2  }
0x1aa: {  	v63 =	vshrl.u32 v62, $0x10;
	v25 =	vand.u32 $0x3FFE, v61;
	v22 =	vpsel p0, v22, v23  }
0x1ab: {  	v57 =	vperm.xlane v22, v0;
	v22 =	vperm.xlane v22, v2;
	vm10 =	veq.s32 v55, v21  }
0x1ac: {  	v28 =	vand.u32 $0xFFFF, v62;
	vm9 =	vlt.s32 v55, v21;
	vm5 =	vmand vm10, vm1  }
0x1ad: {  	vm3 =	vne.s32 v57, v22;
	v58 =	vsel vm9, v57, v22;
	vm11 =	vmor vm5, vm0  }
0x1ae: {  	v22 =	vsel vm9, v22, v57;
	v59 =	vsel vm9, v55, v21;
	vm4 =	vmand vm3, vm11  }
0x1af: {  	v21 =	vsel vm9, v21, v55;
	vm12 =	vmand vm3, vm2;
	v60 =	vsel vm0, v58, v22  }
0x1b0: {  	v25 =	vadd.s32 v3, v25;
	v28 =	vsel vm0, v63, v28;
	v21 =	vshll.u32 v21, $0x10  }
0x1b1: {  	v20 =	vand.u32 @!p0 $0xFFFF0000, v20;
	v26 =	vshll.u32 v59, $0x10;
	v21 =	vadd.s32 $0x10000, v21  }
0x1b2: {  	v20 =	vor.u32 @!p0 v20, v23;
	v26 =	vor.u32 v22, v26;
	v21 =	vor.u32 v22, v21  }
0x1b3: {  	[tilespmem:v27+s15+$0x0] =	vst.idx.msk @!p0 $0x3, v20;
	v20 =	vsel vm0, v26, v21  }
0x1b4: {  	[tilespmem:v60+s11+$0x0] =	vst.idx.msk vm4, v20  }
0x1b5: {  	[tilespmem:v25+s12+$0x0] =	vst.idx.msk vm12, v27  }
0x1b6: {  	v20 =	vld.idx.msk [tilespmem:v28+s11+$0x0], $0xffff;
	_ =	sdelay $0x4  }
0x1b7: {  	v29 =	vand.u32 $0xFFFF, v20;
	_ =	sdelay $0x4  }
0x1b8: {  	v21 =	vld.idx.msk [tilespmem:v29+s11+$0x0], $0xffff;
	_ =	sdelay $0x4  }
0x1b9: {  	v30 =	vxor.u32 v20, v21  }
0x1ba: {  	v22 =	vand.u32 $0xFFFF, v30  }
0x1bb: {  	vm13 =	veq.s32 v22, $0x0  }
0x1bc: {  	v22 =	vsel vm13, $0x3F800000, v1  }
0x1bd: {  	(xrf0) =	vmin.scan.msk.f32 $0xffff, v22;
	_ =	sdelay $0x5  }
0x1be: {  	v22, _, _ =	vpop (xrf0)  }
0x1bf: {  	(v2sf) =	vpush v22, $0xF;
	_ =	sdelay $0xd  }
0x1c0: {  	v22 =	vand.u32 $0xFFFF, v21  }
0x1c1: {  	s22 =	spop (v2sf)  }
0x1c2: {  	p0 =	sgt.f32 s22, $0.0e+00;
	_ =	sdelay $0x1  }
0x1c3: {  	s15 =	simm.s32 @!p0 $0x0  }
0x1c4: {  	v23 =	vld.idx.msk @!p0 [tilespmem:v22+s15+$0x0], $0xffff;
	_ =	sdelay $0x4  }
0x1c5: {  	v23 =	vand.u32 @!p0 $0xFFFF, v23;
	_ =	sdelay $0x4  }
0x1c6: {  	v23 =	vld.idx.msk @!p0 [tilespmem:v23+s15+$0x0], $0xffff;
	_ =	sdelay $0x4  }
0x1c7: {  	v23 =	vand.u32 @!p0 $0xFFFF, v23;
	_ =	sdelay $0x4  }
0x1c8: {  	v23 =	vld.idx.msk @!p0 [tilespmem:v23+s15+$0x0], $0xffff;
	_ =	sdelay $0x4  }
0x1c9: {  	v23 =	vand.u32 @!p0 $0xFFFF, v23;
	_ =	sdelay $0x4  }
0x1ca: {  	v23 =	vld.idx.msk @!p0 [tilespmem:v23+s15+$0x0], $0xffff;
	_ =	sdelay $0x4  }
0x1cb: {  	v23 =	vand.u32 @!p0 $0xFFFF, v23;
	_ =	sdelay $0x4  }
0x1cc: {  	v23 =	vld.idx.msk @!p0 [tilespmem:v23+s15+$0x0], $0xffff;
	_ =	sdelay $0x4  }
0x1cd: {  	v23 =	vand.u32 @!p0 $0xFFFF, v23;
	_ =	sdelay $0x4  }
0x1ce: {  	v23 =	vld.idx.msk @!p0 [tilespmem:v23+s15+$0x0], $0xffff;
	_ =	sdelay $0x4  }
0x1cf: {  	v23 =	vand.u32 @!p0 $0xFFFF, v23;
	_ =	sdelay $0x4  }
0x1d0: {  	v23 =	vld.idx.msk @!p0 [tilespmem:v23+s15+$0x0], $0xffff;
	_ =	sdelay $0x4  }
0x1d1: {  	v23 =	vand.u32 @!p0 $0xFFFF, v23;
	_ =	sdelay $0x4  }
0x1d2: {  	v23 =	vld.idx.msk @!p0 [tilespmem:v23+s15+$0x0], $0xffff;
	_ =	sdelay $0x4  }
0x1d3: {  	v23 =	vand.u32 @!p0 $0xFFFF, v23;
	_ =	sdelay $0x4  }
0x1d4: {  	v23 =	vld.idx.msk @!p0 [tilespmem:v23+s15+$0x0], $0xffff;
	_ =	sdelay $0x4  }
0x1d5: {  	v23 =	vand.u32 @!p0 $0xFFFF, v23;
	_ =	sdelay $0x4  }
0x1d6: {  	v23 =	vld.idx.msk @!p0 [tilespmem:v23+s15+$0x0], $0xffff;
	_ =	sdelay $0x4  }
0x1d7: {  	v23 =	vand.u32 @!p0 $0xFFFF, v23;
	_ =	sdelay $0x4  }
0x1d8: {  	v23 =	vld.idx.msk @!p0 [tilespmem:v23+s15+$0x0], $0xffff;
	_ =	sdelay $0x4  }
0x1d9: {  	v23 =	vand.u32 @!p0 $0xFFFF, v23;
	_ =	sdelay $0x4  }
0x1da: {  	v23 =	vld.idx.msk @!p0 [tilespmem:v23+s15+$0x0], $0xffff;
	_ =	sdelay $0x4  }
0x1db: {  	v23 =	vand.u32 @!p0 $0xFFFF, v23;
	_ =	sdelay $0x4  }
0x1dc: {  	v23 =	vld.idx.msk @!p0 [tilespmem:v23+s15+$0x0], $0xffff;
	_ =	sdelay $0x4  }
0x1dd: {  	v23 =	vand.u32 @!p0 $0xFFFF, v23;
	_ =	sdelay $0x4  }
0x1de: {  	v23 =	vld.idx.msk @!p0 [tilespmem:v23+s15+$0x0], $0xffff;
	_ =	sdelay $0x3  }
0x1df: {  	v32 =	vsel vm3, $0x1, v0  }
0x1e0: {  	v19 =	vadd.s32 v32, v19;
	v21 =	vpsel p0, v21, v23  }
0x1e1: {  	v38 =	vperm.xlane v18, v10;
	v37 =	vshll.u32 v19, $0x1;
	v21 =	vshrl.u32 v21, $0x10  }
0x1e2: {  	v23 =	vand.u32 @!p0 $0xFFFF, v23;
	v31 =	vperm.xlane v21, v0;
	v21 =	vperm.xlane v21, v2  }
0x1e3: {  	v39 =	vshrl.u32 v38, $0x10;
	v25 =	vand.u32 $0x3FFE, v37;
	v22 =	vpsel p0, v22, v23  }
0x1e4: {  	v33 =	vperm.xlane v22, v0;
	v22 =	vperm.xlane v22, v2;
	vm15 =	veq.s32 v31, v21  }
0x1e5: {  	v27 =	vand.u32 $0xFFFF, v38;
	vm14 =	vlt.s32 v31, v21;
	vm5 =	vmand vm15, vm1  }
0x1e6: {  	vm3 =	vne.s32 v33, v22;
	v34 =	vsel vm14, v33, v22;
	vm8 =	vmor vm5, vm0  }
0x1e7: {  	v22 =	vsel vm14, v22, v33;
	v35 =	vsel vm14, v31, v21;
	vm4 =	vmand vm3, vm8  }
0x1e8: {  	v21 =	vsel vm14, v21, v31;
	vm9 =	vmand vm3, vm2;
	v36 =	vsel vm0, v34, v22  }
0x1e9: {  	v25 =	vadd.s32 v3, v25;
	v27 =	vsel vm0, v39, v27;
	v21 =	vshll.u32 v21, $0x10  }
0x1ea: {  	v20 =	vand.u32 @!p0 $0xFFFF0000, v20;
	v26 =	vshll.u32 v35, $0x10;
	v21 =	vadd.s32 $0x10000, v21  }
0x1eb: {  	v20 =	vor.u32 @!p0 v20, v23;
	v40 =	vor.u32 v22, v26;
	v21 =	vor.u32 v22, v21  }
0x1ec: {  	[tilespmem:v28+s15+$0x0] =	vst.idx.msk @!p0 $0x3, v20;
	v20 =	vsel vm0, v40, v21  }
0x1ed: {  	[tilespmem:v36+s11+$0x0] =	vst.idx.msk vm4, v20  }
0x1ee: {  	[tilespmem:v25+s12+$0x0] =	vst.idx.msk vm9, v28  }
0x1ef: {  	v20 =	vld.idx.msk [tilespmem:v27+s11+$0x0], $0xffff;
	_ =	sdelay $0x4  }
0x1f0: {  	v41 =	vand.u32 $0xFFFF, v20;
	_ =	sdelay $0x4  }
0x1f1: {  	v21 =	vld.idx.msk [tilespmem:v41+s11+$0x0], $0xffff;
	_ =	sdelay $0x4  }
0x1f2: {  	v42 =	vxor.u32 v20, v21  }
0x1f3: {  	v22 =	vand.u32 $0xFFFF, v42  }
0x1f4: {  	vm10 =	veq.s32 v22, $0x0  }
0x1f5: {  	v22 =	vsel vm10, $0x3F800000, v1  }
0x1f6: {  	(xrf0) =	vmin.scan.msk.f32 $0xffff, v22;
	_ =	sdelay $0x5  }
0x1f7: {  	v22, _, _ =	vpop (xrf0)  }
0x1f8: {  	(v2sf) =	vpush v22, $0xF;
	_ =	sdelay $0xd  }
0x1f9: {  	v22 =	vand.u32 $0xFFFF, v21  }
0x1fa: {  	s23 =	spop (v2sf)  }
0x1fb: {  	p0 =	sgt.f32 s23, $0.0e+00;
	_ =	sdelay $0x1  }
0x1fc: {  	s15 =	simm.s32 @!p0 $0x0  }
0x1fd: {  	v23 =	vld.idx.msk @!p0 [tilespmem:v22+s15+$0x0], $0xffff;
	_ =	sdelay $0x4  }
0x1fe: {  	v23 =	vand.u32 @!p0 $0xFFFF, v23;
	_ =	sdelay $0x4  }
0x1ff: {  	v23 =	vld.idx.msk @!p0 [tilespmem:v23+s15+$0x0], $0xffff;
	_ =	sdelay $0x4  }
0x200: {  	v23 =	vand.u32 @!p0 $0xFFFF, v23;
	_ =	sdelay $0x4  }
0x201: {  	v23 =	vld.idx.msk @!p0 [tilespmem:v23+s15+$0x0], $0xffff;
	_ =	sdelay $0x4  }
0x202: {  	v23 =	vand.u32 @!p0 $0xFFFF, v23;
	_ =	sdelay $0x4  }
0x203: {  	v23 =	vld.idx.msk @!p0 [tilespmem:v23+s15+$0x0], $0xffff;
	_ =	sdelay $0x4  }
0x204: {  	v23 =	vand.u32 @!p0 $0xFFFF, v23;
	_ =	sdelay $0x4  }
0x205: {  	v23 =	vld.idx.msk @!p0 [tilespmem:v23+s15+$0x0], $0xffff;
	_ =	sdelay $0x4  }
0x206: {  	v23 =	vand.u32 @!p0 $0xFFFF, v23;
	_ =	sdelay $0x4  }
0x207: {  	v23 =	vld.idx.msk @!p0 [tilespmem:v23+s15+$0x0], $0xffff;
	_ =	sdelay $0x4  }
0x208: {  	v23 =	vand.u32 @!p0 $0xFFFF, v23;
	_ =	sdelay $0x4  }
0x209: {  	v23 =	vld.idx.msk @!p0 [tilespmem:v23+s15+$0x0], $0xffff;
	_ =	sdelay $0x4  }
0x20a: {  	v23 =	vand.u32 @!p0 $0xFFFF, v23;
	_ =	sdelay $0x4  }
0x20b: {  	v23 =	vld.idx.msk @!p0 [tilespmem:v23+s15+$0x0], $0xffff;
	_ =	sdelay $0x4  }
0x20c: {  	v23 =	vand.u32 @!p0 $0xFFFF, v23;
	_ =	sdelay $0x4  }
0x20d: {  	v23 =	vld.idx.msk @!p0 [tilespmem:v23+s15+$0x0], $0xffff;
	_ =	sdelay $0x4  }
0x20e: {  	v23 =	vand.u32 @!p0 $0xFFFF, v23;
	_ =	sdelay $0x4  }
0x20f: {  	v23 =	vld.idx.msk @!p0 [tilespmem:v23+s15+$0x0], $0xffff;
	_ =	sdelay $0x4  }
0x210: {  	v23 =	vand.u32 @!p0 $0xFFFF, v23;
	_ =	sdelay $0x4  }
0x211: {  	v23 =	vld.idx.msk @!p0 [tilespmem:v23+s15+$0x0], $0xffff;
	_ =	sdelay $0x4  }
0x212: {  	v23 =	vand.u32 @!p0 $0xFFFF, v23;
	_ =	sdelay $0x4  }
0x213: {  	v23 =	vld.idx.msk @!p0 [tilespmem:v23+s15+$0x0], $0xffff;
	_ =	sdelay $0x4  }
0x214: {  	v23 =	vand.u32 @!p0 $0xFFFF, v23;
	_ =	sdelay $0x4  }
0x215: {  	v23 =	vld.idx.msk @!p0 [tilespmem:v23+s15+$0x0], $0xffff;
	_ =	sdelay $0x4  }
0x216: {  	v23 =	vand.u32 @!p0 $0xFFFF, v23;
	_ =	sdelay $0x4  }
0x217: {  	v23 =	vld.idx.msk @!p0 [tilespmem:v23+s15+$0x0], $0xffff;
	_ =	sdelay $0x3  }
0x218: {  	v44 =	vsel vm3, $0x1, v0  }
0x219: {  	v19 =	vadd.s32 v44, v19;
	v21 =	vpsel p0, v21, v23  }
0x21a: {  	v50 =	vperm.xlane v18, v11;
	v49 =	vshll.u32 v19, $0x1;
	v21 =	vshrl.u32 v21, $0x10  }
0x21b: {  	v23 =	vand.u32 @!p0 $0xFFFF, v23;
	v43 =	vperm.xlane v21, v0;
	v21 =	vperm.xlane v21, v2  }
0x21c: {  	v51 =	vshrl.u32 v50, $0x10;
	v25 =	vand.u32 $0x3FFE, v49;
	v22 =	vpsel p0, v22, v23  }
0x21d: {  	v45 =	vperm.xlane v22, v0;
	v22 =	vperm.xlane v22, v2;
	vm12 =	veq.s32 v43, v21  }
0x21e: {  	v28 =	vand.u32 $0xFFFF, v50;
	vm11 =	vlt.s32 v43, v21;
	vm5 =	vmand vm12, vm1  }
0x21f: {  	vm3 =	vne.s32 v45, v22;
	v46 =	vsel vm11, v45, v22;
	vm13 =	vmor vm5, vm0  }
0x220: {  	v22 =	vsel vm11, v22, v45;
	v47 =	vsel vm11, v43, v21;
	vm4 =	vmand vm3, vm13  }
0x221: {  	v21 =	vsel vm11, v21, v43;
	vm14 =	vmand vm3, vm2;
	v48 =	vsel vm0, v46, v22  }
0x222: {  	v25 =	vadd.s32 v3, v25;
	v28 =	vsel vm0, v51, v28;
	v21 =	vshll.u32 v21, $0x10  }
0x223: {  	v20 =	vand.u32 @!p0 $0xFFFF0000, v20;
	v26 =	vshll.u32 v47, $0x10;
	v21 =	vadd.s32 $0x10000, v21  }
0x224: {  	v20 =	vor.u32 @!p0 v20, v23;
	v52 =	vor.u32 v22, v26;
	v21 =	vor.u32 v22, v21  }
0x225: {  	[tilespmem:v27+s15+$0x0] =	vst.idx.msk @!p0 $0x3, v20;
	v20 =	vsel vm0, v52, v21  }
0x226: {  	[tilespmem:v48+s11+$0x0] =	vst.idx.msk vm4, v20  }
0x227: {  	[tilespmem:v25+s12+$0x0] =	vst.idx.msk vm14, v27  }
0x228: {  	v20 =	vld.idx.msk [tilespmem:v28+s11+$0x0], $0xffff;
	_ =	sdelay $0x4  }
0x229: {  	v53 =	vand.u32 $0xFFFF, v20;
	_ =	sdelay $0x4  }
0x22a: {  	v21 =	vld.idx.msk [tilespmem:v53+s11+$0x0], $0xffff;
	_ =	sdelay $0x4  }
0x22b: {  	v54 =	vxor.u32 v20, v21  }
0x22c: {  	v22 =	vand.u32 $0xFFFF, v54  }
0x22d: {  	vm15 =	veq.s32 v22, $0x0  }
0x22e: {  	v22 =	vsel vm15, $0x3F800000, v1  }
0x22f: {  	(xrf0) =	vmin.scan.msk.f32 $0xffff, v22;
	_ =	sdelay $0x5  }
0x230: {  	v22, _, _ =	vpop (xrf0)  }
0x231: {  	(v2sf) =	vpush v22, $0xF;
	_ =	sdelay $0xd  }
0x232: {  	v22 =	vand.u32 $0xFFFF, v21  }
0x233: {  	s24 =	spop (v2sf)  }
0x234: {  	p0 =	sgt.f32 s24, $0.0e+00;
	_ =	sdelay $0x1  }
0x235: {  	s15 =	simm.s32 @!p0 $0x0  }
0x236: {  	v23 =	vld.idx.msk @!p0 [tilespmem:v22+s15+$0x0], $0xffff;
	_ =	sdelay $0x4  }
0x237: {  	v23 =	vand.u32 @!p0 $0xFFFF, v23;
	_ =	sdelay $0x4  }
0x238: {  	v23 =	vld.idx.msk @!p0 [tilespmem:v23+s15+$0x0], $0xffff;
	_ =	sdelay $0x4  }
0x239: {  	v23 =	vand.u32 @!p0 $0xFFFF, v23;
	_ =	sdelay $0x4  }
0x23a: {  	v23 =	vld.idx.msk @!p0 [tilespmem:v23+s15+$0x0], $0xffff;
	_ =	sdelay $0x4  }
0x23b: {  	v23 =	vand.u32 @!p0 $0xFFFF, v23;
	_ =	sdelay $0x4  }
0x23c: {  	v23 =	vld.idx.msk @!p0 [tilespmem:v23+s15+$0x0], $0xffff;
	_ =	sdelay $0x4  }
0x23d: {  	v23 =	vand.u32 @!p0 $0xFFFF, v23;
	_ =	sdelay $0x4  }
0x23e: {  	v23 =	vld.idx.msk @!p0 [tilespmem:v23+s15+$0x0], $0xffff;
	_ =	sdelay $0x4  }
0x23f: {  	v23 =	vand.u32 @!p0 $0xFFFF, v23;
	_ =	sdelay $0x4  }
0x240: {  	v23 =	vld.idx.msk @!p0 [tilespmem:v23+s15+$0x0], $0xffff;
	_ =	sdelay $0x4  }
0x241: {  	v23 =	vand.u32 @!p0 $0xFFFF, v23;
	_ =	sdelay $0x4  }
0x242: {  	v23 =	vld.idx.msk @!p0 [tilespmem:v23+s15+$0x0], $0xffff;
	_ =	sdelay $0x4  }
0x243: {  	v23 =	vand.u32 @!p0 $0xFFFF, v23;
	_ =	sdelay $0x4  }
0x244: {  	v23 =	vld.idx.msk @!p0 [tilespmem:v23+s15+$0x0], $0xffff;
	_ =	sdelay $0x4  }
0x245: {  	v23 =	vand.u32 @!p0 $0xFFFF, v23;
	_ =	sdelay $0x4  }
0x246: {  	v23 =	vld.idx.msk @!p0 [tilespmem:v23+s15+$0x0], $0xffff;
	_ =	sdelay $0x4  }
0x247: {  	v23 =	vand.u32 @!p0 $0xFFFF, v23;
	_ =	sdelay $0x4  }
0x248: {  	v23 =	vld.idx.msk @!p0 [tilespmem:v23+s15+$0x0], $0xffff;
	_ =	sdelay $0x4  }
0x249: {  	v23 =	vand.u32 @!p0 $0xFFFF, v23;
	_ =	sdelay $0x4  }
0x24a: {  	v23 =	vld.idx.msk @!p0 [tilespmem:v23+s15+$0x0], $0xffff;
	_ =	sdelay $0x4  }
0x24b: {  	v23 =	vand.u32 @!p0 $0xFFFF, v23;
	_ =	sdelay $0x4  }
0x24c: {  	v23 =	vld.idx.msk @!p0 [tilespmem:v23+s15+$0x0], $0xffff;
	_ =	sdelay $0x4  }
0x24d: {  	v23 =	vand.u32 @!p0 $0xFFFF, v23;
	_ =	sdelay $0x4  }
0x24e: {  	v23 =	vld.idx.msk @!p0 [tilespmem:v23+s15+$0x0], $0xffff;
	_ =	sdelay $0x4  }
0x24f: {  	v23 =	vand.u32 @!p0 $0xFFFF, v23;
	_ =	sdelay $0x4  }
0x250: {  	v23 =	vld.idx.msk @!p0 [tilespmem:v23+s15+$0x0], $0xffff;
	_ =	sdelay $0x3  }
0x251: {  	v56 =	vsel vm3, $0x1, v0  }
0x252: {  	v19 =	vadd.s32 v56, v19;
	v21 =	vpsel p0, v21, v23  }
0x253: {  	v62 =	vperm.xlane v18, v12;
	v61 =	vshll.u32 v19, $0x1;
	v21 =	vshrl.u32 v21, $0x10  }
0x254: {  	v23 =	vand.u32 @!p0 $0xFFFF, v23;
	v55 =	vperm.xlane v21, v0;
	v21 =	vperm.xlane v21, v2  }
0x255: {  	v63 =	vshrl.u32 v62, $0x10;
	v25 =	vand.u32 $0x3FFE, v61;
	v22 =	vpsel p0, v22, v23  }
0x256: {  	v57 =	vperm.xlane v22, v0;
	v22 =	vperm.xlane v22, v2;
	vm9 =	veq.s32 v55, v21  }
0x257: {  	v27 =	vand.u32 $0xFFFF, v62;
	vm8 =	vlt.s32 v55, v21;
	vm5 =	vmand vm9, vm1  }
0x258: {  	vm3 =	vne.s32 v57, v22;
	v58 =	vsel vm8, v57, v22;
	vm10 =	vmor vm5, vm0  }
0x259: {  	v22 =	vsel vm8, v22, v57;
	v59 =	vsel vm8, v55, v21;
	vm4 =	vmand vm3, vm10  }
0x25a: {  	v21 =	vsel vm8, v21, v55;
	vm11 =	vmand vm3, vm2;
	v60 =	vsel vm0, v58, v22  }
0x25b: {  	v25 =	vadd.s32 v3, v25;
	v27 =	vsel vm0, v63, v27;
	v21 =	vshll.u32 v21, $0x10  }
0x25c: {  	v20 =	vand.u32 @!p0 $0xFFFF0000, v20;
	v26 =	vshll.u32 v59, $0x10;
	v21 =	vadd.s32 $0x10000, v21  }
0x25d: {  	v20 =	vor.u32 @!p0 v20, v23;
	v30 =	vor.u32 v22, v26;
	v21 =	vor.u32 v22, v21  }
0x25e: {  	[tilespmem:v28+s15+$0x0] =	vst.idx.msk @!p0 $0x3, v20;
	v20 =	vsel vm0, v30, v21  }
0x25f: {  	[tilespmem:v60+s11+$0x0] =	vst.idx.msk vm4, v20  }
0x260: {  	[tilespmem:v25+s12+$0x0] =	vst.idx.msk vm11, v28  }
0x261: {  	v20 =	vld.idx.msk [tilespmem:v27+s11+$0x0], $0xffff;
	_ =	sdelay $0x4  }
0x262: {  	v31 =	vand.u32 $0xFFFF, v20;
	_ =	sdelay $0x4  }
0x263: {  	v21 =	vld.idx.msk [tilespmem:v31+s11+$0x0], $0xffff;
	_ =	sdelay $0x4  }
0x264: {  	v32 =	vxor.u32 v20, v21  }
0x265: {  	v22 =	vand.u32 $0xFFFF, v32  }
0x266: {  	vm12 =	veq.s32 v22, $0x0  }
0x267: {  	v22 =	vsel vm12, $0x3F800000, v1  }
0x268: {  	(xrf0) =	vmin.scan.msk.f32 $0xffff, v22;
	_ =	sdelay $0x5  }
0x269: {  	v22, _, _ =	vpop (xrf0)  }
0x26a: {  	(v2sf) =	vpush v22, $0xF;
	_ =	sdelay $0xd  }
0x26b: {  	v22 =	vand.u32 $0xFFFF, v21  }
0x26c: {  	s25 =	spop (v2sf)  }
0x26d: {  	p0 =	sgt.f32 s25, $0.0e+00;
	_ =	sdelay $0x1  }
0x26e: {  	s15 =	simm.s32 @!p0 $0x0  }
0x26f: {  	v23 =	vld.idx.msk @!p0 [tilespmem:v22+s15+$0x0], $0xffff;
	_ =	sdelay $0x4  }
0x270: {  	v23 =	vand.u32 @!p0 $0xFFFF, v23;
	_ =	sdelay $0x4  }
0x271: {  	v23 =	vld.idx.msk @!p0 [tilespmem:v23+s15+$0x0], $0xffff;
	_ =	sdelay $0x4  }
0x272: {  	v23 =	vand.u32 @!p0 $0xFFFF, v23;
	_ =	sdelay $0x4  }
0x273: {  	v23 =	vld.idx.msk @!p0 [tilespmem:v23+s15+$0x0], $0xffff;
	_ =	sdelay $0x4  }
0x274: {  	v23 =	vand.u32 @!p0 $0xFFFF, v23;
	_ =	sdelay $0x4  }
0x275: {  	v23 =	vld.idx.msk @!p0 [tilespmem:v23+s15+$0x0], $0xffff;
	_ =	sdelay $0x4  }
0x276: {  	v23 =	vand.u32 @!p0 $0xFFFF, v23;
	_ =	sdelay $0x4  }
0x277: {  	v23 =	vld.idx.msk @!p0 [tilespmem:v23+s15+$0x0], $0xffff;
	_ =	sdelay $0x4  }
0x278: {  	v23 =	vand.u32 @!p0 $0xFFFF, v23;
	_ =	sdelay $0x4  }
0x279: {  	v23 =	vld.idx.msk @!p0 [tilespmem:v23+s15+$0x0], $0xffff;
	_ =	sdelay $0x4  }
0x27a: {  	v23 =	vand.u32 @!p0 $0xFFFF, v23;
	_ =	sdelay $0x4  }
0x27b: {  	v23 =	vld.idx.msk @!p0 [tilespmem:v23+s15+$0x0], $0xffff;
	_ =	sdelay $0x4  }
0x27c: {  	v23 =	vand.u32 @!p0 $0xFFFF, v23;
	_ =	sdelay $0x4  }
0x27d: {  	v23 =	vld.idx.msk @!p0 [tilespmem:v23+s15+$0x0], $0xffff;
	_ =	sdelay $0x4  }
0x27e: {  	v23 =	vand.u32 @!p0 $0xFFFF, v23;
	_ =	sdelay $0x4  }
0x27f: {  	v23 =	vld.idx.msk @!p0 [tilespmem:v23+s15+$0x0], $0xffff;
	_ =	sdelay $0x4  }
0x280: {  	v23 =	vand.u32 @!p0 $0xFFFF, v23;
	_ =	sdelay $0x4  }
0x281: {  	v23 =	vld.idx.msk @!p0 [tilespmem:v23+s15+$0x0], $0xffff;
	_ =	sdelay $0x4  }
0x282: {  	v23 =	vand.u32 @!p0 $0xFFFF, v23;
	_ =	sdelay $0x4  }
0x283: {  	v23 =	vld.idx.msk @!p0 [tilespmem:v23+s15+$0x0], $0xffff;
	_ =	sdelay $0x4  }
0x284: {  	v23 =	vand.u32 @!p0 $0xFFFF, v23;
	_ =	sdelay $0x4  }
0x285: {  	v23 =	vld.idx.msk @!p0 [tilespmem:v23+s15+$0x0], $0xffff;
	_ =	sdelay $0x4  }
0x286: {  	v23 =	vand.u32 @!p0 $0xFFFF, v23;
	_ =	sdelay $0x4  }
0x287: {  	v23 =	vld.idx.msk @!p0 [tilespmem:v23+s15+$0x0], $0xffff;
	_ =	sdelay $0x4  }
0x288: {  	v23 =	vand.u32 @!p0 $0xFFFF, v23;
	_ =	sdelay $0x4  }
0x289: {  	v23 =	vld.idx.msk @!p0 [tilespmem:v23+s15+$0x0], $0xffff;
	_ =	sdelay $0x3  }
0x28a: {  	v34 =	vsel vm3, $0x1, v0  }
0x28b: {  	v19 =	vadd.s32 v34, v19;
	v21 =	vpsel p0, v21, v23  }
0x28c: {  	v40 =	vperm.xlane v18, v13;
	v39 =	vshll.u32 v19, $0x1;
	v21 =	vshrl.u32 v21, $0x10  }
0x28d: {  	v23 =	vand.u32 @!p0 $0xFFFF, v23;
	v33 =	vperm.xlane v21, v0;
	v21 =	vperm.xlane v21, v2  }
0x28e: {  	v41 =	vshrl.u32 v40, $0x10;
	v25 =	vand.u32 $0x3FFE, v39;
	v22 =	vpsel p0, v22, v23  }
0x28f: {  	v35 =	vperm.xlane v22, v0;
	v22 =	vperm.xlane v22, v2;
	vm14 =	veq.s32 v33, v21  }
0x290: {  	v28 =	vand.u32 $0xFFFF, v40;
	vm13 =	vlt.s32 v33, v21;
	vm5 =	vmand vm14, vm1  }
0x291: {  	vm3 =	vne.s32 v35, v22;
	v36 =	vsel vm13, v35, v22;
	vm15 =	vmor vm5, vm0  }
0x292: {  	v22 =	vsel vm13, v22, v35;
	v37 =	vsel vm13, v33, v21;
	vm4 =	vmand vm3, vm15  }
0x293: {  	v21 =	vsel vm13, v21, v33;
	vm8 =	vmand vm3, vm2;
	v38 =	vsel vm0, v36, v22  }
0x294: {  	v25 =	vadd.s32 v3, v25;
	v28 =	vsel vm0, v41, v28;
	v21 =	vshll.u32 v21, $0x10  }
0x295: {  	v20 =	vand.u32 @!p0 $0xFFFF0000, v20;
	v26 =	vshll.u32 v37, $0x10;
	v21 =	vadd.s32 $0x10000, v21  }
0x296: {  	v20 =	vor.u32 @!p0 v20, v23;
	v42 =	vor.u32 v22, v26;
	v21 =	vor.u32 v22, v21  }
0x297: {  	[tilespmem:v27+s15+$0x0] =	vst.idx.msk @!p0 $0x3, v20;
	v20 =	vsel vm0, v42, v21  }
0x298: {  	[tilespmem:v38+s11+$0x0] =	vst.idx.msk vm4, v20  }
0x299: {  	[tilespmem:v25+s12+$0x0] =	vst.idx.msk vm8, v27  }
0x29a: {  	v20 =	vld.idx.msk [tilespmem:v28+s11+$0x0], $0xffff;
	_ =	sdelay $0x4  }
0x29b: {  	v43 =	vand.u32 $0xFFFF, v20;
	_ =	sdelay $0x4  }
0x29c: {  	v21 =	vld.idx.msk [tilespmem:v43+s11+$0x0], $0xffff;
	_ =	sdelay $0x4  }
0x29d: {  	v44 =	vxor.u32 v20, v21  }
0x29e: {  	v22 =	vand.u32 $0xFFFF, v44  }
0x29f: {  	vm9 =	veq.s32 v22, $0x0  }
0x2a0: {  	v22 =	vsel vm9, $0x3F800000, v1  }
0x2a1: {  	(xrf0) =	vmin.scan.msk.f32 $0xffff, v22;
	_ =	sdelay $0x5  }
0x2a2: {  	v22, _, _ =	vpop (xrf0)  }
0x2a3: {  	(v2sf) =	vpush v22, $0xF;
	_ =	sdelay $0xd  }
0x2a4: {  	v22 =	vand.u32 $0xFFFF, v21  }
0x2a5: {  	s26 =	spop (v2sf)  }
0x2a6: {  	p0 =	sgt.f32 s26, $0.0e+00;
	_ =	sdelay $0x1  }
0x2a7: {  	s15 =	simm.s32 @!p0 $0x0  }
0x2a8: {  	v23 =	vld.idx.msk @!p0 [tilespmem:v22+s15+$0x0], $0xffff;
	_ =	sdelay $0x4  }
0x2a9: {  	v23 =	vand.u32 @!p0 $0xFFFF, v23;
	_ =	sdelay $0x4  }
0x2aa: {  	v23 =	vld.idx.msk @!p0 [tilespmem:v23+s15+$0x0], $0xffff;
	_ =	sdelay $0x4  }
0x2ab: {  	v23 =	vand.u32 @!p0 $0xFFFF, v23;
	_ =	sdelay $0x4  }
0x2ac: {  	v23 =	vld.idx.msk @!p0 [tilespmem:v23+s15+$0x0], $0xffff;
	_ =	sdelay $0x4  }
0x2ad: {  	v23 =	vand.u32 @!p0 $0xFFFF, v23;
	_ =	sdelay $0x4  }
0x2ae: {  	v23 =	vld.idx.msk @!p0 [tilespmem:v23+s15+$0x0], $0xffff;
	_ =	sdelay $0x4  }
0x2af: {  	v23 =	vand.u32 @!p0 $0xFFFF, v23;
	_ =	sdelay $0x4  }
0x2b0: {  	v23 =	vld.idx.msk @!p0 [tilespmem:v23+s15+$0x0], $0xffff;
	_ =	sdelay $0x4  }
0x2b1: {  	v23 =	vand.u32 @!p0 $0xFFFF, v23;
	_ =	sdelay $0x4  }
0x2b2: {  	v23 =	vld.idx.msk @!p0 [tilespmem:v23+s15+$0x0], $0xffff;
	_ =	sdelay $0x4  }
0x2b3: {  	v23 =	vand.u32 @!p0 $0xFFFF, v23;
	_ =	sdelay $0x4  }
0x2b4: {  	v23 =	vld.idx.msk @!p0 [tilespmem:v23+s15+$0x0], $0xffff;
	_ =	sdelay $0x4  }
0x2b5: {  	v23 =	vand.u32 @!p0 $0xFFFF, v23;
	_ =	sdelay $0x4  }
0x2b6: {  	v23 =	vld.idx.msk @!p0 [tilespmem:v23+s15+$0x0], $0xffff;
	_ =	sdelay $0x4  }
0x2b7: {  	v23 =	vand.u32 @!p0 $0xFFFF, v23;
	_ =	sdelay $0x4  }
0x2b8: {  	v23 =	vld.idx.msk @!p0 [tilespmem:v23+s15+$0x0], $0xffff;
	_ =	sdelay $0x4  }
0x2b9: {  	v23 =	vand.u32 @!p0 $0xFFFF, v23;
	_ =	sdelay $0x4  }
0x2ba: {  	v23 =	vld.idx.msk @!p0 [tilespmem:v23+s15+$0x0], $0xffff;
	_ =	sdelay $0x4  }
0x2bb: {  	v23 =	vand.u32 @!p0 $0xFFFF, v23;
	_ =	sdelay $0x4  }
0x2bc: {  	v23 =	vld.idx.msk @!p0 [tilespmem:v23+s15+$0x0], $0xffff;
	_ =	sdelay $0x4  }
0x2bd: {  	v23 =	vand.u32 @!p0 $0xFFFF, v23;
	_ =	sdelay $0x4  }
0x2be: {  	v23 =	vld.idx.msk @!p0 [tilespmem:v23+s15+$0x0], $0xffff;
	_ =	sdelay $0x4  }
0x2bf: {  	v23 =	vand.u32 @!p0 $0xFFFF, v23;
	_ =	sdelay $0x4  }
0x2c0: {  	v23 =	vld.idx.msk @!p0 [tilespmem:v23+s15+$0x0], $0xffff;
	_ =	sdelay $0x4  }
0x2c1: {  	v23 =	vand.u32 @!p0 $0xFFFF, v23;
	_ =	sdelay $0x4  }
0x2c2: {  	v23 =	vld.idx.msk @!p0 [tilespmem:v23+s15+$0x0], $0xffff;
	_ =	sdelay $0x3  }
0x2c3: {  	v46 =	vsel vm3, $0x1, v0  }
0x2c4: {  	v19 =	vadd.s32 v46, v19;
	v21 =	vpsel p0, v21, v23  }
0x2c5: {  	v52 =	vperm.xlane v18, v14;
	v51 =	vshll.u32 v19, $0x1;
	v21 =	vshrl.u32 v21, $0x10  }
0x2c6: {  	v23 =	vand.u32 @!p0 $0xFFFF, v23;
	v45 =	vperm.xlane v21, v0;
	v21 =	vperm.xlane v21, v2  }
0x2c7: {  	v53 =	vshrl.u32 v52, $0x10;
	v25 =	vand.u32 $0x3FFE, v51;
	v22 =	vpsel p0, v22, v23  }
0x2c8: {  	v47 =	vperm.xlane v22, v0;
	v22 =	vperm.xlane v22, v2;
	vm11 =	veq.s32 v45, v21  }
0x2c9: {  	v27 =	vand.u32 $0xFFFF, v52;
	vm10 =	vlt.s32 v45, v21;
	vm5 =	vmand vm11, vm1  }
0x2ca: {  	vm3 =	vne.s32 v47, v22;
	v48 =	vsel vm10, v47, v22;
	vm12 =	vmor vm5, vm0  }
0x2cb: {  	v22 =	vsel vm10, v22, v47;
	v49 =	vsel vm10, v45, v21;
	vm4 =	vmand vm3, vm12  }
0x2cc: {  	v21 =	vsel vm10, v21, v45;
	vm13 =	vmand vm3, vm2;
	v50 =	vsel vm0, v48, v22  }
0x2cd: {  	v25 =	vadd.s32 v3, v25;
	v27 =	vsel vm0, v53, v27;
	v21 =	vshll.u32 v21, $0x10  }
0x2ce: {  	v20 =	vand.u32 @!p0 $0xFFFF0000, v20;
	v26 =	vshll.u32 v49, $0x10;
	v21 =	vadd.s32 $0x10000, v21  }
0x2cf: {  	v20 =	vor.u32 @!p0 v20, v23;
	v54 =	vor.u32 v22, v26;
	v21 =	vor.u32 v22, v21  }
0x2d0: {  	[tilespmem:v28+s15+$0x0] =	vst.idx.msk @!p0 $0x3, v20;
	v20 =	vsel vm0, v54, v21  }
0x2d1: {  	[tilespmem:v50+s11+$0x0] =	vst.idx.msk vm4, v20  }
0x2d2: {  	[tilespmem:v25+s12+$0x0] =	vst.idx.msk vm13, v28  }
0x2d3: {  	v20 =	vld.idx.msk [tilespmem:v27+s11+$0x0], $0xffff;
	_ =	sdelay $0x4  }
0x2d4: {  	v55 =	vand.u32 $0xFFFF, v20;
	_ =	sdelay $0x4  }
0x2d5: {  	v21 =	vld.idx.msk [tilespmem:v55+s11+$0x0], $0xffff;
	_ =	sdelay $0x4  }
0x2d6: {  	v56 =	vxor.u32 v20, v21  }
0x2d7: {  	v22 =	vand.u32 $0xFFFF, v56  }
0x2d8: {  	vm14 =	veq.s32 v22, $0x0  }
0x2d9: {  	v22 =	vsel vm14, $0x3F800000, v1  }
0x2da: {  	(xrf0) =	vmin.scan.msk.f32 $0xffff, v22;
	_ =	sdelay $0x5  }
0x2db: {  	v22, _, _ =	vpop (xrf0)  }
0x2dc: {  	(v2sf) =	vpush v22, $0xF;
	_ =	sdelay $0xd  }
0x2dd: {  	v22 =	vand.u32 $0xFFFF, v21  }
0x2de: {  	s28 =	spop (v2sf)  }
0x2df: {  	p0 =	sgt.f32 s28, $0.0e+00;
	_ =	sdelay $0x1  }
0x2e0: {  	s15 =	simm.s32 @!p0 $0x0  }
0x2e1: {  	v23 =	vld.idx.msk @!p0 [tilespmem:v22+s15+$0x0], $0xffff;
	_ =	sdelay $0x4  }
0x2e2: {  	v23 =	vand.u32 @!p0 $0xFFFF, v23;
	_ =	sdelay $0x4  }
0x2e3: {  	v23 =	vld.idx.msk @!p0 [tilespmem:v23+s15+$0x0], $0xffff;
	_ =	sdelay $0x4  }
0x2e4: {  	v23 =	vand.u32 @!p0 $0xFFFF, v23;
	_ =	sdelay $0x4  }
0x2e5: {  	v23 =	vld.idx.msk @!p0 [tilespmem:v23+s15+$0x0], $0xffff;
	_ =	sdelay $0x4  }
0x2e6: {  	v23 =	vand.u32 @!p0 $0xFFFF, v23;
	_ =	sdelay $0x4  }
0x2e7: {  	v23 =	vld.idx.msk @!p0 [tilespmem:v23+s15+$0x0], $0xffff;
	_ =	sdelay $0x4  }
0x2e8: {  	v23 =	vand.u32 @!p0 $0xFFFF, v23;
	_ =	sdelay $0x4  }
0x2e9: {  	v23 =	vld.idx.msk @!p0 [tilespmem:v23+s15+$0x0], $0xffff;
	_ =	sdelay $0x4  }
0x2ea: {  	v23 =	vand.u32 @!p0 $0xFFFF, v23;
	_ =	sdelay $0x4  }
0x2eb: {  	v23 =	vld.idx.msk @!p0 [tilespmem:v23+s15+$0x0], $0xffff;
	_ =	sdelay $0x4  }
0x2ec: {  	v23 =	vand.u32 @!p0 $0xFFFF, v23;
	_ =	sdelay $0x4  }
0x2ed: {  	v23 =	vld.idx.msk @!p0 [tilespmem:v23+s15+$0x0], $0xffff;
	_ =	sdelay $0x4  }
0x2ee: {  	v23 =	vand.u32 @!p0 $0xFFFF, v23;
	_ =	sdelay $0x4  }
0x2ef: {  	v23 =	vld.idx.msk @!p0 [tilespmem:v23+s15+$0x0], $0xffff;
	_ =	sdelay $0x4  }
0x2f0: {  	v23 =	vand.u32 @!p0 $0xFFFF, v23;
	_ =	sdelay $0x4  }
0x2f1: {  	v23 =	vld.idx.msk @!p0 [tilespmem:v23+s15+$0x0], $0xffff;
	_ =	sdelay $0x4  }
0x2f2: {  	v23 =	vand.u32 @!p0 $0xFFFF, v23;
	_ =	sdelay $0x4  }
0x2f3: {  	v23 =	vld.idx.msk @!p0 [tilespmem:v23+s15+$0x0], $0xffff;
	_ =	sdelay $0x4  }
0x2f4: {  	v23 =	vand.u32 @!p0 $0xFFFF, v23;
	_ =	sdelay $0x4  }
0x2f5: {  	v23 =	vld.idx.msk @!p0 [tilespmem:v23+s15+$0x0], $0xffff;
	_ =	sdelay $0x4  }
0x2f6: {  	v23 =	vand.u32 @!p0 $0xFFFF, v23;
	_ =	sdelay $0x4  }
0x2f7: {  	v23 =	vld.idx.msk @!p0 [tilespmem:v23+s15+$0x0], $0xffff;
	_ =	sdelay $0x4  }
0x2f8: {  	v23 =	vand.u32 @!p0 $0xFFFF, v23;
	_ =	sdelay $0x4  }
0x2f9: {  	v23 =	vld.idx.msk @!p0 [tilespmem:v23+s15+$0x0], $0xffff;
	_ =	sdelay $0x4  }
0x2fa: {  	v23 =	vand.u32 @!p0 $0xFFFF, v23;
	_ =	sdelay $0x4  }
0x2fb: {  	v23 =	vld.idx.msk @!p0 [tilespmem:v23+s15+$0x0], $0xffff;
	_ =	sdelay $0x3  }
0x2fc: {  	v58 =	vsel vm3, $0x1, v0  }
0x2fd: {  	v19 =	vadd.s32 v58, v19;
	v21 =	vpsel p0, v21, v23  }
0x2fe: {  	v32 =	vperm.xlane v18, v15;
	v63 =	vshll.u32 v19, $0x1;
	v21 =	vshrl.u32 v21, $0x10  }
0x2ff: {  	v23 =	vand.u32 @!p0 $0xFFFF, v23;
	v57 =	vperm.xlane v21, v0;
	v21 =	vperm.xlane v21, v2  }
0x300: {  	v33 =	vshrl.u32 v32, $0x10;
	v25 =	vand.u32 $0x3FFE, v63;
	v22 =	vpsel p0, v22, v23  }
0x301: {  	v59 =	vperm.xlane v22, v0;
	v22 =	vperm.xlane v22, v2;
	vm8 =	veq.s32 v57, v21  }
0x302: {  	v28 =	vand.u32 $0xFFFF, v32;
	vm15 =	vlt.s32 v57, v21;
	vm5 =	vmand vm8, vm1  }
0x303: {  	vm3 =	vne.s32 v59, v22;
	v60 =	vsel vm15, v59, v22;
	vm9 =	vmor vm5, vm0  }
0x304: {  	v22 =	vsel vm15, v22, v59;
	v61 =	vsel vm15, v57, v21;
	vm4 =	vmand vm3, vm9  }
0x305: {  	v21 =	vsel vm15, v21, v57;
	vm10 =	vmand vm3, vm2;
	v62 =	vsel vm0, v60, v22  }
0x306: {  	v25 =	vadd.s32 v3, v25;
	v28 =	vsel vm0, v33, v28;
	v21 =	vshll.u32 v21, $0x10  }
0x307: {  	v20 =	vand.u32 @!p0 $0xFFFF0000, v20;
	v26 =	vshll.u32 v61, $0x10;
	v21 =	vadd.s32 $0x10000, v21  }
0x308: {  	v20 =	vor.u32 @!p0 v20, v23;
	v34 =	vor.u32 v22, v26;
	v21 =	vor.u32 v22, v21  }
0x309: {  	[tilespmem:v27+s15+$0x0] =	vst.idx.msk @!p0 $0x3, v20;
	v20 =	vsel vm0, v34, v21  }
0x30a: {  	[tilespmem:v62+s11+$0x0] =	vst.idx.msk vm4, v20  }
0x30b: {  	[tilespmem:v25+s12+$0x0] =	vst.idx.msk vm10, v27  }
0x30c: {  	v20 =	vld.idx.msk [tilespmem:v28+s11+$0x0], $0xffff;
	_ =	sdelay $0x4  }
0x30d: {  	v35 =	vand.u32 $0xFFFF, v20;
	_ =	sdelay $0x4  }
0x30e: {  	v21 =	vld.idx.msk [tilespmem:v35+s11+$0x0], $0xffff;
	_ =	sdelay $0x4  }
0x30f: {  	v36 =	vxor.u32 v20, v21  }
0x310: {  	v22 =	vand.u32 $0xFFFF, v36  }
0x311: {  	vm11 =	veq.s32 v22, $0x0  }
0x312: {  	v22 =	vsel vm11, $0x3F800000, v1  }
0x313: {  	(xrf0) =	vmin.scan.msk.f32 $0xffff, v22;
	_ =	sdelay $0x5  }
0x314: {  	v22, _, _ =	vpop (xrf0)  }
0x315: {  	(v2sf) =	vpush v22, $0xF;
	_ =	sdelay $0xd  }
0x316: {  	v22 =	vand.u32 $0xFFFF, v21  }
0x317: {  	s29 =	spop (v2sf)  }
0x318: {  	p0 =	sgt.f32 s29, $0.0e+00;
	_ =	sdelay $0x1  }
0x319: {  	s15 =	simm.s32 @!p0 $0x0  }
0x31a: {  	v23 =	vld.idx.msk @!p0 [tilespmem:v22+s15+$0x0], $0xffff;
	_ =	sdelay $0x4  }
0x31b: {  	v23 =	vand.u32 @!p0 $0xFFFF, v23;
	_ =	sdelay $0x4  }
0x31c: {  	v23 =	vld.idx.msk @!p0 [tilespmem:v23+s15+$0x0], $0xffff;
	_ =	sdelay $0x4  }
0x31d: {  	v23 =	vand.u32 @!p0 $0xFFFF, v23;
	_ =	sdelay $0x4  }
0x31e: {  	v23 =	vld.idx.msk @!p0 [tilespmem:v23+s15+$0x0], $0xffff;
	_ =	sdelay $0x4  }
0x31f: {  	v23 =	vand.u32 @!p0 $0xFFFF, v23;
	_ =	sdelay $0x4  }
0x320: {  	v23 =	vld.idx.msk @!p0 [tilespmem:v23+s15+$0x0], $0xffff;
	_ =	sdelay $0x4  }
0x321: {  	v23 =	vand.u32 @!p0 $0xFFFF, v23;
	_ =	sdelay $0x4  }
0x322: {  	v23 =	vld.idx.msk @!p0 [tilespmem:v23+s15+$0x0], $0xffff;
	_ =	sdelay $0x4  }
0x323: {  	v23 =	vand.u32 @!p0 $0xFFFF, v23;
	_ =	sdelay $0x4  }
0x324: {  	v23 =	vld.idx.msk @!p0 [tilespmem:v23+s15+$0x0], $0xffff;
	_ =	sdelay $0x4  }
0x325: {  	v23 =	vand.u32 @!p0 $0xFFFF, v23;
	_ =	sdelay $0x4  }
0x326: {  	v23 =	vld.idx.msk @!p0 [tilespmem:v23+s15+$0x0], $0xffff;
	_ =	sdelay $0x4  }
0x327: {  	v23 =	vand.u32 @!p0 $0xFFFF, v23;
	_ =	sdelay $0x4  }
0x328: {  	v23 =	vld.idx.msk @!p0 [tilespmem:v23+s15+$0x0], $0xffff;
	_ =	sdelay $0x4  }
0x329: {  	v23 =	vand.u32 @!p0 $0xFFFF, v23;
	_ =	sdelay $0x4  }
0x32a: {  	v23 =	vld.idx.msk @!p0 [tilespmem:v23+s15+$0x0], $0xffff;
	_ =	sdelay $0x4  }
0x32b: {  	v23 =	vand.u32 @!p0 $0xFFFF, v23;
	_ =	sdelay $0x4  }
0x32c: {  	v23 =	vld.idx.msk @!p0 [tilespmem:v23+s15+$0x0], $0xffff;
	_ =	sdelay $0x4  }
0x32d: {  	v23 =	vand.u32 @!p0 $0xFFFF, v23;
	_ =	sdelay $0x4  }
0x32e: {  	v23 =	vld.idx.msk @!p0 [tilespmem:v23+s15+$0x0], $0xffff;
	_ =	sdelay $0x4  }
0x32f: {  	v23 =	vand.u32 @!p0 $0xFFFF, v23;
	_ =	sdelay $0x4  }
0x330: {  	v23 =	vld.idx.msk @!p0 [tilespmem:v23+s15+$0x0], $0xffff;
	_ =	sdelay $0x4  }
0x331: {  	v23 =	vand.u32 @!p0 $0xFFFF, v23;
	_ =	sdelay $0x4  }
0x332: {  	v23 =	vld.idx.msk @!p0 [tilespmem:v23+s15+$0x0], $0xffff;
	_ =	sdelay $0x4  }
0x333: {  	v23 =	vand.u32 @!p0 $0xFFFF, v23;
	_ =	sdelay $0x4  }
0x334: {  	v23 =	vld.idx.msk @!p0 [tilespmem:v23+s15+$0x0], $0xffff;
	_ =	sdelay $0x3  }
0x335: {  	v39 =	vsel vm3, $0x1, v0  }
0x336: {  	v19 =	vadd.s32 v39, v19;
	v21 =	vpsel p0, v21, v23  }
0x337: {  	v43 =	vperm.xlane v18, v16;
	v42 =	vshll.u32 v19, $0x1;
	v21 =	vshrl.u32 v21, $0x10  }
0x338: {  	v24 =	vand.u32 @!p0 $0xFFFF, v23;
	v38 =	vperm.xlane v21, v0;
	v21 =	vperm.xlane v21, v2  }
0x339: {  	v44 =	vshrl.u32 v43, $0x10;
	v25 =	vand.u32 $0x3FFE, v42;
	v22 =	vpsel p0, v22, v24  }
0x33a: {  	v37 =	vperm.xlane v22, v0;
	v22 =	vperm.xlane v22, v2;
	vm13 =	veq.s32 v38, v21  }
0x33b: {  	v27 =	vand.u32 $0xFFFF, v43;
	vm12 =	vlt.s32 v38, v21;
	vm14 =	vmand vm13, vm1  }
0x33c: {  	vm3 =	vne.s32 v37, v22;
	v40 =	vsel vm12, v37, v22;
	vm4 =	vmor vm14, vm0  }
0x33d: {  	v22 =	vsel vm12, v22, v37;
	v41 =	vsel vm12, v38, v21;
	vm4 =	vmand vm3, vm4  }
0x33e: {  	v21 =	vsel vm12, v21, v38;
	vm15 =	vmand vm3, vm2;
	v26 =	vsel vm0, v40, v22  }
0x33f: {  	v27 =	vsel vm0, v44, v27;
	v25 =	vadd.s32 v3, v25;
	v21 =	vshll.u32 v21, $0x10  }
0x340: {  	v20 =	vand.u32 @!p0 $0xFFFF0000, v20;
	v23 =	vshll.u32 v41, $0x10;
	v21 =	vadd.s32 $0x10000, v21  }
0x341: {  	v20 =	vor.u32 @!p0 v20, v24;
	v23 =	vor.u32 v22, v23;
	v21 =	vor.u32 v22, v21  }
0x342: {  	[tilespmem:v28+s15+$0x0] =	vst.idx.msk @!p0 $0x3, v20;
	v20 =	vsel vm0, v23, v21  }
0x343: {  	[tilespmem:v26+s11+$0x0] =	vst.idx.msk vm4, v20  }
0x344: {  	[tilespmem:v25+s12+$0x0] =	vst.idx.msk vm15, v28  }
0x345: {  	v20 =	vld.idx.msk [tilespmem:v27+s11+$0x0], $0xffff;
	_ =	sdelay $0x4  }
0x346: {  	v45 =	vand.u32 $0xFFFF, v20;
	_ =	sdelay $0x4  }
0x347: {  	v21 =	vld.idx.msk [tilespmem:v45+s11+$0x0], $0xffff;
	_ =	sdelay $0x4  }
0x348: {  	v46 =	vxor.u32 v20, v21  }
0x349: {  	v22 =	vand.u32 $0xFFFF, v46  }
0x34a: {  	vm8 =	veq.s32 v22, $0x0  }
0x34b: {  	v22 =	vsel vm8, $0x3F800000, v1  }
0x34c: {  	(xrf0) =	vmin.scan.msk.f32 $0xffff, v22;
	_ =	sdelay $0x5  }
0x34d: {  	v22, _, _ =	vpop (xrf0)  }
0x34e: {  	(v2sf) =	vpush v22, $0xF;
	_ =	sdelay $0xd  }
0x34f: {  	v22 =	vand.u32 $0xFFFF, v21  }
0x350: {  	s30 =	spop (v2sf)  }
0x351: {  	p0 =	sgt.f32 s30, $0.0e+00;
	_ =	sdelay $0x1  }
0x352: {  	s15 =	simm.s32 @!p0 $0x0  }
0x353: {  	v23 =	vld.idx.msk @!p0 [tilespmem:v22+s15+$0x0], $0xffff;
	_ =	sdelay $0x4  }
0x354: {  	v23 =	vand.u32 @!p0 $0xFFFF, v23;
	_ =	sdelay $0x4  }
0x355: {  	v23 =	vld.idx.msk @!p0 [tilespmem:v23+s15+$0x0], $0xffff;
	_ =	sdelay $0x4  }
0x356: {  	v23 =	vand.u32 @!p0 $0xFFFF, v23;
	_ =	sdelay $0x4  }
0x357: {  	v23 =	vld.idx.msk @!p0 [tilespmem:v23+s15+$0x0], $0xffff;
	_ =	sdelay $0x4  }
0x358: {  	v23 =	vand.u32 @!p0 $0xFFFF, v23;
	_ =	sdelay $0x4  }
0x359: {  	v23 =	vld.idx.msk @!p0 [tilespmem:v23+s15+$0x0], $0xffff;
	_ =	sdelay $0x4  }
0x35a: {  	v23 =	vand.u32 @!p0 $0xFFFF, v23;
	_ =	sdelay $0x4  }
0x35b: {  	v23 =	vld.idx.msk @!p0 [tilespmem:v23+s15+$0x0], $0xffff;
	_ =	sdelay $0x4  }
0x35c: {  	v23 =	vand.u32 @!p0 $0xFFFF, v23;
	_ =	sdelay $0x4  }
0x35d: {  	v23 =	vld.idx.msk @!p0 [tilespmem:v23+s15+$0x0], $0xffff;
	_ =	sdelay $0x4  }
0x35e: {  	v23 =	vand.u32 @!p0 $0xFFFF, v23;
	_ =	sdelay $0x4  }
0x35f: {  	v23 =	vld.idx.msk @!p0 [tilespmem:v23+s15+$0x0], $0xffff;
	_ =	sdelay $0x4  }
0x360: {  	v23 =	vand.u32 @!p0 $0xFFFF, v23;
	_ =	sdelay $0x4  }
0x361: {  	v23 =	vld.idx.msk @!p0 [tilespmem:v23+s15+$0x0], $0xffff;
	_ =	sdelay $0x4  }
0x362: {  	v23 =	vand.u32 @!p0 $0xFFFF, v23;
	_ =	sdelay $0x4  }
0x363: {  	v23 =	vld.idx.msk @!p0 [tilespmem:v23+s15+$0x0], $0xffff;
	_ =	sdelay $0x4  }
0x364: {  	v23 =	vand.u32 @!p0 $0xFFFF, v23;
	_ =	sdelay $0x4  }
0x365: {  	v23 =	vld.idx.msk @!p0 [tilespmem:v23+s15+$0x0], $0xffff;
	_ =	sdelay $0x4  }
0x366: {  	v23 =	vand.u32 @!p0 $0xFFFF, v23;
	_ =	sdelay $0x4  }
0x367: {  	v23 =	vld.idx.msk @!p0 [tilespmem:v23+s15+$0x0], $0xffff;
	_ =	sdelay $0x4  }
0x368: {  	v23 =	vand.u32 @!p0 $0xFFFF, v23;
	_ =	sdelay $0x4  }
0x369: {  	v23 =	vld.idx.msk @!p0 [tilespmem:v23+s15+$0x0], $0xffff;
	_ =	sdelay $0x4  }
0x36a: {  	v23 =	vand.u32 @!p0 $0xFFFF, v23;
	_ =	sdelay $0x4  }
0x36b: {  	v23 =	vld.idx.msk @!p0 [tilespmem:v23+s15+$0x0], $0xffff;
	_ =	sdelay $0x4  }
0x36c: {  	v23 =	vand.u32 @!p0 $0xFFFF, v23;
	_ =	sdelay $0x4  }
0x36d: {  	v23 =	vld.idx.msk @!p0 [tilespmem:v23+s15+$0x0], $0xffff;
	_ =	sdelay $0x3  }
0x36e: {  	v18 =	vperm.xlane v18, v17  }
0x36f: {  	v49 =	vsel vm3, $0x1, v0;
	v21 =	vpsel p0, v21, v23  }
0x370: {  	v53 =	vshrl.u32 v18, $0x10;
	v19 =	vadd.s32 v49, v19;
	v21 =	vshrl.u32 v21, $0x10  }
0x371: {  	v24 =	vand.u32 @!p0 $0xFFFF, v23;
	v48 =	vperm.xlane v21, v0;
	v21 =	vperm.xlane v21, v2  }
0x372: {  	v18 =	vand.u32 $0xFFFF, v18;
	v52 =	vshll.u32 v19, $0x1;
	v22 =	vpsel p0, v22, v24  }
0x373: {  	v47 =	vperm.xlane v22, v0;
	v22 =	vperm.xlane v22, v2;
	vm10 =	veq.s32 v48, v21  }
0x374: {  	v25 =	vand.u32 $0x3FFE, v52;
	vm9 =	vlt.s32 v48, v21;
	vm11 =	vmand vm10, vm1  }
0x375: {  	vm3 =	vne.s32 v47, v22;
	v50 =	vsel vm9, v47, v22;
	vm4 =	vmor vm11, vm0  }
0x376: {  	v22 =	vsel vm9, v22, v47;
	v51 =	vsel vm9, v48, v21;
	vm4 =	vmand vm3, vm4  }
0x377: {  	v21 =	vsel vm9, v21, v48;
	vm12 =	vmand vm3, vm2;
	v26 =	vsel vm0, v50, v22  }
0x378: {  	v18 =	vsel vm0, v53, v18;
	v25 =	vadd.s32 v3, v25;
	v21 =	vshll.u32 v21, $0x10  }
0x379: {  	v20 =	vand.u32 @!p0 $0xFFFF0000, v20;
	v23 =	vshll.u32 v51, $0x10;
	v21 =	vadd.s32 $0x10000, v21  }
0x37a: {  	v20 =	vor.u32 @!p0 v20, v24;
	v23 =	vor.u32 v22, v23;
	v21 =	vor.u32 v22, v21  }
0x37b: {  	[tilespmem:v27+s15+$0x0] =	vst.idx.msk @!p0 $0x3, v20;
	v20 =	vsel vm0, v23, v21  }
0x37c: {  	[tilespmem:v26+s11+$0x0] =	vst.idx.msk vm4, v20  }
0x37d: {  	[tilespmem:v25+s12+$0x0] =	vst.idx.msk vm12, v27  }
0x37e: {  	v20 =	vld.idx.msk [tilespmem:v18+s11+$0x0], $0xffff;
	_ =	sdelay $0x4  }
0x37f: {  	v54 =	vand.u32 $0xFFFF, v20;
	_ =	sdelay $0x4  }
0x380: {  	v21 =	vld.idx.msk [tilespmem:v54+s11+$0x0], $0xffff;
	_ =	sdelay $0x4  }
0x381: {  	v55 =	vxor.u32 v20, v21  }
0x382: {  	v22 =	vand.u32 $0xFFFF, v55  }
0x383: {  	vm13 =	veq.s32 v22, $0x0  }
0x384: {  	v22 =	vsel vm13, $0x3F800000, v1  }
0x385: {  	(xrf0) =	vmin.scan.msk.f32 $0xffff, v22;
	_ =	sdelay $0x5  }
0x386: {  	v22, _, _ =	vpop (xrf0)  }
0x387: {  	(v2sf) =	vpush v22, $0xF;
	_ =	sdelay $0xd  }
0x388: {  	v22 =	vand.u32 $0xFFFF, v21  }
0x389: {  	s31 =	spop (v2sf)  }
0x38a: {  	p0 =	sgt.f32 s31, $0.0e+00;
	_ =	sdelay $0x1  }
0x38b: {  	s15 =	simm.s32 @!p0 $0x0  }
0x38c: {  	v23 =	vld.idx.msk @!p0 [tilespmem:v22+s15+$0x0], $0xffff;
	_ =	sdelay $0x4  }
0x38d: {  	v23 =	vand.u32 @!p0 $0xFFFF, v23;
	_ =	sdelay $0x4  }
0x38e: {  	v23 =	vld.idx.msk @!p0 [tilespmem:v23+s15+$0x0], $0xffff;
	_ =	sdelay $0x4  }
0x38f: {  	v23 =	vand.u32 @!p0 $0xFFFF, v23;
	_ =	sdelay $0x4  }
0x390: {  	v23 =	vld.idx.msk @!p0 [tilespmem:v23+s15+$0x0], $0xffff;
	_ =	sdelay $0x4  }
0x391: {  	v23 =	vand.u32 @!p0 $0xFFFF, v23;
	_ =	sdelay $0x4  }
0x392: {  	v23 =	vld.idx.msk @!p0 [tilespmem:v23+s15+$0x0], $0xffff;
	_ =	sdelay $0x4  }
0x393: {  	v23 =	vand.u32 @!p0 $0xFFFF, v23;
	_ =	sdelay $0x4  }
0x394: {  	v23 =	vld.idx.msk @!p0 [tilespmem:v23+s15+$0x0], $0xffff;
	_ =	sdelay $0x4  }
0x395: {  	v23 =	vand.u32 @!p0 $0xFFFF, v23;
	_ =	sdelay $0x4  }
0x396: {  	v23 =	vld.idx.msk @!p0 [tilespmem:v23+s15+$0x0], $0xffff;
	_ =	sdelay $0x4  }
0x397: {  	v23 =	vand.u32 @!p0 $0xFFFF, v23;
	_ =	sdelay $0x4  }
0x398: {  	v23 =	vld.idx.msk @!p0 [tilespmem:v23+s15+$0x0], $0xffff;
	_ =	sdelay $0x4  }
0x399: {  	v23 =	vand.u32 @!p0 $0xFFFF, v23;
	_ =	sdelay $0x4  }
0x39a: {  	v23 =	vld.idx.msk @!p0 [tilespmem:v23+s15+$0x0], $0xffff;
	_ =	sdelay $0x4  }
0x39b: {  	v23 =	vand.u32 @!p0 $0xFFFF, v23;
	_ =	sdelay $0x4  }
0x39c: {  	v23 =	vld.idx.msk @!p0 [tilespmem:v23+s15+$0x0], $0xffff;
	_ =	sdelay $0x4  }
0x39d: {  	v23 =	vand.u32 @!p0 $0xFFFF, v23;
	_ =	sdelay $0x4  }
0x39e: {  	v23 =	vld.idx.msk @!p0 [tilespmem:v23+s15+$0x0], $0xffff;
	_ =	sdelay $0x4  }
0x39f: {  	v23 =	vand.u32 @!p0 $0xFFFF, v23;
	_ =	sdelay $0x4  }
0x3a0: {  	v23 =	vld.idx.msk @!p0 [tilespmem:v23+s15+$0x0], $0xffff;
	_ =	sdelay $0x4  }
0x3a1: {  	v23 =	vand.u32 @!p0 $0xFFFF, v23;
	_ =	sdelay $0x4  }
0x3a2: {  	v23 =	vld.idx.msk @!p0 [tilespmem:v23+s15+$0x0], $0xffff;
	_ =	sdelay $0x4  }
0x3a3: {  	v23 =	vand.u32 @!p0 $0xFFFF, v23;
	_ =	sdelay $0x4  }
0x3a4: {  	v23 =	vld.idx.msk @!p0 [tilespmem:v23+s15+$0x0], $0xffff;
	_ =	sdelay $0x4  }
0x3a5: {  	v23 =	vand.u32 @!p0 $0xFFFF, v23;
	_ =	sdelay $0x4  }
0x3a6: {  	v23 =	vld.idx.msk @!p0 [tilespmem:v23+s15+$0x0], $0xffff;
	_ =	sdelay $0x4  }
0x3a7: {  	v57 =	vsel vm3, $0x1, v0;
	v21 =	vpsel p0, v21, v23  }
0x3a8: {  	v19 =	vadd.s32 v57, v19;
	v21 =	vshrl.u32 v21, $0x10  }
0x3a9: {  	v23 =	vand.u32 @!p0 $0xFFFF, v23;
	v56 =	vperm.xlane v21, v0;
	v21 =	vperm.xlane v21, v2  }
0x3aa: {  	v61 =	vshll.u32 v19, $0x1;
	v20 =	vand.u32 @!p0 $0xFFFF0000, v20;
	v22 =	vpsel p0, v22, v23  }
0x3ab: {  	v58 =	vperm.xlane v22, v0;
	v22 =	vperm.xlane v22, v2;
	vm3 =	veq.s32 v56, v21  }
0x3ac: {  	v27 =	vand.u32 $0x3FFE, v61;
	v20 =	vor.u32 @!p0 v20, v23;
	vm3 =	vmand vm3, vm1  }
0x3ad: {  	vm14 =	vne.s32 v58, v22;
	vm15 =	vlt.s32 v56, v21;
	vm3 =	vmor vm3, vm0  }
0x3ae: {  	v59 =	vsel vm15, v58, v22;
	v22 =	vsel vm15, v22, v58;
	vm3 =	vmand vm14, vm3  }
0x3af: {  	s14 =	sadd.s32 $0x40, s14;
	v60 =	vsel vm15, v21, v56;
	vm6 =	vmand vm14, vm2;
	v25 =	vsel vm0, v59, v22  }
0x3b0: {  	v63 =	vadd.s32 v3, v27;
	[tilespmem:v18+s15+$0x0] =	vst.idx.msk @!p0 $0x3, v20;
	p0 =	sne.s32 s14, $0x2000;
	v21 =	vsel vm15, v56, v21;
	v62 =	vshll.u32 v60, $0x10  }
.Ltmp2:
0x3b1: {  	v21 =	vshll.u32 v21, $0x10;
	v24 =	vadd.s32 $0x10000, v62;
	(pc) =	sbr.rel @p0 .LBB2_5-.Ltmp2, $4  }
0x3b2: {  	v21 =	vor.u32 v22, v21;
	v22 =	vor.u32 v22, v24  }
0x3b3: {  	v20 =	vsel vm0, v21, v22  }
0x3b4: {  	[tilespmem:v25+s11+$0x0] =	vst.idx.msk vm3, v20;
	v20 =	vsel vm14, $0x1, v0  }
0x3b5: {  	[tilespmem:v63+s12+$0x0] =	vst.idx.msk vm6, v18;
	v19 =	vadd.s32 v20, v19  }
0x3b6: {  	(v2sf) =	vpush v19, $0x0;
	_ =	sdelay $0xe  }
0x3b7: {  	s14 =	spop (v2sf)  }
0x3b8: {  	s14 =	sshrl.u32 s14, $0xC  }
0x3b9: {  	s13 =	sadd.s32 $0x1, s13;
	p0 =	sle.s32 s14, s6;
	p1 =	sgt.s32 s14, s6  }
0x3ba: {  	s14 =	simm.s32 $0x1;
	s15 =	sshll.u32 @!p0 s6, $0xF;
	s16 =	sshll.u32 @!p0 s6, $0xD  }
0x3bb: {  	s17 =	simm.s32 @!p0 $0x80;
	s18 =	simm.s32 @!p0 $0x200;
	s15 =	sor.u32 @!p0 s5, s15  }
0x3bc: {  	s14 =	simm.s32 @!p1 $0x0;
	s16 =	sand.u32 @!p0 $0x2000, s16;
	s15 =	sshrl.u32 @!p0 s15, $0x3  }
0x3bd: {  	p1 =	sne.s32 s13, $0x31;
	s16 =	sor.u32 @!p0 $0xCD00, s16;
	s15 =	sadd.s32 @!p0 s3, s15  }
0x3be: {  	[hbm4b:s15+s17] =	stream.strided.scatter @!p0 [tilespmem:s16], [sflag:$0x1], $0x2000, s18, s17, $0x38;
	[tilespmem:$0x10D80] =	vst v63  }
.Ltmp3:
0x3bf: {  	_ = 	snop;
	(pc) =	sbr.rel @p1 .LBB2_4-.Ltmp3, $4  }
0x3c0: {  	s15 =	simm.s32 @!p0 $0x1  }
0x3c1: {  	_ =	swait.ge @!p0 [sflag:s15], $0x2000  }
0x3c2: {  	[sflag:s15] =	ssyncset.done @!p0 $0x0  }
0x3c3: {  	s6 =	sadd.s32 s14, s6;
	[sflag:s15] =	ssyncadd.s32 @!p0 $0xFFFFE000  }
0x3c4: {  	s2 =	simm.s32 $0x80  }
0x3c5: {  	s3 =	simm.s32 $0x200;
	s5 =	simm.s32 $0xCD00;
	s31 =	simm.s32 $0x1  }
0x3c6: {  	[hbm4b:s4+s2] =	stream.strided.scatter [tilespmem:s5], [sflag:$0x1], $0x800, s3, s2, $0x38;
	[tilespmem:$0x10D80] =	vst v63  }
0x3c7: {  	_ =	swait.ge [sflag:s31], $0x800  }
0x3c8: {  	[sflag:s31] =	ssyncset.done $0x0  }
0x3c9: {  	[sflag:s31] =	ssyncadd.s32 $0xFFFFF800  }
.LBB2_8:
0x3ca: {  	_ =	sfence.sel $0x180000  }
0x3cb: {  	[bflag:$0x0] =	sbarrier.arrive $0xFFFF  }
0x3cc: {  	p0 =	sne.s32 s1, $0x0;
	_ =	strace $0x90000047  }
0x3cd: {  	s0 =	sadd.s32 @!p0 $0x100000, s0;
	[bflag:$0x2] =	sbarrier.arrive $0xFFFF  }
0x3ce: {  	[sflag:s0] =	ssyncadd.tile.s32 @!p0 $0x1;
	_ =	shalt  }
.Lfunc_end2:
_tile_overlayer_lowered:
.L_overlay_start_2:
0x3cf: {  	(tag) =	ssettag $0x2  }
0x3d0: {  	s0 =	rddreg [dreg:$0x0];
	s2 =	stileid.u32  }
0x3d1: {  	s1 =	rddreg [dreg:$0x1];
	p0 =	sne.s32 s2, $0x0  }
0x3d2: {  	s3 =	rddreg [dreg:$0x2];
	[bflag:$0x3] =	sbarrier.arrive $0xFFFF;
	s2 =	simm.s32 @!p0 $0x1C01  }
0x3d3: {  	[timem:s3], [sflag:s2] =	dma.local @!p0 [hbm:s0], s1  }
0x3d4: {  	s0 =	simm.s32 @!p0 $0x1  }
0x3d5: {  	_ =	swait.ge @!p0 [sflag:s0], s1  }
0x3d6: {  	s1 =	ssub.s32 @!p0 $0x0, s1;
	[sflag:s0] =	ssyncset.done @!p0 $0x0  }
0x3d7: {  	[sflag:s0] =	ssyncadd.s32 @!p0 s1  }
0x3d8: {  	[bflag:$0x3] =	sbarrier.arrive $0xFFFF  }
0x3d9: {  	_ =	shalt  }

</sc_bundles>
